<compile_context>
chip_gen: v7x
topology: tpu7x:2x2x1
jax: 0.10.2.dev20260603
libtpu: 0.0.44.dev20260713+nightly
codegen_flags: <defaults>
</compile_context>

<pallas_src>
import functools

import jax
import jax.numpy as jnp
from jax import lax
from jax.experimental import pallas as pl
from jax.experimental.pallas import tpu as pltpu
from jax.experimental.pallas import tpu_sc as plsc

B = 16384
N_CONT = 13
N_CAT = 26
CARD = 100000
EMB = 16
NX = N_CONT + N_CAT
NTAB = N_CAT * CARD

L = 16
NC = 2
NS = 16
NW = NC * NS
RPW = B // NW
NBLK = RPW // L
NH = RPW // 128

CBLK = 98304
NF1 = 16
NB1 = 17
SB2 = 16
NB2 = 11
SOFF2 = SB2 * CBLK


def _tc1_body(tt_ref, wt_ref, xt_ref, s_ref, xcm_ref):
    pid = pl.program_id(0)
    col0 = pid * CBLK
    f0 = col0 // CARD
    fi = lax.broadcasted_iota(jnp.int32, (2, N_CAT), 1)
    tgt = f0 + lax.broadcasted_iota(jnp.int32, (2, N_CAT), 0)
    oh = (fi == tgt).astype(jnp.float32)
    w01 = jax.lax.dot_general(
        oh, wt_ref[:], (((1,), (1,)), ((), ())),
        preferred_element_type=jnp.float32,
    )
    r = jax.lax.dot_general(
        w01, tt_ref[:], (((1,), (0,)), ((), ())),
        preferred_element_type=jnp.float32,
    )
    colrel = lax.broadcasted_iota(jnp.int32, (1, CBLK), 1)
    use1 = colrel >= (f0 + 1) * CARD - col0
    s_ref[:] = jnp.where(use1, r[1:2, :], r[0:1, :])[0]

    @pl.when(pid == 0)
    def _():
        for c in range(NX):
            xcm_ref[pl.ds(c * B, B)] = xt_ref[c, :]


_tc_scale_1 = pl.pallas_call(
    _tc1_body,
    grid=(NB1,),
    in_specs=[
        pl.BlockSpec((EMB, CBLK), lambda i: (0, i)),
        pl.BlockSpec((EMB, N_CAT), lambda i: (0, 0)),
        pl.BlockSpec((NX, B), lambda i: (0, 0)),
    ],
    out_specs=[
        pl.BlockSpec((CBLK,), lambda i: (i,)),
        pl.BlockSpec((NX * B,), lambda i: (0,)),
    ],
    out_shape=[
        jax.ShapeDtypeStruct((NB1 * CBLK,), jnp.float32),
        jax.ShapeDtypeStruct((NX * B,), jnp.float32),
    ],
    compiler_params=pltpu.CompilerParams(
        dimension_semantics=("arbitrary",),
    ),
)


def _tc2_body(tt_ref, wt_ref, s_ref):
    col0 = (pl.program_id(0) + SB2) * CBLK
    f0 = col0 // CARD
    fi = lax.broadcasted_iota(jnp.int32, (2, N_CAT), 1)
    tgt = f0 + lax.broadcasted_iota(jnp.int32, (2, N_CAT), 0)
    oh = (fi == tgt).astype(jnp.float32)
    w01 = jax.lax.dot_general(
        oh, wt_ref[:], (((1,), (1,)), ((), ())),
        preferred_element_type=jnp.float32,
    )
    r = jax.lax.dot_general(
        w01, tt_ref[:], (((1,), (0,)), ((), ())),
        preferred_element_type=jnp.float32,
    )
    colrel = lax.broadcasted_iota(jnp.int32, (1, CBLK), 1)
    use1 = colrel >= (f0 + 1) * CARD - col0
    s_ref[:] = jnp.where(use1, r[1:2, :], r[0:1, :])[0]


_tc_scale_2 = pl.pallas_call(
    _tc2_body,
    grid=(NB2,),
    in_specs=[
        pl.BlockSpec((EMB, CBLK), lambda i: (0, i + SB2)),
        pl.BlockSpec((EMB, N_CAT), lambda i: (0, 0)),
    ],
    out_specs=pl.BlockSpec((CBLK,), lambda i: (i,)),
    out_shape=jax.ShapeDtypeStruct((NB2 * CBLK,), jnp.float32),
    compiler_params=pltpu.CompilerParams(
        dimension_semantics=("arbitrary",),
    ),
)

_mesh = plsc.VectorSubcoreMesh(core_axis_name="c", subcore_axis_name="s")
_sc_params = pltpu.CompilerParams(
    needs_layout_passes=False, use_tc_tiling_on_sc=False
)


NF2 = N_CAT - NF1


@functools.partial(
    pl.kernel,
    mesh=_mesh,
    compiler_params=_sc_params,
    out_type=[
        jax.ShapeDtypeStruct((B,), jnp.float32),
        jax.ShapeDtypeStruct((NW, NF2, NH, 128), jnp.int32),
    ],
    scratch_types=[
        pltpu.VMEM((NX, RPW), jnp.float32),
        pltpu.VMEM((NF1, NH, 128), jnp.int32),
        pltpu.VMEM((NF2, NH, 128), jnp.int32),
        pltpu.VMEM((NF1, NH, 128), jnp.float32),
        pltpu.VMEM((2, L), jnp.float32),
        pltpu.VMEM((RPW,), jnp.float32),
        pltpu.SemaphoreType.DMA,
        pltpu.SemaphoreType.DMA,
    ],
)
def _sc_logits_a(x_hbm, s_hbm, w_hbm, out_hbm, idxb_hbm,
                 xcv, idxv, idxbv, sv, wv, outv, sem, xsem):
    wid = lax.axis_index("s") * NC + lax.axis_index("c")
    wbase = wid * RPW

    for c in range(NX):
        pltpu.async_copy(x_hbm.at[pl.ds(c * B + wbase, RPW)], xcv.at[c], xsem)
    pltpu.sync_copy(w_hbm, wv)
    for c in range(NX):
        pltpu.make_async_copy(
            x_hbm.at[pl.ds(c * B + wbase, RPW)], xcv.at[c], xsem
        ).wait()

    def field_body(j, _):
        base = j * CARD
        crow = N_CONT + j
        for t in range(NBLK):
            vals = xcv[crow, pl.ds(t * L, L)]
            fi = vals.astype(jnp.int32) + base
            idxv[j, t // 8, pl.ds((t % 8) * L, L)] = fi
        for h in range(NH):
            pltpu.async_copy(s_hbm.at[idxv.at[j, h]], sv.at[j, h], sem)
        return _

    lax.fori_loop(0, NF1, field_body, None)

    def bfield_body(j, _):
        base = j * CARD + (NF1 * CARD - SOFF2)
        crow = N_CONT + NF1 + j
        for t in range(NBLK):
            vals = xcv[crow, pl.ds(t * L, L)]
            idxbv[j, t // 8, pl.ds((t % 8) * L, L)] = (
                vals.astype(jnp.int32) + base
            )
        return _

    lax.fori_loop(0, NF2, bfield_body, None)
    pltpu.async_copy(idxbv, idxb_hbm.at[wid], xsem)

    def drain_body(j, _):
        for h in range(NH):
            pltpu.make_async_copy(
                s_hbm.at[idxv.at[j, h]], sv.at[j, h], sem
            ).wait()
        return _

    lax.fori_loop(0, NF1, drain_body, None)

    wrow = wv[0, :]
    wcont = [wrow[c] for c in range(N_CONT)]
    bvec = wv[1, :]

    def block_body(t, _):
        h = t // 8
        off = (t % 8) * L
        acc = bvec
        for c in range(N_CONT):
            acc = acc + xcv[c, pl.ds(t * L, L)] * wcont[c]
        for j in range(NF1):
            acc = acc + sv[j, h, pl.ds(off, L)]
        outv[pl.ds(t * L, L)] = acc
        return _

    lax.fori_loop(0, NBLK, block_body, None)
    pltpu.sync_copy(outv, out_hbm.at[pl.ds(wbase, RPW)])
    pltpu.make_async_copy(idxbv, idxb_hbm.at[wid], xsem).wait()


@functools.partial(
    pl.kernel,
    mesh=_mesh,
    compiler_params=_sc_params,
    out_type=jax.ShapeDtypeStruct((B,), jnp.float32),
    scratch_types=[
        pltpu.VMEM((NF2, NH, 128), jnp.int32),
        pltpu.VMEM((NF2, NH, 128), jnp.float32),
        pltpu.VMEM((RPW,), jnp.float32),
        pltpu.VMEM((RPW,), jnp.float32),
        pltpu.SemaphoreType.DMA,
    ],
)
def _sc_logits_b(idxb_hbm, s_hbm, p_hbm, out_hbm, idxv, sv, pv, outv, sem):
    wid = lax.axis_index("s") * NC + lax.axis_index("c")
    wbase = wid * RPW

    pltpu.sync_copy(idxb_hbm.at[wid], idxv)

    def field_body(j, _):
        for h in range(NH):
            pltpu.async_copy(s_hbm.at[idxv.at[j, h]], sv.at[j, h], sem)
        return _

    lax.fori_loop(0, NF2, field_body, None)
    pltpu.sync_copy(p_hbm.at[pl.ds(wbase, RPW)], pv)

    def drain_body(j, _):
        for h in range(NH):
            pltpu.make_async_copy(
                s_hbm.at[idxv.at[j, h]], sv.at[j, h], sem
            ).wait()
        return _

    lax.fori_loop(0, NF2, drain_body, None)

    def block_body(t, _):
        h = t // 8
        off = (t % 8) * L
        acc = pv[pl.ds(t * L, L)]
        for j in range(NF2):
            acc = acc + sv[j, h, pl.ds(off, L)]
        outv[pl.ds(t * L, L)] = acc
        return _

    lax.fori_loop(0, NBLK, block_body, None)
    pltpu.sync_copy(outv, out_hbm.at[pl.ds(wbase, RPW)])


def kernel(x, table, W, b):
    wt = W[N_CONT:, 0].reshape(N_CAT, EMB).T
    wcont = jnp.pad(W[:N_CONT, 0], (0, L - N_CONT))
    brow = jnp.broadcast_to(b.reshape(1, 1), (1, L))
    wv = jnp.concatenate([wcont[None, :], brow], axis=0)
    tt = table.T
    s_lo, xcm = _tc_scale_1(tt, wt, x.T)
    partial, idxb = _sc_logits_a(xcm, s_lo, wv)
    s_hi = _tc_scale_2(tt, wt)
    out = _sc_logits_b(idxb, s_hi, partial)
    return out.reshape(B, 1)

# --- scband reference (transcript-rebuilt; emitter-appended) ---
"""Pipeline reference for scband-base-pytab-wrapper-65592740544967 (READ-ONLY COPY).

The authoritative reference and input builder live on the scoring server;
editing this copy changes nothing except your own understanding.
"""

import jax, jax.numpy as jnp
import numpy as np

B = 16384
N_CONT = 13
N_CAT = 26
CARD = 100000
EMB = 16
OUT = 1


def setup_inputs(seed: int = 0) -> dict:
    key = jax.random.key(seed)
    k1, k2, k3, k4 = jax.random.split(key, 4)
    # Single packed feature tensor: columns 0..12 continuous, 13..38 categorical codes.
    x_cont = jax.random.normal(k1, (B, N_CONT), dtype=jnp.float32)
    x_cat = jax.random.randint(k2, (B, N_CAT), 0, CARD).astype(jnp.float32)
    x = jnp.concatenate([x_cont, x_cat], axis=1)
    # Learned parameters of the internal pytorch_tabular model:
    # stacked per-field embedding tables [N_CAT * CARD, EMB] and a linear head.
    table = jax.random.normal(k3, (N_CAT * CARD, EMB), dtype=jnp.float32) * 0.01
    W = jax.random.normal(k4, (N_CONT + N_CAT * EMB, OUT), dtype=jnp.float32) * 0.02
    b = jnp.zeros((OUT,), dtype=jnp.float32)
    return {"x": x, "table": table, "W": W, "b": b}


def reference(x, table, W, b):
    # Faithful translation of _BasePytabWrapper.forward:
    #   x_cont = x[:, numerical_indices].float()
    #   x_cat  = x[:, categorical_indices].long()
    #   logits = internal_model({'continuous': x_cont, 'categorical': x_cat})['logits']
    # The internal pytorch_tabular model embeds each categorical column via its own
    # embedding table, concatenates with the continuous features and applies a
    # linear head producing 'logits'.
    x_cont = x[:, :N_CONT].astype(jnp.float32)
    x_cat = x[:, N_CONT:].astype(jnp.int32)  # .long() in torch
    offsets = (jnp.arange(N_CAT, dtype=jnp.int32) * CARD)[None, :]
    flat_idx = x_cat + offsets  # index into the stacked per-field tables
    emb = jnp.take(table, flat_idx, axis=0)  # [B, N_CAT, EMB] embedding gather
    emb = emb.reshape(B, N_CAT * EMB)
    feats = jnp.concatenate([x_cont, emb], axis=1)
    logits = feats @ W + b  # model_output_dict['logits']
    return logits

if __name__ == "__main__":
    import jax
    _d = setup_inputs()
    print(jax.jit(kernel)(*tuple(_d.values())))

</pallas_src>

<mosaic_0001>
#map = affine_map<(d0, d1) -> (0, 0, 0, 0)>
#map1 = affine_map<(d0, d1) -> (0)>
module attributes {stable_mosaic.version = 14 : i64} {
  func.func @_sc_logits_b(%arg0: i32, %arg1: i32, %arg2: memref<32x10x4x128xi32, #tpu.memory_space<hbm>>, %arg3: memref<1081344xf32, #tpu.memory_space<hbm>>, %arg4: memref<16384xf32, #tpu.memory_space<hbm>>, %arg5: memref<16384xf32, #tpu.memory_space<hbm>>, %arg6: memref<10x4x128xi32, #tpu.memory_space<vmem>>, %arg7: memref<10x4x128xf32, #tpu.memory_space<vmem>>, %arg8: memref<512xf32, #tpu.memory_space<vmem>>, %arg9: memref<512xf32, #tpu.memory_space<vmem>>, %arg10: memref<!tpu.dma_semaphore, #tpu.memory_space<semaphore_mem>>) attributes {dimension_semantics = [#tpu.dimension_semantics<core_parallel>, #tpu.dimension_semantics<subcore_parallel>], iteration_bounds = array<i64: 2, 16>, scalar_prefetch = 0 : i64, scratch_operands = 5 : i64, tpu.core_type = #tpu.core_type<sc_vector_subcore>, window_params = [{transform_indices = #map}, {transform_indices = #map1}, {transform_indices = #map1}, {transform_indices = #map1}]} {
    %mul3A = arith.constant 2 : i32
    %mul3A_0 = arith.muli %arg1, %mul3A : i32
    %add3A = arith.addi %mul3A_0, %arg0 : i32
    %mul3A_1 = arith.constant 512 : i32
    %mul3A_2 = arith.muli %add3A, %mul3A_1 : i32
    "tpu.region"() ({
      %run_scoped3A = tpu.sem_alloc : memref<!tpu.dma_semaphore, #tpu.memory_space<semaphore_mem>>
      %dma_start3A = arith.constant 0 : i32
      %dma_start3A_17 = arith.constant 0 : i32
      %dma_start3A_18 = arith.constant 0 : i32
      %dma_start3A_19 = tpu.memref_slice %arg2[%add3A, %dma_start3A, %dma_start3A_17, %dma_start3A_18] : memref<32x10x4x128xi32, #tpu.memory_space<hbm>> -> memref<1x10x4x128xi32, #tpu.memory_space<hbm>>
      %dma_start3A_20 = tpu.memref_squeeze %dma_start3A_19 : memref<1x10x4x128xi32, #tpu.memory_space<hbm>> -> memref<10x4x128xi32, #tpu.memory_space<hbm>>
      %dma_start3A_21 = arith.constant 0 : i32
      %dma_start3A_22 = arith.constant 0 : i32
      %dma_start3A_23 = arith.constant 0 : i32
      %dma_start3A_24 = tpu.memref_slice %arg2[%add3A, %dma_start3A_21, %dma_start3A_22, %dma_start3A_23] : memref<32x10x4x128xi32, #tpu.memory_space<hbm>> -> memref<1x10x4x128xi32, #tpu.memory_space<hbm>>
      %dma_start3A_25 = tpu.memref_squeeze %dma_start3A_24 : memref<1x10x4x128xi32, #tpu.memory_space<hbm>> -> memref<10x4x128xi32, #tpu.memory_space<hbm>>
      tpu.enqueue_dma source(%dma_start3A_25 : memref<10x4x128xi32, #tpu.memory_space<hbm>>) target(%arg6 : memref<10x4x128xi32, #tpu.memory_space<vmem>>) target_semaphore(%run_scoped3A : memref<!tpu.dma_semaphore, #tpu.memory_space<semaphore_mem>>)
      %dma_wait3A = arith.constant 0 : i32
      %dma_wait3A_26 = arith.constant 0 : i32
      %dma_wait3A_27 = arith.constant 0 : i32
      %dma_wait3A_28 = tpu.memref_slice %arg2[%add3A, %dma_wait3A, %dma_wait3A_26, %dma_wait3A_27] : memref<32x10x4x128xi32, #tpu.memory_space<hbm>> -> memref<1x10x4x128xi32, #tpu.memory_space<hbm>>
      %dma_wait3A_29 = tpu.memref_squeeze %dma_wait3A_28 : memref<1x10x4x128xi32, #tpu.memory_space<hbm>> -> memref<10x4x128xi32, #tpu.memory_space<hbm>>
      %dma_wait3A_30 = arith.constant 0 : i32
      %dma_wait3A_31 = arith.constant 0 : i32
      %dma_wait3A_32 = arith.constant 0 : i32
      %dma_wait3A_33 = tpu.memref_slice %arg2[%add3A, %dma_wait3A_30, %dma_wait3A_31, %dma_wait3A_32] : memref<32x10x4x128xi32, #tpu.memory_space<hbm>> -> memref<1x10x4x128xi32, #tpu.memory_space<hbm>>
      %dma_wait3A_34 = tpu.memref_squeeze %dma_wait3A_33 : memref<1x10x4x128xi32, #tpu.memory_space<hbm>> -> memref<10x4x128xi32, #tpu.memory_space<hbm>>
      tpu.wait_dma2 semaphore(%run_scoped3A : memref<!tpu.dma_semaphore, #tpu.memory_space<semaphore_mem>>) src(%dma_wait3A_34 : memref<10x4x128xi32, #tpu.memory_space<hbm>>) dst(%arg6 : memref<10x4x128xi32, #tpu.memory_space<vmem>>)
      tpu.yield
    }) : () -> ()
    %scan3A = arith.constant 0 : i32
    %scan3A_3 = arith.constant 10 : i32
    %scan3A_4 = arith.addi %scan3A, %scan3A_3 : i32
    %scan3A_5 = arith.constant 1 : i32
    scf.for %scan3A_17 = %scan3A to %scan3A_4 step %scan3A_5  : i32 {
      %dma_start3A = arith.constant 0 : i32
      %dma_start3A_18 = arith.constant 0 : i32
      %dma_start3A_19 = arith.constant 0 : i32
      %dma_start3A_20 = tpu.memref_slice %arg7[%scan3A_17, %dma_start3A_18, %dma_start3A_19] : memref<10x4x128xf32, #tpu.memory_space<vmem>> -> memref<1x1x128xf32, #tpu.memory_space<vmem>>
      %dma_start3A_21 = tpu.memref_squeeze %dma_start3A_20 : memref<1x1x128xf32, #tpu.memory_space<vmem>> -> memref<128xf32, #tpu.memory_space<vmem>>
      %dma_start3A_22 = arith.constant 0 : i32
      %dma_start3A_23 = tpu.memref_slice %arg6[%scan3A_17, %dma_start3A, %dma_start3A_22] : memref<10x4x128xi32, #tpu.memory_space<vmem>> -> memref<1x1x128xi32, #tpu.memory_space<vmem>>
      %dma_start3A_24 = tpu.memref_squeeze %dma_start3A_23 : memref<1x1x128xi32, #tpu.memory_space<vmem>> -> memref<128xi32, #tpu.memory_space<vmem>>
      %dma_start3A_25 = arith.constant 0 : i32
      %dma_start3A_26 = tpu.memref_slice %arg3[%dma_start3A_25] : memref<1081344xf32, #tpu.memory_space<hbm>> -> memref<1081344xf32, #tpu.memory_space<hbm>>
      tpu.enqueue_indirect_dma source(%dma_start3A_26 : memref<1081344xf32, #tpu.memory_space<hbm>>) target(%dma_start3A_21 : memref<128xf32, #tpu.memory_space<vmem>>) offsets(%dma_start3A_24 : memref<128xi32, #tpu.memory_space<vmem>>) semaphore(%arg10 : memref<!tpu.dma_semaphore, #tpu.memory_space<semaphore_mem>>)
      %dma_start3A_27 = arith.constant 1 : i32
      %dma_start3A_28 = arith.constant 1 : i32
      %dma_start3A_29 = arith.constant 0 : i32
      %dma_start3A_30 = tpu.memref_slice %arg7[%scan3A_17, %dma_start3A_28, %dma_start3A_29] : memref<10x4x128xf32, #tpu.memory_space<vmem>> -> memref<1x1x128xf32, #tpu.memory_space<vmem>>
      %dma_start3A_31 = tpu.memref_squeeze %dma_start3A_30 : memref<1x1x128xf32, #tpu.memory_space<vmem>> -> memref<128xf32, #tpu.memory_space<vmem>>
      %dma_start3A_32 = arith.constant 0 : i32
      %dma_start3A_33 = tpu.memref_slice %arg6[%scan3A_17, %dma_start3A_27, %dma_start3A_32] : memref<10x4x128xi32, #tpu.memory_space<vmem>> -> memref<1x1x128xi32, #tpu.memory_space<vmem>>
      %dma_start3A_34 = tpu.memref_squeeze %dma_start3A_33 : memref<1x1x128xi32, #tpu.memory_space<vmem>> -> memref<128xi32, #tpu.memory_space<vmem>>
      %dma_start3A_35 = arith.constant 0 : i32
      %dma_start3A_36 = tpu.memref_slice %arg3[%dma_start3A_35] : memref<1081344xf32, #tpu.memory_space<hbm>> -> memref<1081344xf32, #tpu.memory_space<hbm>>
      tpu.enqueue_indirect_dma source(%dma_start3A_36 : memref<1081344xf32, #tpu.memory_space<hbm>>) target(%dma_start3A_31 : memref<128xf32, #tpu.memory_space<vmem>>) offsets(%dma_start3A_34 : memref<128xi32, #tpu.memory_space<vmem>>) semaphore(%arg10 : memref<!tpu.dma_semaphore, #tpu.memory_space<semaphore_mem>>)
      %dma_start3A_37 = arith.constant 2 : i32
      %dma_start3A_38 = arith.constant 2 : i32
      %dma_start3A_39 = arith.constant 0 : i32
      %dma_start3A_40 = tpu.memref_slice %arg7[%scan3A_17, %dma_start3A_38, %dma_start3A_39] : memref<10x4x128xf32, #tpu.memory_space<vmem>> -> memref<1x1x128xf32, #tpu.memory_space<vmem>>
      %dma_start3A_41 = tpu.memref_squeeze %dma_start3A_40 : memref<1x1x128xf32, #tpu.memory_space<vmem>> -> memref<128xf32, #tpu.memory_space<vmem>>
      %dma_start3A_42 = arith.constant 0 : i32
      %dma_start3A_43 = tpu.memref_slice %arg6[%scan3A_17, %dma_start3A_37, %dma_start3A_42] : memref<10x4x128xi32, #tpu.memory_space<vmem>> -> memref<1x1x128xi32, #tpu.memory_space<vmem>>
      %dma_start3A_44 = tpu.memref_squeeze %dma_start3A_43 : memref<1x1x128xi32, #tpu.memory_space<vmem>> -> memref<128xi32, #tpu.memory_space<vmem>>
      %dma_start3A_45 = arith.constant 0 : i32
      %dma_start3A_46 = tpu.memref_slice %arg3[%dma_start3A_45] : memref<1081344xf32, #tpu.memory_space<hbm>> -> memref<1081344xf32, #tpu.memory_space<hbm>>
      tpu.enqueue_indirect_dma source(%dma_start3A_46 : memref<1081344xf32, #tpu.memory_space<hbm>>) target(%dma_start3A_41 : memref<128xf32, #tpu.memory_space<vmem>>) offsets(%dma_start3A_44 : memref<128xi32, #tpu.memory_space<vmem>>) semaphore(%arg10 : memref<!tpu.dma_semaphore, #tpu.memory_space<semaphore_mem>>)
      %dma_start3A_47 = arith.constant 3 : i32
      %dma_start3A_48 = arith.constant 3 : i32
      %dma_start3A_49 = arith.constant 0 : i32
      %dma_start3A_50 = tpu.memref_slice %arg7[%scan3A_17, %dma_start3A_48, %dma_start3A_49] : memref<10x4x128xf32, #tpu.memory_space<vmem>> -> memref<1x1x128xf32, #tpu.memory_space<vmem>>
      %dma_start3A_51 = tpu.memref_squeeze %dma_start3A_50 : memref<1x1x128xf32, #tpu.memory_space<vmem>> -> memref<128xf32, #tpu.memory_space<vmem>>
      %dma_start3A_52 = arith.constant 0 : i32
      %dma_start3A_53 = tpu.memref_slice %arg6[%scan3A_17, %dma_start3A_47, %dma_start3A_52] : memref<10x4x128xi32, #tpu.memory_space<vmem>> -> memref<1x1x128xi32, #tpu.memory_space<vmem>>
      %dma_start3A_54 = tpu.memref_squeeze %dma_start3A_53 : memref<1x1x128xi32, #tpu.memory_space<vmem>> -> memref<128xi32, #tpu.memory_space<vmem>>
      %dma_start3A_55 = arith.constant 0 : i32
      %dma_start3A_56 = tpu.memref_slice %arg3[%dma_start3A_55] : memref<1081344xf32, #tpu.memory_space<hbm>> -> memref<1081344xf32, #tpu.memory_space<hbm>>
      tpu.enqueue_indirect_dma source(%dma_start3A_56 : memref<1081344xf32, #tpu.memory_space<hbm>>) target(%dma_start3A_51 : memref<128xf32, #tpu.memory_space<vmem>>) offsets(%dma_start3A_54 : memref<128xi32, #tpu.memory_space<vmem>>) semaphore(%arg10 : memref<!tpu.dma_semaphore, #tpu.memory_space<semaphore_mem>>)
    }
    %scan3A_6 = arith.constant 10 : i32
    "tpu.region"() ({
      %run_scoped3A = tpu.sem_alloc : memref<!tpu.dma_semaphore, #tpu.memory_space<semaphore_mem>>
      %dma_start3A = tpu.memref_slice %arg4[%mul3A_2] : memref<16384xf32, #tpu.memory_space<hbm>> -> memref<512xf32, #tpu.memory_space<hbm>>
      %dma_start3A_17 = tpu.memref_slice %arg4[%mul3A_2] : memref<16384xf32, #tpu.memory_space<hbm>> -> memref<512xf32, #tpu.memory_space<hbm>>
      tpu.enqueue_dma source(%dma_start3A_17 : memref<512xf32, #tpu.memory_space<hbm>>) target(%arg8 : memref<512xf32, #tpu.memory_space<vmem>>) target_semaphore(%run_scoped3A : memref<!tpu.dma_semaphore, #tpu.memory_space<semaphore_mem>>)
      %dma_wait3A = tpu.memref_slice %arg4[%mul3A_2] : memref<16384xf32, #tpu.memory_space<hbm>> -> memref<512xf32, #tpu.memory_space<hbm>>
      %dma_wait3A_18 = tpu.memref_slice %arg4[%mul3A_2] : memref<16384xf32, #tpu.memory_space<hbm>> -> memref<512xf32, #tpu.memory_space<hbm>>
      tpu.wait_dma2 semaphore(%run_scoped3A : memref<!tpu.dma_semaphore, #tpu.memory_space<semaphore_mem>>) src(%dma_wait3A_18 : memref<512xf32, #tpu.memory_space<hbm>>) dst(%arg8 : memref<512xf32, #tpu.memory_space<vmem>>)
      tpu.yield
    }) : () -> ()
    %scan3A_7 = arith.constant 0 : i32
    %scan3A_8 = arith.constant 10 : i32
    %scan3A_9 = arith.addi %scan3A_7, %scan3A_8 : i32
    %scan3A_10 = arith.constant 1 : i32
    scf.for %scan3A_17 = %scan3A_7 to %scan3A_9 step %scan3A_10  : i32 {
      %dma_wait3A = arith.constant 0 : i32
      %dma_wait3A_18 = arith.constant 0 : i32
      %dma_wait3A_19 = arith.constant 0 : i32
      %dma_wait3A_20 = tpu.memref_slice %arg7[%scan3A_17, %dma_wait3A_18, %dma_wait3A_19] : memref<10x4x128xf32, #tpu.memory_space<vmem>> -> memref<1x1x128xf32, #tpu.memory_space<vmem>>
      %dma_wait3A_21 = tpu.memref_squeeze %dma_wait3A_20 : memref<1x1x128xf32, #tpu.memory_space<vmem>> -> memref<128xf32, #tpu.memory_space<vmem>>
      %dma_wait3A_22 = arith.constant 0 : i32
      %dma_wait3A_23 = tpu.memref_slice %arg6[%scan3A_17, %dma_wait3A, %dma_wait3A_22] : memref<10x4x128xi32, #tpu.memory_space<vmem>> -> memref<1x1x128xi32, #tpu.memory_space<vmem>>
      %dma_wait3A_24 = tpu.memref_squeeze %dma_wait3A_23 : memref<1x1x128xi32, #tpu.memory_space<vmem>> -> memref<128xi32, #tpu.memory_space<vmem>>
      %dma_wait3A_25 = arith.constant 0 : i32
      %dma_wait3A_26 = tpu.memref_slice %arg3[%dma_wait3A_25] : memref<1081344xf32, #tpu.memory_space<hbm>> -> memref<1081344xf32, #tpu.memory_space<hbm>>
      tpu.wait_indirect_dma semaphore(%arg10 : memref<!tpu.dma_semaphore, #tpu.memory_space<semaphore_mem>>) src(%dma_wait3A_26 : memref<1081344xf32, #tpu.memory_space<hbm>>) dst(%dma_wait3A_21 : memref<128xf32, #tpu.memory_space<vmem>>)
      %dma_wait3A_27 = arith.constant 1 : i32
      %dma_wait3A_28 = arith.constant 1 : i32
      %dma_wait3A_29 = arith.constant 0 : i32
      %dma_wait3A_30 = tpu.memref_slice %arg7[%scan3A_17, %dma_wait3A_28, %dma_wait3A_29] : memref<10x4x128xf32, #tpu.memory_space<vmem>> -> memref<1x1x128xf32, #tpu.memory_space<vmem>>
      %dma_wait3A_31 = tpu.memref_squeeze %dma_wait3A_30 : memref<1x1x128xf32, #tpu.memory_space<vmem>> -> memref<128xf32, #tpu.memory_space<vmem>>
      %dma_wait3A_32 = arith.constant 0 : i32
      %dma_wait3A_33 = tpu.memref_slice %arg6[%scan3A_17, %dma_wait3A_27, %dma_wait3A_32] : memref<10x4x128xi32, #tpu.memory_space<vmem>> -> memref<1x1x128xi32, #tpu.memory_space<vmem>>
      %dma_wait3A_34 = tpu.memref_squeeze %dma_wait3A_33 : memref<1x1x128xi32, #tpu.memory_space<vmem>> -> memref<128xi32, #tpu.memory_space<vmem>>
      %dma_wait3A_35 = arith.constant 0 : i32
      %dma_wait3A_36 = tpu.memref_slice %arg3[%dma_wait3A_35] : memref<1081344xf32, #tpu.memory_space<hbm>> -> memref<1081344xf32, #tpu.memory_space<hbm>>
      tpu.wait_indirect_dma semaphore(%arg10 : memref<!tpu.dma_semaphore, #tpu.memory_space<semaphore_mem>>) src(%dma_wait3A_36 : memref<1081344xf32, #tpu.memory_space<hbm>>) dst(%dma_wait3A_31 : memref<128xf32, #tpu.memory_space<vmem>>)
      %dma_wait3A_37 = arith.constant 2 : i32
      %dma_wait3A_38 = arith.constant 2 : i32
      %dma_wait3A_39 = arith.constant 0 : i32
      %dma_wait3A_40 = tpu.memref_slice %arg7[%scan3A_17, %dma_wait3A_38, %dma_wait3A_39] : memref<10x4x128xf32, #tpu.memory_space<vmem>> -> memref<1x1x128xf32, #tpu.memory_space<vmem>>
      %dma_wait3A_41 = tpu.memref_squeeze %dma_wait3A_40 : memref<1x1x128xf32, #tpu.memory_space<vmem>> -> memref<128xf32, #tpu.memory_space<vmem>>
      %dma_wait3A_42 = arith.constant 0 : i32
      %dma_wait3A_43 = tpu.memref_slice %arg6[%scan3A_17, %dma_wait3A_37, %dma_wait3A_42] : memref<10x4x128xi32, #tpu.memory_space<vmem>> -> memref<1x1x128xi32, #tpu.memory_space<vmem>>
      %dma_wait3A_44 = tpu.memref_squeeze %dma_wait3A_43 : memref<1x1x128xi32, #tpu.memory_space<vmem>> -> memref<128xi32, #tpu.memory_space<vmem>>
      %dma_wait3A_45 = arith.constant 0 : i32
      %dma_wait3A_46 = tpu.memref_slice %arg3[%dma_wait3A_45] : memref<1081344xf32, #tpu.memory_space<hbm>> -> memref<1081344xf32, #tpu.memory_space<hbm>>
      tpu.wait_indirect_dma semaphore(%arg10 : memref<!tpu.dma_semaphore, #tpu.memory_space<semaphore_mem>>) src(%dma_wait3A_46 : memref<1081344xf32, #tpu.memory_space<hbm>>) dst(%dma_wait3A_41 : memref<128xf32, #tpu.memory_space<vmem>>)
      %dma_wait3A_47 = arith.constant 3 : i32
      %dma_wait3A_48 = arith.constant 3 : i32
      %dma_wait3A_49 = arith.constant 0 : i32
      %dma_wait3A_50 = tpu.memref_slice %arg7[%scan3A_17, %dma_wait3A_48, %dma_wait3A_49] : memref<10x4x128xf32, #tpu.memory_space<vmem>> -> memref<1x1x128xf32, #tpu.memory_space<vmem>>
      %dma_wait3A_51 = tpu.memref_squeeze %dma_wait3A_50 : memref<1x1x128xf32, #tpu.memory_space<vmem>> -> memref<128xf32, #tpu.memory_space<vmem>>
      %dma_wait3A_52 = arith.constant 0 : i32
      %dma_wait3A_53 = tpu.memref_slice %arg6[%scan3A_17, %dma_wait3A_47, %dma_wait3A_52] : memref<10x4x128xi32, #tpu.memory_space<vmem>> -> memref<1x1x128xi32, #tpu.memory_space<vmem>>
      %dma_wait3A_54 = tpu.memref_squeeze %dma_wait3A_53 : memref<1x1x128xi32, #tpu.memory_space<vmem>> -> memref<128xi32, #tpu.memory_space<vmem>>
      %dma_wait3A_55 = arith.constant 0 : i32
      %dma_wait3A_56 = tpu.memref_slice %arg3[%dma_wait3A_55] : memref<1081344xf32, #tpu.memory_space<hbm>> -> memref<1081344xf32, #tpu.memory_space<hbm>>
      tpu.wait_indirect_dma semaphore(%arg10 : memref<!tpu.dma_semaphore, #tpu.memory_space<semaphore_mem>>) src(%dma_wait3A_56 : memref<1081344xf32, #tpu.memory_space<hbm>>) dst(%dma_wait3A_51 : memref<128xf32, #tpu.memory_space<vmem>>)
    }
    %scan3A_11 = arith.constant 10 : i32
    %scan3A_12 = arith.constant 0 : i32
    %scan3A_13 = arith.constant 32 : i32
    %scan3A_14 = arith.addi %scan3A_12, %scan3A_13 : i32
    %scan3A_15 = arith.constant 1 : i32
    scf.for %scan3A_17 = %scan3A_12 to %scan3A_14 step %scan3A_15  : i32 {
      %jit3A = arith.constant 8 : i32
      %div3A = arith.divsi %scan3A_17, %jit3A : i32
      %sign3A = arith.constant 0 : i32
      %sign3A_18 = arith.cmpi sgt, %scan3A_17, %sign3A : i32
      %sign3A_19 = arith.extui %sign3A_18 : i1 to i32
      %sign3A_20 = arith.constant 0 : i32
      %sign3A_21 = arith.cmpi slt, %scan3A_17, %sign3A_20 : i32
      %sign3A_22 = arith.extui %sign3A_21 : i1 to i32
      %sign3A_23 = arith.subi %sign3A_19, %sign3A_22 : i32
      %sign3A_24 = arith.constant 0 : i32
      %sign3A_25 = arith.cmpi sgt, %jit3A, %sign3A_24 : i32
      %sign3A_26 = arith.extui %sign3A_25 : i1 to i32
      %sign3A_27 = arith.constant 0 : i32
      %sign3A_28 = arith.cmpi slt, %jit3A, %sign3A_27 : i32
      %sign3A_29 = arith.extui %sign3A_28 : i1 to i32
      %sign3A_30 = arith.subi %sign3A_26, %sign3A_29 : i32
      %ne3A = arith.cmpi ne, %sign3A_23, %sign3A_30 : i32
      %rem3A = arith.remsi %scan3A_17, %jit3A : i32
      %ne3A_31 = arith.constant 0 : i32
      %ne3A_32 = arith.cmpi ne, %rem3A, %ne3A_31 : i32
      %and3A = arith.andi %ne3A, %ne3A_32 : i1
      %sub3A = arith.constant 1 : i32
      %sub3A_33 = arith.subi %div3A, %sub3A : i32
      %select_n3A = arith.select %and3A, %sub3A_33, %div3A : i32
      %jit3A_34 = arith.constant 8 : i32
      %eq3A = arith.constant 0 : i32
      %eq3A_35 = arith.cmpi eq, %jit3A_34, %eq3A : i32
      %jit3A_36 = arith.constant 1 : i32
      %select_n3A_37 = arith.select %eq3A_35, %jit3A_36, %jit3A_34 : i32
      %rem3A_38 = arith.remsi %scan3A_17, %select_n3A_37 : i32
      %ne3A_39 = arith.constant 0 : i32
      %ne3A_40 = arith.cmpi ne, %rem3A_38, %ne3A_39 : i32
      %lt3A = arith.constant 0 : i32
      %lt3A_41 = arith.cmpi slt, %rem3A_38, %lt3A : i32
      %lt3A_42 = arith.constant 0 : i32
      %lt3A_43 = arith.cmpi slt, %select_n3A_37, %lt3A_42 : i32
      %ne3A_44 = arith.xori %lt3A_41, %lt3A_43 : i1
      %and3A_45 = arith.andi %ne3A_44, %ne3A_40 : i1
      %add3A_46 = arith.addi %rem3A_38, %select_n3A_37 : i32
      %select_n3A_47 = arith.select %and3A_45, %add3A_46, %rem3A_38 : i32
      %mul3A_48 = arith.constant 16 : i32
      %mul3A_49 = arith.muli %select_n3A_47, %mul3A_48 : i32
      %mul3A_50 = arith.constant 16 : i32
      %mul3A_51 = arith.muli %scan3A_17, %mul3A_50 : i32
      %get3A = arith.index_cast %mul3A_51 : i32 to index
      %get3A_52 = tpu.vector_load %arg8[%get3A] {strides = array<i32>} : memref<512xf32, #tpu.memory_space<vmem>>, vector<16xf32>,
      %get3A_53 = arith.constant 0 : i32
      %get3A_54 = arith.index_cast %get3A_53 : i32 to index
      %get3A_55 = arith.index_cast %select_n3A : i32 to index
      %get3A_56 = arith.index_cast %mul3A_49 : i32 to index
      %get3A_57 = tpu.vector_load %arg7[%get3A_54, %get3A_55, %get3A_56] {strides = array<i32>} : memref<10x4x128xf32, #tpu.memory_space<vmem>>, vector<16xf32>,
      %add3A_58 = arith.addf %get3A_52, %get3A_57 : vector<16xf32>
      %get3A_59 = arith.constant 1 : i32
      %get3A_60 = arith.index_cast %get3A_59 : i32 to index
      %get3A_61 = arith.index_cast %select_n3A : i32 to index
      %get3A_62 = arith.index_cast %mul3A_49 : i32 to index
      %get3A_63 = tpu.vector_load %arg7[%get3A_60, %get3A_61, %get3A_62] {strides = array<i32>} : memref<10x4x128xf32, #tpu.memory_space<vmem>>, vector<16xf32>,
      %add3A_64 = arith.addf %add3A_58, %get3A_63 : vector<16xf32>
      %get3A_65 = arith.constant 2 : i32
      %get3A_66 = arith.index_cast %get3A_65 : i32 to index
      %get3A_67 = arith.index_cast %select_n3A : i32 to index
      %get3A_68 = arith.index_cast %mul3A_49 : i32 to index
      %get3A_69 = tpu.vector_load %arg7[%get3A_66, %get3A_67, %get3A_68] {strides = array<i32>} : memref<10x4x128xf32, #tpu.memory_space<vmem>>, vector<16xf32>,
      %add3A_70 = arith.addf %add3A_64, %get3A_69 : vector<16xf32>
      %get3A_71 = arith.constant 3 : i32
      %get3A_72 = arith.index_cast %get3A_71 : i32 to index
      %get3A_73 = arith.index_cast %select_n3A : i32 to index
      %get3A_74 = arith.index_cast %mul3A_49 : i32 to index
      %get3A_75 = tpu.vector_load %arg7[%get3A_72, %get3A_73, %get3A_74] {strides = array<i32>} : memref<10x4x128xf32, #tpu.memory_space<vmem>>, vector<16xf32>,
      %add3A_76 = arith.addf %add3A_70, %get3A_75 : vector<16xf32>
      %get3A_77 = arith.constant 4 : i32
      %get3A_78 = arith.index_cast %get3A_77 : i32 to index
      %get3A_79 = arith.index_cast %select_n3A : i32 to index
      %get3A_80 = arith.index_cast %mul3A_49 : i32 to index
      %get3A_81 = tpu.vector_load %arg7[%get3A_78, %get3A_79, %get3A_80] {strides = array<i32>} : memref<10x4x128xf32, #tpu.memory_space<vmem>>, vector<16xf32>,
      %add3A_82 = arith.addf %add3A_76, %get3A_81 : vector<16xf32>
      %get3A_83 = arith.constant 5 : i32
      %get3A_84 = arith.index_cast %get3A_83 : i32 to index
      %get3A_85 = arith.index_cast %select_n3A : i32 to index
      %get3A_86 = arith.index_cast %mul3A_49 : i32 to index
      %get3A_87 = tpu.vector_load %arg7[%get3A_84, %get3A_85, %get3A_86] {strides = array<i32>} : memref<10x4x128xf32, #tpu.memory_space<vmem>>, vector<16xf32>,
      %add3A_88 = arith.addf %add3A_82, %get3A_87 : vector<16xf32>
      %get3A_89 = arith.constant 6 : i32
      %get3A_90 = arith.index_cast %get3A_89 : i32 to index
      %get3A_91 = arith.index_cast %select_n3A : i32 to index
      %get3A_92 = arith.index_cast %mul3A_49 : i32 to index
      %get3A_93 = tpu.vector_load %arg7[%get3A_90, %get3A_91, %get3A_92] {strides = array<i32>} : memref<10x4x128xf32, #tpu.memory_space<vmem>>, vector<16xf32>,
      %add3A_94 = arith.addf %add3A_88, %get3A_93 : vector<16xf32>
      %get3A_95 = arith.constant 7 : i32
      %get3A_96 = arith.index_cast %get3A_95 : i32 to index
      %get3A_97 = arith.index_cast %select_n3A : i32 to index
      %get3A_98 = arith.index_cast %mul3A_49 : i32 to index
      %get3A_99 = tpu.vector_load %arg7[%get3A_96, %get3A_97, %get3A_98] {strides = array<i32>} : memref<10x4x128xf32, #tpu.memory_space<vmem>>, vector<16xf32>,
      %add3A_100 = arith.addf %add3A_94, %get3A_99 : vector<16xf32>
      %get3A_101 = arith.constant 8 : i32
      %get3A_102 = arith.index_cast %get3A_101 : i32 to index
      %get3A_103 = arith.index_cast %select_n3A : i32 to index
      %get3A_104 = arith.index_cast %mul3A_49 : i32 to index
      %get3A_105 = tpu.vector_load %arg7[%get3A_102, %get3A_103, %get3A_104] {strides = array<i32>} : memref<10x4x128xf32, #tpu.memory_space<vmem>>, vector<16xf32>,
      %add3A_106 = arith.addf %add3A_100, %get3A_105 : vector<16xf32>
      %get3A_107 = arith.constant 9 : i32
      %get3A_108 = arith.index_cast %get3A_107 : i32 to index
      %get3A_109 = arith.index_cast %select_n3A : i32 to index
      %get3A_110 = arith.index_cast %mul3A_49 : i32 to index
      %get3A_111 = tpu.vector_load %arg7[%get3A_108, %get3A_109, %get3A_110] {strides = array<i32>} : memref<10x4x128xf32, #tpu.memory_space<vmem>>, vector<16xf32>,
      %add3A_112 = arith.addf %add3A_106, %get3A_111 : vector<16xf32>
      %mul3A_113 = arith.constant 16 : i32
      %mul3A_114 = arith.muli %scan3A_17, %mul3A_113 : i32
      %swap3A = arith.index_cast %mul3A_114 : i32 to index
      %swap3A_115 = tpu.vector_load %arg9[%swap3A] {strides = array<i32>} : memref<512xf32, #tpu.memory_space<vmem>>, vector<16xf32>,
      tpu.vector_store %arg9[%swap3A], %add3A_112 {strides = array<i32>} : memref<512xf32, #tpu.memory_space<vmem>>, vector<16xf32>,
    }
    %scan3A_16 = arith.constant 32 : i32
    "tpu.region"() ({
      %run_scoped3A = tpu.sem_alloc : memref<!tpu.dma_semaphore, #tpu.memory_space<semaphore_mem>>
      %dma_start3A = tpu.memref_slice %arg5[%mul3A_2] : memref<16384xf32, #tpu.memory_space<hbm>> -> memref<512xf32, #tpu.memory_space<hbm>>
      %dma_start3A_17 = tpu.memref_slice %arg5[%mul3A_2] : memref<16384xf32, #tpu.memory_space<hbm>> -> memref<512xf32, #tpu.memory_space<hbm>>
      tpu.enqueue_dma source(%arg9 : memref<512xf32, #tpu.memory_space<vmem>>) target(%dma_start3A_17 : memref<512xf32, #tpu.memory_space<hbm>>) target_semaphore(%run_scoped3A : memref<!tpu.dma_semaphore, #tpu.memory_space<semaphore_mem>>)
      %dma_wait3A = tpu.memref_slice %arg5[%mul3A_2] : memref<16384xf32, #tpu.memory_space<hbm>> -> memref<512xf32, #tpu.memory_space<hbm>>
      %dma_wait3A_18 = tpu.memref_slice %arg5[%mul3A_2] : memref<16384xf32, #tpu.memory_space<hbm>> -> memref<512xf32, #tpu.memory_space<hbm>>
      tpu.wait_dma2 semaphore(%run_scoped3A : memref<!tpu.dma_semaphore, #tpu.memory_space<semaphore_mem>>) src(%arg9 : memref<512xf32, #tpu.memory_space<vmem>>) dst(%dma_wait3A_18 : memref<512xf32, #tpu.memory_space<hbm>>)
      tpu.yield
    }) : () -> ()
    return
  }
}

#map = affine_map<(d0, d1) -> (0)>
#map1 = affine_map<(d0, d1) -> (0, 0)>
#map2 = affine_map<(d0, d1) -> (0, 0, 0, 0)>
module attributes {stable_mosaic.version = 14 : i64} {
  func.func @_sc_logits_a(%arg0: i32, %arg1: i32, %arg2: memref<638976xf32, #tpu.memory_space<hbm>>, %arg3: memref<1671168xf32, #tpu.memory_space<hbm>>, %arg4: memref<2x16xf32, #tpu.memory_space<hbm>>, %arg5: memref<16384xf32, #tpu.memory_space<hbm>>, %arg6: memref<32x10x4x128xi32, #tpu.memory_space<hbm>>, %arg7: memref<39x512xf32, #tpu.memory_space<vmem>>, %arg8: memref<16x4x128xi32, #tpu.memory_space<vmem>>, %arg9: memref<10x4x128xi32, #tpu.memory_space<vmem>>, %arg10: memref<16x4x128xf32, #tpu.memory_space<vmem>>, %arg11: memref<2x16xf32, #tpu.memory_space<vmem>>, %arg12: memref<512xf32, #tpu.memory_space<vmem>>, %arg13: memref<!tpu.dma_semaphore, #tpu.memory_space<semaphore_mem>>, %arg14: memref<!tpu.dma_semaphore, #tpu.memory_space<semaphore_mem>>) attributes {dimension_semantics = [#tpu.dimension_semantics<core_parallel>, #tpu.dimension_semantics<subcore_parallel>], iteration_bounds = array<i64: 2, 16>, scalar_prefetch = 0 : i64, scratch_operands = 8 : i64, tpu.core_type = #tpu.core_type<sc_vector_subcore>, window_params = [{transform_indices = #map}, {transform_indices = #map}, {transform_indices = #map1}, {transform_indices = #map}, {transform_indices = #map2}]} {
    %mul3A = arith.constant 2 : i32
    %mul3A_0 = arith.muli %arg1, %mul3A : i32
    %add3A = arith.addi %mul3A_0, %arg0 : i32
    %mul3A_1 = arith.constant 512 : i32
    %mul3A_2 = arith.muli %add3A, %mul3A_1 : i32
    %add3A_3 = arith.constant 0 : i32
    %add3A_4 = arith.addi %add3A_3, %mul3A_2 : i32
    %dma_start3A = arith.constant 0 : i32
    %dma_start3A_5 = arith.constant 0 : i32
    %dma_start3A_6 = tpu.memref_slice %arg7[%dma_start3A, %dma_start3A_5] : memref<39x512xf32, #tpu.memory_space<vmem>> -> memref<1x512xf32, #tpu.memory_space<vmem>>
    %dma_start3A_7 = tpu.memref_squeeze %dma_start3A_6 : memref<1x512xf32, #tpu.memory_space<vmem>> -> memref<512xf32, #tpu.memory_space<vmem>>
    %dma_start3A_8 = tpu.memref_slice %arg2[%add3A_4] : memref<638976xf32, #tpu.memory_space<hbm>> -> memref<512xf32, #tpu.memory_space<hbm>>
    %dma_start3A_9 = arith.constant 0 : i32
    %dma_start3A_10 = tpu.memref_slice %arg7[%dma_start3A, %dma_start3A_9] : memref<39x512xf32, #tpu.memory_space<vmem>> -> memref<1x512xf32, #tpu.memory_space<vmem>>
    %dma_start3A_11 = tpu.memref_squeeze %dma_start3A_10 : memref<1x512xf32, #tpu.memory_space<vmem>> -> memref<512xf32, #tpu.memory_space<vmem>>
    %dma_start3A_12 = tpu.memref_slice %arg2[%add3A_4] : memref<638976xf32, #tpu.memory_space<hbm>> -> memref<512xf32, #tpu.memory_space<hbm>>
    tpu.enqueue_dma source(%dma_start3A_12 : memref<512xf32, #tpu.memory_space<hbm>>) target(%dma_start3A_11 : memref<512xf32, #tpu.memory_space<vmem>>) target_semaphore(%arg14 : memref<!tpu.dma_semaphore, #tpu.memory_space<semaphore_mem>>)
    %add3A_13 = arith.constant 16384 : i32
    %add3A_14 = arith.addi %add3A_13, %mul3A_2 : i32
    %dma_start3A_15 = arith.constant 1 : i32
    %dma_start3A_16 = arith.constant 0 : i32
    %dma_start3A_17 = tpu.memref_slice %arg7[%dma_start3A_15, %dma_start3A_16] : memref<39x512xf32, #tpu.memory_space<vmem>> -> memref<1x512xf32, #tpu.memory_space<vmem>>
    %dma_start3A_18 = tpu.memref_squeeze %dma_start3A_17 : memref<1x512xf32, #tpu.memory_space<vmem>> -> memref<512xf32, #tpu.memory_space<vmem>>
    %dma_start3A_19 = tpu.memref_slice %arg2[%add3A_14] : memref<638976xf32, #tpu.memory_space<hbm>> -> memref<512xf32, #tpu.memory_space<hbm>>
    %dma_start3A_20 = arith.constant 0 : i32
    %dma_start3A_21 = tpu.memref_slice %arg7[%dma_start3A_15, %dma_start3A_20] : memref<39x512xf32, #tpu.memory_space<vmem>> -> memref<1x512xf32, #tpu.memory_space<vmem>>
    %dma_start3A_22 = tpu.memref_squeeze %dma_start3A_21 : memref<1x512xf32, #tpu.memory_space<vmem>> -> memref<512xf32, #tpu.memory_space<vmem>>
    %dma_start3A_23 = tpu.memref_slice %arg2[%add3A_14] : memref<638976xf32, #tpu.memory_space<hbm>> -> memref<512xf32, #tpu.memory_space<hbm>>
    tpu.enqueue_dma source(%dma_start3A_23 : memref<512xf32, #tpu.memory_space<hbm>>) target(%dma_start3A_22 : memref<512xf32, #tpu.memory_space<vmem>>) target_semaphore(%arg14 : memref<!tpu.dma_semaphore, #tpu.memory_space<semaphore_mem>>)
    %add3A_24 = arith.constant 32768 : i32
    %add3A_25 = arith.addi %add3A_24, %mul3A_2 : i32
    %dma_start3A_26 = arith.constant 2 : i32
    %dma_start3A_27 = arith.constant 0 : i32
    %dma_start3A_28 = tpu.memref_slice %arg7[%dma_start3A_26, %dma_start3A_27] : memref<39x512xf32, #tpu.memory_space<vmem>> -> memref<1x512xf32, #tpu.memory_space<vmem>>
    %dma_start3A_29 = tpu.memref_squeeze %dma_start3A_28 : memref<1x512xf32, #tpu.memory_space<vmem>> -> memref<512xf32, #tpu.memory_space<vmem>>
    %dma_start3A_30 = tpu.memref_slice %arg2[%add3A_25] : memref<638976xf32, #tpu.memory_space<hbm>> -> memref<512xf32, #tpu.memory_space<hbm>>
    %dma_start3A_31 = arith.constant 0 : i32
    %dma_start3A_32 = tpu.memref_slice %arg7[%dma_start3A_26, %dma_start3A_31] : memref<39x512xf32, #tpu.memory_space<vmem>> -> memref<1x512xf32, #tpu.memory_space<vmem>>
    %dma_start3A_33 = tpu.memref_squeeze %dma_start3A_32 : memref<1x512xf32, #tpu.memory_space<vmem>> -> memref<512xf32, #tpu.memory_space<vmem>>
    %dma_start3A_34 = tpu.memref_slice %arg2[%add3A_25] : memref<638976xf32, #tpu.memory_space<hbm>> -> memref<512xf32, #tpu.memory_space<hbm>>
    tpu.enqueue_dma source(%dma_start3A_34 : memref<512xf32, #tpu.memory_space<hbm>>) target(%dma_start3A_33 : memref<512xf32, #tpu.memory_space<vmem>>) target_semaphore(%arg14 : memref<!tpu.dma_semaphore, #tpu.memory_space<semaphore_mem>>)
    %add3A_35 = arith.constant 49152 : i32
    %add3A_36 = arith.addi %add3A_35, %mul3A_2 : i32
    %dma_start3A_37 = arith.constant 3 : i32
    %dma_start3A_38 = arith.constant 0 : i32
    %dma_start3A_39 = tpu.memref_slice %arg7[%dma_start3A_37, %dma_start3A_38] : memref<39x512xf32, #tpu.memory_space<vmem>> -> memref<1x512xf32, #tpu.memory_space<vmem>>
    %dma_start3A_40 = tpu.memref_squeeze %dma_start3A_39 : memref<1x512xf32, #tpu.memory_space<vmem>> -> memref<512xf32, #tpu.memory_space<vmem>>
    %dma_start3A_41 = tpu.memref_slice %arg2[%add3A_36] : memref<638976xf32, #tpu.memory_space<hbm>> -> memref<512xf32, #tpu.memory_space<hbm>>
    %dma_start3A_42 = arith.constant 0 : i32
    %dma_start3A_43 = tpu.memref_slice %arg7[%dma_start3A_37, %dma_start3A_42] : memref<39x512xf32, #tpu.memory_space<vmem>> -> memref<1x512xf32, #tpu.memory_space<vmem>>
    %dma_start3A_44 = tpu.memref_squeeze %dma_start3A_43 : memref<1x512xf32, #tpu.memory_space<vmem>> -> memref<512xf32, #tpu.memory_space<vmem>>
    %dma_start3A_45 = tpu.memref_slice %arg2[%add3A_36] : memref<638976xf32, #tpu.memory_space<hbm>> -> memref<512xf32, #tpu.memory_space<hbm>>
    tpu.enqueue_dma source(%dma_start3A_45 : memref<512xf32, #tpu.memory_space<hbm>>) target(%dma_start3A_44 : memref<512xf32, #tpu.memory_space<vmem>>) target_semaphore(%arg14 : memref<!tpu.dma_semaphore, #tpu.memory_space<semaphore_mem>>)
    %add3A_46 = arith.constant 65536 : i32
    %add3A_47 = arith.addi %add3A_46, %mul3A_2 : i32
    %dma_start3A_48 = arith.constant 4 : i32
    %dma_start3A_49 = arith.constant 0 : i32
    %dma_start3A_50 = tpu.memref_slice %arg7[%dma_start3A_48, %dma_start3A_49] : memref<39x512xf32, #tpu.memory_space<vmem>> -> memref<1x512xf32, #tpu.memory_space<vmem>>
    %dma_start3A_51 = tpu.memref_squeeze %dma_start3A_50 : memref<1x512xf32, #tpu.memory_space<vmem>> -> memref<512xf32, #tpu.memory_space<vmem>>
    %dma_start3A_52 = tpu.memref_slice %arg2[%add3A_47] : memref<638976xf32, #tpu.memory_space<hbm>> -> memref<512xf32, #tpu.memory_space<hbm>>
    %dma_start3A_53 = arith.constant 0 : i32
    %dma_start3A_54 = tpu.memref_slice %arg7[%dma_start3A_48, %dma_start3A_53] : memref<39x512xf32, #tpu.memory_space<vmem>> -> memref<1x512xf32, #tpu.memory_space<vmem>>
    %dma_start3A_55 = tpu.memref_squeeze %dma_start3A_54 : memref<1x512xf32, #tpu.memory_space<vmem>> -> memref<512xf32, #tpu.memory_space<vmem>>
    %dma_start3A_56 = tpu.memref_slice %arg2[%add3A_47] : memref<638976xf32, #tpu.memory_space<hbm>> -> memref<512xf32, #tpu.memory_space<hbm>>
    tpu.enqueue_dma source(%dma_start3A_56 : memref<512xf32, #tpu.memory_space<hbm>>) target(%dma_start3A_55 : memref<512xf32, #tpu.memory_space<vmem>>) target_semaphore(%arg14 : memref<!tpu.dma_semaphore, #tpu.memory_space<semaphore_mem>>)
    %add3A_57 = arith.constant 81920 : i32
    %add3A_58 = arith.addi %add3A_57, %mul3A_2 : i32
    %dma_start3A_59 = arith.constant 5 : i32
    %dma_start3A_60 = arith.constant 0 : i32
    %dma_start3A_61 = tpu.memref_slice %arg7[%dma_start3A_59, %dma_start3A_60] : memref<39x512xf32, #tpu.memory_space<vmem>> -> memref<1x512xf32, #tpu.memory_space<vmem>>
    %dma_start3A_62 = tpu.memref_squeeze %dma_start3A_61 : memref<1x512xf32, #tpu.memory_space<vmem>> -> memref<512xf32, #tpu.memory_space<vmem>>
    %dma_start3A_63 = tpu.memref_slice %arg2[%add3A_58] : memref<638976xf32, #tpu.memory_space<hbm>> -> memref<512xf32, #tpu.memory_space<hbm>>
    %dma_start3A_64 = arith.constant 0 : i32
    %dma_start3A_65 = tpu.memref_slice %arg7[%dma_start3A_59, %dma_start3A_64] : memref<39x512xf32, #tpu.memory_space<vmem>> -> memref<1x512xf32, #tpu.memory_space<vmem>>
    %dma_start3A_66 = tpu.memref_squeeze %dma_start3A_65 : memref<1x512xf32, #tpu.memory_space<vmem>> -> memref<512xf32, #tpu.memory_space<vmem>>
    %dma_start3A_67 = tpu.memref_slice %arg2[%add3A_58] : memref<638976xf32, #tpu.memory_space<hbm>> -> memref<512xf32, #tpu.memory_space<hbm>>
    tpu.enqueue_dma source(%dma_start3A_67 : memref<512xf32, #tpu.memory_space<hbm>>) target(%dma_start3A_66 : memref<512xf32, #tpu.memory_space<vmem>>) target_semaphore(%arg14 : memref<!tpu.dma_semaphore, #tpu.memory_space<semaphore_mem>>)
    %add3A_68 = arith.constant 98304 : i32
    %add3A_69 = arith.addi %add3A_68, %mul3A_2 : i32
    %dma_start3A_70 = arith.constant 6 : i32
    %dma_start3A_71 = arith.constant 0 : i32
    %dma_start3A_72 = tpu.memref_slice %arg7[%dma_start3A_70, %dma_start3A_71] : memref<39x512xf32, #tpu.memory_space<vmem>> -> memref<1x512xf32, #tpu.memory_space<vmem>>
    %dma_start3A_73 = tpu.memref_squeeze %dma_start3A_72 : memref<1x512xf32, #tpu.memory_space<vmem>> -> memref<512xf32, #tpu.memory_space<vmem>>
    %dma_start3A_74 = tpu.memref_slice %arg2[%add3A_69] : memref<638976xf32, #tpu.memory_space<hbm>> -> memref<512xf32, #tpu.memory_space<hbm>>
    %dma_start3A_75 = arith.constant 0 : i32
    %dma_start3A_76 = tpu.memref_slice %arg7[%dma_start3A_70, %dma_start3A_75] : memref<39x512xf32, #tpu.memory_space<vmem>> -> memref<1x512xf32, #tpu.memory_space<vmem>>
    %dma_start3A_77 = tpu.memref_squeeze %dma_start3A_76 : memref<1x512xf32, #tpu.memory_space<vmem>> -> memref<512xf32, #tpu.memory_space<vmem>>
    %dma_start3A_78 = tpu.memref_slice %arg2[%add3A_69] : memref<638976xf32, #tpu.memory_space<hbm>> -> memref<512xf32, #tpu.memory_space<hbm>>
    tpu.enqueue_dma source(%dma_start3A_78 : memref<512xf32, #tpu.memory_space<hbm>>) target(%dma_start3A_77 : memref<512xf32, #tpu.memory_space<vmem>>) target_semaphore(%arg14 : memref<!tpu.dma_semaphore, #tpu.memory_space<semaphore_mem>>)
    %add3A_79 = arith.constant 114688 : i32
    %add3A_80 = arith.addi %add3A_79, %mul3A_2 : i32
    %dma_start3A_81 = arith.constant 7 : i32
    %dma_start3A_82 = arith.constant 0 : i32
    %dma_start3A_83 = tpu.memref_slice %arg7[%dma_start3A_81, %dma_start3A_82] : memref<39x512xf32, #tpu.memory_space<vmem>> -> memref<1x512xf32, #tpu.memory_space<vmem>>
    %dma_start3A_84 = tpu.memref_squeeze %dma_start3A_83 : memref<1x512xf32, #tpu.memory_space<vmem>> -> memref<512xf32, #tpu.memory_space<vmem>>
    %dma_start3A_85 = tpu.memref_slice %arg2[%add3A_80] : memref<638976xf32, #tpu.memory_space<hbm>> -> memref<512xf32, #tpu.memory_space<hbm>>
    %dma_start3A_86 = arith.constant 0 : i32
    %dma_start3A_87 = tpu.memref_slice %arg7[%dma_start3A_81, %dma_start3A_86] : memref<39x512xf32, #tpu.memory_space<vmem>> -> memref<1x512xf32, #tpu.memory_space<vmem>>
    %dma_start3A_88 = tpu.memref_squeeze %dma_start3A_87 : memref<1x512xf32, #tpu.memory_space<vmem>> -> memref<512xf32, #tpu.memory_space<vmem>>
    %dma_start3A_89 = tpu.memref_slice %arg2[%add3A_80] : memref<638976xf32, #tpu.memory_space<hbm>> -> memref<512xf32, #tpu.memory_space<hbm>>
    tpu.enqueue_dma source(%dma_start3A_89 : memref<512xf32, #tpu.memory_space<hbm>>) target(%dma_start3A_88 : memref<512xf32, #tpu.memory_space<vmem>>) target_semaphore(%arg14 : memref<!tpu.dma_semaphore, #tpu.memory_space<semaphore_mem>>)
    %add3A_90 = arith.constant 131072 : i32
    %add3A_91 = arith.addi %add3A_90, %mul3A_2 : i32
    %dma_start3A_92 = arith.constant 8 : i32
    %dma_start3A_93 = arith.constant 0 : i32
    %dma_start3A_94 = tpu.memref_slice %arg7[%dma_start3A_92, %dma_start3A_93] : memref<39x512xf32, #tpu.memory_space<vmem>> -> memref<1x512xf32, #tpu.memory_space<vmem>>
    %dma_start3A_95 = tpu.memref_squeeze %dma_start3A_94 : memref<1x512xf32, #tpu.memory_space<vmem>> -> memref<512xf32, #tpu.memory_space<vmem>>
    %dma_start3A_96 = tpu.memref_slice %arg2[%add3A_91] : memref<638976xf32, #tpu.memory_space<hbm>> -> memref<512xf32, #tpu.memory_space<hbm>>
    %dma_start3A_97 = arith.constant 0 : i32
    %dma_start3A_98 = tpu.memref_slice %arg7[%dma_start3A_92, %dma_start3A_97] : memref<39x512xf32, #tpu.memory_space<vmem>> -> memref<1x512xf32, #tpu.memory_space<vmem>>
    %dma_start3A_99 = tpu.memref_squeeze %dma_start3A_98 : memref<1x512xf32, #tpu.memory_space<vmem>> -> memref<512xf32, #tpu.memory_space<vmem>>
    %dma_start3A_100 = tpu.memref_slice %arg2[%add3A_91] : memref<638976xf32, #tpu.memory_space<hbm>> -> memref<512xf32, #tpu.memory_space<hbm>>
    tpu.enqueue_dma source(%dma_start3A_100 : memref<512xf32, #tpu.memory_space<hbm>>) target(%dma_start3A_99 : memref<512xf32, #tpu.memory_space<vmem>>) target_semaphore(%arg14 : memref<!tpu.dma_semaphore, #tpu.memory_space<semaphore_mem>>)
    %add3A_101 = arith.constant 147456 : i32
    %add3A_102 = arith.addi %add3A_101, %mul3A_2 : i32
    %dma_start3A_103 = arith.constant 9 : i32
    %dma_start3A_104 = arith.constant 0 : i32
    %dma_start3A_105 = tpu.memref_slice %arg7[%dma_start3A_103, %dma_start3A_104] : memref<39x512xf32, #tpu.memory_space<vmem>> -> memref<1x512xf32, #tpu.memory_space<vmem>>
    %dma_start3A_106 = tpu.memref_squeeze %dma_start3A_105 : memref<1x512xf32, #tpu.memory_space<vmem>> -> memref<512xf32, #tpu.memory_space<vmem>>
    %dma_start3A_107 = tpu.memref_slice %arg2[%add3A_102] : memref<638976xf32, #tpu.memory_space<hbm>> -> memref<512xf32, #tpu.memory_space<hbm>>
    %dma_start3A_108 = arith.constant 0 : i32
    %dma_start3A_109 = tpu.memref_slice %arg7[%dma_start3A_103, %dma_start3A_108] : memref<39x512xf32, #tpu.memory_space<vmem>> -> memref<1x512xf32, #tpu.memory_space<vmem>>
    %dma_start3A_110 = tpu.memref_squeeze %dma_start3A_109 : memref<1x512xf32, #tpu.memory_space<vmem>> -> memref<512xf32, #tpu.memory_space<vmem>>
    %dma_start3A_111 = tpu.memref_slice %arg2[%add3A_102] : memref<638976xf32, #tpu.memory_space<hbm>> -> memref<512xf32, #tpu.memory_space<hbm>>
    tpu.enqueue_dma source(%dma_start3A_111 : memref<512xf32, #tpu.memory_space<hbm>>) target(%dma_start3A_110 : memref<512xf32, #tpu.memory_space<vmem>>) target_semaphore(%arg14 : memref<!tpu.dma_semaphore, #tpu.memory_space<semaphore_mem>>)
    %add3A_112 = arith.constant 163840 : i32
    %add3A_113 = arith.addi %add3A_112, %mul3A_2 : i32
    %dma_start3A_114 = arith.constant 10 : i32
    %dma_start3A_115 = arith.constant 0 : i32
    %dma_start3A_116 = tpu.memref_slice %arg7[%dma_start3A_114, %dma_start3A_115] : memref<39x512xf32, #tpu.memory_space<vmem>> -> memref<1x512xf32, #tpu.memory_space<vmem>>
    %dma_start3A_117 = tpu.memref_squeeze %dma_start3A_116 : memref<1x512xf32, #tpu.memory_space<vmem>> -> memref<512xf32, #tpu.memory_space<vmem>>
    %dma_start3A_118 = tpu.memref_slice %arg2[%add3A_113] : memref<638976xf32, #tpu.memory_space<hbm>> -> memref<512xf32, #tpu.memory_space<hbm>>
    %dma_start3A_119 = arith.constant 0 : i32
    %dma_start3A_120 = tpu.memref_slice %arg7[%dma_start3A_114, %dma_start3A_119] : memref<39x512xf32, #tpu.memory_space<vmem>> -> memref<1x512xf32, #tpu.memory_space<vmem>>
    %dma_start3A_121 = tpu.memref_squeeze %dma_start3A_120 : memref<1x512xf32, #tpu.memory_space<vmem>> -> memref<512xf32, #tpu.memory_space<vmem>>
    %dma_start3A_122 = tpu.memref_slice %arg2[%add3A_113] : memref<638976xf32, #tpu.memory_space<hbm>> -> memref<512xf32, #tpu.memory_space<hbm>>
    tpu.enqueue_dma source(%dma_start3A_122 : memref<512xf32, #tpu.memory_space<hbm>>) target(%dma_start3A_121 : memref<512xf32, #tpu.memory_space<vmem>>) target_semaphore(%arg14 : memref<!tpu.dma_semaphore, #tpu.memory_space<semaphore_mem>>)
    %add3A_123 = arith.constant 180224 : i32
    %add3A_124 = arith.addi %add3A_123, %mul3A_2 : i32
    %dma_start3A_125 = arith.constant 11 : i32
    %dma_start3A_126 = arith.constant 0 : i32
    %dma_start3A_127 = tpu.memref_slice %arg7[%dma_start3A_125, %dma_start3A_126] : memref<39x512xf32, #tpu.memory_space<vmem>> -> memref<1x512xf32, #tpu.memory_space<vmem>>
    %dma_start3A_128 = tpu.memref_squeeze %dma_start3A_127 : memref<1x512xf32, #tpu.memory_space<vmem>> -> memref<512xf32, #tpu.memory_space<vmem>>
    %dma_start3A_129 = tpu.memref_slice %arg2[%add3A_124] : memref<638976xf32, #tpu.memory_space<hbm>> -> memref<512xf32, #tpu.memory_space<hbm>>
    %dma_start3A_130 = arith.constant 0 : i32
    %dma_start3A_131 = tpu.memref_slice %arg7[%dma_start3A_125, %dma_start3A_130] : memref<39x512xf32, #tpu.memory_space<vmem>> -> memref<1x512xf32, #tpu.memory_space<vmem>>
    %dma_start3A_132 = tpu.memref_squeeze %dma_start3A_131 : memref<1x512xf32, #tpu.memory_space<vmem>> -> memref<512xf32, #tpu.memory_space<vmem>>
    %dma_start3A_133 = tpu.memref_slice %arg2[%add3A_124] : memref<638976xf32, #tpu.memory_space<hbm>> -> memref<512xf32, #tpu.memory_space<hbm>>
    tpu.enqueue_dma source(%dma_start3A_133 : memref<512xf32, #tpu.memory_space<hbm>>) target(%dma_start3A_132 : memref<512xf32, #tpu.memory_space<vmem>>) target_semaphore(%arg14 : memref<!tpu.dma_semaphore, #tpu.memory_space<semaphore_mem>>)
    %add3A_134 = arith.constant 196608 : i32
    %add3A_135 = arith.addi %add3A_134, %mul3A_2 : i32
    %dma_start3A_136 = arith.constant 12 : i32
    %dma_start3A_137 = arith.constant 0 : i32
    %dma_start3A_138 = tpu.memref_slice %arg7[%dma_start3A_136, %dma_start3A_137] : memref<39x512xf32, #tpu.memory_space<vmem>> -> memref<1x512xf32, #tpu.memory_space<vmem>>
    %dma_start3A_139 = tpu.memref_squeeze %dma_start3A_138 : memref<1x512xf32, #tpu.memory_space<vmem>> -> memref<512xf32, #tpu.memory_space<vmem>>
    %dma_start3A_140 = tpu.memref_slice %arg2[%add3A_135] : memref<638976xf32, #tpu.memory_space<hbm>> -> memref<512xf32, #tpu.memory_space<hbm>>
    %dma_start3A_141 = arith.constant 0 : i32
    %dma_start3A_142 = tpu.memref_slice %arg7[%dma_start3A_136, %dma_start3A_141] : memref<39x512xf32, #tpu.memory_space<vmem>> -> memref<1x512xf32, #tpu.memory_space<vmem>>
    %dma_start3A_143 = tpu.memref_squeeze %dma_start3A_142 : memref<1x512xf32, #tpu.memory_space<vmem>> -> memref<512xf32, #tpu.memory_space<vmem>>
    %dma_start3A_144 = tpu.memref_slice %arg2[%add3A_135] : memref<638976xf32, #tpu.memory_space<hbm>> -> memref<512xf32, #tpu.memory_space<hbm>>
    tpu.enqueue_dma source(%dma_start3A_144 : memref<512xf32, #tpu.memory_space<hbm>>) target(%dma_start3A_143 : memref<512xf32, #tpu.memory_space<vmem>>) target_semaphore(%arg14 : memref<!tpu.dma_semaphore, #tpu.memory_space<semaphore_mem>>)
    %add3A_145 = arith.constant 212992 : i32
    %add3A_146 = arith.addi %add3A_145, %mul3A_2 : i32
    %dma_start3A_147 = arith.constant 13 : i32
    %dma_start3A_148 = arith.constant 0 : i32
    %dma_start3A_149 = tpu.memref_slice %arg7[%dma_start3A_147, %dma_start3A_148] : memref<39x512xf32, #tpu.memory_space<vmem>> -> memref<1x512xf32, #tpu.memory_space<vmem>>
    %dma_start3A_150 = tpu.memref_squeeze %dma_start3A_149 : memref<1x512xf32, #tpu.memory_space<vmem>> -> memref<512xf32, #tpu.memory_space<vmem>>
    %dma_start3A_151 = tpu.memref_slice %arg2[%add3A_146] : memref<638976xf32, #tpu.memory_space<hbm>> -> memref<512xf32, #tpu.memory_space<hbm>>
    %dma_start3A_152 = arith.constant 0 : i32
    %dma_start3A_153 = tpu.memref_slice %arg7[%dma_start3A_147, %dma_start3A_152] : memref<39x512xf32, #tpu.memory_space<vmem>> -> memref<1x512xf32, #tpu.memory_space<vmem>>
    %dma_start3A_154 = tpu.memref_squeeze %dma_start3A_153 : memref<1x512xf32, #tpu.memory_space<vmem>> -> memref<512xf32, #tpu.memory_space<vmem>>
    %dma_start3A_155 = tpu.memref_slice %arg2[%add3A_146] : memref<638976xf32, #tpu.memory_space<hbm>> -> memref<512xf32, #tpu.memory_space<hbm>>
    tpu.enqueue_dma source(%dma_start3A_155 : memref<512xf32, #tpu.memory_space<hbm>>) target(%dma_start3A_154 : memref<512xf32, #tpu.memory_space<vmem>>) target_semaphore(%arg14 : memref<!tpu.dma_semaphore, #tpu.memory_space<semaphore_mem>>)
    %add3A_156 = arith.constant 229376 : i32
    %add3A_157 = arith.addi %add3A_156, %mul3A_2 : i32
    %dma_start3A_158 = arith.constant 14 : i32
    %dma_start3A_159 = arith.constant 0 : i32
    %dma_start3A_160 = tpu.memref_slice %arg7[%dma_start3A_158, %dma_start3A_159] : memref<39x512xf32, #tpu.memory_space<vmem>> -> memref<1x512xf32, #tpu.memory_space<vmem>>
    %dma_start3A_161 = tpu.memref_squeeze %dma_start3A_160 : memref<1x512xf32, #tpu.memory_space<vmem>> -> memref<512xf32, #tpu.memory_space<vmem>>
    %dma_start3A_162 = tpu.memref_slice %arg2[%add3A_157] : memref<638976xf32, #tpu.memory_space<hbm>> -> memref<512xf32, #tpu.memory_space<hbm>>
    %dma_start3A_163 = arith.constant 0 : i32
    %dma_start3A_164 = tpu.memref_slice %arg7[%dma_start3A_158, %dma_start3A_163] : memref<39x512xf32, #tpu.memory_space<vmem>> -> memref<1x512xf32, #tpu.memory_space<vmem>>
    %dma_start3A_165 = tpu.memref_squeeze %dma_start3A_164 : memref<1x512xf32, #tpu.memory_space<vmem>> -> memref<512xf32, #tpu.memory_space<vmem>>
    %dma_start3A_166 = tpu.memref_slice %arg2[%add3A_157] : memref<638976xf32, #tpu.memory_space<hbm>> -> memref<512xf32, #tpu.memory_space<hbm>>
    tpu.enqueue_dma source(%dma_start3A_166 : memref<512xf32, #tpu.memory_space<hbm>>) target(%dma_start3A_165 : memref<512xf32, #tpu.memory_space<vmem>>) target_semaphore(%arg14 : memref<!tpu.dma_semaphore, #tpu.memory_space<semaphore_mem>>)
    %add3A_167 = arith.constant 245760 : i32
    %add3A_168 = arith.addi %add3A_167, %mul3A_2 : i32
    %dma_start3A_169 = arith.constant 15 : i32
    %dma_start3A_170 = arith.constant 0 : i32
    %dma_start3A_171 = tpu.memref_slice %arg7[%dma_start3A_169, %dma_start3A_170] : memref<39x512xf32, #tpu.memory_space<vmem>> -> memref<1x512xf32, #tpu.memory_space<vmem>>
    %dma_start3A_172 = tpu.memref_squeeze %dma_start3A_171 : memref<1x512xf32, #tpu.memory_space<vmem>> -> memref<512xf32, #tpu.memory_space<vmem>>
    %dma_start3A_173 = tpu.memref_slice %arg2[%add3A_168] : memref<638976xf32, #tpu.memory_space<hbm>> -> memref<512xf32, #tpu.memory_space<hbm>>
    %dma_start3A_174 = arith.constant 0 : i32
    %dma_start3A_175 = tpu.memref_slice %arg7[%dma_start3A_169, %dma_start3A_174] : memref<39x512xf32, #tpu.memory_space<vmem>> -> memref<1x512xf32, #tpu.memory_space<vmem>>
    %dma_start3A_176 = tpu.memref_squeeze %dma_start3A_175 : memref<1x512xf32, #tpu.memory_space<vmem>> -> memref<512xf32, #tpu.memory_space<vmem>>
    %dma_start3A_177 = tpu.memref_slice %arg2[%add3A_168] : memref<638976xf32, #tpu.memory_space<hbm>> -> memref<512xf32, #tpu.memory_space<hbm>>
    tpu.enqueue_dma source(%dma_start3A_177 : memref<512xf32, #tpu.memory_space<hbm>>) target(%dma_start3A_176 : memref<512xf32, #tpu.memory_space<vmem>>) target_semaphore(%arg14 : memref<!tpu.dma_semaphore, #tpu.memory_space<semaphore_mem>>)
    %add3A_178 = arith.constant 262144 : i32
    %add3A_179 = arith.addi %add3A_178, %mul3A_2 : i32
    %dma_start3A_180 = arith.constant 16 : i32
    %dma_start3A_181 = arith.constant 0 : i32
    %dma_start3A_182 = tpu.memref_slice %arg7[%dma_start3A_180, %dma_start3A_181] : memref<39x512xf32, #tpu.memory_space<vmem>> -> memref<1x512xf32, #tpu.memory_space<vmem>>
    %dma_start3A_183 = tpu.memref_squeeze %dma_start3A_182 : memref<1x512xf32, #tpu.memory_space<vmem>> -> memref<512xf32, #tpu.memory_space<vmem>>
    %dma_start3A_184 = tpu.memref_slice %arg2[%add3A_179] : memref<638976xf32, #tpu.memory_space<hbm>> -> memref<512xf32, #tpu.memory_space<hbm>>
    %dma_start3A_185 = arith.constant 0 : i32
    %dma_start3A_186 = tpu.memref_slice %arg7[%dma_start3A_180, %dma_start3A_185] : memref<39x512xf32, #tpu.memory_space<vmem>> -> memref<1x512xf32, #tpu.memory_space<vmem>>
    %dma_start3A_187 = tpu.memref_squeeze %dma_start3A_186 : memref<1x512xf32, #tpu.memory_space<vmem>> -> memref<512xf32, #tpu.memory_space<vmem>>
    %dma_start3A_188 = tpu.memref_slice %arg2[%add3A_179] : memref<638976xf32, #tpu.memory_space<hbm>> -> memref<512xf32, #tpu.memory_space<hbm>>
    tpu.enqueue_dma source(%dma_start3A_188 : memref<512xf32, #tpu.memory_space<hbm>>) target(%dma_start3A_187 : memref<512xf32, #tpu.memory_space<vmem>>) target_semaphore(%arg14 : memref<!tpu.dma_semaphore, #tpu.memory_space<semaphore_mem>>)
    %add3A_189 = arith.constant 278528 : i32
    %add3A_190 = arith.addi %add3A_189, %mul3A_2 : i32
    %dma_start3A_191 = arith.constant 17 : i32
    %dma_start3A_192 = arith.constant 0 : i32
    %dma_start3A_193 = tpu.memref_slice %arg7[%dma_start3A_191, %dma_start3A_192] : memref<39x512xf32, #tpu.memory_space<vmem>> -> memref<1x512xf32, #tpu.memory_space<vmem>>
    %dma_start3A_194 = tpu.memref_squeeze %dma_start3A_193 : memref<1x512xf32, #tpu.memory_space<vmem>> -> memref<512xf32, #tpu.memory_space<vmem>>
    %dma_start3A_195 = tpu.memref_slice %arg2[%add3A_190] : memref<638976xf32, #tpu.memory_space<hbm>> -> memref<512xf32, #tpu.memory_space<hbm>>
    %dma_start3A_196 = arith.constant 0 : i32
    %dma_start3A_197 = tpu.memref_slice %arg7[%dma_start3A_191, %dma_start3A_196] : memref<39x512xf32, #tpu.memory_space<vmem>> -> memref<1x512xf32, #tpu.memory_space<vmem>>
    %dma_start3A_198 = tpu.memref_squeeze %dma_start3A_197 : memref<1x512xf32, #tpu.memory_space<vmem>> -> memref<512xf32, #tpu.memory_space<vmem>>
    %dma_start3A_199 = tpu.memref_slice %arg2[%add3A_190] : memref<638976xf32, #tpu.memory_space<hbm>> -> memref<512xf32, #tpu.memory_space<hbm>>
    tpu.enqueue_dma source(%dma_start3A_199 : memref<512xf32, #tpu.memory_space<hbm>>) target(%dma_start3A_198 : memref<512xf32, #tpu.memory_space<vmem>>) target_semaphore(%arg14 : memref<!tpu.dma_semaphore, #tpu.memory_space<semaphore_mem>>)
    %add3A_200 = arith.constant 294912 : i32
    %add3A_201 = arith.addi %add3A_200, %mul3A_2 : i32
    %dma_start3A_202 = arith.constant 18 : i32
    %dma_start3A_203 = arith.constant 0 : i32
    %dma_start3A_204 = tpu.memref_slice %arg7[%dma_start3A_202, %dma_start3A_203] : memref<39x512xf32, #tpu.memory_space<vmem>> -> memref<1x512xf32, #tpu.memory_space<vmem>>
    %dma_start3A_205 = tpu.memref_squeeze %dma_start3A_204 : memref<1x512xf32, #tpu.memory_space<vmem>> -> memref<512xf32, #tpu.memory_space<vmem>>
    %dma_start3A_206 = tpu.memref_slice %arg2[%add3A_201] : memref<638976xf32, #tpu.memory_space<hbm>> -> memref<512xf32, #tpu.memory_space<hbm>>
    %dma_start3A_207 = arith.constant 0 : i32
    %dma_start3A_208 = tpu.memref_slice %arg7[%dma_start3A_202, %dma_start3A_207] : memref<39x512xf32, #tpu.memory_space<vmem>> -> memref<1x512xf32, #tpu.memory_space<vmem>>
    %dma_start3A_209 = tpu.memref_squeeze %dma_start3A_208 : memref<1x512xf32, #tpu.memory_space<vmem>> -> memref<512xf32, #tpu.memory_space<vmem>>
    %dma_start3A_210 = tpu.memref_slice %arg2[%add3A_201] : memref<638976xf32, #tpu.memory_space<hbm>> -> memref<512xf32, #tpu.memory_space<hbm>>
    tpu.enqueue_dma source(%dma_start3A_210 : memref<512xf32, #tpu.memory_space<hbm>>) target(%dma_start3A_209 : memref<512xf32, #tpu.memory_space<vmem>>) target_semaphore(%arg14 : memref<!tpu.dma_semaphore, #tpu.memory_space<semaphore_mem>>)
    %add3A_211 = arith.constant 311296 : i32
    %add3A_212 = arith.addi %add3A_211, %mul3A_2 : i32
    %dma_start3A_213 = arith.constant 19 : i32
    %dma_start3A_214 = arith.constant 0 : i32
    %dma_start3A_215 = tpu.memref_slice %arg7[%dma_start3A_213, %dma_start3A_214] : memref<39x512xf32, #tpu.memory_space<vmem>> -> memref<1x512xf32, #tpu.memory_space<vmem>>
    %dma_start3A_216 = tpu.memref_squeeze %dma_start3A_215 : memref<1x512xf32, #tpu.memory_space<vmem>> -> memref<512xf32, #tpu.memory_space<vmem>>
    %dma_start3A_217 = tpu.memref_slice %arg2[%add3A_212] : memref<638976xf32, #tpu.memory_space<hbm>> -> memref<512xf32, #tpu.memory_space<hbm>>
    %dma_start3A_218 = arith.constant 0 : i32
    %dma_start3A_219 = tpu.memref_slice %arg7[%dma_start3A_213, %dma_start3A_218] : memref<39x512xf32, #tpu.memory_space<vmem>> -> memref<1x512xf32, #tpu.memory_space<vmem>>
    %dma_start3A_220 = tpu.memref_squeeze %dma_start3A_219 : memref<1x512xf32, #tpu.memory_space<vmem>> -> memref<512xf32, #tpu.memory_space<vmem>>
    %dma_start3A_221 = tpu.memref_slice %arg2[%add3A_212] : memref<638976xf32, #tpu.memory_space<hbm>> -> memref<512xf32, #tpu.memory_space<hbm>>
    tpu.enqueue_dma source(%dma_start3A_221 : memref<512xf32, #tpu.memory_space<hbm>>) target(%dma_start3A_220 : memref<512xf32, #tpu.memory_space<vmem>>) target_semaphore(%arg14 : memref<!tpu.dma_semaphore, #tpu.memory_space<semaphore_mem>>)
    %add3A_222 = arith.constant 327680 : i32
    %add3A_223 = arith.addi %add3A_222, %mul3A_2 : i32
    %dma_start3A_224 = arith.constant 20 : i32
    %dma_start3A_225 = arith.constant 0 : i32
    %dma_start3A_226 = tpu.memref_slice %arg7[%dma_start3A_224, %dma_start3A_225] : memref<39x512xf32, #tpu.memory_space<vmem>> -> memref<1x512xf32, #tpu.memory_space<vmem>>
    %dma_start3A_227 = tpu.memref_squeeze %dma_start3A_226 : memref<1x512xf32, #tpu.memory_space<vmem>> -> memref<512xf32, #tpu.memory_space<vmem>>
    %dma_start3A_228 = tpu.memref_slice %arg2[%add3A_223] : memref<638976xf32, #tpu.memory_space<hbm>> -> memref<512xf32, #tpu.memory_space<hbm>>
    %dma_start3A_229 = arith.constant 0 : i32
    %dma_start3A_230 = tpu.memref_slice %arg7[%dma_start3A_224, %dma_start3A_229] : memref<39x512xf32, #tpu.memory_space<vmem>> -> memref<1x512xf32, #tpu.memory_space<vmem>>
    %dma_start3A_231 = tpu.memref_squeeze %dma_start3A_230 : memref<1x512xf32, #tpu.memory_space<vmem>> -> memref<512xf32, #tpu.memory_space<vmem>>
    %dma_start3A_232 = tpu.memref_slice %arg2[%add3A_223] : memref<638976xf32, #tpu.memory_space<hbm>> -> memref<512xf32, #tpu.memory_space<hbm>>
    tpu.enqueue_dma source(%dma_start3A_232 : memref<512xf32, #tpu.memory_space<hbm>>) target(%dma_start3A_231 : memref<512xf32, #tpu.memory_space<vmem>>) target_semaphore(%arg14 : memref<!tpu.dma_semaphore, #tpu.memory_space<semaphore_mem>>)
    %add3A_233 = arith.constant 344064 : i32
    %add3A_234 = arith.addi %add3A_233, %mul3A_2 : i32
    %dma_start3A_235 = arith.constant 21 : i32
    %dma_start3A_236 = arith.constant 0 : i32
    %dma_start3A_237 = tpu.memref_slice %arg7[%dma_start3A_235, %dma_start3A_236] : memref<39x512xf32, #tpu.memory_space<vmem>> -> memref<1x512xf32, #tpu.memory_space<vmem>>
    %dma_start3A_238 = tpu.memref_squeeze %dma_start3A_237 : memref<1x512xf32, #tpu.memory_space<vmem>> -> memref<512xf32, #tpu.memory_space<vmem>>
    %dma_start3A_239 = tpu.memref_slice %arg2[%add3A_234] : memref<638976xf32, #tpu.memory_space<hbm>> -> memref<512xf32, #tpu.memory_space<hbm>>
    %dma_start3A_240 = arith.constant 0 : i32
    %dma_start3A_241 = tpu.memref_slice %arg7[%dma_start3A_235, %dma_start3A_240] : memref<39x512xf32, #tpu.memory_space<vmem>> -> memref<1x512xf32, #tpu.memory_space<vmem>>
    %dma_start3A_242 = tpu.memref_squeeze %dma_start3A_241 : memref<1x512xf32, #tpu.memory_space<vmem>> -> memref<512xf32, #tpu.memory_space<vmem>>
    %dma_start3A_243 = tpu.memref_slice %arg2[%add3A_234] : memref<638976xf32, #tpu.memory_space<hbm>> -> memref<512xf32, #tpu.memory_space<hbm>>
    tpu.enqueue_dma source(%dma_start3A_243 : memref<512xf32, #tpu.memory_space<hbm>>) target(%dma_start3A_242 : memref<512xf32, #tpu.memory_space<vmem>>) target_semaphore(%arg14 : memref<!tpu.dma_semaphore, #tpu.memory_space<semaphore_mem>>)
    %add3A_244 = arith.constant 360448 : i32
    %add3A_245 = arith.addi %add3A_244, %mul3A_2 : i32
    %dma_start3A_246 = arith.constant 22 : i32
    %dma_start3A_247 = arith.constant 0 : i32
    %dma_start3A_248 = tpu.memref_slice %arg7[%dma_start3A_246, %dma_start3A_247] : memref<39x512xf32, #tpu.memory_space<vmem>> -> memref<1x512xf32, #tpu.memory_space<vmem>>
    %dma_start3A_249 = tpu.memref_squeeze %dma_start3A_248 : memref<1x512xf32, #tpu.memory_space<vmem>> -> memref<512xf32, #tpu.memory_space<vmem>>
    %dma_start3A_250 = tpu.memref_slice %arg2[%add3A_245] : memref<638976xf32, #tpu.memory_space<hbm>> -> memref<512xf32, #tpu.memory_space<hbm>>
    %dma_start3A_251 = arith.constant 0 : i32
    %dma_start3A_252 = tpu.memref_slice %arg7[%dma_start3A_246, %dma_start3A_251] : memref<39x512xf32, #tpu.memory_space<vmem>> -> memref<1x512xf32, #tpu.memory_space<vmem>>
    %dma_start3A_253 = tpu.memref_squeeze %dma_start3A_252 : memref<1x512xf32, #tpu.memory_space<vmem>> -> memref<512xf32, #tpu.memory_space<vmem>>
    %dma_start3A_254 = tpu.memref_slice %arg2[%add3A_245] : memref<638976xf32, #tpu.memory_space<hbm>> -> memref<512xf32, #tpu.memory_space<hbm>>
    tpu.enqueue_dma source(%dma_start3A_254 : memref<512xf32, #tpu.memory_space<hbm>>) target(%dma_start3A_253 : memref<512xf32, #tpu.memory_space<vmem>>) target_semaphore(%arg14 : memref<!tpu.dma_semaphore, #tpu.memory_space<semaphore_mem>>)
    %add3A_255 = arith.constant 376832 : i32
    %add3A_256 = arith.addi %add3A_255, %mul3A_2 : i32
    %dma_start3A_257 = arith.constant 23 : i32
    %dma_start3A_258 = arith.constant 0 : i32
    %dma_start3A_259 = tpu.memref_slice %arg7[%dma_start3A_257, %dma_start3A_258] : memref<39x512xf32, #tpu.memory_space<vmem>> -> memref<1x512xf32, #tpu.memory_space<vmem>>
    %dma_start3A_260 = tpu.memref_squeeze %dma_start3A_259 : memref<1x512xf32, #tpu.memory_space<vmem>> -> memref<512xf32, #tpu.memory_space<vmem>>
    %dma_start3A_261 = tpu.memref_slice %arg2[%add3A_256] : memref<638976xf32, #tpu.memory_space<hbm>> -> memref<512xf32, #tpu.memory_space<hbm>>
    %dma_start3A_262 = arith.constant 0 : i32
    %dma_start3A_263 = tpu.memref_slice %arg7[%dma_start3A_257, %dma_start3A_262] : memref<39x512xf32, #tpu.memory_space<vmem>> -> memref<1x512xf32, #tpu.memory_space<vmem>>
    %dma_start3A_264 = tpu.memref_squeeze %dma_start3A_263 : memref<1x512xf32, #tpu.memory_space<vmem>> -> memref<512xf32, #tpu.memory_space<vmem>>
    %dma_start3A_265 = tpu.memref_slice %arg2[%add3A_256] : memref<638976xf32, #tpu.memory_space<hbm>> -> memref<512xf32, #tpu.memory_space<hbm>>
    tpu.enqueue_dma source(%dma_start3A_265 : memref<512xf32, #tpu.memory_space<hbm>>) target(%dma_start3A_264 : memref<512xf32, #tpu.memory_space<vmem>>) target_semaphore(%arg14 : memref<!tpu.dma_semaphore, #tpu.memory_space<semaphore_mem>>)
    %add3A_266 = arith.constant 393216 : i32
    %add3A_267 = arith.addi %add3A_266, %mul3A_2 : i32
    %dma_start3A_268 = arith.constant 24 : i32
    %dma_start3A_269 = arith.constant 0 : i32
    %dma_start3A_270 = tpu.memref_slice %arg7[%dma_start3A_268, %dma_start3A_269] : memref<39x512xf32, #tpu.memory_space<vmem>> -> memref<1x512xf32, #tpu.memory_space<vmem>>
    %dma_start3A_271 = tpu.memref_squeeze %dma_start3A_270 : memref<1x512xf32, #tpu.memory_space<vmem>> -> memref<512xf32, #tpu.memory_space<vmem>>
    %dma_start3A_272 = tpu.memref_slice %arg2[%add3A_267] : memref<638976xf32, #tpu.memory_space<hbm>> -> memref<512xf32, #tpu.memory_space<hbm>>
    %dma_start3A_273 = arith.constant 0 : i32
    %dma_start3A_274 = tpu.memref_slice %arg7[%dma_start3A_268, %dma_start3A_273] : memref<39x512xf32, #tpu.memory_space<vmem>> -> memref<1x512xf32, #tpu.memory_space<vmem>>
    %dma_start3A_275 = tpu.memref_squeeze %dma_start3A_274 : memref<1x512xf32, #tpu.memory_space<vmem>> -> memref<512xf32, #tpu.memory_space<vmem>>
    %dma_start3A_276 = tpu.memref_slice %arg2[%add3A_267] : memref<638976xf32, #tpu.memory_space<hbm>> -> memref<512xf32, #tpu.memory_space<hbm>>
    tpu.enqueue_dma source(%dma_start3A_276 : memref<512xf32, #tpu.memory_space<hbm>>) target(%dma_start3A_275 : memref<512xf32, #tpu.memory_space<vmem>>) target_semaphore(%arg14 : memref<!tpu.dma_semaphore, #tpu.memory_space<semaphore_mem>>)
    %add3A_277 = arith.constant 409600 : i32
    %add3A_278 = arith.addi %add3A_277, %mul3A_2 : i32
    %dma_start3A_279 = arith.constant 25 : i32
    %dma_start3A_280 = arith.constant 0 : i32
    %dma_start3A_281 = tpu.memref_slice %arg7[%dma_start3A_279, %dma_start3A_280] : memref<39x512xf32, #tpu.memory_space<vmem>> -> memref<1x512xf32, #tpu.memory_space<vmem>>
    %dma_start3A_282 = tpu.memref_squeeze %dma_start3A_281 : memref<1x512xf32, #tpu.memory_space<vmem>> -> memref<512xf32, #tpu.memory_space<vmem>>
    %dma_start3A_283 = tpu.memref_slice %arg2[%add3A_278] : memref<638976xf32, #tpu.memory_space<hbm>> -> memref<512xf32, #tpu.memory_space<hbm>>
    %dma_start3A_284 = arith.constant 0 : i32
    %dma_start3A_285 = tpu.memref_slice %arg7[%dma_start3A_279, %dma_start3A_284] : memref<39x512xf32, #tpu.memory_space<vmem>> -> memref<1x512xf32, #tpu.memory_space<vmem>>
    %dma_start3A_286 = tpu.memref_squeeze %dma_start3A_285 : memref<1x512xf32, #tpu.memory_space<vmem>> -> memref<512xf32, #tpu.memory_space<vmem>>
    %dma_start3A_287 = tpu.memref_slice %arg2[%add3A_278] : memref<638976xf32, #tpu.memory_space<hbm>> -> memref<512xf32, #tpu.memory_space<hbm>>
    tpu.enqueue_dma source(%dma_start3A_287 : memref<512xf32, #tpu.memory_space<hbm>>) target(%dma_start3A_286 : memref<512xf32, #tpu.memory_space<vmem>>) target_semaphore(%arg14 : memref<!tpu.dma_semaphore, #tpu.memory_space<semaphore_mem>>)
    %add3A_288 = arith.constant 425984 : i32
    %add3A_289 = arith.addi %add3A_288, %mul3A_2 : i32
    %dma_start3A_290 = arith.constant 26 : i32
    %dma_start3A_291 = arith.constant 0 : i32
    %dma_start3A_292 = tpu.memref_slice %arg7[%dma_start3A_290, %dma_start3A_291] : memref<39x512xf32, #tpu.memory_space<vmem>> -> memref<1x512xf32, #tpu.memory_space<vmem>>
    %dma_start3A_293 = tpu.memref_squeeze %dma_start3A_292 : memref<1x512xf32, #tpu.memory_space<vmem>> -> memref<512xf32, #tpu.memory_space<vmem>>
    %dma_start3A_294 = tpu.memref_slice %arg2[%add3A_289] : memref<638976xf32, #tpu.memory_space<hbm>> -> memref<512xf32, #tpu.memory_space<hbm>>
    %dma_start3A_295 = arith.constant 0 : i32
    %dma_start3A_296 = tpu.memref_slice %arg7[%dma_start3A_290, %dma_start3A_295] : memref<39x512xf32, #tpu.memory_space<vmem>> -> memref<1x512xf32, #tpu.memory_space<vmem>>
    %dma_start3A_297 = tpu.memref_squeeze %dma_start3A_296 : memref<1x512xf32, #tpu.memory_space<vmem>> -> memref<512xf32, #tpu.memory_space<vmem>>
    %dma_start3A_298 = tpu.memref_slice %arg2[%add3A_289] : memref<638976xf32, #tpu.memory_space<hbm>> -> memref<512xf32, #tpu.memory_space<hbm>>
    tpu.enqueue_dma source(%dma_start3A_298 : memref<512xf32, #tpu.memory_space<hbm>>) target(%dma_start3A_297 : memref<512xf32, #tpu.memory_space<vmem>>) target_semaphore(%arg14 : memref<!tpu.dma_semaphore, #tpu.memory_space<semaphore_mem>>)
    %add3A_299 = arith.constant 442368 : i32
    %add3A_300 = arith.addi %add3A_299, %mul3A_2 : i32
    %dma_start3A_301 = arith.constant 27 : i32
    %dma_start3A_302 = arith.constant 0 : i32
    %dma_start3A_303 = tpu.memref_slice %arg7[%dma_start3A_301, %dma_start3A_302] : memref<39x512xf32, #tpu.memory_space<vmem>> -> memref<1x512xf32, #tpu.memory_space<vmem>>
    %dma_start3A_304 = tpu.memref_squeeze %dma_start3A_303 : memref<1x512xf32, #tpu.memory_space<vmem>> -> memref<512xf32, #tpu.memory_space<vmem>>
    %dma_start3A_305 = tpu.memref_slice %arg2[%add3A_300] : memref<638976xf32, #tpu.memory_space<hbm>> -> memref<512xf32, #tpu.memory_space<hbm>>
    %dma_start3A_306 = arith.constant 0 : i32
    %dma_start3A_307 = tpu.memref_slice %arg7[%dma_start3A_301, %dma_start3A_306] : memref<39x512xf32, #tpu.memory_space<vmem>> -> memref<1x512xf32, #tpu.memory_space<vmem>>
    %dma_start3A_308 = tpu.memref_squeeze %dma_start3A_307 : memref<1x512xf32, #tpu.memory_space<vmem>> -> memref<512xf32, #tpu.memory_space<vmem>>
    %dma_start3A_309 = tpu.memref_slice %arg2[%add3A_300] : memref<638976xf32, #tpu.memory_space<hbm>> -> memref<512xf32, #tpu.memory_space<hbm>>
    tpu.enqueue_dma source(%dma_start3A_309 : memref<512xf32, #tpu.memory_space<hbm>>) target(%dma_start3A_308 : memref<512xf32, #tpu.memory_space<vmem>>) target_semaphore(%arg14 : memref<!tpu.dma_semaphore, #tpu.memory_space<semaphore_mem>>)
    %add3A_310 = arith.constant 458752 : i32
    %add3A_311 = arith.addi %add3A_310, %mul3A_2 : i32
    %dma_start3A_312 = arith.constant 28 : i32
    %dma_start3A_313 = arith.constant 0 : i32
    %dma_start3A_314 = tpu.memref_slice %arg7[%dma_start3A_312, %dma_start3A_313] : memref<39x512xf32, #tpu.memory_space<vmem>> -> memref<1x512xf32, #tpu.memory_space<vmem>>
    %dma_start3A_315 = tpu.memref_squeeze %dma_start3A_314 : memref<1x512xf32, #tpu.memory_space<vmem>> -> memref<512xf32, #tpu.memory_space<vmem>>
    %dma_start3A_316 = tpu.memref_slice %arg2[%add3A_311] : memref<638976xf32, #tpu.memory_space<hbm>> -> memref<512xf32, #tpu.memory_space<hbm>>
    %dma_start3A_317 = arith.constant 0 : i32
    %dma_start3A_318 = tpu.memref_slice %arg7[%dma_start3A_312, %dma_start3A_317] : memref<39x512xf32, #tpu.memory_space<vmem>> -> memref<1x512xf32, #tpu.memory_space<vmem>>
    %dma_start3A_319 = tpu.memref_squeeze %dma_start3A_318 : memref<1x512xf32, #tpu.memory_space<vmem>> -> memref<512xf32, #tpu.memory_space<vmem>>
    %dma_start3A_320 = tpu.memref_slice %arg2[%add3A_311] : memref<638976xf32, #tpu.memory_space<hbm>> -> memref<512xf32, #tpu.memory_space<hbm>>
    tpu.enqueue_dma source(%dma_start3A_320 : memref<512xf32, #tpu.memory_space<hbm>>) target(%dma_start3A_319 : memref<512xf32, #tpu.memory_space<vmem>>) target_semaphore(%arg14 : memref<!tpu.dma_semaphore, #tpu.memory_space<semaphore_mem>>)
    %add3A_321 = arith.constant 475136 : i32
    %add3A_322 = arith.addi %add3A_321, %mul3A_2 : i32
    %dma_start3A_323 = arith.constant 29 : i32
    %dma_start3A_324 = arith.constant 0 : i32
    %dma_start3A_325 = tpu.memref_slice %arg7[%dma_start3A_323, %dma_start3A_324] : memref<39x512xf32, #tpu.memory_space<vmem>> -> memref<1x512xf32, #tpu.memory_space<vmem>>
    %dma_start3A_326 = tpu.memref_squeeze %dma_start3A_325 : memref<1x512xf32, #tpu.memory_space<vmem>> -> memref<512xf32, #tpu.memory_space<vmem>>
    %dma_start3A_327 = tpu.memref_slice %arg2[%add3A_322] : memref<638976xf32, #tpu.memory_space<hbm>> -> memref<512xf32, #tpu.memory_space<hbm>>
    %dma_start3A_328 = arith.constant 0 : i32
    %dma_start3A_329 = tpu.memref_slice %arg7[%dma_start3A_323, %dma_start3A_328] : memref<39x512xf32, #tpu.memory_space<vmem>> -> memref<1x512xf32, #tpu.memory_space<vmem>>
    %dma_start3A_330 = tpu.memref_squeeze %dma_start3A_329 : memref<1x512xf32, #tpu.memory_space<vmem>> -> memref<512xf32, #tpu.memory_space<vmem>>
    %dma_start3A_331 = tpu.memref_slice %arg2[%add3A_322] : memref<638976xf32, #tpu.memory_space<hbm>> -> memref<512xf32, #tpu.memory_space<hbm>>
    tpu.enqueue_dma source(%dma_start3A_331 : memref<512xf32, #tpu.memory_space<hbm>>) target(%dma_start3A_330 : memref<512xf32, #tpu.memory_space<vmem>>) target_semaphore(%arg14 : memref<!tpu.dma_semaphore, #tpu.memory_space<semaphore_mem>>)
    %add3A_332 = arith.constant 491520 : i32
    %add3A_333 = arith.addi %add3A_332, %mul3A_2 : i32
    %dma_start3A_334 = arith.constant 30 : i32
    %dma_start3A_335 = arith.constant 0 : i32
    %dma_start3A_336 = tpu.memref_slice %arg7[%dma_start3A_334, %dma_start3A_335] : memref<39x512xf32, #tpu.memory_space<vmem>> -> memref<1x512xf32, #tpu.memory_space<vmem>>
    %dma_start3A_337 = tpu.memref_squeeze %dma_start3A_336 : memref<1x512xf32, #tpu.memory_space<vmem>> -> memref<512xf32, #tpu.memory_space<vmem>>
    %dma_start3A_338 = tpu.memref_slice %arg2[%add3A_333] : memref<638976xf32, #tpu.memory_space<hbm>> -> memref<512xf32, #tpu.memory_space<hbm>>
    %dma_start3A_339 = arith.constant 0 : i32
    %dma_start3A_340 = tpu.memref_slice %arg7[%dma_start3A_334, %dma_start3A_339] : memref<39x512xf32, #tpu.memory_space<vmem>> -> memref<1x512xf32, #tpu.memory_space<vmem>>
    %dma_start3A_341 = tpu.memref_squeeze %dma_start3A_340 : memref<1x512xf32, #tpu.memory_space<vmem>> -> memref<512xf32, #tpu.memory_space<vmem>>
    %dma_start3A_342 = tpu.memref_slice %arg2[%add3A_333] : memref<638976xf32, #tpu.memory_space<hbm>> -> memref<512xf32, #tpu.memory_space<hbm>>
    tpu.enqueue_dma source(%dma_start3A_342 : memref<512xf32, #tpu.memory_space<hbm>>) target(%dma_start3A_341 : memref<512xf32, #tpu.memory_space<vmem>>) target_semaphore(%arg14 : memref<!tpu.dma_semaphore, #tpu.memory_space<semaphore_mem>>)
    %add3A_343 = arith.constant 507904 : i32
    %add3A_344 = arith.addi %add3A_343, %mul3A_2 : i32
    %dma_start3A_345 = arith.constant 31 : i32
    %dma_start3A_346 = arith.constant 0 : i32
    %dma_start3A_347 = tpu.memref_slice %arg7[%dma_start3A_345, %dma_start3A_346] : memref<39x512xf32, #tpu.memory_space<vmem>> -> memref<1x512xf32, #tpu.memory_space<vmem>>
    %dma_start3A_348 = tpu.memref_squeeze %dma_start3A_347 : memref<1x512xf32, #tpu.memory_space<vmem>> -> memref<512xf32, #tpu.memory_space<vmem>>
    %dma_start3A_349 = tpu.memref_slice %arg2[%add3A_344] : memref<638976xf32, #tpu.memory_space<hbm>> -> memref<512xf32, #tpu.memory_space<hbm>>
    %dma_start3A_350 = arith.constant 0 : i32
    %dma_start3A_351 = tpu.memref_slice %arg7[%dma_start3A_345, %dma_start3A_350] : memref<39x512xf32, #tpu.memory_space<vmem>> -> memref<1x512xf32, #tpu.memory_space<vmem>>
    %dma_start3A_352 = tpu.memref_squeeze %dma_start3A_351 : memref<1x512xf32, #tpu.memory_space<vmem>> -> memref<512xf32, #tpu.memory_space<vmem>>
    %dma_start3A_353 = tpu.memref_slice %arg2[%add3A_344] : memref<638976xf32, #tpu.memory_space<hbm>> -> memref<512xf32, #tpu.memory_space<hbm>>
    tpu.enqueue_dma source(%dma_start3A_353 : memref<512xf32, #tpu.memory_space<hbm>>) target(%dma_start3A_352 : memref<512xf32, #tpu.memory_space<vmem>>) target_semaphore(%arg14 : memref<!tpu.dma_semaphore, #tpu.memory_space<semaphore_mem>>)
    %add3A_354 = arith.constant 524288 : i32
    %add3A_355 = arith.addi %add3A_354, %mul3A_2 : i32
    %dma_start3A_356 = arith.constant 32 : i32
    %dma_start3A_357 = arith.constant 0 : i32
    %dma_start3A_358 = tpu.memref_slice %arg7[%dma_start3A_356, %dma_start3A_357] : memref<39x512xf32, #tpu.memory_space<vmem>> -> memref<1x512xf32, #tpu.memory_space<vmem>>
    %dma_start3A_359 = tpu.memref_squeeze %dma_start3A_358 : memref<1x512xf32, #tpu.memory_space<vmem>> -> memref<512xf32, #tpu.memory_space<vmem>>
    %dma_start3A_360 = tpu.memref_slice %arg2[%add3A_355] : memref<638976xf32, #tpu.memory_space<hbm>> -> memref<512xf32, #tpu.memory_space<hbm>>
    %dma_start3A_361 = arith.constant 0 : i32
    %dma_start3A_362 = tpu.memref_slice %arg7[%dma_start3A_356, %dma_start3A_361] : memref<39x512xf32, #tpu.memory_space<vmem>> -> memref<1x512xf32, #tpu.memory_space<vmem>>
    %dma_start3A_363 = tpu.memref_squeeze %dma_start3A_362 : memref<1x512xf32, #tpu.memory_space<vmem>> -> memref<512xf32, #tpu.memory_space<vmem>>
    %dma_start3A_364 = tpu.memref_slice %arg2[%add3A_355] : memref<638976xf32, #tpu.memory_space<hbm>> -> memref<512xf32, #tpu.memory_space<hbm>>
    tpu.enqueue_dma source(%dma_start3A_364 : memref<512xf32, #tpu.memory_space<hbm>>) target(%dma_start3A_363 : memref<512xf32, #tpu.memory_space<vmem>>) target_semaphore(%arg14 : memref<!tpu.dma_semaphore, #tpu.memory_space<semaphore_mem>>)
    %add3A_365 = arith.constant 540672 : i32
    %add3A_366 = arith.addi %add3A_365, %mul3A_2 : i32
    %dma_start3A_367 = arith.constant 33 : i32
    %dma_start3A_368 = arith.constant 0 : i32
    %dma_start3A_369 = tpu.memref_slice %arg7[%dma_start3A_367, %dma_start3A_368] : memref<39x512xf32, #tpu.memory_space<vmem>> -> memref<1x512xf32, #tpu.memory_space<vmem>>
    %dma_start3A_370 = tpu.memref_squeeze %dma_start3A_369 : memref<1x512xf32, #tpu.memory_space<vmem>> -> memref<512xf32, #tpu.memory_space<vmem>>
    %dma_start3A_371 = tpu.memref_slice %arg2[%add3A_366] : memref<638976xf32, #tpu.memory_space<hbm>> -> memref<512xf32, #tpu.memory_space<hbm>>
    %dma_start3A_372 = arith.constant 0 : i32
    %dma_start3A_373 = tpu.memref_slice %arg7[%dma_start3A_367, %dma_start3A_372] : memref<39x512xf32, #tpu.memory_space<vmem>> -> memref<1x512xf32, #tpu.memory_space<vmem>>
    %dma_start3A_374 = tpu.memref_squeeze %dma_start3A_373 : memref<1x512xf32, #tpu.memory_space<vmem>> -> memref<512xf32, #tpu.memory_space<vmem>>
    %dma_start3A_375 = tpu.memref_slice %arg2[%add3A_366] : memref<638976xf32, #tpu.memory_space<hbm>> -> memref<512xf32, #tpu.memory_space<hbm>>
    tpu.enqueue_dma source(%dma_start3A_375 : memref<512xf32, #tpu.memory_space<hbm>>) target(%dma_start3A_374 : memref<512xf32, #tpu.memory_space<vmem>>) target_semaphore(%arg14 : memref<!tpu.dma_semaphore, #tpu.memory_space<semaphore_mem>>)
    %add3A_376 = arith.constant 557056 : i32
    %add3A_377 = arith.addi %add3A_376, %mul3A_2 : i32
    %dma_start3A_378 = arith.constant 34 : i32
    %dma_start3A_379 = arith.constant 0 : i32
    %dma_start3A_380 = tpu.memref_slice %arg7[%dma_start3A_378, %dma_start3A_379] : memref<39x512xf32, #tpu.memory_space<vmem>> -> memref<1x512xf32, #tpu.memory_space<vmem>>
    %dma_start3A_381 = tpu.memref_squeeze %dma_start3A_380 : memref<1x512xf32, #tpu.memory_space<vmem>> -> memref<512xf32, #tpu.memory_space<vmem>>
    %dma_start3A_382 = tpu.memref_slice %arg2[%add3A_377] : memref<638976xf32, #tpu.memory_space<hbm>> -> memref<512xf32, #tpu.memory_space<hbm>>
    %dma_start3A_383 = arith.constant 0 : i32
    %dma_start3A_384 = tpu.memref_slice %arg7[%dma_start3A_378, %dma_start3A_383] : memref<39x512xf32, #tpu.memory_space<vmem>> -> memref<1x512xf32, #tpu.memory_space<vmem>>
    %dma_start3A_385 = tpu.memref_squeeze %dma_start3A_384 : memref<1x512xf32, #tpu.memory_space<vmem>> -> memref<512xf32, #tpu.memory_space<vmem>>
    %dma_start3A_386 = tpu.memref_slice %arg2[%add3A_377] : memref<638976xf32, #tpu.memory_space<hbm>> -> memref<512xf32, #tpu.memory_space<hbm>>
    tpu.enqueue_dma source(%dma_start3A_386 : memref<512xf32, #tpu.memory_space<hbm>>) target(%dma_start3A_385 : memref<512xf32, #tpu.memory_space<vmem>>) target_semaphore(%arg14 : memref<!tpu.dma_semaphore, #tpu.memory_space<semaphore_mem>>)
    %add3A_387 = arith.constant 573440 : i32
    %add3A_388 = arith.addi %add3A_387, %mul3A_2 : i32
    %dma_start3A_389 = arith.constant 35 : i32
    %dma_start3A_390 = arith.constant 0 : i32
    %dma_start3A_391 = tpu.memref_slice %arg7[%dma_start3A_389, %dma_start3A_390] : memref<39x512xf32, #tpu.memory_space<vmem>> -> memref<1x512xf32, #tpu.memory_space<vmem>>
    %dma_start3A_392 = tpu.memref_squeeze %dma_start3A_391 : memref<1x512xf32, #tpu.memory_space<vmem>> -> memref<512xf32, #tpu.memory_space<vmem>>
    %dma_start3A_393 = tpu.memref_slice %arg2[%add3A_388] : memref<638976xf32, #tpu.memory_space<hbm>> -> memref<512xf32, #tpu.memory_space<hbm>>
    %dma_start3A_394 = arith.constant 0 : i32
    %dma_start3A_395 = tpu.memref_slice %arg7[%dma_start3A_389, %dma_start3A_394] : memref<39x512xf32, #tpu.memory_space<vmem>> -> memref<1x512xf32, #tpu.memory_space<vmem>>
    %dma_start3A_396 = tpu.memref_squeeze %dma_start3A_395 : memref<1x512xf32, #tpu.memory_space<vmem>> -> memref<512xf32, #tpu.memory_space<vmem>>
    %dma_start3A_397 = tpu.memref_slice %arg2[%add3A_388] : memref<638976xf32, #tpu.memory_space<hbm>> -> memref<512xf32, #tpu.memory_space<hbm>>
    tpu.enqueue_dma source(%dma_start3A_397 : memref<512xf32, #tpu.memory_space<hbm>>) target(%dma_start3A_396 : memref<512xf32, #tpu.memory_space<vmem>>) target_semaphore(%arg14 : memref<!tpu.dma_semaphore, #tpu.memory_space<semaphore_mem>>)
    %add3A_398 = arith.constant 589824 : i32
    %add3A_399 = arith.addi %add3A_398, %mul3A_2 : i32
    %dma_start3A_400 = arith.constant 36 : i32
    %dma_start3A_401 = arith.constant 0 : i32
    %dma_start3A_402 = tpu.memref_slice %arg7[%dma_start3A_400, %dma_start3A_401] : memref<39x512xf32, #tpu.memory_space<vmem>> -> memref<1x512xf32, #tpu.memory_space<vmem>>
    %dma_start3A_403 = tpu.memref_squeeze %dma_start3A_402 : memref<1x512xf32, #tpu.memory_space<vmem>> -> memref<512xf32, #tpu.memory_space<vmem>>
    %dma_start3A_404 = tpu.memref_slice %arg2[%add3A_399] : memref<638976xf32, #tpu.memory_space<hbm>> -> memref<512xf32, #tpu.memory_space<hbm>>
    %dma_start3A_405 = arith.constant 0 : i32
    %dma_start3A_406 = tpu.memref_slice %arg7[%dma_start3A_400, %dma_start3A_405] : memref<39x512xf32, #tpu.memory_space<vmem>> -> memref<1x512xf32, #tpu.memory_space<vmem>>
    %dma_start3A_407 = tpu.memref_squeeze %dma_start3A_406 : memref<1x512xf32, #tpu.memory_space<vmem>> -> memref<512xf32, #tpu.memory_space<vmem>>
    %dma_start3A_408 = tpu.memref_slice %arg2[%add3A_399] : memref<638976xf32, #tpu.memory_space<hbm>> -> memref<512xf32, #tpu.memory_space<hbm>>
    tpu.enqueue_dma source(%dma_start3A_408 : memref<512xf32, #tpu.memory_space<hbm>>) target(%dma_start3A_407 : memref<512xf32, #tpu.memory_space<vmem>>) target_semaphore(%arg14 : memref<!tpu.dma_semaphore, #tpu.memory_space<semaphore_mem>>)
    %add3A_409 = arith.constant 606208 : i32
    %add3A_410 = arith.addi %add3A_409, %mul3A_2 : i32
    %dma_start3A_411 = arith.constant 37 : i32
    %dma_start3A_412 = arith.constant 0 : i32
    %dma_start3A_413 = tpu.memref_slice %arg7[%dma_start3A_411, %dma_start3A_412] : memref<39x512xf32, #tpu.memory_space<vmem>> -> memref<1x512xf32, #tpu.memory_space<vmem>>
    %dma_start3A_414 = tpu.memref_squeeze %dma_start3A_413 : memref<1x512xf32, #tpu.memory_space<vmem>> -> memref<512xf32, #tpu.memory_space<vmem>>
    %dma_start3A_415 = tpu.memref_slice %arg2[%add3A_410] : memref<638976xf32, #tpu.memory_space<hbm>> -> memref<512xf32, #tpu.memory_space<hbm>>
    %dma_start3A_416 = arith.constant 0 : i32
    %dma_start3A_417 = tpu.memref_slice %arg7[%dma_start3A_411, %dma_start3A_416] : memref<39x512xf32, #tpu.memory_space<vmem>> -> memref<1x512xf32, #tpu.memory_space<vmem>>
    %dma_start3A_418 = tpu.memref_squeeze %dma_start3A_417 : memref<1x512xf32, #tpu.memory_space<vmem>> -> memref<512xf32, #tpu.memory_space<vmem>>
    %dma_start3A_419 = tpu.memref_slice %arg2[%add3A_410] : memref<638976xf32, #tpu.memory_space<hbm>> -> memref<512xf32, #tpu.memory_space<hbm>>
    tpu.enqueue_dma source(%dma_start3A_419 : memref<512xf32, #tpu.memory_space<hbm>>) target(%dma_start3A_418 : memref<512xf32, #tpu.memory_space<vmem>>) target_semaphore(%arg14 : memref<!tpu.dma_semaphore, #tpu.memory_space<semaphore_mem>>)
    %add3A_420 = arith.constant 622592 : i32
    %add3A_421 = arith.addi %add3A_420, %mul3A_2 : i32
    %dma_start3A_422 = arith.constant 38 : i32
    %dma_start3A_423 = arith.constant 0 : i32
    %dma_start3A_424 = tpu.memref_slice %arg7[%dma_start3A_422, %dma_start3A_423] : memref<39x512xf32, #tpu.memory_space<vmem>> -> memref<1x512xf32, #tpu.memory_space<vmem>>
    %dma_start3A_425 = tpu.memref_squeeze %dma_start3A_424 : memref<1x512xf32, #tpu.memory_space<vmem>> -> memref<512xf32, #tpu.memory_space<vmem>>
    %dma_start3A_426 = tpu.memref_slice %arg2[%add3A_421] : memref<638976xf32, #tpu.memory_space<hbm>> -> memref<512xf32, #tpu.memory_space<hbm>>
    %dma_start3A_427 = arith.constant 0 : i32
    %dma_start3A_428 = tpu.memref_slice %arg7[%dma_start3A_422, %dma_start3A_427] : memref<39x512xf32, #tpu.memory_space<vmem>> -> memref<1x512xf32, #tpu.memory_space<vmem>>
    %dma_start3A_429 = tpu.memref_squeeze %dma_start3A_428 : memref<1x512xf32, #tpu.memory_space<vmem>> -> memref<512xf32, #tpu.memory_space<vmem>>
    %dma_start3A_430 = tpu.memref_slice %arg2[%add3A_421] : memref<638976xf32, #tpu.memory_space<hbm>> -> memref<512xf32, #tpu.memory_space<hbm>>
    tpu.enqueue_dma source(%dma_start3A_430 : memref<512xf32, #tpu.memory_space<hbm>>) target(%dma_start3A_429 : memref<512xf32, #tpu.memory_space<vmem>>) target_semaphore(%arg14 : memref<!tpu.dma_semaphore, #tpu.memory_space<semaphore_mem>>)
    "tpu.region"() ({
      %run_scoped3A = tpu.sem_alloc : memref<!tpu.dma_semaphore, #tpu.memory_space<semaphore_mem>>
      tpu.enqueue_dma source(%arg4 : memref<2x16xf32, #tpu.memory_space<hbm>>) target(%arg11 : memref<2x16xf32, #tpu.memory_space<vmem>>) target_semaphore(%run_scoped3A : memref<!tpu.dma_semaphore, #tpu.memory_space<semaphore_mem>>)
      tpu.wait_dma2 semaphore(%run_scoped3A : memref<!tpu.dma_semaphore, #tpu.memory_space<semaphore_mem>>) src(%arg4 : memref<2x16xf32, #tpu.memory_space<hbm>>) dst(%arg11 : memref<2x16xf32, #tpu.memory_space<vmem>>)
      tpu.yield
    }) : () -> ()
    %add3A_431 = arith.constant 0 : i32
    %add3A_432 = arith.addi %add3A_431, %mul3A_2 : i32
    %dma_wait3A = arith.constant 0 : i32
    %dma_wait3A_433 = arith.constant 0 : i32
    %dma_wait3A_434 = tpu.memref_slice %arg7[%dma_wait3A, %dma_wait3A_433] : memref<39x512xf32, #tpu.memory_space<vmem>> -> memref<1x512xf32, #tpu.memory_space<vmem>>
    %dma_wait3A_435 = tpu.memref_squeeze %dma_wait3A_434 : memref<1x512xf32, #tpu.memory_space<vmem>> -> memref<512xf32, #tpu.memory_space<vmem>>
    %dma_wait3A_436 = tpu.memref_slice %arg2[%add3A_432] : memref<638976xf32, #tpu.memory_space<hbm>> -> memref<512xf32, #tpu.memory_space<hbm>>
    %dma_wait3A_437 = arith.constant 0 : i32
    %dma_wait3A_438 = tpu.memref_slice %arg7[%dma_wait3A, %dma_wait3A_437] : memref<39x512xf32, #tpu.memory_space<vmem>> -> memref<1x512xf32, #tpu.memory_space<vmem>>
    %dma_wait3A_439 = tpu.memref_squeeze %dma_wait3A_438 : memref<1x512xf32, #tpu.memory_space<vmem>> -> memref<512xf32, #tpu.memory_space<vmem>>
    %dma_wait3A_440 = tpu.memref_slice %arg2[%add3A_432] : memref<638976xf32, #tpu.memory_space<hbm>> -> memref<512xf32, #tpu.memory_space<hbm>>
    tpu.wait_dma2 semaphore(%arg14 : memref<!tpu.dma_semaphore, #tpu.memory_space<semaphore_mem>>) src(%dma_wait3A_440 : memref<512xf32, #tpu.memory_space<hbm>>) dst(%dma_wait3A_439 : memref<512xf32, #tpu.memory_space<vmem>>)
    %add3A_441 = arith.constant 16384 : i32
    %add3A_442 = arith.addi %add3A_441, %mul3A_2 : i32
    %dma_wait3A_443 = arith.constant 1 : i32
    %dma_wait3A_444 = arith.constant 0 : i32
    %dma_wait3A_445 = tpu.memref_slice %arg7[%dma_wait3A_443, %dma_wait3A_444] : memref<39x512xf32, #tpu.memory_space<vmem>> -> memref<1x512xf32, #tpu.memory_space<vmem>>
    %dma_wait3A_446 = tpu.memref_squeeze %dma_wait3A_445 : memref<1x512xf32, #tpu.memory_space<vmem>> -> memref<512xf32, #tpu.memory_space<vmem>>
    %dma_wait3A_447 = tpu.memref_slice %arg2[%add3A_442] : memref<638976xf32, #tpu.memory_space<hbm>> -> memref<512xf32, #tpu.memory_space<hbm>>
    %dma_wait3A_448 = arith.constant 0 : i32
    %dma_wait3A_449 = tpu.memref_slice %arg7[%dma_wait3A_443, %dma_wait3A_448] : memref<39x512xf32, #tpu.memory_space<vmem>> -> memref<1x512xf32, #tpu.memory_space<vmem>>
    %dma_wait3A_450 = tpu.memref_squeeze %dma_wait3A_449 : memref<1x512xf32, #tpu.memory_space<vmem>> -> memref<512xf32, #tpu.memory_space<vmem>>
    %dma_wait3A_451 = tpu.memref_slice %arg2[%add3A_442] : memref<638976xf32, #tpu.memory_space<hbm>> -> memref<512xf32, #tpu.memory_space<hbm>>
    tpu.wait_dma2 semaphore(%arg14 : memref<!tpu.dma_semaphore, #tpu.memory_space<semaphore_mem>>) src(%dma_wait3A_451 : memref<512xf32, #tpu.memory_space<hbm>>) dst(%dma_wait3A_450 : memref<512xf32, #tpu.memory_space<vmem>>)
    %add3A_452 = arith.constant 32768 : i32
    %add3A_453 = arith.addi %add3A_452, %mul3A_2 : i32
    %dma_wait3A_454 = arith.constant 2 : i32
    %dma_wait3A_455 = arith.constant 0 : i32
    %dma_wait3A_456 = tpu.memref_slice %arg7[%dma_wait3A_454, %dma_wait3A_455] : memref<39x512xf32, #tpu.memory_space<vmem>> -> memref<1x512xf32, #tpu.memory_space<vmem>>
    %dma_wait3A_457 = tpu.memref_squeeze %dma_wait3A_456 : memref<1x512xf32, #tpu.memory_space<vmem>> -> memref<512xf32, #tpu.memory_space<vmem>>
    %dma_wait3A_458 = tpu.memref_slice %arg2[%add3A_453] : memref<638976xf32, #tpu.memory_space<hbm>> -> memref<512xf32, #tpu.memory_space<hbm>>
    %dma_wait3A_459 = arith.constant 0 : i32
    %dma_wait3A_460 = tpu.memref_slice %arg7[%dma_wait3A_454, %dma_wait3A_459] : memref<39x512xf32, #tpu.memory_space<vmem>> -> memref<1x512xf32, #tpu.memory_space<vmem>>
    %dma_wait3A_461 = tpu.memref_squeeze %dma_wait3A_460 : memref<1x512xf32, #tpu.memory_space<vmem>> -> memref<512xf32, #tpu.memory_space<vmem>>
    %dma_wait3A_462 = tpu.memref_slice %arg2[%add3A_453] : memref<638976xf32, #tpu.memory_space<hbm>> -> memref<512xf32, #tpu.memory_space<hbm>>
    tpu.wait_dma2 semaphore(%arg14 : memref<!tpu.dma_semaphore, #tpu.memory_space<semaphore_mem>>) src(%dma_wait3A_462 : memref<512xf32, #tpu.memory_space<hbm>>) dst(%dma_wait3A_461 : memref<512xf32, #tpu.memory_space<vmem>>)
    %add3A_463 = arith.constant 49152 : i32
    %add3A_464 = arith.addi %add3A_463, %mul3A_2 : i32
    %dma_wait3A_465 = arith.constant 3 : i32
    %dma_wait3A_466 = arith.constant 0 : i32
    %dma_wait3A_467 = tpu.memref_slice %arg7[%dma_wait3A_465, %dma_wait3A_466] : memref<39x512xf32, #tpu.memory_space<vmem>> -> memref<1x512xf32, #tpu.memory_space<vmem>>
    %dma_wait3A_468 = tpu.memref_squeeze %dma_wait3A_467 : memref<1x512xf32, #tpu.memory_space<vmem>> -> memref<512xf32, #tpu.memory_space<vmem>>
    %dma_wait3A_469 = tpu.memref_slice %arg2[%add3A_464] : memref<638976xf32, #tpu.memory_space<hbm>> -> memref<512xf32, #tpu.memory_space<hbm>>
    %dma_wait3A_470 = arith.constant 0 : i32
    %dma_wait3A_471 = tpu.memref_slice %arg7[%dma_wait3A_465, %dma_wait3A_470] : memref<39x512xf32, #tpu.memory_space<vmem>> -> memref<1x512xf32, #tpu.memory_space<vmem>>
    %dma_wait3A_472 = tpu.memref_squeeze %dma_wait3A_471 : memref<1x512xf32, #tpu.memory_space<vmem>> -> memref<512xf32, #tpu.memory_space<vmem>>
    %dma_wait3A_473 = tpu.memref_slice %arg2[%add3A_464] : memref<638976xf32, #tpu.memory_space<hbm>> -> memref<512xf32, #tpu.memory_space<hbm>>
    tpu.wait_dma2 semaphore(%arg14 : memref<!tpu.dma_semaphore, #tpu.memory_space<semaphore_mem>>) src(%dma_wait3A_473 : memref<512xf32, #tpu.memory_space<hbm>>) dst(%dma_wait3A_472 : memref<512xf32, #tpu.memory_space<vmem>>)
    %add3A_474 = arith.constant 65536 : i32
    %add3A_475 = arith.addi %add3A_474, %mul3A_2 : i32
    %dma_wait3A_476 = arith.constant 4 : i32
    %dma_wait3A_477 = arith.constant 0 : i32
    %dma_wait3A_478 = tpu.memref_slice %arg7[%dma_wait3A_476, %dma_wait3A_477] : memref<39x512xf32, #tpu.memory_space<vmem>> -> memref<1x512xf32, #tpu.memory_space<vmem>>
    %dma_wait3A_479 = tpu.memref_squeeze %dma_wait3A_478 : memref<1x512xf32, #tpu.memory_space<vmem>> -> memref<512xf32, #tpu.memory_space<vmem>>
    %dma_wait3A_480 = tpu.memref_slice %arg2[%add3A_475] : memref<638976xf32, #tpu.memory_space<hbm>> -> memref<512xf32, #tpu.memory_space<hbm>>
    %dma_wait3A_481 = arith.constant 0 : i32
    %dma_wait3A_482 = tpu.memref_slice %arg7[%dma_wait3A_476, %dma_wait3A_481] : memref<39x512xf32, #tpu.memory_space<vmem>> -> memref<1x512xf32, #tpu.memory_space<vmem>>
    %dma_wait3A_483 = tpu.memref_squeeze %dma_wait3A_482 : memref<1x512xf32, #tpu.memory_space<vmem>> -> memref<512xf32, #tpu.memory_space<vmem>>
    %dma_wait3A_484 = tpu.memref_slice %arg2[%add3A_475] : memref<638976xf32, #tpu.memory_space<hbm>> -> memref<512xf32, #tpu.memory_space<hbm>>
    tpu.wait_dma2 semaphore(%arg14 : memref<!tpu.dma_semaphore, #tpu.memory_space<semaphore_mem>>) src(%dma_wait3A_484 : memref<512xf32, #tpu.memory_space<hbm>>) dst(%dma_wait3A_483 : memref<512xf32, #tpu.memory_space<vmem>>)
    %add3A_485 = arith.constant 81920 : i32
    %add3A_486 = arith.addi %add3A_485, %mul3A_2 : i32
    %dma_wait3A_487 = arith.constant 5 : i32
    %dma_wait3A_488 = arith.constant 0 : i32
    %dma_wait3A_489 = tpu.memref_slice %arg7[%dma_wait3A_487, %dma_wait3A_488] : memref<39x512xf32, #tpu.memory_space<vmem>> -> memref<1x512xf32, #tpu.memory_space<vmem>>
    %dma_wait3A_490 = tpu.memref_squeeze %dma_wait3A_489 : memref<1x512xf32, #tpu.memory_space<vmem>> -> memref<512xf32, #tpu.memory_space<vmem>>
    %dma_wait3A_491 = tpu.memref_slice %arg2[%add3A_486] : memref<638976xf32, #tpu.memory_space<hbm>> -> memref<512xf32, #tpu.memory_space<hbm>>
    %dma_wait3A_492 = arith.constant 0 : i32
    %dma_wait3A_493 = tpu.memref_slice %arg7[%dma_wait3A_487, %dma_wait3A_492] : memref<39x512xf32, #tpu.memory_space<vmem>> -> memref<1x512xf32, #tpu.memory_space<vmem>>
    %dma_wait3A_494 = tpu.memref_squeeze %dma_wait3A_493 : memref<1x512xf32, #tpu.memory_space<vmem>> -> memref<512xf32, #tpu.memory_space<vmem>>
    %dma_wait3A_495 = tpu.memref_slice %arg2[%add3A_486] : memref<638976xf32, #tpu.memory_space<hbm>> -> memref<512xf32, #tpu.memory_space<hbm>>
    tpu.wait_dma2 semaphore(%arg14 : memref<!tpu.dma_semaphore, #tpu.memory_space<semaphore_mem>>) src(%dma_wait3A_495 : memref<512xf32, #tpu.memory_space<hbm>>) dst(%dma_wait3A_494 : memref<512xf32, #tpu.memory_space<vmem>>)
    %add3A_496 = arith.constant 98304 : i32
    %add3A_497 = arith.addi %add3A_496, %mul3A_2 : i32
    %dma_wait3A_498 = arith.constant 6 : i32
    %dma_wait3A_499 = arith.constant 0 : i32
    %dma_wait3A_500 = tpu.memref_slice %arg7[%dma_wait3A_498, %dma_wait3A_499] : memref<39x512xf32, #tpu.memory_space<vmem>> -> memref<1x512xf32, #tpu.memory_space<vmem>>
    %dma_wait3A_501 = tpu.memref_squeeze %dma_wait3A_500 : memref<1x512xf32, #tpu.memory_space<vmem>> -> memref<512xf32, #tpu.memory_space<vmem>>
    %dma_wait3A_502 = tpu.memref_slice %arg2[%add3A_497] : memref<638976xf32, #tpu.memory_space<hbm>> -> memref<512xf32, #tpu.memory_space<hbm>>
    %dma_wait3A_503 = arith.constant 0 : i32
    %dma_wait3A_504 = tpu.memref_slice %arg7[%dma_wait3A_498, %dma_wait3A_503] : memref<39x512xf32, #tpu.memory_space<vmem>> -> memref<1x512xf32, #tpu.memory_space<vmem>>
    %dma_wait3A_505 = tpu.memref_squeeze %dma_wait3A_504 : memref<1x512xf32, #tpu.memory_space<vmem>> -> memref<512xf32, #tpu.memory_space<vmem>>
    %dma_wait3A_506 = tpu.memref_slice %arg2[%add3A_497] : memref<638976xf32, #tpu.memory_space<hbm>> -> memref<512xf32, #tpu.memory_space<hbm>>
    tpu.wait_dma2 semaphore(%arg14 : memref<!tpu.dma_semaphore, #tpu.memory_space<semaphore_mem>>) src(%dma_wait3A_506 : memref<512xf32, #tpu.memory_space<hbm>>) dst(%dma_wait3A_505 : memref<512xf32, #tpu.memory_space<vmem>>)
    %add3A_507 = arith.constant 114688 : i32
    %add3A_508 = arith.addi %add3A_507, %mul3A_2 : i32
    %dma_wait3A_509 = arith.constant 7 : i32
    %dma_wait3A_510 = arith.constant 0 : i32
    %dma_wait3A_511 = tpu.memref_slice %arg7[%dma_wait3A_509, %dma_wait3A_510] : memref<39x512xf32, #tpu.memory_space<vmem>> -> memref<1x512xf32, #tpu.memory_space<vmem>>
    %dma_wait3A_512 = tpu.memref_squeeze %dma_wait3A_511 : memref<1x512xf32, #tpu.memory_space<vmem>> -> memref<512xf32, #tpu.memory_space<vmem>>
    %dma_wait3A_513 = tpu.memref_slice %arg2[%add3A_508] : memref<638976xf32, #tpu.memory_space<hbm>> -> memref<512xf32, #tpu.memory_space<hbm>>
    %dma_wait3A_514 = arith.constant 0 : i32
    %dma_wait3A_515 = tpu.memref_slice %arg7[%dma_wait3A_509, %dma_wait3A_514] : memref<39x512xf32, #tpu.memory_space<vmem>> -> memref<1x512xf32, #tpu.memory_space<vmem>>
    %dma_wait3A_516 = tpu.memref_squeeze %dma_wait3A_515 : memref<1x512xf32, #tpu.memory_space<vmem>> -> memref<512xf32, #tpu.memory_space<vmem>>
    %dma_wait3A_517 = tpu.memref_slice %arg2[%add3A_508] : memref<638976xf32, #tpu.memory_space<hbm>> -> memref<512xf32, #tpu.memory_space<hbm>>
    tpu.wait_dma2 semaphore(%arg14 : memref<!tpu.dma_semaphore, #tpu.memory_space<semaphore_mem>>) src(%dma_wait3A_517 : memref<512xf32, #tpu.memory_space<hbm>>) dst(%dma_wait3A_516 : memref<512xf32, #tpu.memory_space<vmem>>)
    %add3A_518 = arith.constant 131072 : i32
    %add3A_519 = arith.addi %add3A_518, %mul3A_2 : i32
    %dma_wait3A_520 = arith.constant 8 : i32
    %dma_wait3A_521 = arith.constant 0 : i32
    %dma_wait3A_522 = tpu.memref_slice %arg7[%dma_wait3A_520, %dma_wait3A_521] : memref<39x512xf32, #tpu.memory_space<vmem>> -> memref<1x512xf32, #tpu.memory_space<vmem>>
    %dma_wait3A_523 = tpu.memref_squeeze %dma_wait3A_522 : memref<1x512xf32, #tpu.memory_space<vmem>> -> memref<512xf32, #tpu.memory_space<vmem>>
    %dma_wait3A_524 = tpu.memref_slice %arg2[%add3A_519] : memref<638976xf32, #tpu.memory_space<hbm>> -> memref<512xf32, #tpu.memory_space<hbm>>
    %dma_wait3A_525 = arith.constant 0 : i32
    %dma_wait3A_526 = tpu.memref_slice %arg7[%dma_wait3A_520, %dma_wait3A_525] : memref<39x512xf32, #tpu.memory_space<vmem>> -> memref<1x512xf32, #tpu.memory_space<vmem>>
    %dma_wait3A_527 = tpu.memref_squeeze %dma_wait3A_526 : memref<1x512xf32, #tpu.memory_space<vmem>> -> memref<512xf32, #tpu.memory_space<vmem>>
    %dma_wait3A_528 = tpu.memref_slice %arg2[%add3A_519] : memref<638976xf32, #tpu.memory_space<hbm>> -> memref<512xf32, #tpu.memory_space<hbm>>
    tpu.wait_dma2 semaphore(%arg14 : memref<!tpu.dma_semaphore, #tpu.memory_space<semaphore_mem>>) src(%dma_wait3A_528 : memref<512xf32, #tpu.memory_space<hbm>>) dst(%dma_wait3A_527 : memref<512xf32, #tpu.memory_space<vmem>>)
    %add3A_529 = arith.constant 147456 : i32
    %add3A_530 = arith.addi %add3A_529, %mul3A_2 : i32
    %dma_wait3A_531 = arith.constant 9 : i32
    %dma_wait3A_532 = arith.constant 0 : i32
    %dma_wait3A_533 = tpu.memref_slice %arg7[%dma_wait3A_531, %dma_wait3A_532] : memref<39x512xf32, #tpu.memory_space<vmem>> -> memref<1x512xf32, #tpu.memory_space<vmem>>
    %dma_wait3A_534 = tpu.memref_squeeze %dma_wait3A_533 : memref<1x512xf32, #tpu.memory_space<vmem>> -> memref<512xf32, #tpu.memory_space<vmem>>
    %dma_wait3A_535 = tpu.memref_slice %arg2[%add3A_530] : memref<638976xf32, #tpu.memory_space<hbm>> -> memref<512xf32, #tpu.memory_space<hbm>>
    %dma_wait3A_536 = arith.constant 0 : i32
    %dma_wait3A_537 = tpu.memref_slice %arg7[%dma_wait3A_531, %dma_wait3A_536] : memref<39x512xf32, #tpu.memory_space<vmem>> -> memref<1x512xf32, #tpu.memory_space<vmem>>
    %dma_wait3A_538 = tpu.memref_squeeze %dma_wait3A_537 : memref<1x512xf32, #tpu.memory_space<vmem>> -> memref<512xf32, #tpu.memory_space<vmem>>
    %dma_wait3A_539 = tpu.memref_slice %arg2[%add3A_530] : memref<638976xf32, #tpu.memory_space<hbm>> -> memref<512xf32, #tpu.memory_space<hbm>>
    tpu.wait_dma2 semaphore(%arg14 : memref<!tpu.dma_semaphore, #tpu.memory_space<semaphore_mem>>) src(%dma_wait3A_539 : memref<512xf32, #tpu.memory_space<hbm>>) dst(%dma_wait3A_538 : memref<512xf32, #tpu.memory_space<vmem>>)
    %add3A_540 = arith.constant 163840 : i32
    %add3A_541 = arith.addi %add3A_540, %mul3A_2 : i32
    %dma_wait3A_542 = arith.constant 10 : i32
    %dma_wait3A_543 = arith.constant 0 : i32
    %dma_wait3A_544 = tpu.memref_slice %arg7[%dma_wait3A_542, %dma_wait3A_543] : memref<39x512xf32, #tpu.memory_space<vmem>> -> memref<1x512xf32, #tpu.memory_space<vmem>>
    %dma_wait3A_545 = tpu.memref_squeeze %dma_wait3A_544 : memref<1x512xf32, #tpu.memory_space<vmem>> -> memref<512xf32, #tpu.memory_space<vmem>>
    %dma_wait3A_546 = tpu.memref_slice %arg2[%add3A_541] : memref<638976xf32, #tpu.memory_space<hbm>> -> memref<512xf32, #tpu.memory_space<hbm>>
    %dma_wait3A_547 = arith.constant 0 : i32
    %dma_wait3A_548 = tpu.memref_slice %arg7[%dma_wait3A_542, %dma_wait3A_547] : memref<39x512xf32, #tpu.memory_space<vmem>> -> memref<1x512xf32, #tpu.memory_space<vmem>>
    %dma_wait3A_549 = tpu.memref_squeeze %dma_wait3A_548 : memref<1x512xf32, #tpu.memory_space<vmem>> -> memref<512xf32, #tpu.memory_space<vmem>>
    %dma_wait3A_550 = tpu.memref_slice %arg2[%add3A_541] : memref<638976xf32, #tpu.memory_space<hbm>> -> memref<512xf32, #tpu.memory_space<hbm>>
    tpu.wait_dma2 semaphore(%arg14 : memref<!tpu.dma_semaphore, #tpu.memory_space<semaphore_mem>>) src(%dma_wait3A_550 : memref<512xf32, #tpu.memory_space<hbm>>) dst(%dma_wait3A_549 : memref<512xf32, #tpu.memory_space<vmem>>)
    %add3A_551 = arith.constant 180224 : i32
    %add3A_552 = arith.addi %add3A_551, %mul3A_2 : i32
    %dma_wait3A_553 = arith.constant 11 : i32
    %dma_wait3A_554 = arith.constant 0 : i32
    %dma_wait3A_555 = tpu.memref_slice %arg7[%dma_wait3A_553, %dma_wait3A_554] : memref<39x512xf32, #tpu.memory_space<vmem>> -> memref<1x512xf32, #tpu.memory_space<vmem>>
    %dma_wait3A_556 = tpu.memref_squeeze %dma_wait3A_555 : memref<1x512xf32, #tpu.memory_space<vmem>> -> memref<512xf32, #tpu.memory_space<vmem>>
    %dma_wait3A_557 = tpu.memref_slice %arg2[%add3A_552] : memref<638976xf32, #tpu.memory_space<hbm>> -> memref<512xf32, #tpu.memory_space<hbm>>
    %dma_wait3A_558 = arith.constant 0 : i32
    %dma_wait3A_559 = tpu.memref_slice %arg7[%dma_wait3A_553, %dma_wait3A_558] : memref<39x512xf32, #tpu.memory_space<vmem>> -> memref<1x512xf32, #tpu.memory_space<vmem>>
    %dma_wait3A_560 = tpu.memref_squeeze %dma_wait3A_559 : memref<1x512xf32, #tpu.memory_space<vmem>> -> memref<512xf32, #tpu.memory_space<vmem>>
    %dma_wait3A_561 = tpu.memref_slice %arg2[%add3A_552] : memref<638976xf32, #tpu.memory_space<hbm>> -> memref<512xf32, #tpu.memory_space<hbm>>
    tpu.wait_dma2 semaphore(%arg14 : memref<!tpu.dma_semaphore, #tpu.memory_space<semaphore_mem>>) src(%dma_wait3A_561 : memref<512xf32, #tpu.memory_space<hbm>>) dst(%dma_wait3A_560 : memref<512xf32, #tpu.memory_space<vmem>>)
    %add3A_562 = arith.constant 196608 : i32
    %add3A_563 = arith.addi %add3A_562, %mul3A_2 : i32
    %dma_wait3A_564 = arith.constant 12 : i32
    %dma_wait3A_565 = arith.constant 0 : i32
    %dma_wait3A_566 = tpu.memref_slice %arg7[%dma_wait3A_564, %dma_wait3A_565] : memref<39x512xf32, #tpu.memory_space<vmem>> -> memref<1x512xf32, #tpu.memory_space<vmem>>
    %dma_wait3A_567 = tpu.memref_squeeze %dma_wait3A_566 : memref<1x512xf32, #tpu.memory_space<vmem>> -> memref<512xf32, #tpu.memory_space<vmem>>
    %dma_wait3A_568 = tpu.memref_slice %arg2[%add3A_563] : memref<638976xf32, #tpu.memory_space<hbm>> -> memref<512xf32, #tpu.memory_space<hbm>>
    %dma_wait3A_569 = arith.constant 0 : i32
    %dma_wait3A_570 = tpu.memref_slice %arg7[%dma_wait3A_564, %dma_wait3A_569] : memref<39x512xf32, #tpu.memory_space<vmem>> -> memref<1x512xf32, #tpu.memory_space<vmem>>
    %dma_wait3A_571 = tpu.memref_squeeze %dma_wait3A_570 : memref<1x512xf32, #tpu.memory_space<vmem>> -> memref<512xf32, #tpu.memory_space<vmem>>
    %dma_wait3A_572 = tpu.memref_slice %arg2[%add3A_563] : memref<638976xf32, #tpu.memory_space<hbm>> -> memref<512xf32, #tpu.memory_space<hbm>>
    tpu.wait_dma2 semaphore(%arg14 : memref<!tpu.dma_semaphore, #tpu.memory_space<semaphore_mem>>) src(%dma_wait3A_572 : memref<512xf32, #tpu.memory_space<hbm>>) dst(%dma_wait3A_571 : memref<512xf32, #tpu.memory_space<vmem>>)
    %add3A_573 = arith.constant 212992 : i32
    %add3A_574 = arith.addi %add3A_573, %mul3A_2 : i32
    %dma_wait3A_575 = arith.constant 13 : i32
    %dma_wait3A_576 = arith.constant 0 : i32
    %dma_wait3A_577 = tpu.memref_slice %arg7[%dma_wait3A_575, %dma_wait3A_576] : memref<39x512xf32, #tpu.memory_space<vmem>> -> memref<1x512xf32, #tpu.memory_space<vmem>>
    %dma_wait3A_578 = tpu.memref_squeeze %dma_wait3A_577 : memref<1x512xf32, #tpu.memory_space<vmem>> -> memref<512xf32, #tpu.memory_space<vmem>>
    %dma_wait3A_579 = tpu.memref_slice %arg2[%add3A_574] : memref<638976xf32, #tpu.memory_space<hbm>> -> memref<512xf32, #tpu.memory_space<hbm>>
    %dma_wait3A_580 = arith.constant 0 : i32
    %dma_wait3A_581 = tpu.memref_slice %arg7[%dma_wait3A_575, %dma_wait3A_580] : memref<39x512xf32, #tpu.memory_space<vmem>> -> memref<1x512xf32, #tpu.memory_space<vmem>>
    %dma_wait3A_582 = tpu.memref_squeeze %dma_wait3A_581 : memref<1x512xf32, #tpu.memory_space<vmem>> -> memref<512xf32, #tpu.memory_space<vmem>>
    %dma_wait3A_583 = tpu.memref_slice %arg2[%add3A_574] : memref<638976xf32, #tpu.memory_space<hbm>> -> memref<512xf32, #tpu.memory_space<hbm>>
    tpu.wait_dma2 semaphore(%arg14 : memref<!tpu.dma_semaphore, #tpu.memory_space<semaphore_mem>>) src(%dma_wait3A_583 : memref<512xf32, #tpu.memory_space<hbm>>) dst(%dma_wait3A_582 : memref<512xf32, #tpu.memory_space<vmem>>)
    %add3A_584 = arith.constant 229376 : i32
    %add3A_585 = arith.addi %add3A_584, %mul3A_2 : i32
    %dma_wait3A_586 = arith.constant 14 : i32
    %dma_wait3A_587 = arith.constant 0 : i32
    %dma_wait3A_588 = tpu.memref_slice %arg7[%dma_wait3A_586, %dma_wait3A_587] : memref<39x512xf32, #tpu.memory_space<vmem>> -> memref<1x512xf32, #tpu.memory_space<vmem>>
    %dma_wait3A_589 = tpu.memref_squeeze %dma_wait3A_588 : memref<1x512xf32, #tpu.memory_space<vmem>> -> memref<512xf32, #tpu.memory_space<vmem>>
    %dma_wait3A_590 = tpu.memref_slice %arg2[%add3A_585] : memref<638976xf32, #tpu.memory_space<hbm>> -> memref<512xf32, #tpu.memory_space<hbm>>
    %dma_wait3A_591 = arith.constant 0 : i32
    %dma_wait3A_592 = tpu.memref_slice %arg7[%dma_wait3A_586, %dma_wait3A_591] : memref<39x512xf32, #tpu.memory_space<vmem>> -> memref<1x512xf32, #tpu.memory_space<vmem>>
    %dma_wait3A_593 = tpu.memref_squeeze %dma_wait3A_592 : memref<1x512xf32, #tpu.memory_space<vmem>> -> memref<512xf32, #tpu.memory_space<vmem>>
    %dma_wait3A_594 = tpu.memref_slice %arg2[%add3A_585] : memref<638976xf32, #tpu.memory_space<hbm>> -> memref<512xf32, #tpu.memory_space<hbm>>
    tpu.wait_dma2 semaphore(%arg14 : memref<!tpu.dma_semaphore, #tpu.memory_space<semaphore_mem>>) src(%dma_wait3A_594 : memref<512xf32, #tpu.memory_space<hbm>>) dst(%dma_wait3A_593 : memref<512xf32, #tpu.memory_space<vmem>>)
    %add3A_595 = arith.constant 245760 : i32
    %add3A_596 = arith.addi %add3A_595, %mul3A_2 : i32
    %dma_wait3A_597 = arith.constant 15 : i32
    %dma_wait3A_598 = arith.constant 0 : i32
    %dma_wait3A_599 = tpu.memref_slice %arg7[%dma_wait3A_597, %dma_wait3A_598] : memref<39x512xf32, #tpu.memory_space<vmem>> -> memref<1x512xf32, #tpu.memory_space<vmem>>
    %dma_wait3A_600 = tpu.memref_squeeze %dma_wait3A_599 : memref<1x512xf32, #tpu.memory_space<vmem>> -> memref<512xf32, #tpu.memory_space<vmem>>
    %dma_wait3A_601 = tpu.memref_slice %arg2[%add3A_596] : memref<638976xf32, #tpu.memory_space<hbm>> -> memref<512xf32, #tpu.memory_space<hbm>>
    %dma_wait3A_602 = arith.constant 0 : i32
    %dma_wait3A_603 = tpu.memref_slice %arg7[%dma_wait3A_597, %dma_wait3A_602] : memref<39x512xf32, #tpu.memory_space<vmem>> -> memref<1x512xf32, #tpu.memory_space<vmem>>
    %dma_wait3A_604 = tpu.memref_squeeze %dma_wait3A_603 : memref<1x512xf32, #tpu.memory_space<vmem>> -> memref<512xf32, #tpu.memory_space<vmem>>
    %dma_wait3A_605 = tpu.memref_slice %arg2[%add3A_596] : memref<638976xf32, #tpu.memory_space<hbm>> -> memref<512xf32, #tpu.memory_space<hbm>>
    tpu.wait_dma2 semaphore(%arg14 : memref<!tpu.dma_semaphore, #tpu.memory_space<semaphore_mem>>) src(%dma_wait3A_605 : memref<512xf32, #tpu.memory_space<hbm>>) dst(%dma_wait3A_604 : memref<512xf32, #tpu.memory_space<vmem>>)
    %add3A_606 = arith.constant 262144 : i32
    %add3A_607 = arith.addi %add3A_606, %mul3A_2 : i32
    %dma_wait3A_608 = arith.constant 16 : i32
    %dma_wait3A_609 = arith.constant 0 : i32
    %dma_wait3A_610 = tpu.memref_slice %arg7[%dma_wait3A_608, %dma_wait3A_609] : memref<39x512xf32, #tpu.memory_space<vmem>> -> memref<1x512xf32, #tpu.memory_space<vmem>>
    %dma_wait3A_611 = tpu.memref_squeeze %dma_wait3A_610 : memref<1x512xf32, #tpu.memory_space<vmem>> -> memref<512xf32, #tpu.memory_space<vmem>>
    %dma_wait3A_612 = tpu.memref_slice %arg2[%add3A_607] : memref<638976xf32, #tpu.memory_space<hbm>> -> memref<512xf32, #tpu.memory_space<hbm>>
    %dma_wait3A_613 = arith.constant 0 : i32
    %dma_wait3A_614 = tpu.memref_slice %arg7[%dma_wait3A_608, %dma_wait3A_613] : memref<39x512xf32, #tpu.memory_space<vmem>> -> memref<1x512xf32, #tpu.memory_space<vmem>>
    %dma_wait3A_615 = tpu.memref_squeeze %dma_wait3A_614 : memref<1x512xf32, #tpu.memory_space<vmem>> -> memref<512xf32, #tpu.memory_space<vmem>>
    %dma_wait3A_616 = tpu.memref_slice %arg2[%add3A_607] : memref<638976xf32, #tpu.memory_space<hbm>> -> memref<512xf32, #tpu.memory_space<hbm>>
    tpu.wait_dma2 semaphore(%arg14 : memref<!tpu.dma_semaphore, #tpu.memory_space<semaphore_mem>>) src(%dma_wait3A_616 : memref<512xf32, #tpu.memory_space<hbm>>) dst(%dma_wait3A_615 : memref<512xf32, #tpu.memory_space<vmem>>)
    %add3A_617 = arith.constant 278528 : i32
    %add3A_618 = arith.addi %add3A_617, %mul3A_2 : i32
    %dma_wait3A_619 = arith.constant 17 : i32
    %dma_wait3A_620 = arith.constant 0 : i32
    %dma_wait3A_621 = tpu.memref_slice %arg7[%dma_wait3A_619, %dma_wait3A_620] : memref<39x512xf32, #tpu.memory_space<vmem>> -> memref<1x512xf32, #tpu.memory_space<vmem>>
    %dma_wait3A_622 = tpu.memref_squeeze %dma_wait3A_621 : memref<1x512xf32, #tpu.memory_space<vmem>> -> memref<512xf32, #tpu.memory_space<vmem>>
    %dma_wait3A_623 = tpu.memref_slice %arg2[%add3A_618] : memref<638976xf32, #tpu.memory_space<hbm>> -> memref<512xf32, #tpu.memory_space<hbm>>
    %dma_wait3A_624 = arith.constant 0 : i32
    %dma_wait3A_625 = tpu.memref_slice %arg7[%dma_wait3A_619, %dma_wait3A_624] : memref<39x512xf32, #tpu.memory_space<vmem>> -> memref<1x512xf32, #tpu.memory_space<vmem>>
    %dma_wait3A_626 = tpu.memref_squeeze %dma_wait3A_625 : memref<1x512xf32, #tpu.memory_space<vmem>> -> memref<512xf32, #tpu.memory_space<vmem>>
    %dma_wait3A_627 = tpu.memref_slice %arg2[%add3A_618] : memref<638976xf32, #tpu.memory_space<hbm>> -> memref<512xf32, #tpu.memory_space<hbm>>
    tpu.wait_dma2 semaphore(%arg14 : memref<!tpu.dma_semaphore, #tpu.memory_space<semaphore_mem>>) src(%dma_wait3A_627 : memref<512xf32, #tpu.memory_space<hbm>>) dst(%dma_wait3A_626 : memref<512xf32, #tpu.memory_space<vmem>>)
    %add3A_628 = arith.constant 294912 : i32
    %add3A_629 = arith.addi %add3A_628, %mul3A_2 : i32
    %dma_wait3A_630 = arith.constant 18 : i32
    %dma_wait3A_631 = arith.constant 0 : i32
    %dma_wait3A_632 = tpu.memref_slice %arg7[%dma_wait3A_630, %dma_wait3A_631] : memref<39x512xf32, #tpu.memory_space<vmem>> -> memref<1x512xf32, #tpu.memory_space<vmem>>
    %dma_wait3A_633 = tpu.memref_squeeze %dma_wait3A_632 : memref<1x512xf32, #tpu.memory_space<vmem>> -> memref<512xf32, #tpu.memory_space<vmem>>
    %dma_wait3A_634 = tpu.memref_slice %arg2[%add3A_629] : memref<638976xf32, #tpu.memory_space<hbm>> -> memref<512xf32, #tpu.memory_space<hbm>>
    %dma_wait3A_635 = arith.constant 0 : i32
    %dma_wait3A_636 = tpu.memref_slice %arg7[%dma_wait3A_630, %dma_wait3A_635] : memref<39x512xf32, #tpu.memory_space<vmem>> -> memref<1x512xf32, #tpu.memory_space<vmem>>
    %dma_wait3A_637 = tpu.memref_squeeze %dma_wait3A_636 : memref<1x512xf32, #tpu.memory_space<vmem>> -> memref<512xf32, #tpu.memory_space<vmem>>
    %dma_wait3A_638 = tpu.memref_slice %arg2[%add3A_629] : memref<638976xf32, #tpu.memory_space<hbm>> -> memref<512xf32, #tpu.memory_space<hbm>>
    tpu.wait_dma2 semaphore(%arg14 : memref<!tpu.dma_semaphore, #tpu.memory_space<semaphore_mem>>) src(%dma_wait3A_638 : memref<512xf32, #tpu.memory_space<hbm>>) dst(%dma_wait3A_637 : memref<512xf32, #tpu.memory_space<vmem>>)
    %add3A_639 = arith.constant 311296 : i32
    %add3A_640 = arith.addi %add3A_639, %mul3A_2 : i32
    %dma_wait3A_641 = arith.constant 19 : i32
    %dma_wait3A_642 = arith.constant 0 : i32
    %dma_wait3A_643 = tpu.memref_slice %arg7[%dma_wait3A_641, %dma_wait3A_642] : memref<39x512xf32, #tpu.memory_space<vmem>> -> memref<1x512xf32, #tpu.memory_space<vmem>>
    %dma_wait3A_644 = tpu.memref_squeeze %dma_wait3A_643 : memref<1x512xf32, #tpu.memory_space<vmem>> -> memref<512xf32, #tpu.memory_space<vmem>>
    %dma_wait3A_645 = tpu.memref_slice %arg2[%add3A_640] : memref<638976xf32, #tpu.memory_space<hbm>> -> memref<512xf32, #tpu.memory_space<hbm>>
    %dma_wait3A_646 = arith.constant 0 : i32
    %dma_wait3A_647 = tpu.memref_slice %arg7[%dma_wait3A_641, %dma_wait3A_646] : memref<39x512xf32, #tpu.memory_space<vmem>> -> memref<1x512xf32, #tpu.memory_space<vmem>>
    %dma_wait3A_648 = tpu.memref_squeeze %dma_wait3A_647 : memref<1x512xf32, #tpu.memory_space<vmem>> -> memref<512xf32, #tpu.memory_space<vmem>>
    %dma_wait3A_649 = tpu.memref_slice %arg2[%add3A_640] : memref<638976xf32, #tpu.memory_space<hbm>> -> memref<512xf32, #tpu.memory_space<hbm>>
    tpu.wait_dma2 semaphore(%arg14 : memref<!tpu.dma_semaphore, #tpu.memory_space<semaphore_mem>>) src(%dma_wait3A_649 : memref<512xf32, #tpu.memory_space<hbm>>) dst(%dma_wait3A_648 : memref<512xf32, #tpu.memory_space<vmem>>)
    %add3A_650 = arith.constant 327680 : i32
    %add3A_651 = arith.addi %add3A_650, %mul3A_2 : i32
    %dma_wait3A_652 = arith.constant 20 : i32
    %dma_wait3A_653 = arith.constant 0 : i32
    %dma_wait3A_654 = tpu.memref_slice %arg7[%dma_wait3A_652, %dma_wait3A_653] : memref<39x512xf32, #tpu.memory_space<vmem>> -> memref<1x512xf32, #tpu.memory_space<vmem>>
    %dma_wait3A_655 = tpu.memref_squeeze %dma_wait3A_654 : memref<1x512xf32, #tpu.memory_space<vmem>> -> memref<512xf32, #tpu.memory_space<vmem>>
    %dma_wait3A_656 = tpu.memref_slice %arg2[%add3A_651] : memref<638976xf32, #tpu.memory_space<hbm>> -> memref<512xf32, #tpu.memory_space<hbm>>
    %dma_wait3A_657 = arith.constant 0 : i32
    %dma_wait3A_658 = tpu.memref_slice %arg7[%dma_wait3A_652, %dma_wait3A_657] : memref<39x512xf32, #tpu.memory_space<vmem>> -> memref<1x512xf32, #tpu.memory_space<vmem>>
    %dma_wait3A_659 = tpu.memref_squeeze %dma_wait3A_658 : memref<1x512xf32, #tpu.memory_space<vmem>> -> memref<512xf32, #tpu.memory_space<vmem>>
    %dma_wait3A_660 = tpu.memref_slice %arg2[%add3A_651] : memref<638976xf32, #tpu.memory_space<hbm>> -> memref<512xf32, #tpu.memory_space<hbm>>
    tpu.wait_dma2 semaphore(%arg14 : memref<!tpu.dma_semaphore, #tpu.memory_space<semaphore_mem>>) src(%dma_wait3A_660 : memref<512xf32, #tpu.memory_space<hbm>>) dst(%dma_wait3A_659 : memref<512xf32, #tpu.memory_space<vmem>>)
    %add3A_661 = arith.constant 344064 : i32
    %add3A_662 = arith.addi %add3A_661, %mul3A_2 : i32
    %dma_wait3A_663 = arith.constant 21 : i32
    %dma_wait3A_664 = arith.constant 0 : i32
    %dma_wait3A_665 = tpu.memref_slice %arg7[%dma_wait3A_663, %dma_wait3A_664] : memref<39x512xf32, #tpu.memory_space<vmem>> -> memref<1x512xf32, #tpu.memory_space<vmem>>
    %dma_wait3A_666 = tpu.memref_squeeze %dma_wait3A_665 : memref<1x512xf32, #tpu.memory_space<vmem>> -> memref<512xf32, #tpu.memory_space<vmem>>
    %dma_wait3A_667 = tpu.memref_slice %arg2[%add3A_662] : memref<638976xf32, #tpu.memory_space<hbm>> -> memref<512xf32, #tpu.memory_space<hbm>>
    %dma_wait3A_668 = arith.constant 0 : i32
    %dma_wait3A_669 = tpu.memref_slice %arg7[%dma_wait3A_663, %dma_wait3A_668] : memref<39x512xf32, #tpu.memory_space<vmem>> -> memref<1x512xf32, #tpu.memory_space<vmem>>
    %dma_wait3A_670 = tpu.memref_squeeze %dma_wait3A_669 : memref<1x512xf32, #tpu.memory_space<vmem>> -> memref<512xf32, #tpu.memory_space<vmem>>
    %dma_wait3A_671 = tpu.memref_slice %arg2[%add3A_662] : memref<638976xf32, #tpu.memory_space<hbm>> -> memref<512xf32, #tpu.memory_space<hbm>>
    tpu.wait_dma2 semaphore(%arg14 : memref<!tpu.dma_semaphore, #tpu.memory_space<semaphore_mem>>) src(%dma_wait3A_671 : memref<512xf32, #tpu.memory_space<hbm>>) dst(%dma_wait3A_670 : memref<512xf32, #tpu.memory_space<vmem>>)
    %add3A_672 = arith.constant 360448 : i32
    %add3A_673 = arith.addi %add3A_672, %mul3A_2 : i32
    %dma_wait3A_674 = arith.constant 22 : i32
    %dma_wait3A_675 = arith.constant 0 : i32
    %dma_wait3A_676 = tpu.memref_slice %arg7[%dma_wait3A_674, %dma_wait3A_675] : memref<39x512xf32, #tpu.memory_space<vmem>> -> memref<1x512xf32, #tpu.memory_space<vmem>>
    %dma_wait3A_677 = tpu.memref_squeeze %dma_wait3A_676 : memref<1x512xf32, #tpu.memory_space<vmem>> -> memref<512xf32, #tpu.memory_space<vmem>>
    %dma_wait3A_678 = tpu.memref_slice %arg2[%add3A_673] : memref<638976xf32, #tpu.memory_space<hbm>> -> memref<512xf32, #tpu.memory_space<hbm>>
    %dma_wait3A_679 = arith.constant 0 : i32
    %dma_wait3A_680 = tpu.memref_slice %arg7[%dma_wait3A_674, %dma_wait3A_679] : memref<39x512xf32, #tpu.memory_space<vmem>> -> memref<1x512xf32, #tpu.memory_space<vmem>>
    %dma_wait3A_681 = tpu.memref_squeeze %dma_wait3A_680 : memref<1x512xf32, #tpu.memory_space<vmem>> -> memref<512xf32, #tpu.memory_space<vmem>>
    %dma_wait3A_682 = tpu.memref_slice %arg2[%add3A_673] : memref<638976xf32, #tpu.memory_space<hbm>> -> memref<512xf32, #tpu.memory_space<hbm>>
    tpu.wait_dma2 semaphore(%arg14 : memref<!tpu.dma_semaphore, #tpu.memory_space<semaphore_mem>>) src(%dma_wait3A_682 : memref<512xf32, #tpu.memory_space<hbm>>) dst(%dma_wait3A_681 : memref<512xf32, #tpu.memory_space<vmem>>)
    %add3A_683 = arith.constant 376832 : i32
    %add3A_684 = arith.addi %add3A_683, %mul3A_2 : i32
    %dma_wait3A_685 = arith.constant 23 : i32
    %dma_wait3A_686 = arith.constant 0 : i32
    %dma_wait3A_687 = tpu.memref_slice %arg7[%dma_wait3A_685, %dma_wait3A_686] : memref<39x512xf32, #tpu.memory_space<vmem>> -> memref<1x512xf32, #tpu.memory_space<vmem>>
    %dma_wait3A_688 = tpu.memref_squeeze %dma_wait3A_687 : memref<1x512xf32, #tpu.memory_space<vmem>> -> memref<512xf32, #tpu.memory_space<vmem>>
    %dma_wait3A_689 = tpu.memref_slice %arg2[%add3A_684] : memref<638976xf32, #tpu.memory_space<hbm>> -> memref<512xf32, #tpu.memory_space<hbm>>
    %dma_wait3A_690 = arith.constant 0 : i32
    %dma_wait3A_691 = tpu.memref_slice %arg7[%dma_wait3A_685, %dma_wait3A_690] : memref<39x512xf32, #tpu.memory_space<vmem>> -> memref<1x512xf32, #tpu.memory_space<vmem>>
    %dma_wait3A_692 = tpu.memref_squeeze %dma_wait3A_691 : memref<1x512xf32, #tpu.memory_space<vmem>> -> memref<512xf32, #tpu.memory_space<vmem>>
    %dma_wait3A_693 = tpu.memref_slice %arg2[%add3A_684] : memref<638976xf32, #tpu.memory_space<hbm>> -> memref<512xf32, #tpu.memory_space<hbm>>
    tpu.wait_dma2 semaphore(%arg14 : memref<!tpu.dma_semaphore, #tpu.memory_space<semaphore_mem>>) src(%dma_wait3A_693 : memref<512xf32, #tpu.memory_space<hbm>>) dst(%dma_wait3A_692 : memref<512xf32, #tpu.memory_space<vmem>>)
    %add3A_694 = arith.constant 393216 : i32
    %add3A_695 = arith.addi %add3A_694, %mul3A_2 : i32
    %dma_wait3A_696 = arith.constant 24 : i32
    %dma_wait3A_697 = arith.constant 0 : i32
    %dma_wait3A_698 = tpu.memref_slice %arg7[%dma_wait3A_696, %dma_wait3A_697] : memref<39x512xf32, #tpu.memory_space<vmem>> -> memref<1x512xf32, #tpu.memory_space<vmem>>
    %dma_wait3A_699 = tpu.memref_squeeze %dma_wait3A_698 : memref<1x512xf32, #tpu.memory_space<vmem>> -> memref<512xf32, #tpu.memory_space<vmem>>
    %dma_wait3A_700 = tpu.memref_slice %arg2[%add3A_695] : memref<638976xf32, #tpu.memory_space<hbm>> -> memref<512xf32, #tpu.memory_space<hbm>>
    %dma_wait3A_701 = arith.constant 0 : i32
    %dma_wait3A_702 = tpu.memref_slice %arg7[%dma_wait3A_696, %dma_wait3A_701] : memref<39x512xf32, #tpu.memory_space<vmem>> -> memref<1x512xf32, #tpu.memory_space<vmem>>
    %dma_wait3A_703 = tpu.memref_squeeze %dma_wait3A_702 : memref<1x512xf32, #tpu.memory_space<vmem>> -> memref<512xf32, #tpu.memory_space<vmem>>
    %dma_wait3A_704 = tpu.memref_slice %arg2[%add3A_695] : memref<638976xf32, #tpu.memory_space<hbm>> -> memref<512xf32, #tpu.memory_space<hbm>>
    tpu.wait_dma2 semaphore(%arg14 : memref<!tpu.dma_semaphore, #tpu.memory_space<semaphore_mem>>) src(%dma_wait3A_704 : memref<512xf32, #tpu.memory_space<hbm>>) dst(%dma_wait3A_703 : memref<512xf32, #tpu.memory_space<vmem>>)
    %add3A_705 = arith.constant 409600 : i32
    %add3A_706 = arith.addi %add3A_705, %mul3A_2 : i32
    %dma_wait3A_707 = arith.constant 25 : i32
    %dma_wait3A_708 = arith.constant 0 : i32
    %dma_wait3A_709 = tpu.memref_slice %arg7[%dma_wait3A_707, %dma_wait3A_708] : memref<39x512xf32, #tpu.memory_space<vmem>> -> memref<1x512xf32, #tpu.memory_space<vmem>>
    %dma_wait3A_710 = tpu.memref_squeeze %dma_wait3A_709 : memref<1x512xf32, #tpu.memory_space<vmem>> -> memref<512xf32, #tpu.memory_space<vmem>>
    %dma_wait3A_711 = tpu.memref_slice %arg2[%add3A_706] : memref<638976xf32, #tpu.memory_space<hbm>> -> memref<512xf32, #tpu.memory_space<hbm>>
    %dma_wait3A_712 = arith.constant 0 : i32
    %dma_wait3A_713 = tpu.memref_slice %arg7[%dma_wait3A_707, %dma_wait3A_712] : memref<39x512xf32, #tpu.memory_space<vmem>> -> memref<1x512xf32, #tpu.memory_space<vmem>>
    %dma_wait3A_714 = tpu.memref_squeeze %dma_wait3A_713 : memref<1x512xf32, #tpu.memory_space<vmem>> -> memref<512xf32, #tpu.memory_space<vmem>>
    %dma_wait3A_715 = tpu.memref_slice %arg2[%add3A_706] : memref<638976xf32, #tpu.memory_space<hbm>> -> memref<512xf32, #tpu.memory_space<hbm>>
    tpu.wait_dma2 semaphore(%arg14 : memref<!tpu.dma_semaphore, #tpu.memory_space<semaphore_mem>>) src(%dma_wait3A_715 : memref<512xf32, #tpu.memory_space<hbm>>) dst(%dma_wait3A_714 : memref<512xf32, #tpu.memory_space<vmem>>)
    %add3A_716 = arith.constant 425984 : i32
    %add3A_717 = arith.addi %add3A_716, %mul3A_2 : i32
    %dma_wait3A_718 = arith.constant 26 : i32
    %dma_wait3A_719 = arith.constant 0 : i32
    %dma_wait3A_720 = tpu.memref_slice %arg7[%dma_wait3A_718, %dma_wait3A_719] : memref<39x512xf32, #tpu.memory_space<vmem>> -> memref<1x512xf32, #tpu.memory_space<vmem>>
    %dma_wait3A_721 = tpu.memref_squeeze %dma_wait3A_720 : memref<1x512xf32, #tpu.memory_space<vmem>> -> memref<512xf32, #tpu.memory_space<vmem>>
    %dma_wait3A_722 = tpu.memref_slice %arg2[%add3A_717] : memref<638976xf32, #tpu.memory_space<hbm>> -> memref<512xf32, #tpu.memory_space<hbm>>
    %dma_wait3A_723 = arith.constant 0 : i32
    %dma_wait3A_724 = tpu.memref_slice %arg7[%dma_wait3A_718, %dma_wait3A_723] : memref<39x512xf32, #tpu.memory_space<vmem>> -> memref<1x512xf32, #tpu.memory_space<vmem>>
    %dma_wait3A_725 = tpu.memref_squeeze %dma_wait3A_724 : memref<1x512xf32, #tpu.memory_space<vmem>> -> memref<512xf32, #tpu.memory_space<vmem>>
    %dma_wait3A_726 = tpu.memref_slice %arg2[%add3A_717] : memref<638976xf32, #tpu.memory_space<hbm>> -> memref<512xf32, #tpu.memory_space<hbm>>
    tpu.wait_dma2 semaphore(%arg14 : memref<!tpu.dma_semaphore, #tpu.memory_space<semaphore_mem>>) src(%dma_wait3A_726 : memref<512xf32, #tpu.memory_space<hbm>>) dst(%dma_wait3A_725 : memref<512xf32, #tpu.memory_space<vmem>>)
    %add3A_727 = arith.constant 442368 : i32
    %add3A_728 = arith.addi %add3A_727, %mul3A_2 : i32
    %dma_wait3A_729 = arith.constant 27 : i32
    %dma_wait3A_730 = arith.constant 0 : i32
    %dma_wait3A_731 = tpu.memref_slice %arg7[%dma_wait3A_729, %dma_wait3A_730] : memref<39x512xf32, #tpu.memory_space<vmem>> -> memref<1x512xf32, #tpu.memory_space<vmem>>
    %dma_wait3A_732 = tpu.memref_squeeze %dma_wait3A_731 : memref<1x512xf32, #tpu.memory_space<vmem>> -> memref<512xf32, #tpu.memory_space<vmem>>
    %dma_wait3A_733 = tpu.memref_slice %arg2[%add3A_728] : memref<638976xf32, #tpu.memory_space<hbm>> -> memref<512xf32, #tpu.memory_space<hbm>>
    %dma_wait3A_734 = arith.constant 0 : i32
    %dma_wait3A_735 = tpu.memref_slice %arg7[%dma_wait3A_729, %dma_wait3A_734] : memref<39x512xf32, #tpu.memory_space<vmem>> -> memref<1x512xf32, #tpu.memory_space<vmem>>
    %dma_wait3A_736 = tpu.memref_squeeze %dma_wait3A_735 : memref<1x512xf32, #tpu.memory_space<vmem>> -> memref<512xf32, #tpu.memory_space<vmem>>
    %dma_wait3A_737 = tpu.memref_slice %arg2[%add3A_728] : memref<638976xf32, #tpu.memory_space<hbm>> -> memref<512xf32, #tpu.memory_space<hbm>>
    tpu.wait_dma2 semaphore(%arg14 : memref<!tpu.dma_semaphore, #tpu.memory_space<semaphore_mem>>) src(%dma_wait3A_737 : memref<512xf32, #tpu.memory_space<hbm>>) dst(%dma_wait3A_736 : memref<512xf32, #tpu.memory_space<vmem>>)
    %add3A_738 = arith.constant 458752 : i32
    %add3A_739 = arith.addi %add3A_738, %mul3A_2 : i32
    %dma_wait3A_740 = arith.constant 28 : i32
    %dma_wait3A_741 = arith.constant 0 : i32
    %dma_wait3A_742 = tpu.memref_slice %arg7[%dma_wait3A_740, %dma_wait3A_741] : memref<39x512xf32, #tpu.memory_space<vmem>> -> memref<1x512xf32, #tpu.memory_space<vmem>>
    %dma_wait3A_743 = tpu.memref_squeeze %dma_wait3A_742 : memref<1x512xf32, #tpu.memory_space<vmem>> -> memref<512xf32, #tpu.memory_space<vmem>>
    %dma_wait3A_744 = tpu.memref_slice %arg2[%add3A_739] : memref<638976xf32, #tpu.memory_space<hbm>> -> memref<512xf32, #tpu.memory_space<hbm>>
    %dma_wait3A_745 = arith.constant 0 : i32
    %dma_wait3A_746 = tpu.memref_slice %arg7[%dma_wait3A_740, %dma_wait3A_745] : memref<39x512xf32, #tpu.memory_space<vmem>> -> memref<1x512xf32, #tpu.memory_space<vmem>>
    %dma_wait3A_747 = tpu.memref_squeeze %dma_wait3A_746 : memref<1x512xf32, #tpu.memory_space<vmem>> -> memref<512xf32, #tpu.memory_space<vmem>>
    %dma_wait3A_748 = tpu.memref_slice %arg2[%add3A_739] : memref<638976xf32, #tpu.memory_space<hbm>> -> memref<512xf32, #tpu.memory_space<hbm>>
    tpu.wait_dma2 semaphore(%arg14 : memref<!tpu.dma_semaphore, #tpu.memory_space<semaphore_mem>>) src(%dma_wait3A_748 : memref<512xf32, #tpu.memory_space<hbm>>) dst(%dma_wait3A_747 : memref<512xf32, #tpu.memory_space<vmem>>)
    %add3A_749 = arith.constant 475136 : i32
    %add3A_750 = arith.addi %add3A_749, %mul3A_2 : i32
    %dma_wait3A_751 = arith.constant 29 : i32
    %dma_wait3A_752 = arith.constant 0 : i32
    %dma_wait3A_753 = tpu.memref_slice %arg7[%dma_wait3A_751, %dma_wait3A_752] : memref<39x512xf32, #tpu.memory_space<vmem>> -> memref<1x512xf32, #tpu.memory_space<vmem>>
    %dma_wait3A_754 = tpu.memref_squeeze %dma_wait3A_753 : memref<1x512xf32, #tpu.memory_space<vmem>> -> memref<512xf32, #tpu.memory_space<vmem>>
    %dma_wait3A_755 = tpu.memref_slice %arg2[%add3A_750] : memref<638976xf32, #tpu.memory_space<hbm>> -> memref<512xf32, #tpu.memory_space<hbm>>
    %dma_wait3A_756 = arith.constant 0 : i32
    %dma_wait3A_757 = tpu.memref_slice %arg7[%dma_wait3A_751, %dma_wait3A_756] : memref<39x512xf32, #tpu.memory_space<vmem>> -> memref<1x512xf32, #tpu.memory_space<vmem>>
    %dma_wait3A_758 = tpu.memref_squeeze %dma_wait3A_757 : memref<1x512xf32, #tpu.memory_space<vmem>> -> memref<512xf32, #tpu.memory_space<vmem>>
    %dma_wait3A_759 = tpu.memref_slice %arg2[%add3A_750] : memref<638976xf32, #tpu.memory_space<hbm>> -> memref<512xf32, #tpu.memory_space<hbm>>
    tpu.wait_dma2 semaphore(%arg14 : memref<!tpu.dma_semaphore, #tpu.memory_space<semaphore_mem>>) src(%dma_wait3A_759 : memref<512xf32, #tpu.memory_space<hbm>>) dst(%dma_wait3A_758 : memref<512xf32, #tpu.memory_space<vmem>>)
    %add3A_760 = arith.constant 491520 : i32
    %add3A_761 = arith.addi %add3A_760, %mul3A_2 : i32
    %dma_wait3A_762 = arith.constant 30 : i32
    %dma_wait3A_763 = arith.constant 0 : i32
    %dma_wait3A_764 = tpu.memref_slice %arg7[%dma_wait3A_762, %dma_wait3A_763] : memref<39x512xf32, #tpu.memory_space<vmem>> -> memref<1x512xf32, #tpu.memory_space<vmem>>
    %dma_wait3A_765 = tpu.memref_squeeze %dma_wait3A_764 : memref<1x512xf32, #tpu.memory_space<vmem>> -> memref<512xf32, #tpu.memory_space<vmem>>
    %dma_wait3A_766 = tpu.memref_slice %arg2[%add3A_761] : memref<638976xf32, #tpu.memory_space<hbm>> -> memref<512xf32, #tpu.memory_space<hbm>>
    %dma_wait3A_767 = arith.constant 0 : i32
    %dma_wait3A_768 = tpu.memref_slice %arg7[%dma_wait3A_762, %dma_wait3A_767] : memref<39x512xf32, #tpu.memory_space<vmem>> -> memref<1x512xf32, #tpu.memory_space<vmem>>
    %dma_wait3A_769 = tpu.memref_squeeze %dma_wait3A_768 : memref<1x512xf32, #tpu.memory_space<vmem>> -> memref<512xf32, #tpu.memory_space<vmem>>
    %dma_wait3A_770 = tpu.memref_slice %arg2[%add3A_761] : memref<638976xf32, #tpu.memory_space<hbm>> -> memref<512xf32, #tpu.memory_space<hbm>>
    tpu.wait_dma2 semaphore(%arg14 : memref<!tpu.dma_semaphore, #tpu.memory_space<semaphore_mem>>) src(%dma_wait3A_770 : memref<512xf32, #tpu.memory_space<hbm>>) dst(%dma_wait3A_769 : memref<512xf32, #tpu.memory_space<vmem>>)
    %add3A_771 = arith.constant 507904 : i32
    %add3A_772 = arith.addi %add3A_771, %mul3A_2 : i32
    %dma_wait3A_773 = arith.constant 31 : i32
    %dma_wait3A_774 = arith.constant 0 : i32
    %dma_wait3A_775 = tpu.memref_slice %arg7[%dma_wait3A_773, %dma_wait3A_774] : memref<39x512xf32, #tpu.memory_space<vmem>> -> memref<1x512xf32, #tpu.memory_space<vmem>>
    %dma_wait3A_776 = tpu.memref_squeeze %dma_wait3A_775 : memref<1x512xf32, #tpu.memory_space<vmem>> -> memref<512xf32, #tpu.memory_space<vmem>>
    %dma_wait3A_777 = tpu.memref_slice %arg2[%add3A_772] : memref<638976xf32, #tpu.memory_space<hbm>> -> memref<512xf32, #tpu.memory_space<hbm>>
    %dma_wait3A_778 = arith.constant 0 : i32
    %dma_wait3A_779 = tpu.memref_slice %arg7[%dma_wait3A_773, %dma_wait3A_778] : memref<39x512xf32, #tpu.memory_space<vmem>> -> memref<1x512xf32, #tpu.memory_space<vmem>>
    %dma_wait3A_780 = tpu.memref_squeeze %dma_wait3A_779 : memref<1x512xf32, #tpu.memory_space<vmem>> -> memref<512xf32, #tpu.memory_space<vmem>>
    %dma_wait3A_781 = tpu.memref_slice %arg2[%add3A_772] : memref<638976xf32, #tpu.memory_space<hbm>> -> memref<512xf32, #tpu.memory_space<hbm>>
    tpu.wait_dma2 semaphore(%arg14 : memref<!tpu.dma_semaphore, #tpu.memory_space<semaphore_mem>>) src(%dma_wait3A_781 : memref<512xf32, #tpu.memory_space<hbm>>) dst(%dma_wait3A_780 : memref<512xf32, #tpu.memory_space<vmem>>)
    %add3A_782 = arith.constant 524288 : i32
    %add3A_783 = arith.addi %add3A_782, %mul3A_2 : i32
    %dma_wait3A_784 = arith.constant 32 : i32
    %dma_wait3A_785 = arith.constant 0 : i32
    %dma_wait3A_786 = tpu.memref_slice %arg7[%dma_wait3A_784, %dma_wait3A_785] : memref<39x512xf32, #tpu.memory_space<vmem>> -> memref<1x512xf32, #tpu.memory_space<vmem>>
    %dma_wait3A_787 = tpu.memref_squeeze %dma_wait3A_786 : memref<1x512xf32, #tpu.memory_space<vmem>> -> memref<512xf32, #tpu.memory_space<vmem>>
    %dma_wait3A_788 = tpu.memref_slice %arg2[%add3A_783] : memref<638976xf32, #tpu.memory_space<hbm>> -> memref<512xf32, #tpu.memory_space<hbm>>
    %dma_wait3A_789 = arith.constant 0 : i32
    %dma_wait3A_790 = tpu.memref_slice %arg7[%dma_wait3A_784, %dma_wait3A_789] : memref<39x512xf32, #tpu.memory_space<vmem>> -> memref<1x512xf32, #tpu.memory_space<vmem>>
    %dma_wait3A_791 = tpu.memref_squeeze %dma_wait3A_790 : memref<1x512xf32, #tpu.memory_space<vmem>> -> memref<512xf32, #tpu.memory_space<vmem>>
    %dma_wait3A_792 = tpu.memref_slice %arg2[%add3A_783] : memref<638976xf32, #tpu.memory_space<hbm>> -> memref<512xf32, #tpu.memory_space<hbm>>
    tpu.wait_dma2 semaphore(%arg14 : memref<!tpu.dma_semaphore, #tpu.memory_space<semaphore_mem>>) src(%dma_wait3A_792 : memref<512xf32, #tpu.memory_space<hbm>>) dst(%dma_wait3A_791 : memref<512xf32, #tpu.memory_space<vmem>>)
    %add3A_793 = arith.constant 540672 : i32
    %add3A_794 = arith.addi %add3A_793, %mul3A_2 : i32
    %dma_wait3A_795 = arith.constant 33 : i32
    %dma_wait3A_796 = arith.constant 0 : i32
    %dma_wait3A_797 = tpu.memref_slice %arg7[%dma_wait3A_795, %dma_wait3A_796] : memref<39x512xf32, #tpu.memory_space<vmem>> -> memref<1x512xf32, #tpu.memory_space<vmem>>
    %dma_wait3A_798 = tpu.memref_squeeze %dma_wait3A_797 : memref<1x512xf32, #tpu.memory_space<vmem>> -> memref<512xf32, #tpu.memory_space<vmem>>
    %dma_wait3A_799 = tpu.memref_slice %arg2[%add3A_794] : memref<638976xf32, #tpu.memory_space<hbm>> -> memref<512xf32, #tpu.memory_space<hbm>>
    %dma_wait3A_800 = arith.constant 0 : i32
    %dma_wait3A_801 = tpu.memref_slice %arg7[%dma_wait3A_795, %dma_wait3A_800] : memref<39x512xf32, #tpu.memory_space<vmem>> -> memref<1x512xf32, #tpu.memory_space<vmem>>
    %dma_wait3A_802 = tpu.memref_squeeze %dma_wait3A_801 : memref<1x512xf32, #tpu.memory_space<vmem>> -> memref<512xf32, #tpu.memory_space<vmem>>
    %dma_wait3A_803 = tpu.memref_slice %arg2[%add3A_794] : memref<638976xf32, #tpu.memory_space<hbm>> -> memref<512xf32, #tpu.memory_space<hbm>>
    tpu.wait_dma2 semaphore(%arg14 : memref<!tpu.dma_semaphore, #tpu.memory_space<semaphore_mem>>) src(%dma_wait3A_803 : memref<512xf32, #tpu.memory_space<hbm>>) dst(%dma_wait3A_802 : memref<512xf32, #tpu.memory_space<vmem>>)
    %add3A_804 = arith.constant 557056 : i32
    %add3A_805 = arith.addi %add3A_804, %mul3A_2 : i32
    %dma_wait3A_806 = arith.constant 34 : i32
    %dma_wait3A_807 = arith.constant 0 : i32
    %dma_wait3A_808 = tpu.memref_slice %arg7[%dma_wait3A_806, %dma_wait3A_807] : memref<39x512xf32, #tpu.memory_space<vmem>> -> memref<1x512xf32, #tpu.memory_space<vmem>>
    %dma_wait3A_809 = tpu.memref_squeeze %dma_wait3A_808 : memref<1x512xf32, #tpu.memory_space<vmem>> -> memref<512xf32, #tpu.memory_space<vmem>>
    %dma_wait3A_810 = tpu.memref_slice %arg2[%add3A_805] : memref<638976xf32, #tpu.memory_space<hbm>> -> memref<512xf32, #tpu.memory_space<hbm>>
    %dma_wait3A_811 = arith.constant 0 : i32
    %dma_wait3A_812 = tpu.memref_slice %arg7[%dma_wait3A_806, %dma_wait3A_811] : memref<39x512xf32, #tpu.memory_space<vmem>> -> memref<1x512xf32, #tpu.memory_space<vmem>>
    %dma_wait3A_813 = tpu.memref_squeeze %dma_wait3A_812 : memref<1x512xf32, #tpu.memory_space<vmem>> -> memref<512xf32, #tpu.memory_space<vmem>>
    %dma_wait3A_814 = tpu.memref_slice %arg2[%add3A_805] : memref<638976xf32, #tpu.memory_space<hbm>> -> memref<512xf32, #tpu.memory_space<hbm>>
    tpu.wait_dma2 semaphore(%arg14 : memref<!tpu.dma_semaphore, #tpu.memory_space<semaphore_mem>>) src(%dma_wait3A_814 : memref<512xf32, #tpu.memory_space<hbm>>) dst(%dma_wait3A_813 : memref<512xf32, #tpu.memory_space<vmem>>)
    %add3A_815 = arith.constant 573440 : i32
    %add3A_816 = arith.addi %add3A_815, %mul3A_2 : i32
    %dma_wait3A_817 = arith.constant 35 : i32
    %dma_wait3A_818 = arith.constant 0 : i32
    %dma_wait3A_819 = tpu.memref_slice %arg7[%dma_wait3A_817, %dma_wait3A_818] : memref<39x512xf32, #tpu.memory_space<vmem>> -> memref<1x512xf32, #tpu.memory_space<vmem>>
    %dma_wait3A_820 = tpu.memref_squeeze %dma_wait3A_819 : memref<1x512xf32, #tpu.memory_space<vmem>> -> memref<512xf32, #tpu.memory_space<vmem>>
    %dma_wait3A_821 = tpu.memref_slice %arg2[%add3A_816] : memref<638976xf32, #tpu.memory_space<hbm>> -> memref<512xf32, #tpu.memory_space<hbm>>
    %dma_wait3A_822 = arith.constant 0 : i32
    %dma_wait3A_823 = tpu.memref_slice %arg7[%dma_wait3A_817, %dma_wait3A_822] : memref<39x512xf32, #tpu.memory_space<vmem>> -> memref<1x512xf32, #tpu.memory_space<vmem>>
    %dma_wait3A_824 = tpu.memref_squeeze %dma_wait3A_823 : memref<1x512xf32, #tpu.memory_space<vmem>> -> memref<512xf32, #tpu.memory_space<vmem>>
    %dma_wait3A_825 = tpu.memref_slice %arg2[%add3A_816] : memref<638976xf32, #tpu.memory_space<hbm>> -> memref<512xf32, #tpu.memory_space<hbm>>
    tpu.wait_dma2 semaphore(%arg14 : memref<!tpu.dma_semaphore, #tpu.memory_space<semaphore_mem>>) src(%dma_wait3A_825 : memref<512xf32, #tpu.memory_space<hbm>>) dst(%dma_wait3A_824 : memref<512xf32, #tpu.memory_space<vmem>>)
    %add3A_826 = arith.constant 589824 : i32
    %add3A_827 = arith.addi %add3A_826, %mul3A_2 : i32
    %dma_wait3A_828 = arith.constant 36 : i32
    %dma_wait3A_829 = arith.constant 0 : i32
    %dma_wait3A_830 = tpu.memref_slice %arg7[%dma_wait3A_828, %dma_wait3A_829] : memref<39x512xf32, #tpu.memory_space<vmem>> -> memref<1x512xf32, #tpu.memory_space<vmem>>
    %dma_wait3A_831 = tpu.memref_squeeze %dma_wait3A_830 : memref<1x512xf32, #tpu.memory_space<vmem>> -> memref<512xf32, #tpu.memory_space<vmem>>
    %dma_wait3A_832 = tpu.memref_slice %arg2[%add3A_827] : memref<638976xf32, #tpu.memory_space<hbm>> -> memref<512xf32, #tpu.memory_space<hbm>>
    %dma_wait3A_833 = arith.constant 0 : i32
    %dma_wait3A_834 = tpu.memref_slice %arg7[%dma_wait3A_828, %dma_wait3A_833] : memref<39x512xf32, #tpu.memory_space<vmem>> -> memref<1x512xf32, #tpu.memory_space<vmem>>
    %dma_wait3A_835 = tpu.memref_squeeze %dma_wait3A_834 : memref<1x512xf32, #tpu.memory_space<vmem>> -> memref<512xf32, #tpu.memory_space<vmem>>
    %dma_wait3A_836 = tpu.memref_slice %arg2[%add3A_827] : memref<638976xf32, #tpu.memory_space<hbm>> -> memref<512xf32, #tpu.memory_space<hbm>>
    tpu.wait_dma2 semaphore(%arg14 : memref<!tpu.dma_semaphore, #tpu.memory_space<semaphore_mem>>) src(%dma_wait3A_836 : memref<512xf32, #tpu.memory_space<hbm>>) dst(%dma_wait3A_835 : memref<512xf32, #tpu.memory_space<vmem>>)
    %add3A_837 = arith.constant 606208 : i32
    %add3A_838 = arith.addi %add3A_837, %mul3A_2 : i32
    %dma_wait3A_839 = arith.constant 37 : i32
    %dma_wait3A_840 = arith.constant 0 : i32
    %dma_wait3A_841 = tpu.memref_slice %arg7[%dma_wait3A_839, %dma_wait3A_840] : memref<39x512xf32, #tpu.memory_space<vmem>> -> memref<1x512xf32, #tpu.memory_space<vmem>>
    %dma_wait3A_842 = tpu.memref_squeeze %dma_wait3A_841 : memref<1x512xf32, #tpu.memory_space<vmem>> -> memref<512xf32, #tpu.memory_space<vmem>>
    %dma_wait3A_843 = tpu.memref_slice %arg2[%add3A_838] : memref<638976xf32, #tpu.memory_space<hbm>> -> memref<512xf32, #tpu.memory_space<hbm>>
    %dma_wait3A_844 = arith.constant 0 : i32
    %dma_wait3A_845 = tpu.memref_slice %arg7[%dma_wait3A_839, %dma_wait3A_844] : memref<39x512xf32, #tpu.memory_space<vmem>> -> memref<1x512xf32, #tpu.memory_space<vmem>>
    %dma_wait3A_846 = tpu.memref_squeeze %dma_wait3A_845 : memref<1x512xf32, #tpu.memory_space<vmem>> -> memref<512xf32, #tpu.memory_space<vmem>>
    %dma_wait3A_847 = tpu.memref_slice %arg2[%add3A_838] : memref<638976xf32, #tpu.memory_space<hbm>> -> memref<512xf32, #tpu.memory_space<hbm>>
    tpu.wait_dma2 semaphore(%arg14 : memref<!tpu.dma_semaphore, #tpu.memory_space<semaphore_mem>>) src(%dma_wait3A_847 : memref<512xf32, #tpu.memory_space<hbm>>) dst(%dma_wait3A_846 : memref<512xf32, #tpu.memory_space<vmem>>)
    %add3A_848 = arith.constant 622592 : i32
    %add3A_849 = arith.addi %add3A_848, %mul3A_2 : i32
    %dma_wait3A_850 = arith.constant 38 : i32
    %dma_wait3A_851 = arith.constant 0 : i32
    %dma_wait3A_852 = tpu.memref_slice %arg7[%dma_wait3A_850, %dma_wait3A_851] : memref<39x512xf32, #tpu.memory_space<vmem>> -> memref<1x512xf32, #tpu.memory_space<vmem>>
    %dma_wait3A_853 = tpu.memref_squeeze %dma_wait3A_852 : memref<1x512xf32, #tpu.memory_space<vmem>> -> memref<512xf32, #tpu.memory_space<vmem>>
    %dma_wait3A_854 = tpu.memref_slice %arg2[%add3A_849] : memref<638976xf32, #tpu.memory_space<hbm>> -> memref<512xf32, #tpu.memory_space<hbm>>
    %dma_wait3A_855 = arith.constant 0 : i32
    %dma_wait3A_856 = tpu.memref_slice %arg7[%dma_wait3A_850, %dma_wait3A_855] : memref<39x512xf32, #tpu.memory_space<vmem>> -> memref<1x512xf32, #tpu.memory_space<vmem>>
    %dma_wait3A_857 = tpu.memref_squeeze %dma_wait3A_856 : memref<1x512xf32, #tpu.memory_space<vmem>> -> memref<512xf32, #tpu.memory_space<vmem>>
    %dma_wait3A_858 = tpu.memref_slice %arg2[%add3A_849] : memref<638976xf32, #tpu.memory_space<hbm>> -> memref<512xf32, #tpu.memory_space<hbm>>
    tpu.wait_dma2 semaphore(%arg14 : memref<!tpu.dma_semaphore, #tpu.memory_space<semaphore_mem>>) src(%dma_wait3A_858 : memref<512xf32, #tpu.memory_space<hbm>>) dst(%dma_wait3A_857 : memref<512xf32, #tpu.memory_space<vmem>>)
    %scan3A = arith.constant 0 : i32
    %scan3A_859 = arith.constant 16 : i32
    %scan3A_860 = arith.addi %scan3A, %scan3A_859 : i32
    %scan3A_861 = arith.constant 1 : i32
    scf.for %scan3A_929 = %scan3A to %scan3A_860 step %scan3A_861  : i32 {
      %mul3A_930 = arith.constant 100000 : i32
      %mul3A_931 = arith.muli %scan3A_929, %mul3A_930 : i32
      %add3A_932 = arith.constant 13 : i32
      %add3A_933 = arith.addi %add3A_932, %scan3A_929 : i32
      %get3A_934 = arith.index_cast %add3A_933 : i32 to index
      %get3A_935 = arith.constant 0 : index
      %get3A_936 = tpu.vector_load %arg7[%get3A_934, %get3A_935] {strides = array<i32>} : memref<39x512xf32, #tpu.memory_space<vmem>>, vector<16xf32>,
      %convert_element_type3A = arith.fptosi %get3A_936 : vector<16xf32> to vector<16xi32>
      %add3A_937 = vector.broadcast %mul3A_931 : i32 to vector<16xi32>
      %add3A_938 = arith.addi %convert_element_type3A, %add3A_937 : vector<16xi32>
      %swap3A = arith.constant 0 : i32
      %swap3A_939 = arith.index_cast %scan3A_929 : i32 to index
      %swap3A_940 = arith.index_cast %swap3A : i32 to index
      %swap3A_941 = arith.constant 0 : index
      %swap3A_942 = tpu.vector_load %arg8[%swap3A_939, %swap3A_940, %swap3A_941] {strides = array<i32>} : memref<16x4x128xi32, #tpu.memory_space<vmem>>, vector<16xi32>,
      tpu.vector_store %arg8[%swap3A_939, %swap3A_940, %swap3A_941], %add3A_938 {strides = array<i32>} : memref<16x4x128xi32, #tpu.memory_space<vmem>>, vector<16xi32>,
      %get3A_943 = arith.index_cast %add3A_933 : i32 to index
      %get3A_944 = arith.constant 16 : index
      %get3A_945 = tpu.vector_load %arg7[%get3A_943, %get3A_944] {strides = array<i32>} : memref<39x512xf32, #tpu.memory_space<vmem>>, vector<16xf32>,
      %convert_element_type3A_946 = arith.fptosi %get3A_945 : vector<16xf32> to vector<16xi32>
      %add3A_947 = vector.broadcast %mul3A_931 : i32 to vector<16xi32>
      %add3A_948 = arith.addi %convert_element_type3A_946, %add3A_947 : vector<16xi32>
      %swap3A_949 = arith.constant 0 : i32
      %swap3A_950 = arith.index_cast %scan3A_929 : i32 to index
      %swap3A_951 = arith.index_cast %swap3A_949 : i32 to index
      %swap3A_952 = arith.constant 16 : index
      %swap3A_953 = tpu.vector_load %arg8[%swap3A_950, %swap3A_951, %swap3A_952] {strides = array<i32>} : memref<16x4x128xi32, #tpu.memory_space<vmem>>, vector<16xi32>,
      tpu.vector_store %arg8[%swap3A_950, %swap3A_951, %swap3A_952], %add3A_948 {strides = array<i32>} : memref<16x4x128xi32, #tpu.memory_space<vmem>>, vector<16xi32>,
      %get3A_954 = arith.index_cast %add3A_933 : i32 to index
      %get3A_955 = arith.constant 32 : index
      %get3A_956 = tpu.vector_load %arg7[%get3A_954, %get3A_955] {strides = array<i32>} : memref<39x512xf32, #tpu.memory_space<vmem>>, vector<16xf32>,
      %convert_element_type3A_957 = arith.fptosi %get3A_956 : vector<16xf32> to vector<16xi32>
      %add3A_958 = vector.broadcast %mul3A_931 : i32 to vector<16xi32>
      %add3A_959 = arith.addi %convert_element_type3A_957, %add3A_958 : vector<16xi32>
      %swap3A_960 = arith.constant 0 : i32
      %swap3A_961 = arith.index_cast %scan3A_929 : i32 to index
      %swap3A_962 = arith.index_cast %swap3A_960 : i32 to index
      %swap3A_963 = arith.constant 32 : index
      %swap3A_964 = tpu.vector_load %arg8[%swap3A_961, %swap3A_962, %swap3A_963] {strides = array<i32>} : memref<16x4x128xi32, #tpu.memory_space<vmem>>, vector<16xi32>,
      tpu.vector_store %arg8[%swap3A_961, %swap3A_962, %swap3A_963], %add3A_959 {strides = array<i32>} : memref<16x4x128xi32, #tpu.memory_space<vmem>>, vector<16xi32>,
      %get3A_965 = arith.index_cast %add3A_933 : i32 to index
      %get3A_966 = arith.constant 48 : index
      %get3A_967 = tpu.vector_load %arg7[%get3A_965, %get3A_966] {strides = array<i32>} : memref<39x512xf32, #tpu.memory_space<vmem>>, vector<16xf32>,
      %convert_element_type3A_968 = arith.fptosi %get3A_967 : vector<16xf32> to vector<16xi32>
      %add3A_969 = vector.broadcast %mul3A_931 : i32 to vector<16xi32>
      %add3A_970 = arith.addi %convert_element_type3A_968, %add3A_969 : vector<16xi32>
      %swap3A_971 = arith.constant 0 : i32
      %swap3A_972 = arith.index_cast %scan3A_929 : i32 to index
      %swap3A_973 = arith.index_cast %swap3A_971 : i32 to index
      %swap3A_974 = arith.constant 48 : index
      %swap3A_975 = tpu.vector_load %arg8[%swap3A_972, %swap3A_973, %swap3A_974] {strides = array<i32>} : memref<16x4x128xi32, #tpu.memory_space<vmem>>, vector<16xi32>,
      tpu.vector_store %arg8[%swap3A_972, %swap3A_973, %swap3A_974], %add3A_970 {strides = array<i32>} : memref<16x4x128xi32, #tpu.memory_space<vmem>>, vector<16xi32>,
      %get3A_976 = arith.index_cast %add3A_933 : i32 to index
      %get3A_977 = arith.constant 64 : index
      %get3A_978 = tpu.vector_load %arg7[%get3A_976, %get3A_977] {strides = array<i32>} : memref<39x512xf32, #tpu.memory_space<vmem>>, vector<16xf32>,
      %convert_element_type3A_979 = arith.fptosi %get3A_978 : vector<16xf32> to vector<16xi32>
      %add3A_980 = vector.broadcast %mul3A_931 : i32 to vector<16xi32>
      %add3A_981 = arith.addi %convert_element_type3A_979, %add3A_980 : vector<16xi32>
      %swap3A_982 = arith.constant 0 : i32
      %swap3A_983 = arith.index_cast %scan3A_929 : i32 to index
      %swap3A_984 = arith.index_cast %swap3A_982 : i32 to index
      %swap3A_985 = arith.constant 64 : index
      %swap3A_986 = tpu.vector_load %arg8[%swap3A_983, %swap3A_984, %swap3A_985] {strides = array<i32>} : memref<16x4x128xi32, #tpu.memory_space<vmem>>, vector<16xi32>,
      tpu.vector_store %arg8[%swap3A_983, %swap3A_984, %swap3A_985], %add3A_981 {strides = array<i32>} : memref<16x4x128xi32, #tpu.memory_space<vmem>>, vector<16xi32>,
      %get3A_987 = arith.index_cast %add3A_933 : i32 to index
      %get3A_988 = arith.constant 80 : index
      %get3A_989 = tpu.vector_load %arg7[%get3A_987, %get3A_988] {strides = array<i32>} : memref<39x512xf32, #tpu.memory_space<vmem>>, vector<16xf32>,
      %convert_element_type3A_990 = arith.fptosi %get3A_989 : vector<16xf32> to vector<16xi32>
      %add3A_991 = vector.broadcast %mul3A_931 : i32 to vector<16xi32>
      %add3A_992 = arith.addi %convert_element_type3A_990, %add3A_991 : vector<16xi32>
      %swap3A_993 = arith.constant 0 : i32
      %swap3A_994 = arith.index_cast %scan3A_929 : i32 to index
      %swap3A_995 = arith.index_cast %swap3A_993 : i32 to index
      %swap3A_996 = arith.constant 80 : index
      %swap3A_997 = tpu.vector_load %arg8[%swap3A_994, %swap3A_995, %swap3A_996] {strides = array<i32>} : memref<16x4x128xi32, #tpu.memory_space<vmem>>, vector<16xi32>,
      tpu.vector_store %arg8[%swap3A_994, %swap3A_995, %swap3A_996], %add3A_992 {strides = array<i32>} : memref<16x4x128xi32, #tpu.memory_space<vmem>>, vector<16xi32>,
      %get3A_998 = arith.index_cast %add3A_933 : i32 to index
      %get3A_999 = arith.constant 96 : index
      %get3A_1000 = tpu.vector_load %arg7[%get3A_998, %get3A_999] {strides = array<i32>} : memref<39x512xf32, #tpu.memory_space<vmem>>, vector<16xf32>,
      %convert_element_type3A_1001 = arith.fptosi %get3A_1000 : vector<16xf32> to vector<16xi32>
      %add3A_1002 = vector.broadcast %mul3A_931 : i32 to vector<16xi32>
      %add3A_1003 = arith.addi %convert_element_type3A_1001, %add3A_1002 : vector<16xi32>
      %swap3A_1004 = arith.constant 0 : i32
      %swap3A_1005 = arith.index_cast %scan3A_929 : i32 to index
      %swap3A_1006 = arith.index_cast %swap3A_1004 : i32 to index
      %swap3A_1007 = arith.constant 96 : index
      %swap3A_1008 = tpu.vector_load %arg8[%swap3A_1005, %swap3A_1006, %swap3A_1007] {strides = array<i32>} : memref<16x4x128xi32, #tpu.memory_space<vmem>>, vector<16xi32>,
      tpu.vector_store %arg8[%swap3A_1005, %swap3A_1006, %swap3A_1007], %add3A_1003 {strides = array<i32>} : memref<16x4x128xi32, #tpu.memory_space<vmem>>, vector<16xi32>,
      %get3A_1009 = arith.index_cast %add3A_933 : i32 to index
      %get3A_1010 = arith.constant 112 : index
      %get3A_1011 = tpu.vector_load %arg7[%get3A_1009, %get3A_1010] {strides = array<i32>} : memref<39x512xf32, #tpu.memory_space<vmem>>, vector<16xf32>,
      %convert_element_type3A_1012 = arith.fptosi %get3A_1011 : vector<16xf32> to vector<16xi32>
      %add3A_1013 = vector.broadcast %mul3A_931 : i32 to vector<16xi32>
      %add3A_1014 = arith.addi %convert_element_type3A_1012, %add3A_1013 : vector<16xi32>
      %swap3A_1015 = arith.constant 0 : i32
      %swap3A_1016 = arith.index_cast %scan3A_929 : i32 to index
      %swap3A_1017 = arith.index_cast %swap3A_1015 : i32 to index
      %swap3A_1018 = arith.constant 112 : index
      %swap3A_1019 = tpu.vector_load %arg8[%swap3A_1016, %swap3A_1017, %swap3A_1018] {strides = array<i32>} : memref<16x4x128xi32, #tpu.memory_space<vmem>>, vector<16xi32>,
      tpu.vector_store %arg8[%swap3A_1016, %swap3A_1017, %swap3A_1018], %add3A_1014 {strides = array<i32>} : memref<16x4x128xi32, #tpu.memory_space<vmem>>, vector<16xi32>,
      %get3A_1020 = arith.index_cast %add3A_933 : i32 to index
      %get3A_1021 = arith.constant 128 : index
      %get3A_1022 = tpu.vector_load %arg7[%get3A_1020, %get3A_1021] {strides = array<i32>} : memref<39x512xf32, #tpu.memory_space<vmem>>, vector<16xf32>,
      %convert_element_type3A_1023 = arith.fptosi %get3A_1022 : vector<16xf32> to vector<16xi32>
      %add3A_1024 = vector.broadcast %mul3A_931 : i32 to vector<16xi32>
      %add3A_1025 = arith.addi %convert_element_type3A_1023, %add3A_1024 : vector<16xi32>
      %swap3A_1026 = arith.constant 1 : i32
      %swap3A_1027 = arith.index_cast %scan3A_929 : i32 to index
      %swap3A_1028 = arith.index_cast %swap3A_1026 : i32 to index
      %swap3A_1029 = arith.constant 0 : index
      %swap3A_1030 = tpu.vector_load %arg8[%swap3A_1027, %swap3A_1028, %swap3A_1029] {strides = array<i32>} : memref<16x4x128xi32, #tpu.memory_space<vmem>>, vector<16xi32>,
      tpu.vector_store %arg8[%swap3A_1027, %swap3A_1028, %swap3A_1029], %add3A_1025 {strides = array<i32>} : memref<16x4x128xi32, #tpu.memory_space<vmem>>, vector<16xi32>,
      %get3A_1031 = arith.index_cast %add3A_933 : i32 to index
      %get3A_1032 = arith.constant 144 : index
      %get3A_1033 = tpu.vector_load %arg7[%get3A_1031, %get3A_1032] {strides = array<i32>} : memref<39x512xf32, #tpu.memory_space<vmem>>, vector<16xf32>,
      %convert_element_type3A_1034 = arith.fptosi %get3A_1033 : vector<16xf32> to vector<16xi32>
      %add3A_1035 = vector.broadcast %mul3A_931 : i32 to vector<16xi32>
      %add3A_1036 = arith.addi %convert_element_type3A_1034, %add3A_1035 : vector<16xi32>
      %swap3A_1037 = arith.constant 1 : i32
      %swap3A_1038 = arith.index_cast %scan3A_929 : i32 to index
      %swap3A_1039 = arith.index_cast %swap3A_1037 : i32 to index
      %swap3A_1040 = arith.constant 16 : index
      %swap3A_1041 = tpu.vector_load %arg8[%swap3A_1038, %swap3A_1039, %swap3A_1040] {strides = array<i32>} : memref<16x4x128xi32, #tpu.memory_space<vmem>>, vector<16xi32>,
      tpu.vector_store %arg8[%swap3A_1038, %swap3A_1039, %swap3A_1040], %add3A_1036 {strides = array<i32>} : memref<16x4x128xi32, #tpu.memory_space<vmem>>, vector<16xi32>,
      %get3A_1042 = arith.index_cast %add3A_933 : i32 to index
      %get3A_1043 = arith.constant 160 : index
      %get3A_1044 = tpu.vector_load %arg7[%get3A_1042, %get3A_1043] {strides = array<i32>} : memref<39x512xf32, #tpu.memory_space<vmem>>, vector<16xf32>,
      %convert_element_type3A_1045 = arith.fptosi %get3A_1044 : vector<16xf32> to vector<16xi32>
      %add3A_1046 = vector.broadcast %mul3A_931 : i32 to vector<16xi32>
      %add3A_1047 = arith.addi %convert_element_type3A_1045, %add3A_1046 : vector<16xi32>
      %swap3A_1048 = arith.constant 1 : i32
      %swap3A_1049 = arith.index_cast %scan3A_929 : i32 to index
      %swap3A_1050 = arith.index_cast %swap3A_1048 : i32 to index
      %swap3A_1051 = arith.constant 32 : index
      %swap3A_1052 = tpu.vector_load %arg8[%swap3A_1049, %swap3A_1050, %swap3A_1051] {strides = array<i32>} : memref<16x4x128xi32, #tpu.memory_space<vmem>>, vector<16xi32>,
      tpu.vector_store %arg8[%swap3A_1049, %swap3A_1050, %swap3A_1051], %add3A_1047 {strides = array<i32>} : memref<16x4x128xi32, #tpu.memory_space<vmem>>, vector<16xi32>,
      %get3A_1053 = arith.index_cast %add3A_933 : i32 to index
      %get3A_1054 = arith.constant 176 : index
      %get3A_1055 = tpu.vector_load %arg7[%get3A_1053, %get3A_1054] {strides = array<i32>} : memref<39x512xf32, #tpu.memory_space<vmem>>, vector<16xf32>,
      %convert_element_type3A_1056 = arith.fptosi %get3A_1055 : vector<16xf32> to vector<16xi32>
      %add3A_1057 = vector.broadcast %mul3A_931 : i32 to vector<16xi32>
      %add3A_1058 = arith.addi %convert_element_type3A_1056, %add3A_1057 : vector<16xi32>
      %swap3A_1059 = arith.constant 1 : i32
      %swap3A_1060 = arith.index_cast %scan3A_929 : i32 to index
      %swap3A_1061 = arith.index_cast %swap3A_1059 : i32 to index
      %swap3A_1062 = arith.constant 48 : index
      %swap3A_1063 = tpu.vector_load %arg8[%swap3A_1060, %swap3A_1061, %swap3A_1062] {strides = array<i32>} : memref<16x4x128xi32, #tpu.memory_space<vmem>>, vector<16xi32>,
      tpu.vector_store %arg8[%swap3A_1060, %swap3A_1061, %swap3A_1062], %add3A_1058 {strides = array<i32>} : memref<16x4x128xi32, #tpu.memory_space<vmem>>, vector<16xi32>,
      %get3A_1064 = arith.index_cast %add3A_933 : i32 to index
      %get3A_1065 = arith.constant 192 : index
      %get3A_1066 = tpu.vector_load %arg7[%get3A_1064, %get3A_1065] {strides = array<i32>} : memref<39x512xf32, #tpu.memory_space<vmem>>, vector<16xf32>,
      %convert_element_type3A_1067 = arith.fptosi %get3A_1066 : vector<16xf32> to vector<16xi32>
      %add3A_1068 = vector.broadcast %mul3A_931 : i32 to vector<16xi32>
      %add3A_1069 = arith.addi %convert_element_type3A_1067, %add3A_1068 : vector<16xi32>
      %swap3A_1070 = arith.constant 1 : i32
      %swap3A_1071 = arith.index_cast %scan3A_929 : i32 to index
      %swap3A_1072 = arith.index_cast %swap3A_1070 : i32 to index
      %swap3A_1073 = arith.constant 64 : index
      %swap3A_1074 = tpu.vector_load %arg8[%swap3A_1071, %swap3A_1072, %swap3A_1073] {strides = array<i32>} : memref<16x4x128xi32, #tpu.memory_space<vmem>>, vector<16xi32>,
      tpu.vector_store %arg8[%swap3A_1071, %swap3A_1072, %swap3A_1073], %add3A_1069 {strides = array<i32>} : memref<16x4x128xi32, #tpu.memory_space<vmem>>, vector<16xi32>,
      %get3A_1075 = arith.index_cast %add3A_933 : i32 to index
      %get3A_1076 = arith.constant 208 : index
      %get3A_1077 = tpu.vector_load %arg7[%get3A_1075, %get3A_1076] {strides = array<i32>} : memref<39x512xf32, #tpu.memory_space<vmem>>, vector<16xf32>,
      %convert_element_type3A_1078 = arith.fptosi %get3A_1077 : vector<16xf32> to vector<16xi32>
      %add3A_1079 = vector.broadcast %mul3A_931 : i32 to vector<16xi32>
      %add3A_1080 = arith.addi %convert_element_type3A_1078, %add3A_1079 : vector<16xi32>
      %swap3A_1081 = arith.constant 1 : i32
      %swap3A_1082 = arith.index_cast %scan3A_929 : i32 to index
      %swap3A_1083 = arith.index_cast %swap3A_1081 : i32 to index
      %swap3A_1084 = arith.constant 80 : index
      %swap3A_1085 = tpu.vector_load %arg8[%swap3A_1082, %swap3A_1083, %swap3A_1084] {strides = array<i32>} : memref<16x4x128xi32, #tpu.memory_space<vmem>>, vector<16xi32>,
      tpu.vector_store %arg8[%swap3A_1082, %swap3A_1083, %swap3A_1084], %add3A_1080 {strides = array<i32>} : memref<16x4x128xi32, #tpu.memory_space<vmem>>, vector<16xi32>,
      %get3A_1086 = arith.index_cast %add3A_933 : i32 to index
      %get3A_1087 = arith.constant 224 : index
      %get3A_1088 = tpu.vector_load %arg7[%get3A_1086, %get3A_1087] {strides = array<i32>} : memref<39x512xf32, #tpu.memory_space<vmem>>, vector<16xf32>,
      %convert_element_type3A_1089 = arith.fptosi %get3A_1088 : vector<16xf32> to vector<16xi32>
      %add3A_1090 = vector.broadcast %mul3A_931 : i32 to vector<16xi32>
      %add3A_1091 = arith.addi %convert_element_type3A_1089, %add3A_1090 : vector<16xi32>
      %swap3A_1092 = arith.constant 1 : i32
      %swap3A_1093 = arith.index_cast %scan3A_929 : i32 to index
      %swap3A_1094 = arith.index_cast %swap3A_1092 : i32 to index
      %swap3A_1095 = arith.constant 96 : index
      %swap3A_1096 = tpu.vector_load %arg8[%swap3A_1093, %swap3A_1094, %swap3A_1095] {strides = array<i32>} : memref<16x4x128xi32, #tpu.memory_space<vmem>>, vector<16xi32>,
      tpu.vector_store %arg8[%swap3A_1093, %swap3A_1094, %swap3A_1095], %add3A_1091 {strides = array<i32>} : memref<16x4x128xi32, #tpu.memory_space<vmem>>, vector<16xi32>,
      %get3A_1097 = arith.index_cast %add3A_933 : i32 to index
      %get3A_1098 = arith.constant 240 : index
      %get3A_1099 = tpu.vector_load %arg7[%get3A_1097, %get3A_1098] {strides = array<i32>} : memref<39x512xf32, #tpu.memory_space<vmem>>, vector<16xf32>,
      %convert_element_type3A_1100 = arith.fptosi %get3A_1099 : vector<16xf32> to vector<16xi32>
      %add3A_1101 = vector.broadcast %mul3A_931 : i32 to vector<16xi32>
      %add3A_1102 = arith.addi %convert_element_type3A_1100, %add3A_1101 : vector<16xi32>
      %swap3A_1103 = arith.constant 1 : i32
      %swap3A_1104 = arith.index_cast %scan3A_929 : i32 to index
      %swap3A_1105 = arith.index_cast %swap3A_1103 : i32 to index
      %swap3A_1106 = arith.constant 112 : index
      %swap3A_1107 = tpu.vector_load %arg8[%swap3A_1104, %swap3A_1105, %swap3A_1106] {strides = array<i32>} : memref<16x4x128xi32, #tpu.memory_space<vmem>>, vector<16xi32>,
      tpu.vector_store %arg8[%swap3A_1104, %swap3A_1105, %swap3A_1106], %add3A_1102 {strides = array<i32>} : memref<16x4x128xi32, #tpu.memory_space<vmem>>, vector<16xi32>,
      %get3A_1108 = arith.index_cast %add3A_933 : i32 to index
      %get3A_1109 = arith.constant 256 : index
      %get3A_1110 = tpu.vector_load %arg7[%get3A_1108, %get3A_1109] {strides = array<i32>} : memref<39x512xf32, #tpu.memory_space<vmem>>, vector<16xf32>,
      %convert_element_type3A_1111 = arith.fptosi %get3A_1110 : vector<16xf32> to vector<16xi32>
      %add3A_1112 = vector.broadcast %mul3A_931 : i32 to vector<16xi32>
      %add3A_1113 = arith.addi %convert_element_type3A_1111, %add3A_1112 : vector<16xi32>
      %swap3A_1114 = arith.constant 2 : i32
      %swap3A_1115 = arith.index_cast %scan3A_929 : i32 to index
      %swap3A_1116 = arith.index_cast %swap3A_1114 : i32 to index
      %swap3A_1117 = arith.constant 0 : index
      %swap3A_1118 = tpu.vector_load %arg8[%swap3A_1115, %swap3A_1116, %swap3A_1117] {strides = array<i32>} : memref<16x4x128xi32, #tpu.memory_space<vmem>>, vector<16xi32>,
      tpu.vector_store %arg8[%swap3A_1115, %swap3A_1116, %swap3A_1117], %add3A_1113 {strides = array<i32>} : memref<16x4x128xi32, #tpu.memory_space<vmem>>, vector<16xi32>,
      %get3A_1119 = arith.index_cast %add3A_933 : i32 to index
      %get3A_1120 = arith.constant 272 : index
      %get3A_1121 = tpu.vector_load %arg7[%get3A_1119, %get3A_1120] {strides = array<i32>} : memref<39x512xf32, #tpu.memory_space<vmem>>, vector<16xf32>,
      %convert_element_type3A_1122 = arith.fptosi %get3A_1121 : vector<16xf32> to vector<16xi32>
      %add3A_1123 = vector.broadcast %mul3A_931 : i32 to vector<16xi32>
      %add3A_1124 = arith.addi %convert_element_type3A_1122, %add3A_1123 : vector<16xi32>
      %swap3A_1125 = arith.constant 2 : i32
      %swap3A_1126 = arith.index_cast %scan3A_929 : i32 to index
      %swap3A_1127 = arith.index_cast %swap3A_1125 : i32 to index
      %swap3A_1128 = arith.constant 16 : index
      %swap3A_1129 = tpu.vector_load %arg8[%swap3A_1126, %swap3A_1127, %swap3A_1128] {strides = array<i32>} : memref<16x4x128xi32, #tpu.memory_space<vmem>>, vector<16xi32>,
      tpu.vector_store %arg8[%swap3A_1126, %swap3A_1127, %swap3A_1128], %add3A_1124 {strides = array<i32>} : memref<16x4x128xi32, #tpu.memory_space<vmem>>, vector<16xi32>,
      %get3A_1130 = arith.index_cast %add3A_933 : i32 to index
      %get3A_1131 = arith.constant 288 : index
      %get3A_1132 = tpu.vector_load %arg7[%get3A_1130, %get3A_1131] {strides = array<i32>} : memref<39x512xf32, #tpu.memory_space<vmem>>, vector<16xf32>,
      %convert_element_type3A_1133 = arith.fptosi %get3A_1132 : vector<16xf32> to vector<16xi32>
      %add3A_1134 = vector.broadcast %mul3A_931 : i32 to vector<16xi32>
      %add3A_1135 = arith.addi %convert_element_type3A_1133, %add3A_1134 : vector<16xi32>
      %swap3A_1136 = arith.constant 2 : i32
      %swap3A_1137 = arith.index_cast %scan3A_929 : i32 to index
      %swap3A_1138 = arith.index_cast %swap3A_1136 : i32 to index
      %swap3A_1139 = arith.constant 32 : index
      %swap3A_1140 = tpu.vector_load %arg8[%swap3A_1137, %swap3A_1138, %swap3A_1139] {strides = array<i32>} : memref<16x4x128xi32, #tpu.memory_space<vmem>>, vector<16xi32>,
      tpu.vector_store %arg8[%swap3A_1137, %swap3A_1138, %swap3A_1139], %add3A_1135 {strides = array<i32>} : memref<16x4x128xi32, #tpu.memory_space<vmem>>, vector<16xi32>,
      %get3A_1141 = arith.index_cast %add3A_933 : i32 to index
      %get3A_1142 = arith.constant 304 : index
      %get3A_1143 = tpu.vector_load %arg7[%get3A_1141, %get3A_1142] {strides = array<i32>} : memref<39x512xf32, #tpu.memory_space<vmem>>, vector<16xf32>,
      %convert_element_type3A_1144 = arith.fptosi %get3A_1143 : vector<16xf32> to vector<16xi32>
      %add3A_1145 = vector.broadcast %mul3A_931 : i32 to vector<16xi32>
      %add3A_1146 = arith.addi %convert_element_type3A_1144, %add3A_1145 : vector<16xi32>
      %swap3A_1147 = arith.constant 2 : i32
      %swap3A_1148 = arith.index_cast %scan3A_929 : i32 to index
      %swap3A_1149 = arith.index_cast %swap3A_1147 : i32 to index
      %swap3A_1150 = arith.constant 48 : index
      %swap3A_1151 = tpu.vector_load %arg8[%swap3A_1148, %swap3A_1149, %swap3A_1150] {strides = array<i32>} : memref<16x4x128xi32, #tpu.memory_space<vmem>>, vector<16xi32>,
      tpu.vector_store %arg8[%swap3A_1148, %swap3A_1149, %swap3A_1150], %add3A_1146 {strides = array<i32>} : memref<16x4x128xi32, #tpu.memory_space<vmem>>, vector<16xi32>,
      %get3A_1152 = arith.index_cast %add3A_933 : i32 to index
      %get3A_1153 = arith.constant 320 : index
      %get3A_1154 = tpu.vector_load %arg7[%get3A_1152, %get3A_1153] {strides = array<i32>} : memref<39x512xf32, #tpu.memory_space<vmem>>, vector<16xf32>,
      %convert_element_type3A_1155 = arith.fptosi %get3A_1154 : vector<16xf32> to vector<16xi32>
      %add3A_1156 = vector.broadcast %mul3A_931 : i32 to vector<16xi32>
      %add3A_1157 = arith.addi %convert_element_type3A_1155, %add3A_1156 : vector<16xi32>
      %swap3A_1158 = arith.constant 2 : i32
      %swap3A_1159 = arith.index_cast %scan3A_929 : i32 to index
      %swap3A_1160 = arith.index_cast %swap3A_1158 : i32 to index
      %swap3A_1161 = arith.constant 64 : index
      %swap3A_1162 = tpu.vector_load %arg8[%swap3A_1159, %swap3A_1160, %swap3A_1161] {strides = array<i32>} : memref<16x4x128xi32, #tpu.memory_space<vmem>>, vector<16xi32>,
      tpu.vector_store %arg8[%swap3A_1159, %swap3A_1160, %swap3A_1161], %add3A_1157 {strides = array<i32>} : memref<16x4x128xi32, #tpu.memory_space<vmem>>, vector<16xi32>,
      %get3A_1163 = arith.index_cast %add3A_933 : i32 to index
      %get3A_1164 = arith.constant 336 : index
      %get3A_1165 = tpu.vector_load %arg7[%get3A_1163, %get3A_1164] {strides = array<i32>} : memref<39x512xf32, #tpu.memory_space<vmem>>, vector<16xf32>,
      %convert_element_type3A_1166 = arith.fptosi %get3A_1165 : vector<16xf32> to vector<16xi32>
      %add3A_1167 = vector.broadcast %mul3A_931 : i32 to vector<16xi32>
      %add3A_1168 = arith.addi %convert_element_type3A_1166, %add3A_1167 : vector<16xi32>
      %swap3A_1169 = arith.constant 2 : i32
      %swap3A_1170 = arith.index_cast %scan3A_929 : i32 to index
      %swap3A_1171 = arith.index_cast %swap3A_1169 : i32 to index
      %swap3A_1172 = arith.constant 80 : index
      %swap3A_1173 = tpu.vector_load %arg8[%swap3A_1170, %swap3A_1171, %swap3A_1172] {strides = array<i32>} : memref<16x4x128xi32, #tpu.memory_space<vmem>>, vector<16xi32>,
      tpu.vector_store %arg8[%swap3A_1170, %swap3A_1171, %swap3A_1172], %add3A_1168 {strides = array<i32>} : memref<16x4x128xi32, #tpu.memory_space<vmem>>, vector<16xi32>,
      %get3A_1174 = arith.index_cast %add3A_933 : i32 to index
      %get3A_1175 = arith.constant 352 : index
      %get3A_1176 = tpu.vector_load %arg7[%get3A_1174, %get3A_1175] {strides = array<i32>} : memref<39x512xf32, #tpu.memory_space<vmem>>, vector<16xf32>,
      %convert_element_type3A_1177 = arith.fptosi %get3A_1176 : vector<16xf32> to vector<16xi32>
      %add3A_1178 = vector.broadcast %mul3A_931 : i32 to vector<16xi32>
      %add3A_1179 = arith.addi %convert_element_type3A_1177, %add3A_1178 : vector<16xi32>
      %swap3A_1180 = arith.constant 2 : i32
      %swap3A_1181 = arith.index_cast %scan3A_929 : i32 to index
      %swap3A_1182 = arith.index_cast %swap3A_1180 : i32 to index
      %swap3A_1183 = arith.constant 96 : index
      %swap3A_1184 = tpu.vector_load %arg8[%swap3A_1181, %swap3A_1182, %swap3A_1183] {strides = array<i32>} : memref<16x4x128xi32, #tpu.memory_space<vmem>>, vector<16xi32>,
      tpu.vector_store %arg8[%swap3A_1181, %swap3A_1182, %swap3A_1183], %add3A_1179 {strides = array<i32>} : memref<16x4x128xi32, #tpu.memory_space<vmem>>, vector<16xi32>,
      %get3A_1185 = arith.index_cast %add3A_933 : i32 to index
      %get3A_1186 = arith.constant 368 : index
      %get3A_1187 = tpu.vector_load %arg7[%get3A_1185, %get3A_1186] {strides = array<i32>} : memref<39x512xf32, #tpu.memory_space<vmem>>, vector<16xf32>,
      %convert_element_type3A_1188 = arith.fptosi %get3A_1187 : vector<16xf32> to vector<16xi32>
      %add3A_1189 = vector.broadcast %mul3A_931 : i32 to vector<16xi32>
      %add3A_1190 = arith.addi %convert_element_type3A_1188, %add3A_1189 : vector<16xi32>
      %swap3A_1191 = arith.constant 2 : i32
      %swap3A_1192 = arith.index_cast %scan3A_929 : i32 to index
      %swap3A_1193 = arith.index_cast %swap3A_1191 : i32 to index
      %swap3A_1194 = arith.constant 112 : index
      %swap3A_1195 = tpu.vector_load %arg8[%swap3A_1192, %swap3A_1193, %swap3A_1194] {strides = array<i32>} : memref<16x4x128xi32, #tpu.memory_space<vmem>>, vector<16xi32>,
      tpu.vector_store %arg8[%swap3A_1192, %swap3A_1193, %swap3A_1194], %add3A_1190 {strides = array<i32>} : memref<16x4x128xi32, #tpu.memory_space<vmem>>, vector<16xi32>,
      %get3A_1196 = arith.index_cast %add3A_933 : i32 to index
      %get3A_1197 = arith.constant 384 : index
      %get3A_1198 = tpu.vector_load %arg7[%get3A_1196, %get3A_1197] {strides = array<i32>} : memref<39x512xf32, #tpu.memory_space<vmem>>, vector<16xf32>,
      %convert_element_type3A_1199 = arith.fptosi %get3A_1198 : vector<16xf32> to vector<16xi32>
      %add3A_1200 = vector.broadcast %mul3A_931 : i32 to vector<16xi32>
      %add3A_1201 = arith.addi %convert_element_type3A_1199, %add3A_1200 : vector<16xi32>
      %swap3A_1202 = arith.constant 3 : i32
      %swap3A_1203 = arith.index_cast %scan3A_929 : i32 to index
      %swap3A_1204 = arith.index_cast %swap3A_1202 : i32 to index
      %swap3A_1205 = arith.constant 0 : index
      %swap3A_1206 = tpu.vector_load %arg8[%swap3A_1203, %swap3A_1204, %swap3A_1205] {strides = array<i32>} : memref<16x4x128xi32, #tpu.memory_space<vmem>>, vector<16xi32>,
      tpu.vector_store %arg8[%swap3A_1203, %swap3A_1204, %swap3A_1205], %add3A_1201 {strides = array<i32>} : memref<16x4x128xi32, #tpu.memory_space<vmem>>, vector<16xi32>,
      %get3A_1207 = arith.index_cast %add3A_933 : i32 to index
      %get3A_1208 = arith.constant 400 : index
      %get3A_1209 = tpu.vector_load %arg7[%get3A_1207, %get3A_1208] {strides = array<i32>} : memref<39x512xf32, #tpu.memory_space<vmem>>, vector<16xf32>,
      %convert_element_type3A_1210 = arith.fptosi %get3A_1209 : vector<16xf32> to vector<16xi32>
      %add3A_1211 = vector.broadcast %mul3A_931 : i32 to vector<16xi32>
      %add3A_1212 = arith.addi %convert_element_type3A_1210, %add3A_1211 : vector<16xi32>
      %swap3A_1213 = arith.constant 3 : i32
      %swap3A_1214 = arith.index_cast %scan3A_929 : i32 to index
      %swap3A_1215 = arith.index_cast %swap3A_1213 : i32 to index
      %swap3A_1216 = arith.constant 16 : index
      %swap3A_1217 = tpu.vector_load %arg8[%swap3A_1214, %swap3A_1215, %swap3A_1216] {strides = array<i32>} : memref<16x4x128xi32, #tpu.memory_space<vmem>>, vector<16xi32>,
      tpu.vector_store %arg8[%swap3A_1214, %swap3A_1215, %swap3A_1216], %add3A_1212 {strides = array<i32>} : memref<16x4x128xi32, #tpu.memory_space<vmem>>, vector<16xi32>,
      %get3A_1218 = arith.index_cast %add3A_933 : i32 to index
      %get3A_1219 = arith.constant 416 : index
      %get3A_1220 = tpu.vector_load %arg7[%get3A_1218, %get3A_1219] {strides = array<i32>} : memref<39x512xf32, #tpu.memory_space<vmem>>, vector<16xf32>,
      %convert_element_type3A_1221 = arith.fptosi %get3A_1220 : vector<16xf32> to vector<16xi32>
      %add3A_1222 = vector.broadcast %mul3A_931 : i32 to vector<16xi32>
      %add3A_1223 = arith.addi %convert_element_type3A_1221, %add3A_1222 : vector<16xi32>
      %swap3A_1224 = arith.constant 3 : i32
      %swap3A_1225 = arith.index_cast %scan3A_929 : i32 to index
      %swap3A_1226 = arith.index_cast %swap3A_1224 : i32 to index
      %swap3A_1227 = arith.constant 32 : index
      %swap3A_1228 = tpu.vector_load %arg8[%swap3A_1225, %swap3A_1226, %swap3A_1227] {strides = array<i32>} : memref<16x4x128xi32, #tpu.memory_space<vmem>>, vector<16xi32>,
      tpu.vector_store %arg8[%swap3A_1225, %swap3A_1226, %swap3A_1227], %add3A_1223 {strides = array<i32>} : memref<16x4x128xi32, #tpu.memory_space<vmem>>, vector<16xi32>,
      %get3A_1229 = arith.index_cast %add3A_933 : i32 to index
      %get3A_1230 = arith.constant 432 : index
      %get3A_1231 = tpu.vector_load %arg7[%get3A_1229, %get3A_1230] {strides = array<i32>} : memref<39x512xf32, #tpu.memory_space<vmem>>, vector<16xf32>,
      %convert_element_type3A_1232 = arith.fptosi %get3A_1231 : vector<16xf32> to vector<16xi32>
      %add3A_1233 = vector.broadcast %mul3A_931 : i32 to vector<16xi32>
      %add3A_1234 = arith.addi %convert_element_type3A_1232, %add3A_1233 : vector<16xi32>
      %swap3A_1235 = arith.constant 3 : i32
      %swap3A_1236 = arith.index_cast %scan3A_929 : i32 to index
      %swap3A_1237 = arith.index_cast %swap3A_1235 : i32 to index
      %swap3A_1238 = arith.constant 48 : index
      %swap3A_1239 = tpu.vector_load %arg8[%swap3A_1236, %swap3A_1237, %swap3A_1238] {strides = array<i32>} : memref<16x4x128xi32, #tpu.memory_space<vmem>>, vector<16xi32>,
      tpu.vector_store %arg8[%swap3A_1236, %swap3A_1237, %swap3A_1238], %add3A_1234 {strides = array<i32>} : memref<16x4x128xi32, #tpu.memory_space<vmem>>, vector<16xi32>,
      %get3A_1240 = arith.index_cast %add3A_933 : i32 to index
      %get3A_1241 = arith.constant 448 : index
      %get3A_1242 = tpu.vector_load %arg7[%get3A_1240, %get3A_1241] {strides = array<i32>} : memref<39x512xf32, #tpu.memory_space<vmem>>, vector<16xf32>,
      %convert_element_type3A_1243 = arith.fptosi %get3A_1242 : vector<16xf32> to vector<16xi32>
      %add3A_1244 = vector.broadcast %mul3A_931 : i32 to vector<16xi32>
      %add3A_1245 = arith.addi %convert_element_type3A_1243, %add3A_1244 : vector<16xi32>
      %swap3A_1246 = arith.constant 3 : i32
      %swap3A_1247 = arith.index_cast %scan3A_929 : i32 to index
      %swap3A_1248 = arith.index_cast %swap3A_1246 : i32 to index
      %swap3A_1249 = arith.constant 64 : index
      %swap3A_1250 = tpu.vector_load %arg8[%swap3A_1247, %swap3A_1248, %swap3A_1249] {strides = array<i32>} : memref<16x4x128xi32, #tpu.memory_space<vmem>>, vector<16xi32>,
      tpu.vector_store %arg8[%swap3A_1247, %swap3A_1248, %swap3A_1249], %add3A_1245 {strides = array<i32>} : memref<16x4x128xi32, #tpu.memory_space<vmem>>, vector<16xi32>,
      %get3A_1251 = arith.index_cast %add3A_933 : i32 to index
      %get3A_1252 = arith.constant 464 : index
      %get3A_1253 = tpu.vector_load %arg7[%get3A_1251, %get3A_1252] {strides = array<i32>} : memref<39x512xf32, #tpu.memory_space<vmem>>, vector<16xf32>,
      %convert_element_type3A_1254 = arith.fptosi %get3A_1253 : vector<16xf32> to vector<16xi32>
      %add3A_1255 = vector.broadcast %mul3A_931 : i32 to vector<16xi32>
      %add3A_1256 = arith.addi %convert_element_type3A_1254, %add3A_1255 : vector<16xi32>
      %swap3A_1257 = arith.constant 3 : i32
      %swap3A_1258 = arith.index_cast %scan3A_929 : i32 to index
      %swap3A_1259 = arith.index_cast %swap3A_1257 : i32 to index
      %swap3A_1260 = arith.constant 80 : index
      %swap3A_1261 = tpu.vector_load %arg8[%swap3A_1258, %swap3A_1259, %swap3A_1260] {strides = array<i32>} : memref<16x4x128xi32, #tpu.memory_space<vmem>>, vector<16xi32>,
      tpu.vector_store %arg8[%swap3A_1258, %swap3A_1259, %swap3A_1260], %add3A_1256 {strides = array<i32>} : memref<16x4x128xi32, #tpu.memory_space<vmem>>, vector<16xi32>,
      %get3A_1262 = arith.index_cast %add3A_933 : i32 to index
      %get3A_1263 = arith.constant 480 : index
      %get3A_1264 = tpu.vector_load %arg7[%get3A_1262, %get3A_1263] {strides = array<i32>} : memref<39x512xf32, #tpu.memory_space<vmem>>, vector<16xf32>,
      %convert_element_type3A_1265 = arith.fptosi %get3A_1264 : vector<16xf32> to vector<16xi32>
      %add3A_1266 = vector.broadcast %mul3A_931 : i32 to vector<16xi32>
      %add3A_1267 = arith.addi %convert_element_type3A_1265, %add3A_1266 : vector<16xi32>
      %swap3A_1268 = arith.constant 3 : i32
      %swap3A_1269 = arith.index_cast %scan3A_929 : i32 to index
      %swap3A_1270 = arith.index_cast %swap3A_1268 : i32 to index
      %swap3A_1271 = arith.constant 96 : index
      %swap3A_1272 = tpu.vector_load %arg8[%swap3A_1269, %swap3A_1270, %swap3A_1271] {strides = array<i32>} : memref<16x4x128xi32, #tpu.memory_space<vmem>>, vector<16xi32>,
      tpu.vector_store %arg8[%swap3A_1269, %swap3A_1270, %swap3A_1271], %add3A_1267 {strides = array<i32>} : memref<16x4x128xi32, #tpu.memory_space<vmem>>, vector<16xi32>,
      %get3A_1273 = arith.index_cast %add3A_933 : i32 to index
      %get3A_1274 = arith.constant 496 : index
      %get3A_1275 = tpu.vector_load %arg7[%get3A_1273, %get3A_1274] {strides = array<i32>} : memref<39x512xf32, #tpu.memory_space<vmem>>, vector<16xf32>,
      %convert_element_type3A_1276 = arith.fptosi %get3A_1275 : vector<16xf32> to vector<16xi32>
      %add3A_1277 = vector.broadcast %mul3A_931 : i32 to vector<16xi32>
      %add3A_1278 = arith.addi %convert_element_type3A_1276, %add3A_1277 : vector<16xi32>
      %swap3A_1279 = arith.constant 3 : i32
      %swap3A_1280 = arith.index_cast %scan3A_929 : i32 to index
      %swap3A_1281 = arith.index_cast %swap3A_1279 : i32 to index
      %swap3A_1282 = arith.constant 112 : index
      %swap3A_1283 = tpu.vector_load %arg8[%swap3A_1280, %swap3A_1281, %swap3A_1282] {strides = array<i32>} : memref<16x4x128xi32, #tpu.memory_space<vmem>>, vector<16xi32>,
      tpu.vector_store %arg8[%swap3A_1280, %swap3A_1281, %swap3A_1282], %add3A_1278 {strides = array<i32>} : memref<16x4x128xi32, #tpu.memory_space<vmem>>, vector<16xi32>,
      %dma_start3A_1284 = arith.constant 0 : i32
      %dma_start3A_1285 = arith.constant 0 : i32
      %dma_start3A_1286 = arith.constant 0 : i32
      %dma_start3A_1287 = tpu.memref_slice %arg10[%scan3A_929, %dma_start3A_1285, %dma_start3A_1286] : memref<16x4x128xf32, #tpu.memory_space<vmem>> -> memref<1x1x128xf32, #tpu.memory_space<vmem>>
      %dma_start3A_1288 = tpu.memref_squeeze %dma_start3A_1287 : memref<1x1x128xf32, #tpu.memory_space<vmem>> -> memref<128xf32, #tpu.memory_space<vmem>>
      %dma_start3A_1289 = arith.constant 0 : i32
      %dma_start3A_1290 = tpu.memref_slice %arg8[%scan3A_929, %dma_start3A_1284, %dma_start3A_1289] : memref<16x4x128xi32, #tpu.memory_space<vmem>> -> memref<1x1x128xi32, #tpu.memory_space<vmem>>
      %dma_start3A_1291 = tpu.memref_squeeze %dma_start3A_1290 : memref<1x1x128xi32, #tpu.memory_space<vmem>> -> memref<128xi32, #tpu.memory_space<vmem>>
      %dma_start3A_1292 = arith.constant 0 : i32
      %dma_start3A_1293 = tpu.memref_slice %arg3[%dma_start3A_1292] : memref<1671168xf32, #tpu.memory_space<hbm>> -> memref<1671168xf32, #tpu.memory_space<hbm>>
      tpu.enqueue_indirect_dma source(%dma_start3A_1293 : memref<1671168xf32, #tpu.memory_space<hbm>>) target(%dma_start3A_1288 : memref<128xf32, #tpu.memory_space<vmem>>) offsets(%dma_start3A_1291 : memref<128xi32, #tpu.memory_space<vmem>>) semaphore(%arg13 : memref<!tpu.dma_semaphore, #tpu.memory_space<semaphore_mem>>)
      %dma_start3A_1294 = arith.constant 1 : i32
      %dma_start3A_1295 = arith.constant 1 : i32
      %dma_start3A_1296 = arith.constant 0 : i32
      %dma_start3A_1297 = tpu.memref_slice %arg10[%scan3A_929, %dma_start3A_1295, %dma_start3A_1296] : memref<16x4x128xf32, #tpu.memory_space<vmem>> -> memref<1x1x128xf32, #tpu.memory_space<vmem>>
      %dma_start3A_1298 = tpu.memref_squeeze %dma_start3A_1297 : memref<1x1x128xf32, #tpu.memory_space<vmem>> -> memref<128xf32, #tpu.memory_space<vmem>>
      %dma_start3A_1299 = arith.constant 0 : i32
      %dma_start3A_1300 = tpu.memref_slice %arg8[%scan3A_929, %dma_start3A_1294, %dma_start3A_1299] : memref<16x4x128xi32, #tpu.memory_space<vmem>> -> memref<1x1x128xi32, #tpu.memory_space<vmem>>
      %dma_start3A_1301 = tpu.memref_squeeze %dma_start3A_1300 : memref<1x1x128xi32, #tpu.memory_space<vmem>> -> memref<128xi32, #tpu.memory_space<vmem>>
      %dma_start3A_1302 = arith.constant 0 : i32
      %dma_start3A_1303 = tpu.memref_slice %arg3[%dma_start3A_1302] : memref<1671168xf32, #tpu.memory_space<hbm>> -> memref<1671168xf32, #tpu.memory_space<hbm>>
      tpu.enqueue_indirect_dma source(%dma_start3A_1303 : memref<1671168xf32, #tpu.memory_space<hbm>>) target(%dma_start3A_1298 : memref<128xf32, #tpu.memory_space<vmem>>) offsets(%dma_start3A_1301 : memref<128xi32, #tpu.memory_space<vmem>>) semaphore(%arg13 : memref<!tpu.dma_semaphore, #tpu.memory_space<semaphore_mem>>)
      %dma_start3A_1304 = arith.constant 2 : i32
      %dma_start3A_1305 = arith.constant 2 : i32
      %dma_start3A_1306 = arith.constant 0 : i32
      %dma_start3A_1307 = tpu.memref_slice %arg10[%scan3A_929, %dma_start3A_1305, %dma_start3A_1306] : memref<16x4x128xf32, #tpu.memory_space<vmem>> -> memref<1x1x128xf32, #tpu.memory_space<vmem>>
      %dma_start3A_1308 = tpu.memref_squeeze %dma_start3A_1307 : memref<1x1x128xf32, #tpu.memory_space<vmem>> -> memref<128xf32, #tpu.memory_space<vmem>>
      %dma_start3A_1309 = arith.constant 0 : i32
      %dma_start3A_1310 = tpu.memref_slice %arg8[%scan3A_929, %dma_start3A_1304, %dma_start3A_1309] : memref<16x4x128xi32, #tpu.memory_space<vmem>> -> memref<1x1x128xi32, #tpu.memory_space<vmem>>
      %dma_start3A_1311 = tpu.memref_squeeze %dma_start3A_1310 : memref<1x1x128xi32, #tpu.memory_space<vmem>> -> memref<128xi32, #tpu.memory_space<vmem>>
      %dma_start3A_1312 = arith.constant 0 : i32
      %dma_start3A_1313 = tpu.memref_slice %arg3[%dma_start3A_1312] : memref<1671168xf32, #tpu.memory_space<hbm>> -> memref<1671168xf32, #tpu.memory_space<hbm>>
      tpu.enqueue_indirect_dma source(%dma_start3A_1313 : memref<1671168xf32, #tpu.memory_space<hbm>>) target(%dma_start3A_1308 : memref<128xf32, #tpu.memory_space<vmem>>) offsets(%dma_start3A_1311 : memref<128xi32, #tpu.memory_space<vmem>>) semaphore(%arg13 : memref<!tpu.dma_semaphore, #tpu.memory_space<semaphore_mem>>)
      %dma_start3A_1314 = arith.constant 3 : i32
      %dma_start3A_1315 = arith.constant 3 : i32
      %dma_start3A_1316 = arith.constant 0 : i32
      %dma_start3A_1317 = tpu.memref_slice %arg10[%scan3A_929, %dma_start3A_1315, %dma_start3A_1316] : memref<16x4x128xf32, #tpu.memory_space<vmem>> -> memref<1x1x128xf32, #tpu.memory_space<vmem>>
      %dma_start3A_1318 = tpu.memref_squeeze %dma_start3A_1317 : memref<1x1x128xf32, #tpu.memory_space<vmem>> -> memref<128xf32, #tpu.memory_space<vmem>>
      %dma_start3A_1319 = arith.constant 0 : i32
      %dma_start3A_1320 = tpu.memref_slice %arg8[%scan3A_929, %dma_start3A_1314, %dma_start3A_1319] : memref<16x4x128xi32, #tpu.memory_space<vmem>> -> memref<1x1x128xi32, #tpu.memory_space<vmem>>
      %dma_start3A_1321 = tpu.memref_squeeze %dma_start3A_1320 : memref<1x1x128xi32, #tpu.memory_space<vmem>> -> memref<128xi32, #tpu.memory_space<vmem>>
      %dma_start3A_1322 = arith.constant 0 : i32
      %dma_start3A_1323 = tpu.memref_slice %arg3[%dma_start3A_1322] : memref<1671168xf32, #tpu.memory_space<hbm>> -> memref<1671168xf32, #tpu.memory_space<hbm>>
      tpu.enqueue_indirect_dma source(%dma_start3A_1323 : memref<1671168xf32, #tpu.memory_space<hbm>>) target(%dma_start3A_1318 : memref<128xf32, #tpu.memory_space<vmem>>) offsets(%dma_start3A_1321 : memref<128xi32, #tpu.memory_space<vmem>>) semaphore(%arg13 : memref<!tpu.dma_semaphore, #tpu.memory_space<semaphore_mem>>)
    }
    %scan3A_862 = arith.constant 16 : i32
    %scan3A_863 = arith.constant 0 : i32
    %scan3A_864 = arith.constant 10 : i32
    %scan3A_865 = arith.addi %scan3A_863, %scan3A_864 : i32
    %scan3A_866 = arith.constant 1 : i32
    scf.for %scan3A_929 = %scan3A_863 to %scan3A_865 step %scan3A_866  : i32 {
      %mul3A_930 = arith.constant 100000 : i32
      %mul3A_931 = arith.muli %scan3A_929, %mul3A_930 : i32
      %add3A_932 = arith.constant 27136 : i32
      %add3A_933 = arith.addi %mul3A_931, %add3A_932 : i32
      %add3A_934 = arith.constant 29 : i32
      %add3A_935 = arith.addi %add3A_934, %scan3A_929 : i32
      %get3A_936 = arith.index_cast %add3A_935 : i32 to index
      %get3A_937 = arith.constant 0 : index
      %get3A_938 = tpu.vector_load %arg7[%get3A_936, %get3A_937] {strides = array<i32>} : memref<39x512xf32, #tpu.memory_space<vmem>>, vector<16xf32>,
      %convert_element_type3A = arith.fptosi %get3A_938 : vector<16xf32> to vector<16xi32>
      %add3A_939 = vector.broadcast %add3A_933 : i32 to vector<16xi32>
      %add3A_940 = arith.addi %convert_element_type3A, %add3A_939 : vector<16xi32>
      %swap3A = arith.constant 0 : i32
      %swap3A_941 = arith.index_cast %scan3A_929 : i32 to index
      %swap3A_942 = arith.index_cast %swap3A : i32 to index
      %swap3A_943 = arith.constant 0 : index
      %swap3A_944 = tpu.vector_load %arg9[%swap3A_941, %swap3A_942, %swap3A_943] {strides = array<i32>} : memref<10x4x128xi32, #tpu.memory_space<vmem>>, vector<16xi32>,
      tpu.vector_store %arg9[%swap3A_941, %swap3A_942, %swap3A_943], %add3A_940 {strides = array<i32>} : memref<10x4x128xi32, #tpu.memory_space<vmem>>, vector<16xi32>,
      %get3A_945 = arith.index_cast %add3A_935 : i32 to index
      %get3A_946 = arith.constant 16 : index
      %get3A_947 = tpu.vector_load %arg7[%get3A_945, %get3A_946] {strides = array<i32>} : memref<39x512xf32, #tpu.memory_space<vmem>>, vector<16xf32>,
      %convert_element_type3A_948 = arith.fptosi %get3A_947 : vector<16xf32> to vector<16xi32>
      %add3A_949 = vector.broadcast %add3A_933 : i32 to vector<16xi32>
      %add3A_950 = arith.addi %convert_element_type3A_948, %add3A_949 : vector<16xi32>
      %swap3A_951 = arith.constant 0 : i32
      %swap3A_952 = arith.index_cast %scan3A_929 : i32 to index
      %swap3A_953 = arith.index_cast %swap3A_951 : i32 to index
      %swap3A_954 = arith.constant 16 : index
      %swap3A_955 = tpu.vector_load %arg9[%swap3A_952, %swap3A_953, %swap3A_954] {strides = array<i32>} : memref<10x4x128xi32, #tpu.memory_space<vmem>>, vector<16xi32>,
      tpu.vector_store %arg9[%swap3A_952, %swap3A_953, %swap3A_954], %add3A_950 {strides = array<i32>} : memref<10x4x128xi32, #tpu.memory_space<vmem>>, vector<16xi32>,
      %get3A_956 = arith.index_cast %add3A_935 : i32 to index
      %get3A_957 = arith.constant 32 : index
      %get3A_958 = tpu.vector_load %arg7[%get3A_956, %get3A_957] {strides = array<i32>} : memref<39x512xf32, #tpu.memory_space<vmem>>, vector<16xf32>,
      %convert_element_type3A_959 = arith.fptosi %get3A_958 : vector<16xf32> to vector<16xi32>
      %add3A_960 = vector.broadcast %add3A_933 : i32 to vector<16xi32>
      %add3A_961 = arith.addi %convert_element_type3A_959, %add3A_960 : vector<16xi32>
      %swap3A_962 = arith.constant 0 : i32
      %swap3A_963 = arith.index_cast %scan3A_929 : i32 to index
      %swap3A_964 = arith.index_cast %swap3A_962 : i32 to index
      %swap3A_965 = arith.constant 32 : index
      %swap3A_966 = tpu.vector_load %arg9[%swap3A_963, %swap3A_964, %swap3A_965] {strides = array<i32>} : memref<10x4x128xi32, #tpu.memory_space<vmem>>, vector<16xi32>,
      tpu.vector_store %arg9[%swap3A_963, %swap3A_964, %swap3A_965], %add3A_961 {strides = array<i32>} : memref<10x4x128xi32, #tpu.memory_space<vmem>>, vector<16xi32>,
      %get3A_967 = arith.index_cast %add3A_935 : i32 to index
      %get3A_968 = arith.constant 48 : index
      %get3A_969 = tpu.vector_load %arg7[%get3A_967, %get3A_968] {strides = array<i32>} : memref<39x512xf32, #tpu.memory_space<vmem>>, vector<16xf32>,
      %convert_element_type3A_970 = arith.fptosi %get3A_969 : vector<16xf32> to vector<16xi32>
      %add3A_971 = vector.broadcast %add3A_933 : i32 to vector<16xi32>
      %add3A_972 = arith.addi %convert_element_type3A_970, %add3A_971 : vector<16xi32>
      %swap3A_973 = arith.constant 0 : i32
      %swap3A_974 = arith.index_cast %scan3A_929 : i32 to index
      %swap3A_975 = arith.index_cast %swap3A_973 : i32 to index
      %swap3A_976 = arith.constant 48 : index
      %swap3A_977 = tpu.vector_load %arg9[%swap3A_974, %swap3A_975, %swap3A_976] {strides = array<i32>} : memref<10x4x128xi32, #tpu.memory_space<vmem>>, vector<16xi32>,
      tpu.vector_store %arg9[%swap3A_974, %swap3A_975, %swap3A_976], %add3A_972 {strides = array<i32>} : memref<10x4x128xi32, #tpu.memory_space<vmem>>, vector<16xi32>,
      %get3A_978 = arith.index_cast %add3A_935 : i32 to index
      %get3A_979 = arith.constant 64 : index
      %get3A_980 = tpu.vector_load %arg7[%get3A_978, %get3A_979] {strides = array<i32>} : memref<39x512xf32, #tpu.memory_space<vmem>>, vector<16xf32>,
      %convert_element_type3A_981 = arith.fptosi %get3A_980 : vector<16xf32> to vector<16xi32>
      %add3A_982 = vector.broadcast %add3A_933 : i32 to vector<16xi32>
      %add3A_983 = arith.addi %convert_element_type3A_981, %add3A_982 : vector<16xi32>
      %swap3A_984 = arith.constant 0 : i32
      %swap3A_985 = arith.index_cast %scan3A_929 : i32 to index
      %swap3A_986 = arith.index_cast %swap3A_984 : i32 to index
      %swap3A_987 = arith.constant 64 : index
      %swap3A_988 = tpu.vector_load %arg9[%swap3A_985, %swap3A_986, %swap3A_987] {strides = array<i32>} : memref<10x4x128xi32, #tpu.memory_space<vmem>>, vector<16xi32>,
      tpu.vector_store %arg9[%swap3A_985, %swap3A_986, %swap3A_987], %add3A_983 {strides = array<i32>} : memref<10x4x128xi32, #tpu.memory_space<vmem>>, vector<16xi32>,
      %get3A_989 = arith.index_cast %add3A_935 : i32 to index
      %get3A_990 = arith.constant 80 : index
      %get3A_991 = tpu.vector_load %arg7[%get3A_989, %get3A_990] {strides = array<i32>} : memref<39x512xf32, #tpu.memory_space<vmem>>, vector<16xf32>,
      %convert_element_type3A_992 = arith.fptosi %get3A_991 : vector<16xf32> to vector<16xi32>
      %add3A_993 = vector.broadcast %add3A_933 : i32 to vector<16xi32>
      %add3A_994 = arith.addi %convert_element_type3A_992, %add3A_993 : vector<16xi32>
      %swap3A_995 = arith.constant 0 : i32
      %swap3A_996 = arith.index_cast %scan3A_929 : i32 to index
      %swap3A_997 = arith.index_cast %swap3A_995 : i32 to index
      %swap3A_998 = arith.constant 80 : index
      %swap3A_999 = tpu.vector_load %arg9[%swap3A_996, %swap3A_997, %swap3A_998] {strides = array<i32>} : memref<10x4x128xi32, #tpu.memory_space<vmem>>, vector<16xi32>,
      tpu.vector_store %arg9[%swap3A_996, %swap3A_997, %swap3A_998], %add3A_994 {strides = array<i32>} : memref<10x4x128xi32, #tpu.memory_space<vmem>>, vector<16xi32>,
      %get3A_1000 = arith.index_cast %add3A_935 : i32 to index
      %get3A_1001 = arith.constant 96 : index
      %get3A_1002 = tpu.vector_load %arg7[%get3A_1000, %get3A_1001] {strides = array<i32>} : memref<39x512xf32, #tpu.memory_space<vmem>>, vector<16xf32>,
      %convert_element_type3A_1003 = arith.fptosi %get3A_1002 : vector<16xf32> to vector<16xi32>
      %add3A_1004 = vector.broadcast %add3A_933 : i32 to vector<16xi32>
      %add3A_1005 = arith.addi %convert_element_type3A_1003, %add3A_1004 : vector<16xi32>
      %swap3A_1006 = arith.constant 0 : i32
      %swap3A_1007 = arith.index_cast %scan3A_929 : i32 to index
      %swap3A_1008 = arith.index_cast %swap3A_1006 : i32 to index
      %swap3A_1009 = arith.constant 96 : index
      %swap3A_1010 = tpu.vector_load %arg9[%swap3A_1007, %swap3A_1008, %swap3A_1009] {strides = array<i32>} : memref<10x4x128xi32, #tpu.memory_space<vmem>>, vector<16xi32>,
      tpu.vector_store %arg9[%swap3A_1007, %swap3A_1008, %swap3A_1009], %add3A_1005 {strides = array<i32>} : memref<10x4x128xi32, #tpu.memory_space<vmem>>, vector<16xi32>,
      %get3A_1011 = arith.index_cast %add3A_935 : i32 to index
      %get3A_1012 = arith.constant 112 : index
      %get3A_1013 = tpu.vector_load %arg7[%get3A_1011, %get3A_1012] {strides = array<i32>} : memref<39x512xf32, #tpu.memory_space<vmem>>, vector<16xf32>,
      %convert_element_type3A_1014 = arith.fptosi %get3A_1013 : vector<16xf32> to vector<16xi32>
      %add3A_1015 = vector.broadcast %add3A_933 : i32 to vector<16xi32>
      %add3A_1016 = arith.addi %convert_element_type3A_1014, %add3A_1015 : vector<16xi32>
      %swap3A_1017 = arith.constant 0 : i32
      %swap3A_1018 = arith.index_cast %scan3A_929 : i32 to index
      %swap3A_1019 = arith.index_cast %swap3A_1017 : i32 to index
      %swap3A_1020 = arith.constant 112 : index
      %swap3A_1021 = tpu.vector_load %arg9[%swap3A_1018, %swap3A_1019, %swap3A_1020] {strides = array<i32>} : memref<10x4x128xi32, #tpu.memory_space<vmem>>, vector<16xi32>,
      tpu.vector_store %arg9[%swap3A_1018, %swap3A_1019, %swap3A_1020], %add3A_1016 {strides = array<i32>} : memref<10x4x128xi32, #tpu.memory_space<vmem>>, vector<16xi32>,
      %get3A_1022 = arith.index_cast %add3A_935 : i32 to index
      %get3A_1023 = arith.constant 128 : index
      %get3A_1024 = tpu.vector_load %arg7[%get3A_1022, %get3A_1023] {strides = array<i32>} : memref<39x512xf32, #tpu.memory_space<vmem>>, vector<16xf32>,
      %convert_element_type3A_1025 = arith.fptosi %get3A_1024 : vector<16xf32> to vector<16xi32>
      %add3A_1026 = vector.broadcast %add3A_933 : i32 to vector<16xi32>
      %add3A_1027 = arith.addi %convert_element_type3A_1025, %add3A_1026 : vector<16xi32>
      %swap3A_1028 = arith.constant 1 : i32
      %swap3A_1029 = arith.index_cast %scan3A_929 : i32 to index
      %swap3A_1030 = arith.index_cast %swap3A_1028 : i32 to index
      %swap3A_1031 = arith.constant 0 : index
      %swap3A_1032 = tpu.vector_load %arg9[%swap3A_1029, %swap3A_1030, %swap3A_1031] {strides = array<i32>} : memref<10x4x128xi32, #tpu.memory_space<vmem>>, vector<16xi32>,
      tpu.vector_store %arg9[%swap3A_1029, %swap3A_1030, %swap3A_1031], %add3A_1027 {strides = array<i32>} : memref<10x4x128xi32, #tpu.memory_space<vmem>>, vector<16xi32>,
      %get3A_1033 = arith.index_cast %add3A_935 : i32 to index
      %get3A_1034 = arith.constant 144 : index
      %get3A_1035 = tpu.vector_load %arg7[%get3A_1033, %get3A_1034] {strides = array<i32>} : memref<39x512xf32, #tpu.memory_space<vmem>>, vector<16xf32>,
      %convert_element_type3A_1036 = arith.fptosi %get3A_1035 : vector<16xf32> to vector<16xi32>
      %add3A_1037 = vector.broadcast %add3A_933 : i32 to vector<16xi32>
      %add3A_1038 = arith.addi %convert_element_type3A_1036, %add3A_1037 : vector<16xi32>
      %swap3A_1039 = arith.constant 1 : i32
      %swap3A_1040 = arith.index_cast %scan3A_929 : i32 to index
      %swap3A_1041 = arith.index_cast %swap3A_1039 : i32 to index
      %swap3A_1042 = arith.constant 16 : index
      %swap3A_1043 = tpu.vector_load %arg9[%swap3A_1040, %swap3A_1041, %swap3A_1042] {strides = array<i32>} : memref<10x4x128xi32, #tpu.memory_space<vmem>>, vector<16xi32>,
      tpu.vector_store %arg9[%swap3A_1040, %swap3A_1041, %swap3A_1042], %add3A_1038 {strides = array<i32>} : memref<10x4x128xi32, #tpu.memory_space<vmem>>, vector<16xi32>,
      %get3A_1044 = arith.index_cast %add3A_935 : i32 to index
      %get3A_1045 = arith.constant 160 : index
      %get3A_1046 = tpu.vector_load %arg7[%get3A_1044, %get3A_1045] {strides = array<i32>} : memref<39x512xf32, #tpu.memory_space<vmem>>, vector<16xf32>,
      %convert_element_type3A_1047 = arith.fptosi %get3A_1046 : vector<16xf32> to vector<16xi32>
      %add3A_1048 = vector.broadcast %add3A_933 : i32 to vector<16xi32>
      %add3A_1049 = arith.addi %convert_element_type3A_1047, %add3A_1048 : vector<16xi32>
      %swap3A_1050 = arith.constant 1 : i32
      %swap3A_1051 = arith.index_cast %scan3A_929 : i32 to index
      %swap3A_1052 = arith.index_cast %swap3A_1050 : i32 to index
      %swap3A_1053 = arith.constant 32 : index
      %swap3A_1054 = tpu.vector_load %arg9[%swap3A_1051, %swap3A_1052, %swap3A_1053] {strides = array<i32>} : memref<10x4x128xi32, #tpu.memory_space<vmem>>, vector<16xi32>,
      tpu.vector_store %arg9[%swap3A_1051, %swap3A_1052, %swap3A_1053], %add3A_1049 {strides = array<i32>} : memref<10x4x128xi32, #tpu.memory_space<vmem>>, vector<16xi32>,
      %get3A_1055 = arith.index_cast %add3A_935 : i32 to index
      %get3A_1056 = arith.constant 176 : index
      %get3A_1057 = tpu.vector_load %arg7[%get3A_1055, %get3A_1056] {strides = array<i32>} : memref<39x512xf32, #tpu.memory_space<vmem>>, vector<16xf32>,
      %convert_element_type3A_1058 = arith.fptosi %get3A_1057 : vector<16xf32> to vector<16xi32>
      %add3A_1059 = vector.broadcast %add3A_933 : i32 to vector<16xi32>
      %add3A_1060 = arith.addi %convert_element_type3A_1058, %add3A_1059 : vector<16xi32>
      %swap3A_1061 = arith.constant 1 : i32
      %swap3A_1062 = arith.index_cast %scan3A_929 : i32 to index
      %swap3A_1063 = arith.index_cast %swap3A_1061 : i32 to index
      %swap3A_1064 = arith.constant 48 : index
      %swap3A_1065 = tpu.vector_load %arg9[%swap3A_1062, %swap3A_1063, %swap3A_1064] {strides = array<i32>} : memref<10x4x128xi32, #tpu.memory_space<vmem>>, vector<16xi32>,
      tpu.vector_store %arg9[%swap3A_1062, %swap3A_1063, %swap3A_1064], %add3A_1060 {strides = array<i32>} : memref<10x4x128xi32, #tpu.memory_space<vmem>>, vector<16xi32>,
      %get3A_1066 = arith.index_cast %add3A_935 : i32 to index
      %get3A_1067 = arith.constant 192 : index
      %get3A_1068 = tpu.vector_load %arg7[%get3A_1066, %get3A_1067] {strides = array<i32>} : memref<39x512xf32, #tpu.memory_space<vmem>>, vector<16xf32>,
      %convert_element_type3A_1069 = arith.fptosi %get3A_1068 : vector<16xf32> to vector<16xi32>
      %add3A_1070 = vector.broadcast %add3A_933 : i32 to vector<16xi32>
      %add3A_1071 = arith.addi %convert_element_type3A_1069, %add3A_1070 : vector<16xi32>
      %swap3A_1072 = arith.constant 1 : i32
      %swap3A_1073 = arith.index_cast %scan3A_929 : i32 to index
      %swap3A_1074 = arith.index_cast %swap3A_1072 : i32 to index
      %swap3A_1075 = arith.constant 64 : index
      %swap3A_1076 = tpu.vector_load %arg9[%swap3A_1073, %swap3A_1074, %swap3A_1075] {strides = array<i32>} : memref<10x4x128xi32, #tpu.memory_space<vmem>>, vector<16xi32>,
      tpu.vector_store %arg9[%swap3A_1073, %swap3A_1074, %swap3A_1075], %add3A_1071 {strides = array<i32>} : memref<10x4x128xi32, #tpu.memory_space<vmem>>, vector<16xi32>,
      %get3A_1077 = arith.index_cast %add3A_935 : i32 to index
      %get3A_1078 = arith.constant 208 : index
      %get3A_1079 = tpu.vector_load %arg7[%get3A_1077, %get3A_1078] {strides = array<i32>} : memref<39x512xf32, #tpu.memory_space<vmem>>, vector<16xf32>,
      %convert_element_type3A_1080 = arith.fptosi %get3A_1079 : vector<16xf32> to vector<16xi32>
      %add3A_1081 = vector.broadcast %add3A_933 : i32 to vector<16xi32>
      %add3A_1082 = arith.addi %convert_element_type3A_1080, %add3A_1081 : vector<16xi32>
      %swap3A_1083 = arith.constant 1 : i32
      %swap3A_1084 = arith.index_cast %scan3A_929 : i32 to index
      %swap3A_1085 = arith.index_cast %swap3A_1083 : i32 to index
      %swap3A_1086 = arith.constant 80 : index
      %swap3A_1087 = tpu.vector_load %arg9[%swap3A_1084, %swap3A_1085, %swap3A_1086] {strides = array<i32>} : memref<10x4x128xi32, #tpu.memory_space<vmem>>, vector<16xi32>,
      tpu.vector_store %arg9[%swap3A_1084, %swap3A_1085, %swap3A_1086], %add3A_1082 {strides = array<i32>} : memref<10x4x128xi32, #tpu.memory_space<vmem>>, vector<16xi32>,
      %get3A_1088 = arith.index_cast %add3A_935 : i32 to index
      %get3A_1089 = arith.constant 224 : index
      %get3A_1090 = tpu.vector_load %arg7[%get3A_1088, %get3A_1089] {strides = array<i32>} : memref<39x512xf32, #tpu.memory_space<vmem>>, vector<16xf32>,
      %convert_element_type3A_1091 = arith.fptosi %get3A_1090 : vector<16xf32> to vector<16xi32>
      %add3A_1092 = vector.broadcast %add3A_933 : i32 to vector<16xi32>
      %add3A_1093 = arith.addi %convert_element_type3A_1091, %add3A_1092 : vector<16xi32>
      %swap3A_1094 = arith.constant 1 : i32
      %swap3A_1095 = arith.index_cast %scan3A_929 : i32 to index
      %swap3A_1096 = arith.index_cast %swap3A_1094 : i32 to index
      %swap3A_1097 = arith.constant 96 : index
      %swap3A_1098 = tpu.vector_load %arg9[%swap3A_1095, %swap3A_1096, %swap3A_1097] {strides = array<i32>} : memref<10x4x128xi32, #tpu.memory_space<vmem>>, vector<16xi32>,
      tpu.vector_store %arg9[%swap3A_1095, %swap3A_1096, %swap3A_1097], %add3A_1093 {strides = array<i32>} : memref<10x4x128xi32, #tpu.memory_space<vmem>>, vector<16xi32>,
      %get3A_1099 = arith.index_cast %add3A_935 : i32 to index
      %get3A_1100 = arith.constant 240 : index
      %get3A_1101 = tpu.vector_load %arg7[%get3A_1099, %get3A_1100] {strides = array<i32>} : memref<39x512xf32, #tpu.memory_space<vmem>>, vector<16xf32>,
      %convert_element_type3A_1102 = arith.fptosi %get3A_1101 : vector<16xf32> to vector<16xi32>
      %add3A_1103 = vector.broadcast %add3A_933 : i32 to vector<16xi32>
      %add3A_1104 = arith.addi %convert_element_type3A_1102, %add3A_1103 : vector<16xi32>
      %swap3A_1105 = arith.constant 1 : i32
      %swap3A_1106 = arith.index_cast %scan3A_929 : i32 to index
      %swap3A_1107 = arith.index_cast %swap3A_1105 : i32 to index
      %swap3A_1108 = arith.constant 112 : index
      %swap3A_1109 = tpu.vector_load %arg9[%swap3A_1106, %swap3A_1107, %swap3A_1108] {strides = array<i32>} : memref<10x4x128xi32, #tpu.memory_space<vmem>>, vector<16xi32>,
      tpu.vector_store %arg9[%swap3A_1106, %swap3A_1107, %swap3A_1108], %add3A_1104 {strides = array<i32>} : memref<10x4x128xi32, #tpu.memory_space<vmem>>, vector<16xi32>,
      %get3A_1110 = arith.index_cast %add3A_935 : i32 to index
      %get3A_1111 = arith.constant 256 : index
      %get3A_1112 = tpu.vector_load %arg7[%get3A_1110, %get3A_1111] {strides = array<i32>} : memref<39x512xf32, #tpu.memory_space<vmem>>, vector<16xf32>,
      %convert_element_type3A_1113 = arith.fptosi %get3A_1112 : vector<16xf32> to vector<16xi32>
      %add3A_1114 = vector.broadcast %add3A_933 : i32 to vector<16xi32>
      %add3A_1115 = arith.addi %convert_element_type3A_1113, %add3A_1114 : vector<16xi32>
      %swap3A_1116 = arith.constant 2 : i32
      %swap3A_1117 = arith.index_cast %scan3A_929 : i32 to index
      %swap3A_1118 = arith.index_cast %swap3A_1116 : i32 to index
      %swap3A_1119 = arith.constant 0 : index
      %swap3A_1120 = tpu.vector_load %arg9[%swap3A_1117, %swap3A_1118, %swap3A_1119] {strides = array<i32>} : memref<10x4x128xi32, #tpu.memory_space<vmem>>, vector<16xi32>,
      tpu.vector_store %arg9[%swap3A_1117, %swap3A_1118, %swap3A_1119], %add3A_1115 {strides = array<i32>} : memref<10x4x128xi32, #tpu.memory_space<vmem>>, vector<16xi32>,
      %get3A_1121 = arith.index_cast %add3A_935 : i32 to index
      %get3A_1122 = arith.constant 272 : index
      %get3A_1123 = tpu.vector_load %arg7[%get3A_1121, %get3A_1122] {strides = array<i32>} : memref<39x512xf32, #tpu.memory_space<vmem>>, vector<16xf32>,
      %convert_element_type3A_1124 = arith.fptosi %get3A_1123 : vector<16xf32> to vector<16xi32>
      %add3A_1125 = vector.broadcast %add3A_933 : i32 to vector<16xi32>
      %add3A_1126 = arith.addi %convert_element_type3A_1124, %add3A_1125 : vector<16xi32>
      %swap3A_1127 = arith.constant 2 : i32
      %swap3A_1128 = arith.index_cast %scan3A_929 : i32 to index
      %swap3A_1129 = arith.index_cast %swap3A_1127 : i32 to index
      %swap3A_1130 = arith.constant 16 : index
      %swap3A_1131 = tpu.vector_load %arg9[%swap3A_1128, %swap3A_1129, %swap3A_1130] {strides = array<i32>} : memref<10x4x128xi32, #tpu.memory_space<vmem>>, vector<16xi32>,
      tpu.vector_store %arg9[%swap3A_1128, %swap3A_1129, %swap3A_1130], %add3A_1126 {strides = array<i32>} : memref<10x4x128xi32, #tpu.memory_space<vmem>>, vector<16xi32>,
      %get3A_1132 = arith.index_cast %add3A_935 : i32 to index
      %get3A_1133 = arith.constant 288 : index
      %get3A_1134 = tpu.vector_load %arg7[%get3A_1132, %get3A_1133] {strides = array<i32>} : memref<39x512xf32, #tpu.memory_space<vmem>>, vector<16xf32>,
      %convert_element_type3A_1135 = arith.fptosi %get3A_1134 : vector<16xf32> to vector<16xi32>
      %add3A_1136 = vector.broadcast %add3A_933 : i32 to vector<16xi32>
      %add3A_1137 = arith.addi %convert_element_type3A_1135, %add3A_1136 : vector<16xi32>
      %swap3A_1138 = arith.constant 2 : i32
      %swap3A_1139 = arith.index_cast %scan3A_929 : i32 to index
      %swap3A_1140 = arith.index_cast %swap3A_1138 : i32 to index
      %swap3A_1141 = arith.constant 32 : index
      %swap3A_1142 = tpu.vector_load %arg9[%swap3A_1139, %swap3A_1140, %swap3A_1141] {strides = array<i32>} : memref<10x4x128xi32, #tpu.memory_space<vmem>>, vector<16xi32>,
      tpu.vector_store %arg9[%swap3A_1139, %swap3A_1140, %swap3A_1141], %add3A_1137 {strides = array<i32>} : memref<10x4x128xi32, #tpu.memory_space<vmem>>, vector<16xi32>,
      %get3A_1143 = arith.index_cast %add3A_935 : i32 to index
      %get3A_1144 = arith.constant 304 : index
      %get3A_1145 = tpu.vector_load %arg7[%get3A_1143, %get3A_1144] {strides = array<i32>} : memref<39x512xf32, #tpu.memory_space<vmem>>, vector<16xf32>,
      %convert_element_type3A_1146 = arith.fptosi %get3A_1145 : vector<16xf32> to vector<16xi32>
      %add3A_1147 = vector.broadcast %add3A_933 : i32 to vector<16xi32>
      %add3A_1148 = arith.addi %convert_element_type3A_1146, %add3A_1147 : vector<16xi32>
      %swap3A_1149 = arith.constant 2 : i32
      %swap3A_1150 = arith.index_cast %scan3A_929 : i32 to index
      %swap3A_1151 = arith.index_cast %swap3A_1149 : i32 to index
      %swap3A_1152 = arith.constant 48 : index
      %swap3A_1153 = tpu.vector_load %arg9[%swap3A_1150, %swap3A_1151, %swap3A_1152] {strides = array<i32>} : memref<10x4x128xi32, #tpu.memory_space<vmem>>, vector<16xi32>,
      tpu.vector_store %arg9[%swap3A_1150, %swap3A_1151, %swap3A_1152], %add3A_1148 {strides = array<i32>} : memref<10x4x128xi32, #tpu.memory_space<vmem>>, vector<16xi32>,
      %get3A_1154 = arith.index_cast %add3A_935 : i32 to index
      %get3A_1155 = arith.constant 320 : index
      %get3A_1156 = tpu.vector_load %arg7[%get3A_1154, %get3A_1155] {strides = array<i32>} : memref<39x512xf32, #tpu.memory_space<vmem>>, vector<16xf32>,
      %convert_element_type3A_1157 = arith.fptosi %get3A_1156 : vector<16xf32> to vector<16xi32>
      %add3A_1158 = vector.broadcast %add3A_933 : i32 to vector<16xi32>
      %add3A_1159 = arith.addi %convert_element_type3A_1157, %add3A_1158 : vector<16xi32>
      %swap3A_1160 = arith.constant 2 : i32
      %swap3A_1161 = arith.index_cast %scan3A_929 : i32 to index
      %swap3A_1162 = arith.index_cast %swap3A_1160 : i32 to index
      %swap3A_1163 = arith.constant 64 : index
      %swap3A_1164 = tpu.vector_load %arg9[%swap3A_1161, %swap3A_1162, %swap3A_1163] {strides = array<i32>} : memref<10x4x128xi32, #tpu.memory_space<vmem>>, vector<16xi32>,
      tpu.vector_store %arg9[%swap3A_1161, %swap3A_1162, %swap3A_1163], %add3A_1159 {strides = array<i32>} : memref<10x4x128xi32, #tpu.memory_space<vmem>>, vector<16xi32>,
      %get3A_1165 = arith.index_cast %add3A_935 : i32 to index
      %get3A_1166 = arith.constant 336 : index
      %get3A_1167 = tpu.vector_load %arg7[%get3A_1165, %get3A_1166] {strides = array<i32>} : memref<39x512xf32, #tpu.memory_space<vmem>>, vector<16xf32>,
      %convert_element_type3A_1168 = arith.fptosi %get3A_1167 : vector<16xf32> to vector<16xi32>
      %add3A_1169 = vector.broadcast %add3A_933 : i32 to vector<16xi32>
      %add3A_1170 = arith.addi %convert_element_type3A_1168, %add3A_1169 : vector<16xi32>
      %swap3A_1171 = arith.constant 2 : i32
      %swap3A_1172 = arith.index_cast %scan3A_929 : i32 to index
      %swap3A_1173 = arith.index_cast %swap3A_1171 : i32 to index
      %swap3A_1174 = arith.constant 80 : index
      %swap3A_1175 = tpu.vector_load %arg9[%swap3A_1172, %swap3A_1173, %swap3A_1174] {strides = array<i32>} : memref<10x4x128xi32, #tpu.memory_space<vmem>>, vector<16xi32>,
      tpu.vector_store %arg9[%swap3A_1172, %swap3A_1173, %swap3A_1174], %add3A_1170 {strides = array<i32>} : memref<10x4x128xi32, #tpu.memory_space<vmem>>, vector<16xi32>,
      %get3A_1176 = arith.index_cast %add3A_935 : i32 to index
      %get3A_1177 = arith.constant 352 : index
      %get3A_1178 = tpu.vector_load %arg7[%get3A_1176, %get3A_1177] {strides = array<i32>} : memref<39x512xf32, #tpu.memory_space<vmem>>, vector<16xf32>,
      %convert_element_type3A_1179 = arith.fptosi %get3A_1178 : vector<16xf32> to vector<16xi32>
      %add3A_1180 = vector.broadcast %add3A_933 : i32 to vector<16xi32>
      %add3A_1181 = arith.addi %convert_element_type3A_1179, %add3A_1180 : vector<16xi32>
      %swap3A_1182 = arith.constant 2 : i32
      %swap3A_1183 = arith.index_cast %scan3A_929 : i32 to index
      %swap3A_1184 = arith.index_cast %swap3A_1182 : i32 to index
      %swap3A_1185 = arith.constant 96 : index
      %swap3A_1186 = tpu.vector_load %arg9[%swap3A_1183, %swap3A_1184, %swap3A_1185] {strides = array<i32>} : memref<10x4x128xi32, #tpu.memory_space<vmem>>, vector<16xi32>,
      tpu.vector_store %arg9[%swap3A_1183, %swap3A_1184, %swap3A_1185], %add3A_1181 {strides = array<i32>} : memref<10x4x128xi32, #tpu.memory_space<vmem>>, vector<16xi32>,
      %get3A_1187 = arith.index_cast %add3A_935 : i32 to index
      %get3A_1188 = arith.constant 368 : index
      %get3A_1189 = tpu.vector_load %arg7[%get3A_1187, %get3A_1188] {strides = array<i32>} : memref<39x512xf32, #tpu.memory_space<vmem>>, vector<16xf32>,
      %convert_element_type3A_1190 = arith.fptosi %get3A_1189 : vector<16xf32> to vector<16xi32>
      %add3A_1191 = vector.broadcast %add3A_933 : i32 to vector<16xi32>
      %add3A_1192 = arith.addi %convert_element_type3A_1190, %add3A_1191 : vector<16xi32>
      %swap3A_1193 = arith.constant 2 : i32
      %swap3A_1194 = arith.index_cast %scan3A_929 : i32 to index
      %swap3A_1195 = arith.index_cast %swap3A_1193 : i32 to index
      %swap3A_1196 = arith.constant 112 : index
      %swap3A_1197 = tpu.vector_load %arg9[%swap3A_1194, %swap3A_1195, %swap3A_1196] {strides = array<i32>} : memref<10x4x128xi32, #tpu.memory_space<vmem>>, vector<16xi32>,
      tpu.vector_store %arg9[%swap3A_1194, %swap3A_1195, %swap3A_1196], %add3A_1192 {strides = array<i32>} : memref<10x4x128xi32, #tpu.memory_space<vmem>>, vector<16xi32>,
      %get3A_1198 = arith.index_cast %add3A_935 : i32 to index
      %get3A_1199 = arith.constant 384 : index
      %get3A_1200 = tpu.vector_load %arg7[%get3A_1198, %get3A_1199] {strides = array<i32>} : memref<39x512xf32, #tpu.memory_space<vmem>>, vector<16xf32>,
      %convert_element_type3A_1201 = arith.fptosi %get3A_1200 : vector<16xf32> to vector<16xi32>
      %add3A_1202 = vector.broadcast %add3A_933 : i32 to vector<16xi32>
      %add3A_1203 = arith.addi %convert_element_type3A_1201, %add3A_1202 : vector<16xi32>
      %swap3A_1204 = arith.constant 3 : i32
      %swap3A_1205 = arith.index_cast %scan3A_929 : i32 to index
      %swap3A_1206 = arith.index_cast %swap3A_1204 : i32 to index
      %swap3A_1207 = arith.constant 0 : index
      %swap3A_1208 = tpu.vector_load %arg9[%swap3A_1205, %swap3A_1206, %swap3A_1207] {strides = array<i32>} : memref<10x4x128xi32, #tpu.memory_space<vmem>>, vector<16xi32>,
      tpu.vector_store %arg9[%swap3A_1205, %swap3A_1206, %swap3A_1207], %add3A_1203 {strides = array<i32>} : memref<10x4x128xi32, #tpu.memory_space<vmem>>, vector<16xi32>,
      %get3A_1209 = arith.index_cast %add3A_935 : i32 to index
      %get3A_1210 = arith.constant 400 : index
      %get3A_1211 = tpu.vector_load %arg7[%get3A_1209, %get3A_1210] {strides = array<i32>} : memref<39x512xf32, #tpu.memory_space<vmem>>, vector<16xf32>,
      %convert_element_type3A_1212 = arith.fptosi %get3A_1211 : vector<16xf32> to vector<16xi32>
      %add3A_1213 = vector.broadcast %add3A_933 : i32 to vector<16xi32>
      %add3A_1214 = arith.addi %convert_element_type3A_1212, %add3A_1213 : vector<16xi32>
      %swap3A_1215 = arith.constant 3 : i32
      %swap3A_1216 = arith.index_cast %scan3A_929 : i32 to index
      %swap3A_1217 = arith.index_cast %swap3A_1215 : i32 to index
      %swap3A_1218 = arith.constant 16 : index
      %swap3A_1219 = tpu.vector_load %arg9[%swap3A_1216, %swap3A_1217, %swap3A_1218] {strides = array<i32>} : memref<10x4x128xi32, #tpu.memory_space<vmem>>, vector<16xi32>,
      tpu.vector_store %arg9[%swap3A_1216, %swap3A_1217, %swap3A_1218], %add3A_1214 {strides = array<i32>} : memref<10x4x128xi32, #tpu.memory_space<vmem>>, vector<16xi32>,
      %get3A_1220 = arith.index_cast %add3A_935 : i32 to index
      %get3A_1221 = arith.constant 416 : index
      %get3A_1222 = tpu.vector_load %arg7[%get3A_1220, %get3A_1221] {strides = array<i32>} : memref<39x512xf32, #tpu.memory_space<vmem>>, vector<16xf32>,
      %convert_element_type3A_1223 = arith.fptosi %get3A_1222 : vector<16xf32> to vector<16xi32>
      %add3A_1224 = vector.broadcast %add3A_933 : i32 to vector<16xi32>
      %add3A_1225 = arith.addi %convert_element_type3A_1223, %add3A_1224 : vector<16xi32>
      %swap3A_1226 = arith.constant 3 : i32
      %swap3A_1227 = arith.index_cast %scan3A_929 : i32 to index
      %swap3A_1228 = arith.index_cast %swap3A_1226 : i32 to index
      %swap3A_1229 = arith.constant 32 : index
      %swap3A_1230 = tpu.vector_load %arg9[%swap3A_1227, %swap3A_1228, %swap3A_1229] {strides = array<i32>} : memref<10x4x128xi32, #tpu.memory_space<vmem>>, vector<16xi32>,
      tpu.vector_store %arg9[%swap3A_1227, %swap3A_1228, %swap3A_1229], %add3A_1225 {strides = array<i32>} : memref<10x4x128xi32, #tpu.memory_space<vmem>>, vector<16xi32>,
      %get3A_1231 = arith.index_cast %add3A_935 : i32 to index
      %get3A_1232 = arith.constant 432 : index
      %get3A_1233 = tpu.vector_load %arg7[%get3A_1231, %get3A_1232] {strides = array<i32>} : memref<39x512xf32, #tpu.memory_space<vmem>>, vector<16xf32>,
      %convert_element_type3A_1234 = arith.fptosi %get3A_1233 : vector<16xf32> to vector<16xi32>
      %add3A_1235 = vector.broadcast %add3A_933 : i32 to vector<16xi32>
      %add3A_1236 = arith.addi %convert_element_type3A_1234, %add3A_1235 : vector<16xi32>
      %swap3A_1237 = arith.constant 3 : i32
      %swap3A_1238 = arith.index_cast %scan3A_929 : i32 to index
      %swap3A_1239 = arith.index_cast %swap3A_1237 : i32 to index
      %swap3A_1240 = arith.constant 48 : index
      %swap3A_1241 = tpu.vector_load %arg9[%swap3A_1238, %swap3A_1239, %swap3A_1240] {strides = array<i32>} : memref<10x4x128xi32, #tpu.memory_space<vmem>>, vector<16xi32>,
      tpu.vector_store %arg9[%swap3A_1238, %swap3A_1239, %swap3A_1240], %add3A_1236 {strides = array<i32>} : memref<10x4x128xi32, #tpu.memory_space<vmem>>, vector<16xi32>,
      %get3A_1242 = arith.index_cast %add3A_935 : i32 to index
      %get3A_1243 = arith.constant 448 : index
      %get3A_1244 = tpu.vector_load %arg7[%get3A_1242, %get3A_1243] {strides = array<i32>} : memref<39x512xf32, #tpu.memory_space<vmem>>, vector<16xf32>,
      %convert_element_type3A_1245 = arith.fptosi %get3A_1244 : vector<16xf32> to vector<16xi32>
      %add3A_1246 = vector.broadcast %add3A_933 : i32 to vector<16xi32>
      %add3A_1247 = arith.addi %convert_element_type3A_1245, %add3A_1246 : vector<16xi32>
      %swap3A_1248 = arith.constant 3 : i32
      %swap3A_1249 = arith.index_cast %scan3A_929 : i32 to index
      %swap3A_1250 = arith.index_cast %swap3A_1248 : i32 to index
      %swap3A_1251 = arith.constant 64 : index
      %swap3A_1252 = tpu.vector_load %arg9[%swap3A_1249, %swap3A_1250, %swap3A_1251] {strides = array<i32>} : memref<10x4x128xi32, #tpu.memory_space<vmem>>, vector<16xi32>,
      tpu.vector_store %arg9[%swap3A_1249, %swap3A_1250, %swap3A_1251], %add3A_1247 {strides = array<i32>} : memref<10x4x128xi32, #tpu.memory_space<vmem>>, vector<16xi32>,
      %get3A_1253 = arith.index_cast %add3A_935 : i32 to index
      %get3A_1254 = arith.constant 464 : index
      %get3A_1255 = tpu.vector_load %arg7[%get3A_1253, %get3A_1254] {strides = array<i32>} : memref<39x512xf32, #tpu.memory_space<vmem>>, vector<16xf32>,
      %convert_element_type3A_1256 = arith.fptosi %get3A_1255 : vector<16xf32> to vector<16xi32>
      %add3A_1257 = vector.broadcast %add3A_933 : i32 to vector<16xi32>
      %add3A_1258 = arith.addi %convert_element_type3A_1256, %add3A_1257 : vector<16xi32>
      %swap3A_1259 = arith.constant 3 : i32
      %swap3A_1260 = arith.index_cast %scan3A_929 : i32 to index
      %swap3A_1261 = arith.index_cast %swap3A_1259 : i32 to index
      %swap3A_1262 = arith.constant 80 : index
      %swap3A_1263 = tpu.vector_load %arg9[%swap3A_1260, %swap3A_1261, %swap3A_1262] {strides = array<i32>} : memref<10x4x128xi32, #tpu.memory_space<vmem>>, vector<16xi32>,
      tpu.vector_store %arg9[%swap3A_1260, %swap3A_1261, %swap3A_1262], %add3A_1258 {strides = array<i32>} : memref<10x4x128xi32, #tpu.memory_space<vmem>>, vector<16xi32>,
      %get3A_1264 = arith.index_cast %add3A_935 : i32 to index
      %get3A_1265 = arith.constant 480 : index
      %get3A_1266 = tpu.vector_load %arg7[%get3A_1264, %get3A_1265] {strides = array<i32>} : memref<39x512xf32, #tpu.memory_space<vmem>>, vector<16xf32>,
      %convert_element_type3A_1267 = arith.fptosi %get3A_1266 : vector<16xf32> to vector<16xi32>
      %add3A_1268 = vector.broadcast %add3A_933 : i32 to vector<16xi32>
      %add3A_1269 = arith.addi %convert_element_type3A_1267, %add3A_1268 : vector<16xi32>
      %swap3A_1270 = arith.constant 3 : i32
      %swap3A_1271 = arith.index_cast %scan3A_929 : i32 to index
      %swap3A_1272 = arith.index_cast %swap3A_1270 : i32 to index
      %swap3A_1273 = arith.constant 96 : index
      %swap3A_1274 = tpu.vector_load %arg9[%swap3A_1271, %swap3A_1272, %swap3A_1273] {strides = array<i32>} : memref<10x4x128xi32, #tpu.memory_space<vmem>>, vector<16xi32>,
      tpu.vector_store %arg9[%swap3A_1271, %swap3A_1272, %swap3A_1273], %add3A_1269 {strides = array<i32>} : memref<10x4x128xi32, #tpu.memory_space<vmem>>, vector<16xi32>,
      %get3A_1275 = arith.index_cast %add3A_935 : i32 to index
      %get3A_1276 = arith.constant 496 : index
      %get3A_1277 = tpu.vector_load %arg7[%get3A_1275, %get3A_1276] {strides = array<i32>} : memref<39x512xf32, #tpu.memory_space<vmem>>, vector<16xf32>,
      %convert_element_type3A_1278 = arith.fptosi %get3A_1277 : vector<16xf32> to vector<16xi32>
      %add3A_1279 = vector.broadcast %add3A_933 : i32 to vector<16xi32>
      %add3A_1280 = arith.addi %convert_element_type3A_1278, %add3A_1279 : vector<16xi32>
      %swap3A_1281 = arith.constant 3 : i32
      %swap3A_1282 = arith.index_cast %scan3A_929 : i32 to index
      %swap3A_1283 = arith.index_cast %swap3A_1281 : i32 to index
      %swap3A_1284 = arith.constant 112 : index
      %swap3A_1285 = tpu.vector_load %arg9[%swap3A_1282, %swap3A_1283, %swap3A_1284] {strides = array<i32>} : memref<10x4x128xi32, #tpu.memory_space<vmem>>, vector<16xi32>,
      tpu.vector_store %arg9[%swap3A_1282, %swap3A_1283, %swap3A_1284], %add3A_1280 {strides = array<i32>} : memref<10x4x128xi32, #tpu.memory_space<vmem>>, vector<16xi32>,
    }
    %scan3A_867 = arith.constant 10 : i32
    %dma_start3A_868 = arith.constant 0 : i32
    %dma_start3A_869 = arith.constant 0 : i32
    %dma_start3A_870 = arith.constant 0 : i32
    %dma_start3A_871 = tpu.memref_slice %arg6[%add3A, %dma_start3A_868, %dma_start3A_869, %dma_start3A_870] : memref<32x10x4x128xi32, #tpu.memory_space<hbm>> -> memref<1x10x4x128xi32, #tpu.memory_space<hbm>>
    %dma_start3A_872 = tpu.memref_squeeze %dma_start3A_871 : memref<1x10x4x128xi32, #tpu.memory_space<hbm>> -> memref<10x4x128xi32, #tpu.memory_space<hbm>>
    %dma_start3A_873 = arith.constant 0 : i32
    %dma_start3A_874 = arith.constant 0 : i32
    %dma_start3A_875 = arith.constant 0 : i32
    %dma_start3A_876 = tpu.memref_slice %arg6[%add3A, %dma_start3A_873, %dma_start3A_874, %dma_start3A_875] : memref<32x10x4x128xi32, #tpu.memory_space<hbm>> -> memref<1x10x4x128xi32, #tpu.memory_space<hbm>>
    %dma_start3A_877 = tpu.memref_squeeze %dma_start3A_876 : memref<1x10x4x128xi32, #tpu.memory_space<hbm>> -> memref<10x4x128xi32, #tpu.memory_space<hbm>>
    tpu.enqueue_dma source(%arg9 : memref<10x4x128xi32, #tpu.memory_space<vmem>>) target(%dma_start3A_877 : memref<10x4x128xi32, #tpu.memory_space<hbm>>) target_semaphore(%arg14 : memref<!tpu.dma_semaphore, #tpu.memory_space<semaphore_mem>>)
    %scan3A_878 = arith.constant 0 : i32
    %scan3A_879 = arith.constant 16 : i32
    %scan3A_880 = arith.addi %scan3A_878, %scan3A_879 : i32
    %scan3A_881 = arith.constant 1 : i32
    scf.for %scan3A_929 = %scan3A_878 to %scan3A_880 step %scan3A_881  : i32 {
      %dma_wait3A_930 = arith.constant 0 : i32
      %dma_wait3A_931 = arith.constant 0 : i32
      %dma_wait3A_932 = arith.constant 0 : i32
      %dma_wait3A_933 = tpu.memref_slice %arg10[%scan3A_929, %dma_wait3A_931, %dma_wait3A_932] : memref<16x4x128xf32, #tpu.memory_space<vmem>> -> memref<1x1x128xf32, #tpu.memory_space<vmem>>
      %dma_wait3A_934 = tpu.memref_squeeze %dma_wait3A_933 : memref<1x1x128xf32, #tpu.memory_space<vmem>> -> memref<128xf32, #tpu.memory_space<vmem>>
      %dma_wait3A_935 = arith.constant 0 : i32
      %dma_wait3A_936 = tpu.memref_slice %arg8[%scan3A_929, %dma_wait3A_930, %dma_wait3A_935] : memref<16x4x128xi32, #tpu.memory_space<vmem>> -> memref<1x1x128xi32, #tpu.memory_space<vmem>>
      %dma_wait3A_937 = tpu.memref_squeeze %dma_wait3A_936 : memref<1x1x128xi32, #tpu.memory_space<vmem>> -> memref<128xi32, #tpu.memory_space<vmem>>
      %dma_wait3A_938 = arith.constant 0 : i32
      %dma_wait3A_939 = tpu.memref_slice %arg3[%dma_wait3A_938] : memref<1671168xf32, #tpu.memory_space<hbm>> -> memref<1671168xf32, #tpu.memory_space<hbm>>
      tpu.wait_indirect_dma semaphore(%arg13 : memref<!tpu.dma_semaphore, #tpu.memory_space<semaphore_mem>>) src(%dma_wait3A_939 : memref<1671168xf32, #tpu.memory_space<hbm>>) dst(%dma_wait3A_934 : memref<128xf32, #tpu.memory_space<vmem>>)
      %dma_wait3A_940 = arith.constant 1 : i32
      %dma_wait3A_941 = arith.constant 1 : i32
      %dma_wait3A_942 = arith.constant 0 : i32
      %dma_wait3A_943 = tpu.memref_slice %arg10[%scan3A_929, %dma_wait3A_941, %dma_wait3A_942] : memref<16x4x128xf32, #tpu.memory_space<vmem>> -> memref<1x1x128xf32, #tpu.memory_space<vmem>>
      %dma_wait3A_944 = tpu.memref_squeeze %dma_wait3A_943 : memref<1x1x128xf32, #tpu.memory_space<vmem>> -> memref<128xf32, #tpu.memory_space<vmem>>
      %dma_wait3A_945 = arith.constant 0 : i32
      %dma_wait3A_946 = tpu.memref_slice %arg8[%scan3A_929, %dma_wait3A_940, %dma_wait3A_945] : memref<16x4x128xi32, #tpu.memory_space<vmem>> -> memref<1x1x128xi32, #tpu.memory_space<vmem>>
      %dma_wait3A_947 = tpu.memref_squeeze %dma_wait3A_946 : memref<1x1x128xi32, #tpu.memory_space<vmem>> -> memref<128xi32, #tpu.memory_space<vmem>>
      %dma_wait3A_948 = arith.constant 0 : i32
      %dma_wait3A_949 = tpu.memref_slice %arg3[%dma_wait3A_948] : memref<1671168xf32, #tpu.memory_space<hbm>> -> memref<1671168xf32, #tpu.memory_space<hbm>>
      tpu.wait_indirect_dma semaphore(%arg13 : memref<!tpu.dma_semaphore, #tpu.memory_space<semaphore_mem>>) src(%dma_wait3A_949 : memref<1671168xf32, #tpu.memory_space<hbm>>) dst(%dma_wait3A_944 : memref<128xf32, #tpu.memory_space<vmem>>)
      %dma_wait3A_950 = arith.constant 2 : i32
      %dma_wait3A_951 = arith.constant 2 : i32
      %dma_wait3A_952 = arith.constant 0 : i32
      %dma_wait3A_953 = tpu.memref_slice %arg10[%scan3A_929, %dma_wait3A_951, %dma_wait3A_952] : memref<16x4x128xf32, #tpu.memory_space<vmem>> -> memref<1x1x128xf32, #tpu.memory_space<vmem>>
      %dma_wait3A_954 = tpu.memref_squeeze %dma_wait3A_953 : memref<1x1x128xf32, #tpu.memory_space<vmem>> -> memref<128xf32, #tpu.memory_space<vmem>>
      %dma_wait3A_955 = arith.constant 0 : i32
      %dma_wait3A_956 = tpu.memref_slice %arg8[%scan3A_929, %dma_wait3A_950, %dma_wait3A_955] : memref<16x4x128xi32, #tpu.memory_space<vmem>> -> memref<1x1x128xi32, #tpu.memory_space<vmem>>
      %dma_wait3A_957 = tpu.memref_squeeze %dma_wait3A_956 : memref<1x1x128xi32, #tpu.memory_space<vmem>> -> memref<128xi32, #tpu.memory_space<vmem>>
      %dma_wait3A_958 = arith.constant 0 : i32
      %dma_wait3A_959 = tpu.memref_slice %arg3[%dma_wait3A_958] : memref<1671168xf32, #tpu.memory_space<hbm>> -> memref<1671168xf32, #tpu.memory_space<hbm>>
      tpu.wait_indirect_dma semaphore(%arg13 : memref<!tpu.dma_semaphore, #tpu.memory_space<semaphore_mem>>) src(%dma_wait3A_959 : memref<1671168xf32, #tpu.memory_space<hbm>>) dst(%dma_wait3A_954 : memref<128xf32, #tpu.memory_space<vmem>>)
      %dma_wait3A_960 = arith.constant 3 : i32
      %dma_wait3A_961 = arith.constant 3 : i32
      %dma_wait3A_962 = arith.constant 0 : i32
      %dma_wait3A_963 = tpu.memref_slice %arg10[%scan3A_929, %dma_wait3A_961, %dma_wait3A_962] : memref<16x4x128xf32, #tpu.memory_space<vmem>> -> memref<1x1x128xf32, #tpu.memory_space<vmem>>
      %dma_wait3A_964 = tpu.memref_squeeze %dma_wait3A_963 : memref<1x1x128xf32, #tpu.memory_space<vmem>> -> memref<128xf32, #tpu.memory_space<vmem>>
      %dma_wait3A_965 = arith.constant 0 : i32
      %dma_wait3A_966 = tpu.memref_slice %arg8[%scan3A_929, %dma_wait3A_960, %dma_wait3A_965] : memref<16x4x128xi32, #tpu.memory_space<vmem>> -> memref<1x1x128xi32, #tpu.memory_space<vmem>>
      %dma_wait3A_967 = tpu.memref_squeeze %dma_wait3A_966 : memref<1x1x128xi32, #tpu.memory_space<vmem>> -> memref<128xi32, #tpu.memory_space<vmem>>
      %dma_wait3A_968 = arith.constant 0 : i32
      %dma_wait3A_969 = tpu.memref_slice %arg3[%dma_wait3A_968] : memref<1671168xf32, #tpu.memory_space<hbm>> -> memref<1671168xf32, #tpu.memory_space<hbm>>
      tpu.wait_indirect_dma semaphore(%arg13 : memref<!tpu.dma_semaphore, #tpu.memory_space<semaphore_mem>>) src(%dma_wait3A_969 : memref<1671168xf32, #tpu.memory_space<hbm>>) dst(%dma_wait3A_964 : memref<128xf32, #tpu.memory_space<vmem>>)
    }
    %scan3A_882 = arith.constant 16 : i32
    %get3A = arith.constant 0 : i32
    %get3A_883 = arith.index_cast %get3A : i32 to index
    %get3A_884 = arith.constant 0 : index
    %get3A_885 = tpu.vector_load %arg11[%get3A_883, %get3A_884] {strides = array<i32>} : memref<2x16xf32, #tpu.memory_space<vmem>>, vector<16xf32>,
    %slice3A = vector.extract_strided_slice %get3A_885 {offsets = [0], sizes = [1], strides = [1]} : vector<16xf32> to vector<1xf32>
    %squeeze3A = vector.extract %slice3A[0] : f32 from vector<1xf32>
    %slice3A_886 = vector.extract_strided_slice %get3A_885 {offsets = [1], sizes = [1], strides = [1]} : vector<16xf32> to vector<1xf32>
    %squeeze3A_887 = vector.extract %slice3A_886[0] : f32 from vector<1xf32>
    %slice3A_888 = vector.extract_strided_slice %get3A_885 {offsets = [2], sizes = [1], strides = [1]} : vector<16xf32> to vector<1xf32>
    %squeeze3A_889 = vector.extract %slice3A_888[0] : f32 from vector<1xf32>
    %slice3A_890 = vector.extract_strided_slice %get3A_885 {offsets = [3], sizes = [1], strides = [1]} : vector<16xf32> to vector<1xf32>
    %squeeze3A_891 = vector.extract %slice3A_890[0] : f32 from vector<1xf32>
    %slice3A_892 = vector.extract_strided_slice %get3A_885 {offsets = [4], sizes = [1], strides = [1]} : vector<16xf32> to vector<1xf32>
    %squeeze3A_893 = vector.extract %slice3A_892[0] : f32 from vector<1xf32>
    %slice3A_894 = vector.extract_strided_slice %get3A_885 {offsets = [5], sizes = [1], strides = [1]} : vector<16xf32> to vector<1xf32>
    %squeeze3A_895 = vector.extract %slice3A_894[0] : f32 from vector<1xf32>
    %slice3A_896 = vector.extract_strided_slice %get3A_885 {offsets = [6], sizes = [1], strides = [1]} : vector<16xf32> to vector<1xf32>
    %squeeze3A_897 = vector.extract %slice3A_896[0] : f32 from vector<1xf32>
    %slice3A_898 = vector.extract_strided_slice %get3A_885 {offsets = [7], sizes = [1], strides = [1]} : vector<16xf32> to vector<1xf32>
    %squeeze3A_899 = vector.extract %slice3A_898[0] : f32 from vector<1xf32>
    %slice3A_900 = vector.extract_strided_slice %get3A_885 {offsets = [8], sizes = [1], strides = [1]} : vector<16xf32> to vector<1xf32>
    %squeeze3A_901 = vector.extract %slice3A_900[0] : f32 from vector<1xf32>
    %slice3A_902 = vector.extract_strided_slice %get3A_885 {offsets = [9], sizes = [1], strides = [1]} : vector<16xf32> to vector<1xf32>
    %squeeze3A_903 = vector.extract %slice3A_902[0] : f32 from vector<1xf32>
    %slice3A_904 = vector.extract_strided_slice %get3A_885 {offsets = [10], sizes = [1], strides = [1]} : vector<16xf32> to vector<1xf32>
    %squeeze3A_905 = vector.extract %slice3A_904[0] : f32 from vector<1xf32>
    %slice3A_906 = vector.extract_strided_slice %get3A_885 {offsets = [11], sizes = [1], strides = [1]} : vector<16xf32> to vector<1xf32>
    %squeeze3A_907 = vector.extract %slice3A_906[0] : f32 from vector<1xf32>
    %slice3A_908 = vector.extract_strided_slice %get3A_885 {offsets = [12], sizes = [1], strides = [1]} : vector<16xf32> to vector<1xf32>
    %squeeze3A_909 = vector.extract %slice3A_908[0] : f32 from vector<1xf32>
    %get3A_910 = arith.constant 1 : i32
    %get3A_911 = arith.index_cast %get3A_910 : i32 to index
    %get3A_912 = arith.constant 0 : index
    %get3A_913 = tpu.vector_load %arg11[%get3A_911, %get3A_912] {strides = array<i32>} : memref<2x16xf32, #tpu.memory_space<vmem>>, vector<16xf32>,
    %scan3A_914 = arith.constant 0 : i32
    %scan3A_915 = arith.constant 32 : i32
    %scan3A_916 = arith.addi %scan3A_914, %scan3A_915 : i32
    %scan3A_917 = arith.constant 1 : i32
    scf.for %scan3A_929 = %scan3A_914 to %scan3A_916 step %scan3A_917  : i32 {
      %jit3A = arith.constant 8 : i32
      %div3A = arith.divsi %scan3A_929, %jit3A : i32
      %sign3A = arith.constant 0 : i32
      %sign3A_930 = arith.cmpi sgt, %scan3A_929, %sign3A : i32
      %sign3A_931 = arith.extui %sign3A_930 : i1 to i32
      %sign3A_932 = arith.constant 0 : i32
      %sign3A_933 = arith.cmpi slt, %scan3A_929, %sign3A_932 : i32
      %sign3A_934 = arith.extui %sign3A_933 : i1 to i32
      %sign3A_935 = arith.subi %sign3A_931, %sign3A_934 : i32
      %sign3A_936 = arith.constant 0 : i32
      %sign3A_937 = arith.cmpi sgt, %jit3A, %sign3A_936 : i32
      %sign3A_938 = arith.extui %sign3A_937 : i1 to i32
      %sign3A_939 = arith.constant 0 : i32
      %sign3A_940 = arith.cmpi slt, %jit3A, %sign3A_939 : i32
      %sign3A_941 = arith.extui %sign3A_940 : i1 to i32
      %sign3A_942 = arith.subi %sign3A_938, %sign3A_941 : i32
      %ne3A = arith.cmpi ne, %sign3A_935, %sign3A_942 : i32
      %rem3A = arith.remsi %scan3A_929, %jit3A : i32
      %ne3A_943 = arith.constant 0 : i32
      %ne3A_944 = arith.cmpi ne, %rem3A, %ne3A_943 : i32
      %and3A = arith.andi %ne3A, %ne3A_944 : i1
      %sub3A = arith.constant 1 : i32
      %sub3A_945 = arith.subi %div3A, %sub3A : i32
      %select_n3A = arith.select %and3A, %sub3A_945, %div3A : i32
      %jit3A_946 = arith.constant 8 : i32
      %eq3A = arith.constant 0 : i32
      %eq3A_947 = arith.cmpi eq, %jit3A_946, %eq3A : i32
      %jit3A_948 = arith.constant 1 : i32
      %select_n3A_949 = arith.select %eq3A_947, %jit3A_948, %jit3A_946 : i32
      %rem3A_950 = arith.remsi %scan3A_929, %select_n3A_949 : i32
      %ne3A_951 = arith.constant 0 : i32
      %ne3A_952 = arith.cmpi ne, %rem3A_950, %ne3A_951 : i32
      %lt3A = arith.constant 0 : i32
      %lt3A_953 = arith.cmpi slt, %rem3A_950, %lt3A : i32
      %lt3A_954 = arith.constant 0 : i32
      %lt3A_955 = arith.cmpi slt, %select_n3A_949, %lt3A_954 : i32
      %ne3A_956 = arith.xori %lt3A_953, %lt3A_955 : i1
      %and3A_957 = arith.andi %ne3A_956, %ne3A_952 : i1
      %add3A_958 = arith.addi %rem3A_950, %select_n3A_949 : i32
      %select_n3A_959 = arith.select %and3A_957, %add3A_958, %rem3A_950 : i32
      %mul3A_960 = arith.constant 16 : i32
      %mul3A_961 = arith.muli %select_n3A_959, %mul3A_960 : i32
      %mul3A_962 = arith.constant 16 : i32
      %mul3A_963 = arith.muli %scan3A_929, %mul3A_962 : i32
      %get3A_964 = arith.constant 0 : i32
      %get3A_965 = arith.index_cast %get3A_964 : i32 to index
      %get3A_966 = arith.index_cast %mul3A_963 : i32 to index
      %get3A_967 = tpu.vector_load %arg7[%get3A_965, %get3A_966] {strides = array<i32>} : memref<39x512xf32, #tpu.memory_space<vmem>>, vector<16xf32>,
      %mul3A_968 = vector.broadcast %squeeze3A : f32 to vector<16xf32>
      %mul3A_969 = arith.mulf %get3A_967, %mul3A_968 : vector<16xf32>
      %add3A_970 = arith.addf %get3A_913, %mul3A_969 : vector<16xf32>
      %mul3A_971 = arith.constant 16 : i32
      %mul3A_972 = arith.muli %scan3A_929, %mul3A_971 : i32
      %get3A_973 = arith.constant 1 : i32
      %get3A_974 = arith.index_cast %get3A_973 : i32 to index
      %get3A_975 = arith.index_cast %mul3A_972 : i32 to index
      %get3A_976 = tpu.vector_load %arg7[%get3A_974, %get3A_975] {strides = array<i32>} : memref<39x512xf32, #tpu.memory_space<vmem>>, vector<16xf32>,
      %mul3A_977 = vector.broadcast %squeeze3A_887 : f32 to vector<16xf32>
      %mul3A_978 = arith.mulf %get3A_976, %mul3A_977 : vector<16xf32>
      %add3A_979 = arith.addf %add3A_970, %mul3A_978 : vector<16xf32>
      %mul3A_980 = arith.constant 16 : i32
      %mul3A_981 = arith.muli %scan3A_929, %mul3A_980 : i32
      %get3A_982 = arith.constant 2 : i32
      %get3A_983 = arith.index_cast %get3A_982 : i32 to index
      %get3A_984 = arith.index_cast %mul3A_981 : i32 to index
      %get3A_985 = tpu.vector_load %arg7[%get3A_983, %get3A_984] {strides = array<i32>} : memref<39x512xf32, #tpu.memory_space<vmem>>, vector<16xf32>,
      %mul3A_986 = vector.broadcast %squeeze3A_889 : f32 to vector<16xf32>
      %mul3A_987 = arith.mulf %get3A_985, %mul3A_986 : vector<16xf32>
      %add3A_988 = arith.addf %add3A_979, %mul3A_987 : vector<16xf32>
      %mul3A_989 = arith.constant 16 : i32
      %mul3A_990 = arith.muli %scan3A_929, %mul3A_989 : i32
      %get3A_991 = arith.constant 3 : i32
      %get3A_992 = arith.index_cast %get3A_991 : i32 to index
      %get3A_993 = arith.index_cast %mul3A_990 : i32 to index
      %get3A_994 = tpu.vector_load %arg7[%get3A_992, %get3A_993] {strides = array<i32>} : memref<39x512xf32, #tpu.memory_space<vmem>>, vector<16xf32>,
      %mul3A_995 = vector.broadcast %squeeze3A_891 : f32 to vector<16xf32>
      %mul3A_996 = arith.mulf %get3A_994, %mul3A_995 : vector<16xf32>
      %add3A_997 = arith.addf %add3A_988, %mul3A_996 : vector<16xf32>
      %mul3A_998 = arith.constant 16 : i32
      %mul3A_999 = arith.muli %scan3A_929, %mul3A_998 : i32
      %get3A_1000 = arith.constant 4 : i32
      %get3A_1001 = arith.index_cast %get3A_1000 : i32 to index
      %get3A_1002 = arith.index_cast %mul3A_999 : i32 to index
      %get3A_1003 = tpu.vector_load %arg7[%get3A_1001, %get3A_1002] {strides = array<i32>} : memref<39x512xf32, #tpu.memory_space<vmem>>, vector<16xf32>,
      %mul3A_1004 = vector.broadcast %squeeze3A_893 : f32 to vector<16xf32>
      %mul3A_1005 = arith.mulf %get3A_1003, %mul3A_1004 : vector<16xf32>
      %add3A_1006 = arith.addf %add3A_997, %mul3A_1005 : vector<16xf32>
      %mul3A_1007 = arith.constant 16 : i32
      %mul3A_1008 = arith.muli %scan3A_929, %mul3A_1007 : i32
      %get3A_1009 = arith.constant 5 : i32
      %get3A_1010 = arith.index_cast %get3A_1009 : i32 to index
      %get3A_1011 = arith.index_cast %mul3A_1008 : i32 to index
      %get3A_1012 = tpu.vector_load %arg7[%get3A_1010, %get3A_1011] {strides = array<i32>} : memref<39x512xf32, #tpu.memory_space<vmem>>, vector<16xf32>,
      %mul3A_1013 = vector.broadcast %squeeze3A_895 : f32 to vector<16xf32>
      %mul3A_1014 = arith.mulf %get3A_1012, %mul3A_1013 : vector<16xf32>
      %add3A_1015 = arith.addf %add3A_1006, %mul3A_1014 : vector<16xf32>
      %mul3A_1016 = arith.constant 16 : i32
      %mul3A_1017 = arith.muli %scan3A_929, %mul3A_1016 : i32
      %get3A_1018 = arith.constant 6 : i32
      %get3A_1019 = arith.index_cast %get3A_1018 : i32 to index
      %get3A_1020 = arith.index_cast %mul3A_1017 : i32 to index
      %get3A_1021 = tpu.vector_load %arg7[%get3A_1019, %get3A_1020] {strides = array<i32>} : memref<39x512xf32, #tpu.memory_space<vmem>>, vector<16xf32>,
      %mul3A_1022 = vector.broadcast %squeeze3A_897 : f32 to vector<16xf32>
      %mul3A_1023 = arith.mulf %get3A_1021, %mul3A_1022 : vector<16xf32>
      %add3A_1024 = arith.addf %add3A_1015, %mul3A_1023 : vector<16xf32>
      %mul3A_1025 = arith.constant 16 : i32
      %mul3A_1026 = arith.muli %scan3A_929, %mul3A_1025 : i32
      %get3A_1027 = arith.constant 7 : i32
      %get3A_1028 = arith.index_cast %get3A_1027 : i32 to index
      %get3A_1029 = arith.index_cast %mul3A_1026 : i32 to index
      %get3A_1030 = tpu.vector_load %arg7[%get3A_1028, %get3A_1029] {strides = array<i32>} : memref<39x512xf32, #tpu.memory_space<vmem>>, vector<16xf32>,
      %mul3A_1031 = vector.broadcast %squeeze3A_899 : f32 to vector<16xf32>
      %mul3A_1032 = arith.mulf %get3A_1030, %mul3A_1031 : vector<16xf32>
      %add3A_1033 = arith.addf %add3A_1024, %mul3A_1032 : vector<16xf32>
      %mul3A_1034 = arith.constant 16 : i32
      %mul3A_1035 = arith.muli %scan3A_929, %mul3A_1034 : i32
      %get3A_1036 = arith.constant 8 : i32
      %get3A_1037 = arith.index_cast %get3A_1036 : i32 to index
      %get3A_1038 = arith.index_cast %mul3A_1035 : i32 to index
      %get3A_1039 = tpu.vector_load %arg7[%get3A_1037, %get3A_1038] {strides = array<i32>} : memref<39x512xf32, #tpu.memory_space<vmem>>, vector<16xf32>,
      %mul3A_1040 = vector.broadcast %squeeze3A_901 : f32 to vector<16xf32>
      %mul3A_1041 = arith.mulf %get3A_1039, %mul3A_1040 : vector<16xf32>
      %add3A_1042 = arith.addf %add3A_1033, %mul3A_1041 : vector<16xf32>
      %mul3A_1043 = arith.constant 16 : i32
      %mul3A_1044 = arith.muli %scan3A_929, %mul3A_1043 : i32
      %get3A_1045 = arith.constant 9 : i32
      %get3A_1046 = arith.index_cast %get3A_1045 : i32 to index
      %get3A_1047 = arith.index_cast %mul3A_1044 : i32 to index
      %get3A_1048 = tpu.vector_load %arg7[%get3A_1046, %get3A_1047] {strides = array<i32>} : memref<39x512xf32, #tpu.memory_space<vmem>>, vector<16xf32>,
      %mul3A_1049 = vector.broadcast %squeeze3A_903 : f32 to vector<16xf32>
      %mul3A_1050 = arith.mulf %get3A_1048, %mul3A_1049 : vector<16xf32>
      %add3A_1051 = arith.addf %add3A_1042, %mul3A_1050 : vector<16xf32>
      %mul3A_1052 = arith.constant 16 : i32
      %mul3A_1053 = arith.muli %scan3A_929, %mul3A_1052 : i32
      %get3A_1054 = arith.constant 10 : i32
      %get3A_1055 = arith.index_cast %get3A_1054 : i32 to index
      %get3A_1056 = arith.index_cast %mul3A_1053 : i32 to index
      %get3A_1057 = tpu.vector_load %arg7[%get3A_1055, %get3A_1056] {strides = array<i32>} : memref<39x512xf32, #tpu.memory_space<vmem>>, vector<16xf32>,
      %mul3A_1058 = vector.broadcast %squeeze3A_905 : f32 to vector<16xf32>
      %mul3A_1059 = arith.mulf %get3A_1057, %mul3A_1058 : vector<16xf32>
      %add3A_1060 = arith.addf %add3A_1051, %mul3A_1059 : vector<16xf32>
      %mul3A_1061 = arith.constant 16 : i32
      %mul3A_1062 = arith.muli %scan3A_929, %mul3A_1061 : i32
      %get3A_1063 = arith.constant 11 : i32
      %get3A_1064 = arith.index_cast %get3A_1063 : i32 to index
      %get3A_1065 = arith.index_cast %mul3A_1062 : i32 to index
      %get3A_1066 = tpu.vector_load %arg7[%get3A_1064, %get3A_1065] {strides = array<i32>} : memref<39x512xf32, #tpu.memory_space<vmem>>, vector<16xf32>,
      %mul3A_1067 = vector.broadcast %squeeze3A_907 : f32 to vector<16xf32>
      %mul3A_1068 = arith.mulf %get3A_1066, %mul3A_1067 : vector<16xf32>
      %add3A_1069 = arith.addf %add3A_1060, %mul3A_1068 : vector<16xf32>
      %mul3A_1070 = arith.constant 16 : i32
      %mul3A_1071 = arith.muli %scan3A_929, %mul3A_1070 : i32
      %get3A_1072 = arith.constant 12 : i32
      %get3A_1073 = arith.index_cast %get3A_1072 : i32 to index
      %get3A_1074 = arith.index_cast %mul3A_1071 : i32 to index
      %get3A_1075 = tpu.vector_load %arg7[%get3A_1073, %get3A_1074] {strides = array<i32>} : memref<39x512xf32, #tpu.memory_space<vmem>>, vector<16xf32>,
      %mul3A_1076 = vector.broadcast %squeeze3A_909 : f32 to vector<16xf32>
      %mul3A_1077 = arith.mulf %get3A_1075, %mul3A_1076 : vector<16xf32>
      %add3A_1078 = arith.addf %add3A_1069, %mul3A_1077 : vector<16xf32>
      %get3A_1079 = arith.constant 0 : i32
      %get3A_1080 = arith.index_cast %get3A_1079 : i32 to index
      %get3A_1081 = arith.index_cast %select_n3A : i32 to index
      %get3A_1082 = arith.index_cast %mul3A_961 : i32 to index
      %get3A_1083 = tpu.vector_load %arg10[%get3A_1080, %get3A_1081, %get3A_1082] {strides = array<i32>} : memref<16x4x128xf32, #tpu.memory_space<vmem>>, vector<16xf32>,
      %add3A_1084 = arith.addf %add3A_1078, %get3A_1083 : vector<16xf32>
      %get3A_1085 = arith.constant 1 : i32
      %get3A_1086 = arith.index_cast %get3A_1085 : i32 to index
      %get3A_1087 = arith.index_cast %select_n3A : i32 to index
      %get3A_1088 = arith.index_cast %mul3A_961 : i32 to index
      %get3A_1089 = tpu.vector_load %arg10[%get3A_1086, %get3A_1087, %get3A_1088] {strides = array<i32>} : memref<16x4x128xf32, #tpu.memory_space<vmem>>, vector<16xf32>,
      %add3A_1090 = arith.addf %add3A_1084, %get3A_1089 : vector<16xf32>
      %get3A_1091 = arith.constant 2 : i32
      %get3A_1092 = arith.index_cast %get3A_1091 : i32 to index
      %get3A_1093 = arith.index_cast %select_n3A : i32 to index
      %get3A_1094 = arith.index_cast %mul3A_961 : i32 to index
      %get3A_1095 = tpu.vector_load %arg10[%get3A_1092, %get3A_1093, %get3A_1094] {strides = array<i32>} : memref<16x4x128xf32, #tpu.memory_space<vmem>>, vector<16xf32>,
      %add3A_1096 = arith.addf %add3A_1090, %get3A_1095 : vector<16xf32>
      %get3A_1097 = arith.constant 3 : i32
      %get3A_1098 = arith.index_cast %get3A_1097 : i32 to index
      %get3A_1099 = arith.index_cast %select_n3A : i32 to index
      %get3A_1100 = arith.index_cast %mul3A_961 : i32 to index
      %get3A_1101 = tpu.vector_load %arg10[%get3A_1098, %get3A_1099, %get3A_1100] {strides = array<i32>} : memref<16x4x128xf32, #tpu.memory_space<vmem>>, vector<16xf32>,
      %add3A_1102 = arith.addf %add3A_1096, %get3A_1101 : vector<16xf32>
      %get3A_1103 = arith.constant 4 : i32
      %get3A_1104 = arith.index_cast %get3A_1103 : i32 to index
      %get3A_1105 = arith.index_cast %select_n3A : i32 to index
      %get3A_1106 = arith.index_cast %mul3A_961 : i32 to index
      %get3A_1107 = tpu.vector_load %arg10[%get3A_1104, %get3A_1105, %get3A_1106] {strides = array<i32>} : memref<16x4x128xf32, #tpu.memory_space<vmem>>, vector<16xf32>,
      %add3A_1108 = arith.addf %add3A_1102, %get3A_1107 : vector<16xf32>
      %get3A_1109 = arith.constant 5 : i32
      %get3A_1110 = arith.index_cast %get3A_1109 : i32 to index
      %get3A_1111 = arith.index_cast %select_n3A : i32 to index
      %get3A_1112 = arith.index_cast %mul3A_961 : i32 to index
      %get3A_1113 = tpu.vector_load %arg10[%get3A_1110, %get3A_1111, %get3A_1112] {strides = array<i32>} : memref<16x4x128xf32, #tpu.memory_space<vmem>>, vector<16xf32>,
      %add3A_1114 = arith.addf %add3A_1108, %get3A_1113 : vector<16xf32>
      %get3A_1115 = arith.constant 6 : i32
      %get3A_1116 = arith.index_cast %get3A_1115 : i32 to index
      %get3A_1117 = arith.index_cast %select_n3A : i32 to index
      %get3A_1118 = arith.index_cast %mul3A_961 : i32 to index
      %get3A_1119 = tpu.vector_load %arg10[%get3A_1116, %get3A_1117, %get3A_1118] {strides = array<i32>} : memref<16x4x128xf32, #tpu.memory_space<vmem>>, vector<16xf32>,
      %add3A_1120 = arith.addf %add3A_1114, %get3A_1119 : vector<16xf32>
      %get3A_1121 = arith.constant 7 : i32
      %get3A_1122 = arith.index_cast %get3A_1121 : i32 to index
      %get3A_1123 = arith.index_cast %select_n3A : i32 to index
      %get3A_1124 = arith.index_cast %mul3A_961 : i32 to index
      %get3A_1125 = tpu.vector_load %arg10[%get3A_1122, %get3A_1123, %get3A_1124] {strides = array<i32>} : memref<16x4x128xf32, #tpu.memory_space<vmem>>, vector<16xf32>,
      %add3A_1126 = arith.addf %add3A_1120, %get3A_1125 : vector<16xf32>
      %get3A_1127 = arith.constant 8 : i32
      %get3A_1128 = arith.index_cast %get3A_1127 : i32 to index
      %get3A_1129 = arith.index_cast %select_n3A : i32 to index
      %get3A_1130 = arith.index_cast %mul3A_961 : i32 to index
      %get3A_1131 = tpu.vector_load %arg10[%get3A_1128, %get3A_1129, %get3A_1130] {strides = array<i32>} : memref<16x4x128xf32, #tpu.memory_space<vmem>>, vector<16xf32>,
      %add3A_1132 = arith.addf %add3A_1126, %get3A_1131 : vector<16xf32>
      %get3A_1133 = arith.constant 9 : i32
      %get3A_1134 = arith.index_cast %get3A_1133 : i32 to index
      %get3A_1135 = arith.index_cast %select_n3A : i32 to index
      %get3A_1136 = arith.index_cast %mul3A_961 : i32 to index
      %get3A_1137 = tpu.vector_load %arg10[%get3A_1134, %get3A_1135, %get3A_1136] {strides = array<i32>} : memref<16x4x128xf32, #tpu.memory_space<vmem>>, vector<16xf32>,
      %add3A_1138 = arith.addf %add3A_1132, %get3A_1137 : vector<16xf32>
      %get3A_1139 = arith.constant 10 : i32
      %get3A_1140 = arith.index_cast %get3A_1139 : i32 to index
      %get3A_1141 = arith.index_cast %select_n3A : i32 to index
      %get3A_1142 = arith.index_cast %mul3A_961 : i32 to index
      %get3A_1143 = tpu.vector_load %arg10[%get3A_1140, %get3A_1141, %get3A_1142] {strides = array<i32>} : memref<16x4x128xf32, #tpu.memory_space<vmem>>, vector<16xf32>,
      %add3A_1144 = arith.addf %add3A_1138, %get3A_1143 : vector<16xf32>
      %get3A_1145 = arith.constant 11 : i32
      %get3A_1146 = arith.index_cast %get3A_1145 : i32 to index
      %get3A_1147 = arith.index_cast %select_n3A : i32 to index
      %get3A_1148 = arith.index_cast %mul3A_961 : i32 to index
      %get3A_1149 = tpu.vector_load %arg10[%get3A_1146, %get3A_1147, %get3A_1148] {strides = array<i32>} : memref<16x4x128xf32, #tpu.memory_space<vmem>>, vector<16xf32>,
      %add3A_1150 = arith.addf %add3A_1144, %get3A_1149 : vector<16xf32>
      %get3A_1151 = arith.constant 12 : i32
      %get3A_1152 = arith.index_cast %get3A_1151 : i32 to index
      %get3A_1153 = arith.index_cast %select_n3A : i32 to index
      %get3A_1154 = arith.index_cast %mul3A_961 : i32 to index
      %get3A_1155 = tpu.vector_load %arg10[%get3A_1152, %get3A_1153, %get3A_1154] {strides = array<i32>} : memref<16x4x128xf32, #tpu.memory_space<vmem>>, vector<16xf32>,
      %add3A_1156 = arith.addf %add3A_1150, %get3A_1155 : vector<16xf32>
      %get3A_1157 = arith.constant 13 : i32
      %get3A_1158 = arith.index_cast %get3A_1157 : i32 to index
      %get3A_1159 = arith.index_cast %select_n3A : i32 to index
      %get3A_1160 = arith.index_cast %mul3A_961 : i32 to index
      %get3A_1161 = tpu.vector_load %arg10[%get3A_1158, %get3A_1159, %get3A_1160] {strides = array<i32>} : memref<16x4x128xf32, #tpu.memory_space<vmem>>, vector<16xf32>,
      %add3A_1162 = arith.addf %add3A_1156, %get3A_1161 : vector<16xf32>
      %get3A_1163 = arith.constant 14 : i32
      %get3A_1164 = arith.index_cast %get3A_1163 : i32 to index
      %get3A_1165 = arith.index_cast %select_n3A : i32 to index
      %get3A_1166 = arith.index_cast %mul3A_961 : i32 to index
      %get3A_1167 = tpu.vector_load %arg10[%get3A_1164, %get3A_1165, %get3A_1166] {strides = array<i32>} : memref<16x4x128xf32, #tpu.memory_space<vmem>>, vector<16xf32>,
      %add3A_1168 = arith.addf %add3A_1162, %get3A_1167 : vector<16xf32>
      %get3A_1169 = arith.constant 15 : i32
      %get3A_1170 = arith.index_cast %get3A_1169 : i32 to index
      %get3A_1171 = arith.index_cast %select_n3A : i32 to index
      %get3A_1172 = arith.index_cast %mul3A_961 : i32 to index
      %get3A_1173 = tpu.vector_load %arg10[%get3A_1170, %get3A_1171, %get3A_1172] {strides = array<i32>} : memref<16x4x128xf32, #tpu.memory_space<vmem>>, vector<16xf32>,
      %add3A_1174 = arith.addf %add3A_1168, %get3A_1173 : vector<16xf32>
      %mul3A_1175 = arith.constant 16 : i32
      %mul3A_1176 = arith.muli %scan3A_929, %mul3A_1175 : i32
      %swap3A = arith.index_cast %mul3A_1176 : i32 to index
      %swap3A_1177 = tpu.vector_load %arg12[%swap3A] {strides = array<i32>} : memref<512xf32, #tpu.memory_space<vmem>>, vector<16xf32>,
      tpu.vector_store %arg12[%swap3A], %add3A_1174 {strides = array<i32>} : memref<512xf32, #tpu.memory_space<vmem>>, vector<16xf32>,
    }
    %scan3A_918 = arith.constant 32 : i32
    "tpu.region"() ({
      %run_scoped3A = tpu.sem_alloc : memref<!tpu.dma_semaphore, #tpu.memory_space<semaphore_mem>>
      %dma_start3A_929 = tpu.memref_slice %arg5[%mul3A_2] : memref<16384xf32, #tpu.memory_space<hbm>> -> memref<512xf32, #tpu.memory_space<hbm>>
      %dma_start3A_930 = tpu.memref_slice %arg5[%mul3A_2] : memref<16384xf32, #tpu.memory_space<hbm>> -> memref<512xf32, #tpu.memory_space<hbm>>
      tpu.enqueue_dma source(%arg12 : memref<512xf32, #tpu.memory_space<vmem>>) target(%dma_start3A_930 : memref<512xf32, #tpu.memory_space<hbm>>) target_semaphore(%run_scoped3A : memref<!tpu.dma_semaphore, #tpu.memory_space<semaphore_mem>>)
      %dma_wait3A_931 = tpu.memref_slice %arg5[%mul3A_2] : memref<16384xf32, #tpu.memory_space<hbm>> -> memref<512xf32, #tpu.memory_space<hbm>>
      %dma_wait3A_932 = tpu.memref_slice %arg5[%mul3A_2] : memref<16384xf32, #tpu.memory_space<hbm>> -> memref<512xf32, #tpu.memory_space<hbm>>
      tpu.wait_dma2 semaphore(%run_scoped3A : memref<!tpu.dma_semaphore, #tpu.memory_space<semaphore_mem>>) src(%arg12 : memref<512xf32, #tpu.memory_space<vmem>>) dst(%dma_wait3A_932 : memref<512xf32, #tpu.memory_space<hbm>>)
      tpu.yield
    }) : () -> ()
    %dma_wait3A_919 = arith.constant 0 : i32
    %dma_wait3A_920 = arith.constant 0 : i32
    %dma_wait3A_921 = arith.constant 0 : i32
    %dma_wait3A_922 = tpu.memref_slice %arg6[%add3A, %dma_wait3A_919, %dma_wait3A_920, %dma_wait3A_921] : memref<32x10x4x128xi32, #tpu.memory_space<hbm>> -> memref<1x10x4x128xi32, #tpu.memory_space<hbm>>
    %dma_wait3A_923 = tpu.memref_squeeze %dma_wait3A_922 : memref<1x10x4x128xi32, #tpu.memory_space<hbm>> -> memref<10x4x128xi32, #tpu.memory_space<hbm>>
    %dma_wait3A_924 = arith.constant 0 : i32
    %dma_wait3A_925 = arith.constant 0 : i32
    %dma_wait3A_926 = arith.constant 0 : i32
    %dma_wait3A_927 = tpu.memref_slice %arg6[%add3A, %dma_wait3A_924, %dma_wait3A_925, %dma_wait3A_926] : memref<32x10x4x128xi32, #tpu.memory_space<hbm>> -> memref<1x10x4x128xi32, #tpu.memory_space<hbm>>
    %dma_wait3A_928 = tpu.memref_squeeze %dma_wait3A_927 : memref<1x10x4x128xi32, #tpu.memory_space<hbm>> -> memref<10x4x128xi32, #tpu.memory_space<hbm>>
    tpu.wait_dma2 semaphore(%arg14 : memref<!tpu.dma_semaphore, #tpu.memory_space<semaphore_mem>>) src(%arg9 : memref<10x4x128xi32, #tpu.memory_space<vmem>>) dst(%dma_wait3A_928 : memref<10x4x128xi32, #tpu.memory_space<hbm>>)
    return
  }
}

module attributes {stable_mosaic.version = 14 : i64} {
  func.func @_tc1_body(%arg0: i32, %arg1: memref<16x98304xf32, #tpu.memory_space<vmem>>, %arg2: memref<16x26xf32, #tpu.memory_space<vmem>>, %arg3: memref<39x16384xf32, #tpu.memory_space<vmem>>, %arg4: memref<98304xf32, #tpu.memory_space<vmem>>, %arg5: memref<638976xf32, #tpu.memory_space<vmem>>) attributes {dimension_semantics = [#tpu.dimension_semantics<arbitrary>], iteration_bounds = array<i64: 17>, scalar_prefetch = 0 : i64, scratch_operands = 0 : i64, tpu.core_type = #tpu.core_type<tc>, window_params = [{transform_indices = @transform_0, window_bounds = array<i64: 16, 98304>}, {pipeline_mode = #tpu.pipeline_mode<synchronous>, transform_indices = @transform_1, window_bounds = array<i64: 16, 26>}, {pipeline_mode = #tpu.pipeline_mode<synchronous>, transform_indices = @transform_2, window_bounds = array<i64: 39, 16384>}, {transform_indices = @transform_3, window_bounds = array<i64: 98304>}, {pipeline_mode = #tpu.pipeline_mode<synchronous>, transform_indices = @transform_4, window_bounds = array<i64: 638976>}]} {
    %mul3A = arith.constant 98304 : i32
    %mul3A_0 = arith.muli %arg0, %mul3A : i32
    %jit3A = arith.constant 100000 : i32
    %div3A = arith.divsi %mul3A_0, %jit3A : i32
    %sign3A = arith.constant 0 : i32
    %sign3A_1 = arith.cmpi sgt, %mul3A_0, %sign3A : i32
    %sign3A_2 = arith.extui %sign3A_1 : i1 to i32
    %sign3A_3 = arith.constant 0 : i32
    %sign3A_4 = arith.cmpi slt, %mul3A_0, %sign3A_3 : i32
    %sign3A_5 = arith.extui %sign3A_4 : i1 to i32
    %sign3A_6 = arith.subi %sign3A_2, %sign3A_5 : i32
    %sign3A_7 = arith.constant 0 : i32
    %sign3A_8 = arith.cmpi sgt, %jit3A, %sign3A_7 : i32
    %sign3A_9 = arith.extui %sign3A_8 : i1 to i32
    %sign3A_10 = arith.constant 0 : i32
    %sign3A_11 = arith.cmpi slt, %jit3A, %sign3A_10 : i32
    %sign3A_12 = arith.extui %sign3A_11 : i1 to i32
    %sign3A_13 = arith.subi %sign3A_9, %sign3A_12 : i32
    %ne3A = arith.cmpi ne, %sign3A_6, %sign3A_13 : i32
    %rem3A = arith.remsi %mul3A_0, %jit3A : i32
    %ne3A_14 = arith.constant 0 : i32
    %ne3A_15 = arith.cmpi ne, %rem3A, %ne3A_14 : i32
    %and3A = arith.andi %ne3A, %ne3A_15 : i1
    %sub3A = arith.constant 1 : i32
    %sub3A_16 = arith.subi %div3A, %sub3A : i32
    %select_n3A = arith.select %and3A, %sub3A_16, %div3A : i32
    %iota3A = tpu.iota {dimensions = array<i32: 1>} : vector<2x26xi32>
    %iota3A_17 = tpu.iota {dimensions = array<i32: 0>} : vector<2x26xi32>
    %add3A = vector.broadcast %select_n3A : i32 to vector<2x26xi32>
    %add3A_18 = arith.addi %add3A, %iota3A_17 : vector<2x26xi32>
    %eq3A = arith.cmpi eq, %iota3A, %add3A_18 : vector<2x26xi32>
    %convert_element_type3A = arith.extui %eq3A : vector<2x26xi1> to vector<2x26xi32>
    %convert_element_type3A_19 = arith.sitofp %convert_element_type3A : vector<2x26xi32> to vector<2x26xf32>
    %get3A = arith.constant 0 : index
    %get3A_20 = arith.constant 0 : index
    %get3A_21 = vector.load %arg2[%get3A, %get3A_20] : memref<16x26xf32, #tpu.memory_space<vmem>>, vector<16x26xf32>
    %dot_general3A = arith.constant dense<0.000000e+00> : vector<2x16xf32>
    %dot_general3A_22 = tpu.matmul %convert_element_type3A_19, %get3A_21, %dot_general3A {dimension_numbers = #tpu.dot_dimension_numbers<[1], [1], [0], [0], [0, 0, 1, 0], [], []>, transpose_lhs_hint = false} : vector<2x26xf32>, vector<16x26xf32>, vector<2x16xf32> -> vector<2x16xf32>
    %get3A_23 = arith.constant 0 : index
    %get3A_24 = arith.constant 0 : index
    %get3A_25 = vector.load %arg1[%get3A_23, %get3A_24] : memref<16x98304xf32, #tpu.memory_space<vmem>>, vector<16x98304xf32>
    %dot_general3A_26 = arith.constant dense<0.000000e+00> : vector<2x98304xf32>
    %dot_general3A_27 = tpu.matmul %dot_general3A_22, %get3A_25, %dot_general3A_26 {dimension_numbers = #tpu.dot_dimension_numbers<[1], [0], [0], [1], [0, 0, 1, 1], [], []>, transpose_lhs_hint = false} : vector<2x16xf32>, vector<16x98304xf32>, vector<2x98304xf32> -> vector<2x98304xf32>
    %iota3A_28 = tpu.iota {dimensions = array<i32: 1>} : vector<1x98304xi32>
    %add3A_29 = arith.constant 1 : i32
    %add3A_30 = arith.addi %select_n3A, %add3A_29 : i32
    %mul3A_31 = arith.constant 100000 : i32
    %mul3A_32 = arith.muli %add3A_30, %mul3A_31 : i32
    %sub3A_33 = arith.subi %mul3A_32, %mul3A_0 : i32
    %ge3A = vector.broadcast %sub3A_33 : i32 to vector<1x98304xi32>
    %ge3A_34 = arith.cmpi sge, %iota3A_28, %ge3A : vector<1x98304xi32>
    %slice3A = vector.extract_strided_slice %dot_general3A_27 {offsets = [1, 0], sizes = [1, 98304], strides = [1, 1]} : vector<2x98304xf32> to vector<1x98304xf32>
    %slice3A_35 = vector.extract_strided_slice %dot_general3A_27 {offsets = [0, 0], sizes = [1, 98304], strides = [1, 1]} : vector<2x98304xf32> to vector<1x98304xf32>
    %select_n3A_36 = arith.select %ge3A_34, %slice3A, %slice3A_35 : vector<1x98304xi1>, vector<1x98304xf32>
    %squeeze3A = vector.shape_cast %select_n3A_36 : vector<1x98304xf32> to vector<98304xf32>
    %swap3A = arith.constant 0 : index
    %swap3A_37 = vector.load %arg4[%swap3A] : memref<98304xf32, #tpu.memory_space<vmem>>, vector<98304xf32>
    tpu.vector_store %arg4[%swap3A], %squeeze3A {strides = array<i32>} : memref<98304xf32, #tpu.memory_space<vmem>>, vector<98304xf32>,
    %eq3A_38 = arith.constant 0 : i32
    %eq3A_39 = arith.cmpi eq, %arg0, %eq3A_38 : i32
    %convert_element_type3A_40 = arith.extui %eq3A_39 : i1 to i32
    %cond3A = arith.constant 0 : i32
    %cond3A_41 = arith.cmpi ne, %convert_element_type3A_40, %cond3A : i32
    scf.if %cond3A_41 {
      %get3A_42 = arith.constant 0 : index
      %get3A_43 = arith.constant 0 : index
      %get3A_44 = vector.load %arg3[%get3A_42, %get3A_43] : memref<39x16384xf32, #tpu.memory_space<vmem>>, vector<1x16384xf32>
      %get3A_45 = vector.shape_cast %get3A_44 : vector<1x16384xf32> to vector<16384xf32>
      %swap3A_46 = arith.constant 0 : index
      %swap3A_47 = vector.load %arg5[%swap3A_46] : memref<638976xf32, #tpu.memory_space<vmem>>, vector<16384xf32>
      tpu.vector_store %arg5[%swap3A_46], %get3A_45 {strides = array<i32>} : memref<638976xf32, #tpu.memory_space<vmem>>, vector<16384xf32>,
      %get3A_48 = arith.constant 1 : index
      %get3A_49 = arith.constant 0 : index
      %get3A_50 = vector.load %arg3[%get3A_48, %get3A_49] : memref<39x16384xf32, #tpu.memory_space<vmem>>, vector<1x16384xf32>
      %get3A_51 = vector.shape_cast %get3A_50 : vector<1x16384xf32> to vector<16384xf32>
      %swap3A_52 = arith.constant 16384 : index
      %swap3A_53 = vector.load %arg5[%swap3A_52] : memref<638976xf32, #tpu.memory_space<vmem>>, vector<16384xf32>
      tpu.vector_store %arg5[%swap3A_52], %get3A_51 {strides = array<i32>} : memref<638976xf32, #tpu.memory_space<vmem>>, vector<16384xf32>,
      %get3A_54 = arith.constant 2 : index
      %get3A_55 = arith.constant 0 : index
      %get3A_56 = vector.load %arg3[%get3A_54, %get3A_55] : memref<39x16384xf32, #tpu.memory_space<vmem>>, vector<1x16384xf32>
      %get3A_57 = vector.shape_cast %get3A_56 : vector<1x16384xf32> to vector<16384xf32>
      %swap3A_58 = arith.constant 32768 : index
      %swap3A_59 = vector.load %arg5[%swap3A_58] : memref<638976xf32, #tpu.memory_space<vmem>>, vector<16384xf32>
      tpu.vector_store %arg5[%swap3A_58], %get3A_57 {strides = array<i32>} : memref<638976xf32, #tpu.memory_space<vmem>>, vector<16384xf32>,
      %get3A_60 = arith.constant 3 : index
      %get3A_61 = arith.constant 0 : index
      %get3A_62 = vector.load %arg3[%get3A_60, %get3A_61] : memref<39x16384xf32, #tpu.memory_space<vmem>>, vector<1x16384xf32>
      %get3A_63 = vector.shape_cast %get3A_62 : vector<1x16384xf32> to vector<16384xf32>
      %swap3A_64 = arith.constant 49152 : index
      %swap3A_65 = vector.load %arg5[%swap3A_64] : memref<638976xf32, #tpu.memory_space<vmem>>, vector<16384xf32>
      tpu.vector_store %arg5[%swap3A_64], %get3A_63 {strides = array<i32>} : memref<638976xf32, #tpu.memory_space<vmem>>, vector<16384xf32>,
      %get3A_66 = arith.constant 4 : index
      %get3A_67 = arith.constant 0 : index
      %get3A_68 = vector.load %arg3[%get3A_66, %get3A_67] : memref<39x16384xf32, #tpu.memory_space<vmem>>, vector<1x16384xf32>
      %get3A_69 = vector.shape_cast %get3A_68 : vector<1x16384xf32> to vector<16384xf32>
      %swap3A_70 = arith.constant 65536 : index
      %swap3A_71 = vector.load %arg5[%swap3A_70] : memref<638976xf32, #tpu.memory_space<vmem>>, vector<16384xf32>
      tpu.vector_store %arg5[%swap3A_70], %get3A_69 {strides = array<i32>} : memref<638976xf32, #tpu.memory_space<vmem>>, vector<16384xf32>,
      %get3A_72 = arith.constant 5 : index
      %get3A_73 = arith.constant 0 : index
      %get3A_74 = vector.load %arg3[%get3A_72, %get3A_73] : memref<39x16384xf32, #tpu.memory_space<vmem>>, vector<1x16384xf32>
      %get3A_75 = vector.shape_cast %get3A_74 : vector<1x16384xf32> to vector<16384xf32>
      %swap3A_76 = arith.constant 81920 : index
      %swap3A_77 = vector.load %arg5[%swap3A_76] : memref<638976xf32, #tpu.memory_space<vmem>>, vector<16384xf32>
      tpu.vector_store %arg5[%swap3A_76], %get3A_75 {strides = array<i32>} : memref<638976xf32, #tpu.memory_space<vmem>>, vector<16384xf32>,
      %get3A_78 = arith.constant 6 : index
      %get3A_79 = arith.constant 0 : index
      %get3A_80 = vector.load %arg3[%get3A_78, %get3A_79] : memref<39x16384xf32, #tpu.memory_space<vmem>>, vector<1x16384xf32>
      %get3A_81 = vector.shape_cast %get3A_80 : vector<1x16384xf32> to vector<16384xf32>
      %swap3A_82 = arith.constant 98304 : index
      %swap3A_83 = vector.load %arg5[%swap3A_82] : memref<638976xf32, #tpu.memory_space<vmem>>, vector<16384xf32>
      tpu.vector_store %arg5[%swap3A_82], %get3A_81 {strides = array<i32>} : memref<638976xf32, #tpu.memory_space<vmem>>, vector<16384xf32>,
      %get3A_84 = arith.constant 7 : index
      %get3A_85 = arith.constant 0 : index
      %get3A_86 = vector.load %arg3[%get3A_84, %get3A_85] : memref<39x16384xf32, #tpu.memory_space<vmem>>, vector<1x16384xf32>
      %get3A_87 = vector.shape_cast %get3A_86 : vector<1x16384xf32> to vector<16384xf32>
      %swap3A_88 = arith.constant 114688 : index
      %swap3A_89 = vector.load %arg5[%swap3A_88] : memref<638976xf32, #tpu.memory_space<vmem>>, vector<16384xf32>
      tpu.vector_store %arg5[%swap3A_88], %get3A_87 {strides = array<i32>} : memref<638976xf32, #tpu.memory_space<vmem>>, vector<16384xf32>,
      %get3A_90 = arith.constant 8 : index
      %get3A_91 = arith.constant 0 : index
      %get3A_92 = vector.load %arg3[%get3A_90, %get3A_91] : memref<39x16384xf32, #tpu.memory_space<vmem>>, vector<1x16384xf32>
      %get3A_93 = vector.shape_cast %get3A_92 : vector<1x16384xf32> to vector<16384xf32>
      %swap3A_94 = arith.constant 131072 : index
      %swap3A_95 = vector.load %arg5[%swap3A_94] : memref<638976xf32, #tpu.memory_space<vmem>>, vector<16384xf32>
      tpu.vector_store %arg5[%swap3A_94], %get3A_93 {strides = array<i32>} : memref<638976xf32, #tpu.memory_space<vmem>>, vector<16384xf32>,
      %get3A_96 = arith.constant 9 : index
      %get3A_97 = arith.constant 0 : index
      %get3A_98 = vector.load %arg3[%get3A_96, %get3A_97] : memref<39x16384xf32, #tpu.memory_space<vmem>>, vector<1x16384xf32>
      %get3A_99 = vector.shape_cast %get3A_98 : vector<1x16384xf32> to vector<16384xf32>
      %swap3A_100 = arith.constant 147456 : index
      %swap3A_101 = vector.load %arg5[%swap3A_100] : memref<638976xf32, #tpu.memory_space<vmem>>, vector<16384xf32>
      tpu.vector_store %arg5[%swap3A_100], %get3A_99 {strides = array<i32>} : memref<638976xf32, #tpu.memory_space<vmem>>, vector<16384xf32>,
      %get3A_102 = arith.constant 10 : index
      %get3A_103 = arith.constant 0 : index
      %get3A_104 = vector.load %arg3[%get3A_102, %get3A_103] : memref<39x16384xf32, #tpu.memory_space<vmem>>, vector<1x16384xf32>
      %get3A_105 = vector.shape_cast %get3A_104 : vector<1x16384xf32> to vector<16384xf32>
      %swap3A_106 = arith.constant 163840 : index
      %swap3A_107 = vector.load %arg5[%swap3A_106] : memref<638976xf32, #tpu.memory_space<vmem>>, vector<16384xf32>
      tpu.vector_store %arg5[%swap3A_106], %get3A_105 {strides = array<i32>} : memref<638976xf32, #tpu.memory_space<vmem>>, vector<16384xf32>,
      %get3A_108 = arith.constant 11 : index
      %get3A_109 = arith.constant 0 : index
      %get3A_110 = vector.load %arg3[%get3A_108, %get3A_109] : memref<39x16384xf32, #tpu.memory_space<vmem>>, vector<1x16384xf32>
      %get3A_111 = vector.shape_cast %get3A_110 : vector<1x16384xf32> to vector<16384xf32>
      %swap3A_112 = arith.constant 180224 : index
      %swap3A_113 = vector.load %arg5[%swap3A_112] : memref<638976xf32, #tpu.memory_space<vmem>>, vector<16384xf32>
      tpu.vector_store %arg5[%swap3A_112], %get3A_111 {strides = array<i32>} : memref<638976xf32, #tpu.memory_space<vmem>>, vector<16384xf32>,
      %get3A_114 = arith.constant 12 : index
      %get3A_115 = arith.constant 0 : index
      %get3A_116 = vector.load %arg3[%get3A_114, %get3A_115] : memref<39x16384xf32, #tpu.memory_space<vmem>>, vector<1x16384xf32>
      %get3A_117 = vector.shape_cast %get3A_116 : vector<1x16384xf32> to vector<16384xf32>
      %swap3A_118 = arith.constant 196608 : index
      %swap3A_119 = vector.load %arg5[%swap3A_118] : memref<638976xf32, #tpu.memory_space<vmem>>, vector<16384xf32>
      tpu.vector_store %arg5[%swap3A_118], %get3A_117 {strides = array<i32>} : memref<638976xf32, #tpu.memory_space<vmem>>, vector<16384xf32>,
      %get3A_120 = arith.constant 13 : index
      %get3A_121 = arith.constant 0 : index
      %get3A_122 = vector.load %arg3[%get3A_120, %get3A_121] : memref<39x16384xf32, #tpu.memory_space<vmem>>, vector<1x16384xf32>
      %get3A_123 = vector.shape_cast %get3A_122 : vector<1x16384xf32> to vector<16384xf32>
      %swap3A_124 = arith.constant 212992 : index
      %swap3A_125 = vector.load %arg5[%swap3A_124] : memref<638976xf32, #tpu.memory_space<vmem>>, vector<16384xf32>
      tpu.vector_store %arg5[%swap3A_124], %get3A_123 {strides = array<i32>} : memref<638976xf32, #tpu.memory_space<vmem>>, vector<16384xf32>,
      %get3A_126 = arith.constant 14 : index
      %get3A_127 = arith.constant 0 : index
      %get3A_128 = vector.load %arg3[%get3A_126, %get3A_127] : memref<39x16384xf32, #tpu.memory_space<vmem>>, vector<1x16384xf32>
      %get3A_129 = vector.shape_cast %get3A_128 : vector<1x16384xf32> to vector<16384xf32>
      %swap3A_130 = arith.constant 229376 : index
      %swap3A_131 = vector.load %arg5[%swap3A_130] : memref<638976xf32, #tpu.memory_space<vmem>>, vector<16384xf32>
      tpu.vector_store %arg5[%swap3A_130], %get3A_129 {strides = array<i32>} : memref<638976xf32, #tpu.memory_space<vmem>>, vector<16384xf32>,
      %get3A_132 = arith.constant 15 : index
      %get3A_133 = arith.constant 0 : index
      %get3A_134 = vector.load %arg3[%get3A_132, %get3A_133] : memref<39x16384xf32, #tpu.memory_space<vmem>>, vector<1x16384xf32>
      %get3A_135 = vector.shape_cast %get3A_134 : vector<1x16384xf32> to vector<16384xf32>
      %swap3A_136 = arith.constant 245760 : index
      %swap3A_137 = vector.load %arg5[%swap3A_136] : memref<638976xf32, #tpu.memory_space<vmem>>, vector<16384xf32>
      tpu.vector_store %arg5[%swap3A_136], %get3A_135 {strides = array<i32>} : memref<638976xf32, #tpu.memory_space<vmem>>, vector<16384xf32>,
      %get3A_138 = arith.constant 16 : index
      %get3A_139 = arith.constant 0 : index
      %get3A_140 = vector.load %arg3[%get3A_138, %get3A_139] : memref<39x16384xf32, #tpu.memory_space<vmem>>, vector<1x16384xf32>
      %get3A_141 = vector.shape_cast %get3A_140 : vector<1x16384xf32> to vector<16384xf32>
      %swap3A_142 = arith.constant 262144 : index
      %swap3A_143 = vector.load %arg5[%swap3A_142] : memref<638976xf32, #tpu.memory_space<vmem>>, vector<16384xf32>
      tpu.vector_store %arg5[%swap3A_142], %get3A_141 {strides = array<i32>} : memref<638976xf32, #tpu.memory_space<vmem>>, vector<16384xf32>,
      %get3A_144 = arith.constant 17 : index
      %get3A_145 = arith.constant 0 : index
      %get3A_146 = vector.load %arg3[%get3A_144, %get3A_145] : memref<39x16384xf32, #tpu.memory_space<vmem>>, vector<1x16384xf32>
      %get3A_147 = vector.shape_cast %get3A_146 : vector<1x16384xf32> to vector<16384xf32>
      %swap3A_148 = arith.constant 278528 : index
      %swap3A_149 = vector.load %arg5[%swap3A_148] : memref<638976xf32, #tpu.memory_space<vmem>>, vector<16384xf32>
      tpu.vector_store %arg5[%swap3A_148], %get3A_147 {strides = array<i32>} : memref<638976xf32, #tpu.memory_space<vmem>>, vector<16384xf32>,
      %get3A_150 = arith.constant 18 : index
      %get3A_151 = arith.constant 0 : index
      %get3A_152 = vector.load %arg3[%get3A_150, %get3A_151] : memref<39x16384xf32, #tpu.memory_space<vmem>>, vector<1x16384xf32>
      %get3A_153 = vector.shape_cast %get3A_152 : vector<1x16384xf32> to vector<16384xf32>
      %swap3A_154 = arith.constant 294912 : index
      %swap3A_155 = vector.load %arg5[%swap3A_154] : memref<638976xf32, #tpu.memory_space<vmem>>, vector<16384xf32>
      tpu.vector_store %arg5[%swap3A_154], %get3A_153 {strides = array<i32>} : memref<638976xf32, #tpu.memory_space<vmem>>, vector<16384xf32>,
      %get3A_156 = arith.constant 19 : index
      %get3A_157 = arith.constant 0 : index
      %get3A_158 = vector.load %arg3[%get3A_156, %get3A_157] : memref<39x16384xf32, #tpu.memory_space<vmem>>, vector<1x16384xf32>
      %get3A_159 = vector.shape_cast %get3A_158 : vector<1x16384xf32> to vector<16384xf32>
      %swap3A_160 = arith.constant 311296 : index
      %swap3A_161 = vector.load %arg5[%swap3A_160] : memref<638976xf32, #tpu.memory_space<vmem>>, vector<16384xf32>
      tpu.vector_store %arg5[%swap3A_160], %get3A_159 {strides = array<i32>} : memref<638976xf32, #tpu.memory_space<vmem>>, vector<16384xf32>,
      %get3A_162 = arith.constant 20 : index
      %get3A_163 = arith.constant 0 : index
      %get3A_164 = vector.load %arg3[%get3A_162, %get3A_163] : memref<39x16384xf32, #tpu.memory_space<vmem>>, vector<1x16384xf32>
      %get3A_165 = vector.shape_cast %get3A_164 : vector<1x16384xf32> to vector<16384xf32>
      %swap3A_166 = arith.constant 327680 : index
      %swap3A_167 = vector.load %arg5[%swap3A_166] : memref<638976xf32, #tpu.memory_space<vmem>>, vector<16384xf32>
      tpu.vector_store %arg5[%swap3A_166], %get3A_165 {strides = array<i32>} : memref<638976xf32, #tpu.memory_space<vmem>>, vector<16384xf32>,
      %get3A_168 = arith.constant 21 : index
      %get3A_169 = arith.constant 0 : index
      %get3A_170 = vector.load %arg3[%get3A_168, %get3A_169] : memref<39x16384xf32, #tpu.memory_space<vmem>>, vector<1x16384xf32>
      %get3A_171 = vector.shape_cast %get3A_170 : vector<1x16384xf32> to vector<16384xf32>
      %swap3A_172 = arith.constant 344064 : index
      %swap3A_173 = vector.load %arg5[%swap3A_172] : memref<638976xf32, #tpu.memory_space<vmem>>, vector<16384xf32>
      tpu.vector_store %arg5[%swap3A_172], %get3A_171 {strides = array<i32>} : memref<638976xf32, #tpu.memory_space<vmem>>, vector<16384xf32>,
      %get3A_174 = arith.constant 22 : index
      %get3A_175 = arith.constant 0 : index
      %get3A_176 = vector.load %arg3[%get3A_174, %get3A_175] : memref<39x16384xf32, #tpu.memory_space<vmem>>, vector<1x16384xf32>
      %get3A_177 = vector.shape_cast %get3A_176 : vector<1x16384xf32> to vector<16384xf32>
      %swap3A_178 = arith.constant 360448 : index
      %swap3A_179 = vector.load %arg5[%swap3A_178] : memref<638976xf32, #tpu.memory_space<vmem>>, vector<16384xf32>
      tpu.vector_store %arg5[%swap3A_178], %get3A_177 {strides = array<i32>} : memref<638976xf32, #tpu.memory_space<vmem>>, vector<16384xf32>,
      %get3A_180 = arith.constant 23 : index
      %get3A_181 = arith.constant 0 : index
      %get3A_182 = vector.load %arg3[%get3A_180, %get3A_181] : memref<39x16384xf32, #tpu.memory_space<vmem>>, vector<1x16384xf32>
      %get3A_183 = vector.shape_cast %get3A_182 : vector<1x16384xf32> to vector<16384xf32>
      %swap3A_184 = arith.constant 376832 : index
      %swap3A_185 = vector.load %arg5[%swap3A_184] : memref<638976xf32, #tpu.memory_space<vmem>>, vector<16384xf32>
      tpu.vector_store %arg5[%swap3A_184], %get3A_183 {strides = array<i32>} : memref<638976xf32, #tpu.memory_space<vmem>>, vector<16384xf32>,
      %get3A_186 = arith.constant 24 : index
      %get3A_187 = arith.constant 0 : index
      %get3A_188 = vector.load %arg3[%get3A_186, %get3A_187] : memref<39x16384xf32, #tpu.memory_space<vmem>>, vector<1x16384xf32>
      %get3A_189 = vector.shape_cast %get3A_188 : vector<1x16384xf32> to vector<16384xf32>
      %swap3A_190 = arith.constant 393216 : index
      %swap3A_191 = vector.load %arg5[%swap3A_190] : memref<638976xf32, #tpu.memory_space<vmem>>, vector<16384xf32>
      tpu.vector_store %arg5[%swap3A_190], %get3A_189 {strides = array<i32>} : memref<638976xf32, #tpu.memory_space<vmem>>, vector<16384xf32>,
      %get3A_192 = arith.constant 25 : index
      %get3A_193 = arith.constant 0 : index
      %get3A_194 = vector.load %arg3[%get3A_192, %get3A_193] : memref<39x16384xf32, #tpu.memory_space<vmem>>, vector<1x16384xf32>
      %get3A_195 = vector.shape_cast %get3A_194 : vector<1x16384xf32> to vector<16384xf32>
      %swap3A_196 = arith.constant 409600 : index
      %swap3A_197 = vector.load %arg5[%swap3A_196] : memref<638976xf32, #tpu.memory_space<vmem>>, vector<16384xf32>
      tpu.vector_store %arg5[%swap3A_196], %get3A_195 {strides = array<i32>} : memref<638976xf32, #tpu.memory_space<vmem>>, vector<16384xf32>,
      %get3A_198 = arith.constant 26 : index
      %get3A_199 = arith.constant 0 : index
      %get3A_200 = vector.load %arg3[%get3A_198, %get3A_199] : memref<39x16384xf32, #tpu.memory_space<vmem>>, vector<1x16384xf32>
      %get3A_201 = vector.shape_cast %get3A_200 : vector<1x16384xf32> to vector<16384xf32>
      %swap3A_202 = arith.constant 425984 : index
      %swap3A_203 = vector.load %arg5[%swap3A_202] : memref<638976xf32, #tpu.memory_space<vmem>>, vector<16384xf32>
      tpu.vector_store %arg5[%swap3A_202], %get3A_201 {strides = array<i32>} : memref<638976xf32, #tpu.memory_space<vmem>>, vector<16384xf32>,
      %get3A_204 = arith.constant 27 : index
      %get3A_205 = arith.constant 0 : index
      %get3A_206 = vector.load %arg3[%get3A_204, %get3A_205] : memref<39x16384xf32, #tpu.memory_space<vmem>>, vector<1x16384xf32>
      %get3A_207 = vector.shape_cast %get3A_206 : vector<1x16384xf32> to vector<16384xf32>
      %swap3A_208 = arith.constant 442368 : index
      %swap3A_209 = vector.load %arg5[%swap3A_208] : memref<638976xf32, #tpu.memory_space<vmem>>, vector<16384xf32>
      tpu.vector_store %arg5[%swap3A_208], %get3A_207 {strides = array<i32>} : memref<638976xf32, #tpu.memory_space<vmem>>, vector<16384xf32>,
      %get3A_210 = arith.constant 28 : index
      %get3A_211 = arith.constant 0 : index
      %get3A_212 = vector.load %arg3[%get3A_210, %get3A_211] : memref<39x16384xf32, #tpu.memory_space<vmem>>, vector<1x16384xf32>
      %get3A_213 = vector.shape_cast %get3A_212 : vector<1x16384xf32> to vector<16384xf32>
      %swap3A_214 = arith.constant 458752 : index
      %swap3A_215 = vector.load %arg5[%swap3A_214] : memref<638976xf32, #tpu.memory_space<vmem>>, vector<16384xf32>
      tpu.vector_store %arg5[%swap3A_214], %get3A_213 {strides = array<i32>} : memref<638976xf32, #tpu.memory_space<vmem>>, vector<16384xf32>,
      %get3A_216 = arith.constant 29 : index
      %get3A_217 = arith.constant 0 : index
      %get3A_218 = vector.load %arg3[%get3A_216, %get3A_217] : memref<39x16384xf32, #tpu.memory_space<vmem>>, vector<1x16384xf32>
      %get3A_219 = vector.shape_cast %get3A_218 : vector<1x16384xf32> to vector<16384xf32>
      %swap3A_220 = arith.constant 475136 : index
      %swap3A_221 = vector.load %arg5[%swap3A_220] : memref<638976xf32, #tpu.memory_space<vmem>>, vector<16384xf32>
      tpu.vector_store %arg5[%swap3A_220], %get3A_219 {strides = array<i32>} : memref<638976xf32, #tpu.memory_space<vmem>>, vector<16384xf32>,
      %get3A_222 = arith.constant 30 : index
      %get3A_223 = arith.constant 0 : index
      %get3A_224 = vector.load %arg3[%get3A_222, %get3A_223] : memref<39x16384xf32, #tpu.memory_space<vmem>>, vector<1x16384xf32>
      %get3A_225 = vector.shape_cast %get3A_224 : vector<1x16384xf32> to vector<16384xf32>
      %swap3A_226 = arith.constant 491520 : index
      %swap3A_227 = vector.load %arg5[%swap3A_226] : memref<638976xf32, #tpu.memory_space<vmem>>, vector<16384xf32>
      tpu.vector_store %arg5[%swap3A_226], %get3A_225 {strides = array<i32>} : memref<638976xf32, #tpu.memory_space<vmem>>, vector<16384xf32>,
      %get3A_228 = arith.constant 31 : index
      %get3A_229 = arith.constant 0 : index
      %get3A_230 = vector.load %arg3[%get3A_228, %get3A_229] : memref<39x16384xf32, #tpu.memory_space<vmem>>, vector<1x16384xf32>
      %get3A_231 = vector.shape_cast %get3A_230 : vector<1x16384xf32> to vector<16384xf32>
      %swap3A_232 = arith.constant 507904 : index
      %swap3A_233 = vector.load %arg5[%swap3A_232] : memref<638976xf32, #tpu.memory_space<vmem>>, vector<16384xf32>
      tpu.vector_store %arg5[%swap3A_232], %get3A_231 {strides = array<i32>} : memref<638976xf32, #tpu.memory_space<vmem>>, vector<16384xf32>,
      %get3A_234 = arith.constant 32 : index
      %get3A_235 = arith.constant 0 : index
      %get3A_236 = vector.load %arg3[%get3A_234, %get3A_235] : memref<39x16384xf32, #tpu.memory_space<vmem>>, vector<1x16384xf32>
      %get3A_237 = vector.shape_cast %get3A_236 : vector<1x16384xf32> to vector<16384xf32>
      %swap3A_238 = arith.constant 524288 : index
      %swap3A_239 = vector.load %arg5[%swap3A_238] : memref<638976xf32, #tpu.memory_space<vmem>>, vector<16384xf32>
      tpu.vector_store %arg5[%swap3A_238], %get3A_237 {strides = array<i32>} : memref<638976xf32, #tpu.memory_space<vmem>>, vector<16384xf32>,
      %get3A_240 = arith.constant 33 : index
      %get3A_241 = arith.constant 0 : index
      %get3A_242 = vector.load %arg3[%get3A_240, %get3A_241] : memref<39x16384xf32, #tpu.memory_space<vmem>>, vector<1x16384xf32>
      %get3A_243 = vector.shape_cast %get3A_242 : vector<1x16384xf32> to vector<16384xf32>
      %swap3A_244 = arith.constant 540672 : index
      %swap3A_245 = vector.load %arg5[%swap3A_244] : memref<638976xf32, #tpu.memory_space<vmem>>, vector<16384xf32>
      tpu.vector_store %arg5[%swap3A_244], %get3A_243 {strides = array<i32>} : memref<638976xf32, #tpu.memory_space<vmem>>, vector<16384xf32>,
      %get3A_246 = arith.constant 34 : index
      %get3A_247 = arith.constant 0 : index
      %get3A_248 = vector.load %arg3[%get3A_246, %get3A_247] : memref<39x16384xf32, #tpu.memory_space<vmem>>, vector<1x16384xf32>
      %get3A_249 = vector.shape_cast %get3A_248 : vector<1x16384xf32> to vector<16384xf32>
      %swap3A_250 = arith.constant 557056 : index
      %swap3A_251 = vector.load %arg5[%swap3A_250] : memref<638976xf32, #tpu.memory_space<vmem>>, vector<16384xf32>
      tpu.vector_store %arg5[%swap3A_250], %get3A_249 {strides = array<i32>} : memref<638976xf32, #tpu.memory_space<vmem>>, vector<16384xf32>,
      %get3A_252 = arith.constant 35 : index
      %get3A_253 = arith.constant 0 : index
      %get3A_254 = vector.load %arg3[%get3A_252, %get3A_253] : memref<39x16384xf32, #tpu.memory_space<vmem>>, vector<1x16384xf32>
      %get3A_255 = vector.shape_cast %get3A_254 : vector<1x16384xf32> to vector<16384xf32>
      %swap3A_256 = arith.constant 573440 : index
      %swap3A_257 = vector.load %arg5[%swap3A_256] : memref<638976xf32, #tpu.memory_space<vmem>>, vector<16384xf32>
      tpu.vector_store %arg5[%swap3A_256], %get3A_255 {strides = array<i32>} : memref<638976xf32, #tpu.memory_space<vmem>>, vector<16384xf32>,
      %get3A_258 = arith.constant 36 : index
      %get3A_259 = arith.constant 0 : index
      %get3A_260 = vector.load %arg3[%get3A_258, %get3A_259] : memref<39x16384xf32, #tpu.memory_space<vmem>>, vector<1x16384xf32>
      %get3A_261 = vector.shape_cast %get3A_260 : vector<1x16384xf32> to vector<16384xf32>
      %swap3A_262 = arith.constant 589824 : index
      %swap3A_263 = vector.load %arg5[%swap3A_262] : memref<638976xf32, #tpu.memory_space<vmem>>, vector<16384xf32>
      tpu.vector_store %arg5[%swap3A_262], %get3A_261 {strides = array<i32>} : memref<638976xf32, #tpu.memory_space<vmem>>, vector<16384xf32>,
      %get3A_264 = arith.constant 37 : index
      %get3A_265 = arith.constant 0 : index
      %get3A_266 = vector.load %arg3[%get3A_264, %get3A_265] : memref<39x16384xf32, #tpu.memory_space<vmem>>, vector<1x16384xf32>
      %get3A_267 = vector.shape_cast %get3A_266 : vector<1x16384xf32> to vector<16384xf32>
      %swap3A_268 = arith.constant 606208 : index
      %swap3A_269 = vector.load %arg5[%swap3A_268] : memref<638976xf32, #tpu.memory_space<vmem>>, vector<16384xf32>
      tpu.vector_store %arg5[%swap3A_268], %get3A_267 {strides = array<i32>} : memref<638976xf32, #tpu.memory_space<vmem>>, vector<16384xf32>,
      %get3A_270 = arith.constant 38 : index
      %get3A_271 = arith.constant 0 : index
      %get3A_272 = vector.load %arg3[%get3A_270, %get3A_271] : memref<39x16384xf32, #tpu.memory_space<vmem>>, vector<1x16384xf32>
      %get3A_273 = vector.shape_cast %get3A_272 : vector<1x16384xf32> to vector<16384xf32>
      %swap3A_274 = arith.constant 622592 : index
      %swap3A_275 = vector.load %arg5[%swap3A_274] : memref<638976xf32, #tpu.memory_space<vmem>>, vector<16384xf32>
      tpu.vector_store %arg5[%swap3A_274], %get3A_273 {strides = array<i32>} : memref<638976xf32, #tpu.memory_space<vmem>>, vector<16384xf32>,
    } else {
    }
    return
  }
  func.func @transform_0(%arg0: i32) -> (i32, i32) {
    %c0_i32 = arith.constant 0 : i32
    %c0_i32_0 = arith.constant 0 : i32
    return %c0_i32, %arg0 : i32, i32
  }
  func.func @transform_1(%arg0: i32) -> (i32, i32) {
    %c0_i32 = arith.constant 0 : i32
    %c0_i32_0 = arith.constant 0 : i32
    %c0_i32_1 = arith.constant 0 : i32
    return %c0_i32, %c0_i32_0 : i32, i32
  }
  func.func @transform_2(%arg0: i32) -> (i32, i32) {
    %c0_i32 = arith.constant 0 : i32
    %c0_i32_0 = arith.constant 0 : i32
    %c0_i32_1 = arith.constant 0 : i32
    return %c0_i32, %c0_i32_0 : i32, i32
  }
  func.func @transform_3(%arg0: i32) -> i32 {
    %c0_i32 = arith.constant 0 : i32
    return %arg0 : i32
  }
  func.func @transform_4(%arg0: i32) -> i32 {
    %c0_i32 = arith.constant 0 : i32
    %c0_i32_0 = arith.constant 0 : i32
    return %c0_i32 : i32
  }
}

module attributes {stable_mosaic.version = 14 : i64} {
  func.func @_tc2_body(%arg0: i32, %arg1: memref<16x98304xf32, #tpu.memory_space<vmem>>, %arg2: memref<16x26xf32, #tpu.memory_space<vmem>>, %arg3: memref<98304xf32, #tpu.memory_space<vmem>>) attributes {dimension_semantics = [#tpu.dimension_semantics<arbitrary>], iteration_bounds = array<i64: 11>, scalar_prefetch = 0 : i64, scratch_operands = 0 : i64, tpu.core_type = #tpu.core_type<tc>, window_params = [{transform_indices = @transform_0, window_bounds = array<i64: 16, 98304>}, {pipeline_mode = #tpu.pipeline_mode<synchronous>, transform_indices = @transform_1, window_bounds = array<i64: 16, 26>}, {transform_indices = @transform_2, window_bounds = array<i64: 98304>}]} {
    %add3A = arith.constant 16 : i32
    %add3A_0 = arith.addi %arg0, %add3A : i32
    %mul3A = arith.constant 98304 : i32
    %mul3A_1 = arith.muli %add3A_0, %mul3A : i32
    %jit3A = arith.constant 100000 : i32
    %div3A = arith.divsi %mul3A_1, %jit3A : i32
    %sign3A = arith.constant 0 : i32
    %sign3A_2 = arith.cmpi sgt, %mul3A_1, %sign3A : i32
    %sign3A_3 = arith.extui %sign3A_2 : i1 to i32
    %sign3A_4 = arith.constant 0 : i32
    %sign3A_5 = arith.cmpi slt, %mul3A_1, %sign3A_4 : i32
    %sign3A_6 = arith.extui %sign3A_5 : i1 to i32
    %sign3A_7 = arith.subi %sign3A_3, %sign3A_6 : i32
    %sign3A_8 = arith.constant 0 : i32
    %sign3A_9 = arith.cmpi sgt, %jit3A, %sign3A_8 : i32
    %sign3A_10 = arith.extui %sign3A_9 : i1 to i32
    %sign3A_11 = arith.constant 0 : i32
    %sign3A_12 = arith.cmpi slt, %jit3A, %sign3A_11 : i32
    %sign3A_13 = arith.extui %sign3A_12 : i1 to i32
    %sign3A_14 = arith.subi %sign3A_10, %sign3A_13 : i32
    %ne3A = arith.cmpi ne, %sign3A_7, %sign3A_14 : i32
    %rem3A = arith.remsi %mul3A_1, %jit3A : i32
    %ne3A_15 = arith.constant 0 : i32
    %ne3A_16 = arith.cmpi ne, %rem3A, %ne3A_15 : i32
    %and3A = arith.andi %ne3A, %ne3A_16 : i1
    %sub3A = arith.constant 1 : i32
    %sub3A_17 = arith.subi %div3A, %sub3A : i32
    %select_n3A = arith.select %and3A, %sub3A_17, %div3A : i32
    %iota3A = tpu.iota {dimensions = array<i32: 1>} : vector<2x26xi32>
    %iota3A_18 = tpu.iota {dimensions = array<i32: 0>} : vector<2x26xi32>
    %add3A_19 = vector.broadcast %select_n3A : i32 to vector<2x26xi32>
    %add3A_20 = arith.addi %add3A_19, %iota3A_18 : vector<2x26xi32>
    %eq3A = arith.cmpi eq, %iota3A, %add3A_20 : vector<2x26xi32>
    %convert_element_type3A = arith.extui %eq3A : vector<2x26xi1> to vector<2x26xi32>
    %convert_element_type3A_21 = arith.sitofp %convert_element_type3A : vector<2x26xi32> to vector<2x26xf32>
    %get3A = arith.constant 0 : index
    %get3A_22 = arith.constant 0 : index
    %get3A_23 = vector.load %arg2[%get3A, %get3A_22] : memref<16x26xf32, #tpu.memory_space<vmem>>, vector<16x26xf32>
    %dot_general3A = arith.constant dense<0.000000e+00> : vector<2x16xf32>
    %dot_general3A_24 = tpu.matmul %convert_element_type3A_21, %get3A_23, %dot_general3A {dimension_numbers = #tpu.dot_dimension_numbers<[1], [1], [0], [0], [0, 0, 1, 0], [], []>, transpose_lhs_hint = false} : vector<2x26xf32>, vector<16x26xf32>, vector<2x16xf32> -> vector<2x16xf32>
    %get3A_25 = arith.constant 0 : index
    %get3A_26 = arith.constant 0 : index
    %get3A_27 = vector.load %arg1[%get3A_25, %get3A_26] : memref<16x98304xf32, #tpu.memory_space<vmem>>, vector<16x98304xf32>
    %dot_general3A_28 = arith.constant dense<0.000000e+00> : vector<2x98304xf32>
    %dot_general3A_29 = tpu.matmul %dot_general3A_24, %get3A_27, %dot_general3A_28 {dimension_numbers = #tpu.dot_dimension_numbers<[1], [0], [0], [1], [0, 0, 1, 1], [], []>, transpose_lhs_hint = false} : vector<2x16xf32>, vector<16x98304xf32>, vector<2x98304xf32> -> vector<2x98304xf32>
    %iota3A_30 = tpu.iota {dimensions = array<i32: 1>} : vector<1x98304xi32>
    %add3A_31 = arith.constant 1 : i32
    %add3A_32 = arith.addi %select_n3A, %add3A_31 : i32
    %mul3A_33 = arith.constant 100000 : i32
    %mul3A_34 = arith.muli %add3A_32, %mul3A_33 : i32
    %sub3A_35 = arith.subi %mul3A_34, %mul3A_1 : i32
    %ge3A = vector.broadcast %sub3A_35 : i32 to vector<1x98304xi32>
    %ge3A_36 = arith.cmpi sge, %iota3A_30, %ge3A : vector<1x98304xi32>
    %slice3A = vector.extract_strided_slice %dot_general3A_29 {offsets = [1, 0], sizes = [1, 98304], strides = [1, 1]} : vector<2x98304xf32> to vector<1x98304xf32>
    %slice3A_37 = vector.extract_strided_slice %dot_general3A_29 {offsets = [0, 0], sizes = [1, 98304], strides = [1, 1]} : vector<2x98304xf32> to vector<1x98304xf32>
    %select_n3A_38 = arith.select %ge3A_36, %slice3A, %slice3A_37 : vector<1x98304xi1>, vector<1x98304xf32>
    %squeeze3A = vector.shape_cast %select_n3A_38 : vector<1x98304xf32> to vector<98304xf32>
    %swap3A = arith.constant 0 : index
    %swap3A_39 = vector.load %arg3[%swap3A] : memref<98304xf32, #tpu.memory_space<vmem>>, vector<98304xf32>
    tpu.vector_store %arg3[%swap3A], %squeeze3A {strides = array<i32>} : memref<98304xf32, #tpu.memory_space<vmem>>, vector<98304xf32>,
    return
  }
  func.func @transform_0(%arg0: i32) -> (i32, i32) {
    %add3A = arith.constant 16 : i32
    %add3A_0 = arith.addi %arg0, %add3A : i32
    %c0_i32 = arith.constant 0 : i32
    %c0_i32_1 = arith.constant 0 : i32
    return %c0_i32, %add3A_0 : i32, i32
  }
  func.func @transform_1(%arg0: i32) -> (i32, i32) {
    %c0_i32 = arith.constant 0 : i32
    %c0_i32_0 = arith.constant 0 : i32
    %c0_i32_1 = arith.constant 0 : i32
    return %c0_i32, %c0_i32_0 : i32, i32
  }
  func.func @transform_2(%arg0: i32) -> i32 {
    %c0_i32 = arith.constant 0 : i32
    return %arg0 : i32
  }
}

</mosaic_0001>

<sc_bundles>
// kernel: kernel.6.cloned.1.call-start
scs
__scs_entry_jumppad:
0x0: {  	(pc) =	sbr.rel $0x88, $3  }
0x1: {  	(tag) =	ssettag $0x0;
	lr =	simm.s32 $0x1  }
0x2: {  	[smem:$0x3F9D] =	sst lr;
	_ =	strace $0xD0000000  }
0x3: {  	_ = 	snop  }
0x4: {  	_ = 	snop  }
0x5: {  	_ = 	snop  }
0x6: {  	_ = 	snop  }
0x7: {  	_ = 	snop  }
__scs_overlays_trampoline_lowered:
0x8: {  	[smem:$0x3FAC] =	sst s0  }
0x9: {  	[smem:$0x3FAD] =	sst s1  }
0xa: {  	[smem:$0x3FAE] =	sst s2  }
0xb: {  	[smem:$0x3FAF] =	sst s3  }
0xc: {  	[smem:$0x3FB0] =	sst s4  }
0xd: {  	[smem:$0x3FB1] =	sst s5  }
0xe: {  	[smem:$0x3FB2] =	sst s6  }
0xf: {  	[smem:$0x3FB3] =	sst s7  }
0x10: {  	[smem:$0x3FB4] =	sst s8  }
0x11: {  	[smem:$0x3FB5] =	sst s9;
	s0 =	simm.s32 @!p0 $0x0  }
0x12: {  	s1 =	sld [smem:$0x3F9B];
	s0 =	simm.s32 @p0 $0x1  }
0x13: {  	[smem:$0x3FB6] =	sst s0;
	s0 =	simm.s32 @!p1 $0x0  }
0x14: {  	s2 =	sld [smem:$0x3F9A];
	s0 =	simm.s32 @p1 $0x1  }
0x15: {  	[smem:$0x3FB7] =	sst s0;
	s0 =	simm.s32 @!p2 $0x0  }
0x16: {  	s3 =	sld [smem:$0x3FDB];
	s0 =	simm.s32 @p2 $0x1  }
0x17: {  	s4 =	simm.s32 $0x1BF5;
	[smem:$0x3FB9] =	sst s0  }
0x18: {  	s0 =	sld [smem:$0x3F9C];
	_ =	swait.ge [sflag:s4], $0x0  }
0x19: {  	s7 =	sld [smem:$0x3F9D]  }
0x1a: {  	s8 =	sadd.s32 $0xFFFFE003, lr  }
0x1b: {  	s9 =	sadd.s32 $0xFFFFFEF7, lr;
	s5 =	simm.s32 $0xFFFFFFFF;
	p2 =	slt.u32 s8, $0xFFFFF086  }
0x1c: {  	p1 =	slt.u32 s9, $0xF7A;
	s5 =	simm.s32 @!p2 $0x0  }
0x1d: {  	s5 =	simm.s32 @p1 $0x1;
	p0 =	seq.s32 s7, s2  }
0x1e: {  	s7 =	smul.u32 @!p0 $0xF7A, s2;
	p2 =	seq.s32 @!p0 s5, $0x0  }
0x1f: {  	s9 =	smul.u32 $0xF7A, s1;
	s8 =	simm.s32 @!p0 $0x1BF5;
	p2 =	por !p2, p0  }
0x20: {  	[sflag:s8] =	ssyncset.s32 @!p0 $0xFFFFF086;
	s6 =	sadd.s32 @!p0 s3, s7;
	s7 =	simm.s32 @!p0 $0x108  }
0x21: {  	s3 =	sadd.s32 s3, s9;
	s6 =	sadd.s32 @!p0 $0x88, s6;
	s7 =	simm.s32 @p2 $0x1082  }
0x22: {  	[simem:s7], [sflag:s8] =	dma.local @!p0 [hbm:s6], $0xF7A  }
0x23: {  	s9 =	sor.u32 $0xD0000000, s2;
	s6 =	simm.s32 $0x108;
	_ =	swait.ge @!p0 [sflag:s8], $0x0  }
0x24: {  	s3 =	sadd.s32 $0x88, s3;
	s6 =	simm.s32 @!p1 $0x1082;
	[sflag:s4] =	ssyncset.s32 $0xFFFFF086  }
0x25: {  	[simem:s6], [sflag:s4] =	dma.local [hbm:s3], $0xF7A  }
0x26: {  	[smem:$0x3F9D] =	sst s1;
	(tag) =	ssettag s2;
	_ =	strace s9  }
0x27: {  	s1 =	sld [smem:$0x3FAD]  }
0x28: {  	s2 =	sld [smem:$0x3FAE]  }
0x29: {  	s4 =	sld [smem:$0x3FB0]  }
0x2a: {  	p0 =	seq.s32 s5, $0x0;
	s5 =	sld [smem:$0x3FB1]  }
0x2b: {  	s6 =	sld [smem:$0x3FB2]  }
0x2c: {  	s7 =	sld [smem:$0x3FB3]  }
0x2d: {  	s3 =	simm.s32 $0x108;
	s8 =	sld [smem:$0x3FB4]  }
0x2e: {  	s3 =	simm.s32 @!p0 $0x1082;
	s9 =	sld [smem:$0x3FB5]  }
0x2f: {  	lr =	sadd.s32 s0, s3;
	s0 =	sld [smem:$0x3FAC]  }
0x30: {  	s3 =	sld [smem:$0x3FAF]  }
0x31: {  	[smem:$0x3FB8] =	sst s10  }
0x32: {  	s10 =	sld [smem:$0x3FB6];
	_ =	sdelay $0x3  }
0x33: {  	p0 =	seq.s32 s10, $0x1;
	s10 =	sld [smem:$0x3FB8];
	_ =	sdelay $0x3  }
0x34: {  	[smem:$0x3FB8] =	sst s10  }
0x35: {  	s10 =	sld [smem:$0x3FB7];
	_ =	sdelay $0x3  }
0x36: {  	p1 =	seq.s32 s10, $0x1;
	s10 =	sld [smem:$0x3FB8];
	_ =	sdelay $0x3  }
0x37: {  	[smem:$0x3FB8] =	sst s10  }
0x38: {  	s10 =	sld [smem:$0x3FB9]  }
0x39: {  	_ = 	snop;
	(pc) =	sbr.ind lr, $3  }
0x3a: {  	_ = 	snop  }
0x3b: {  	_ = 	snop  }
0x3c: {  	p2 =	seq.s32 s10, $0x1;
	s10 =	sld [smem:$0x3FB8]  }
0x3d: {  	_ =	shalt  }
0x3e: {  	_ =	shalt  }
0x3f: {  	_ =	shalt  }
0x40: {  	_ =	shalt  }
0x41: {  	_ =	shalt  }
0x42: {  	_ =	shalt  }
0x43: {  	_ =	shalt  }
0x44: {  	_ =	shalt  }
0x45: {  	_ =	shalt  }
0x46: {  	_ =	shalt  }
0x47: {  	_ =	shalt  }
0x48: {  	_ =	shalt  }
0x49: {  	_ =	shalt  }
0x4a: {  	_ =	shalt  }
0x4b: {  	_ =	shalt  }
0x4c: {  	_ =	shalt  }
0x4d: {  	_ =	shalt  }
0x4e: {  	_ =	shalt  }
0x4f: {  	_ =	shalt  }
0x50: {  	_ =	shalt  }
0x51: {  	_ =	shalt  }
0x52: {  	_ =	shalt  }
0x53: {  	_ =	shalt  }
0x54: {  	_ =	shalt  }
0x55: {  	_ =	shalt  }
0x56: {  	_ =	shalt  }
0x57: {  	_ =	shalt  }
0x58: {  	_ =	shalt  }
0x59: {  	_ =	shalt  }
0x5a: {  	_ =	shalt  }
0x5b: {  	_ =	shalt  }
0x5c: {  	_ =	shalt  }
0x5d: {  	_ =	shalt  }
0x5e: {  	_ =	shalt  }
0x5f: {  	_ =	shalt  }
0x60: {  	_ =	shalt  }
0x61: {  	_ =	shalt  }
0x62: {  	_ =	shalt  }
0x63: {  	_ =	shalt  }
0x64: {  	_ =	shalt  }
0x65: {  	_ =	shalt  }
0x66: {  	_ =	shalt  }
0x67: {  	_ =	shalt  }
0x68: {  	_ =	shalt  }
0x69: {  	_ =	shalt  }
0x6a: {  	_ =	shalt  }
0x6b: {  	_ =	shalt  }
0x6c: {  	_ =	shalt  }
0x6d: {  	_ =	shalt  }
0x6e: {  	_ =	shalt  }
0x6f: {  	_ =	shalt  }
0x70: {  	_ =	shalt  }
0x71: {  	_ =	shalt  }
0x72: {  	_ =	shalt  }
0x73: {  	_ =	shalt  }
0x74: {  	_ =	shalt  }
0x75: {  	_ =	shalt  }
0x76: {  	_ =	shalt  }
0x77: {  	_ =	shalt  }
0x78: {  	_ =	shalt  }
0x79: {  	_ =	shalt  }
0x7a: {  	_ =	shalt  }
0x7b: {  	_ =	shalt  }
0x7c: {  	_ =	shalt  }
0x7d: {  	_ =	shalt  }
0x7e: {  	_ =	shalt  }
0x7f: {  	_ =	shalt  }
0x80: {  	_ =	shalt  }
0x81: {  	_ =	shalt  }
0x82: {  	_ =	shalt  }
0x83: {  	_ =	shalt  }
0x84: {  	_ =	shalt  }
0x85: {  	_ =	shalt  }
0x86: {  	_ =	shalt  }
0x87: {  	_ =	shalt  }
.Lfunc_end0:
.L_simem_size_0:
called_computation_lowered:
.L_overlay_start_0:
0x88: {  	s2 =	sld [smem:$0x3FD9]  }
0x89: {  	s3 =	sld [smem:$0x3FFE];
	_ =	sdelay $0x1  }
0x8a: {  	s1 =	srdreg.scid  }
0x8b: {  	s0 =	sand.u32 $0x1, s1  }
0x8c: {  	s17 =	sshll.u32 s0, $0xA;
	s2 =	sadd.s32 s3, s2  }
0x8d: {  	s2 =	sadd.s32 s2, s17  }
0x8e: {  	[smem:$0x3FC4] =	sst s2  }
0x8f: {  	_ = 	snop  }
0x90: {  	s2 =	sld [smem:$0x3FD0];
	(tm) =	ssettm $0x1  }
0x91: {  	s18 =	sld [smem:$0x3FFB];
	_ =	sdelay $0x3  }
0x92: {  	_ =	strace s18  }
0x93: {  	s3 =	sld [smem:$0x3FFC];
	_ =	sdelay $0x3  }
0x94: {  	_ =	strace s3  }
0x95: {  	s3 =	sld [smem:$0x3FFD];
	_ =	sdelay $0x3  }
0x96: {  	_ =	strace s3  }
0x97: {  	_ =	strace $0x8FFFFFFF  }
0x98: {  	s19 =	sld [smem:$0x3FDB];
	_ =	sdelay $0x1  }
0x99: {  	s4 =	simm.s32 $_scs_section_size  }
0x9a: {  	s5 =	simm.s32 $_size__tile_overlayer_lowered;
	s6 =	simm.s32 $_tile_overlayer_lowered  }
0x9b: {  	s22 =	simm.s32 $0x1BFF;
	s21 =	sshll.u32 s6, $0x1;
	s3 =	sadd.s32 s4, s19  }
0x9c: {  	s7 =	simm.s32 $0x0;
	s20 =	sshll.u32 s5, $0x1;
	s5 =	sadd.s32 s21, s3  }
0x9d: {  	[timem:s7], [sflag:s22] =	dma.local [hbm:s5], s20  }
0x9e: {  	_ =	swait.ge [sflag:s22], s20  }
0x9f: {  	s4 =	ssub.s32 $0x0, s20;
	[sflag:s22] =	ssyncset.done $0x0  }
0xa0: {  	[sflag:s22] =	ssyncadd.s32 s4;
	_ =	sdelay $0x1  }
0xa1: {  	s23 =	simm.s32 $0x1B8B  }
0xa2: {  	_ =	swait.ge [sflag:s23], $0x1  }
0xa3: {  	[sflag:s23] =	ssyncset.done $0x0  }
0xa4: {  	s25 =	simm.s32 $0x1B8E;
	s24 =	sld [smem:$0x3FFE];
	[sflag:s23] =	ssyncadd.s32 $0xFFFFFFFF  }
0xa5: {  	s26 =	simm.s32 $execute0_lowered;
	[smem:$0x3FD2] =	sst s25  }
0xa6: {  	s5 =	sshll.u32 s26, $0x1;
	_ =	strace $0x80000046;
	[dreg:$0x1] =	wrdreg $0xFFFFFFFF  }
0xa7: {  	s28 =	simm.s32 $_size_execute0_lowered;
	s3 =	sadd.s32 s3, s5;
	[dreg:$0x0] =	wrdreg $0x0  }
0xa8: {  	s5 =	sshll.u32 s28, $0x1;
	[dreg:$0x2] =	wrdreg s3  }
0xa9: {  	[dreg:$0x3] =	wrdreg s5  }
0xaa: {  	[dreg:$0x4] =	wrdreg $0xC0  }
0xab: {  	_ =	task [dreg:s7], $0x5FFFF  }
0xac: {  	[dreg:$0x1] =	wrdreg $0xFFFFFFFF  }
0xad: {  	[dreg:$0x0] =	wrdreg $0x60  }
0xae: {  	[dreg:$0x2] =	wrdreg s24  }
0xaf: {  	[dreg:$0x3] =	wrdreg s2  }
0xb0: {  	[dreg:$0x4] =	wrdreg $0x9  }
0xb1: {  	_ =	task.clear_ibuf [dreg:s7], $0x5FFFF;
	_ =	strace $0x90000046  }
0xb2: {  	s29 =	simm.s32 $0x9;
	_ =	strace $0x80000048  }
0xb3: {  	_ =	swait.ge [sflag:s29], $0x1  }
0xb4: {  	[sflag:s29] =	ssyncadd.s32 $0xFFFFFFFF  }
0xb5: {  	_ =	strace $0x90000048  }
0xb6: {  	_ =	sfence  }
0xb7: {  	s30 =	sld [smem:$0x0];
	_ =	sdelay $0x2  }
0xb8: {  	s31 =	sshll.u32 s1, $0xD;
	s1 =	sshrl.u32 s1, $0x2  }
0xb9: {  	s3 =	sand.u32 $0x4000, s31;
	s1 =	sadd.s32 s1, s30  }
0xba: {  	s0 =	sor.u32 s3, s0;
	s1 =	sshll.u32 s1, $0x11  }
0xbb: {  	s0 =	sor.u32 s1, s0  }
0xbc: {  	s0 =	sadd.s32 $0x8F2B, s0  }
0xbd: {  	[sflag:s0] =	ssyncadd.remote.s32 $0x1  }
0xbe: {  	_ =	sfence.sel $0xFFFF  }
0xbf: {  	[dreg:$0x0] =	wrdreg $0xFFFFFFFF;
	(pc) =	sbr.abs _section_cstart, $3  }
0xc0: {  	[dreg:$0x1] =	wrdreg $0xFFFFFFFF  }
0xc1: {  	_ =	task.clear_ibuf [dreg:s7], $0x2FFFF;
	_ =	strace $0x9FFFFFFF  }
0xc2: {  	(tm) =	ssettm $0x7FFFFFFF  }
0xc3: {  	_ =	shalt  }
tec
execute0_lowered:
.L_overlay_start_1:
0x0: {  	(tag) =	ssettag $0x1  }
0x1: {  	s1 =	srdreg.scid;
	s2 =	stileid.u32  }
0x2: {  	s1 =	sand.u32 $0x1, s1;
	s2 =	sshll.u32 s2, $0x1  }
0x3: {  	s0 =	rddreg [dreg:$0x0];
	s2 =	sor.u32 s1, s2  }
0x4: {  	s3 =	simm.s32 $0x0;
	s5 =	sshll.u32 s2, $0x6;
	s2 =	smul.u32 $0x280, s2  }
0x5: {  	[smem:$0x7FF] =	sst s3;
	s16 =	sadd.s32 s5, s0  }
0x6: {  	s4 =	sadd.s32 $0x1200, s0;
	s0 =	sadd.s32 s2, s0;
	s2 =	sadd.s32 $0x34200, s16  }
0x7: {  	_ =	strace $0x80000047;
	s5 =	sadd.s32 $0x34A00, s16;
	[dreg:$0x3] =	wrdreg s2  }
0x8: {  	s6 =	sadd.s32 $0x35200, s16;
	[dreg:$0x4] =	wrdreg s5  }
0x9: {  	s7 =	sadd.s32 $0x35A00, s16;
	[dreg:$0x5] =	wrdreg s6  }
0xa: {  	s8 =	sadd.s32 $0x36200, s16;
	[dreg:$0x6] =	wrdreg s7  }
0xb: {  	s9 =	sadd.s32 $0x36A00, s16;
	[dreg:$0x7] =	wrdreg s8  }
0xc: {  	s10 =	sadd.s32 $0x37200, s16;
	[dreg:$0x8] =	wrdreg s9  }
0xd: {  	s11 =	sadd.s32 $0x37A00, s16;
	[dreg:$0x9] =	wrdreg s10  }
0xe: {  	s12 =	sadd.s32 $0x38200, s16;
	[dreg:$0xa] =	wrdreg s11  }
0xf: {  	s13 =	sadd.s32 $0x38A00, s16;
	[dreg:$0xb] =	wrdreg s12  }
0x10: {  	s14 =	sadd.s32 $0x39200, s16;
	[dreg:$0xc] =	wrdreg s13  }
0x11: {  	s15 =	sadd.s32 $0x39A00, s16;
	[dreg:$0xd] =	wrdreg s14  }
0x12: {  	s18 =	sadd.s32 $0x3A200, s16;
	[dreg:$0xe] =	wrdreg s15  }
0x13: {  	s1 =	ssub.s32 $0x2, s1;
	s19 =	sadd.s32 $0x3AA00, s16;
	[dreg:$0xf] =	wrdreg s18  }
0x14: {  	s28 =	sshrl.u32 s1, $0x1;
	s20 =	sadd.s32 $0x3B200, s16;
	[dreg:$0x10] =	wrdreg s19  }
0x15: {  	s17 =	ssub.s32 s1, s28;
	s21 =	sadd.s32 $0x3BA00, s16;
	[dreg:$0x11] =	wrdreg s20  }
0x16: {  	s22 =	sadd.s32 $0x3C200, s16;
	s23 =	sadd.s32 $0x3CA00, s16;
	[dreg:$0x12] =	wrdreg s21  }
0x17: {  	s24 =	sadd.s32 $0x3D200, s16;
	s25 =	sadd.s32 $0x3DA00, s16;
	[dreg:$0x13] =	wrdreg s22  }
0x18: {  	s26 =	sadd.s32 $0x3E200, s16;
	s28 =	sadd.s32 $0x3EA00, s16;
	[dreg:$0x14] =	wrdreg s23  }
0x19: {  	s29 =	sadd.s32 $0x3F200, s16;
	s30 =	sadd.s32 $0x3FA00, s16;
	[dreg:$0x16] =	wrdreg s24  }
0x1a: {  	s31 =	sadd.s32 $0x40200, s16;
	s1 =	sadd.s32 $0x41200, s16;
	[dreg:$0x17] =	wrdreg s25  }
0x1b: {  	s17 =	smax.u32 s17, $0x1;
	s0 =	sadd.s32 $0x48200, s0;
	[dreg:$0x18] =	wrdreg s26  }
0x1c: {  	[dreg:$0x19] =	wrdreg s28;
	s2 =	sadd.s32 $0x41A00, s16;
	s5 =	sadd.s32 $0x42200, s16  }
0x1d: {  	s6 =	sadd.s32 $0x42A00, s16;
	s7 =	sadd.s32 $0x43200, s16;
	s8 =	sadd.s32 $0x43A00, s16  }
0x1e: {  	s9 =	sadd.s32 $0x44200, s16;
	s10 =	sadd.s32 $0x44A00, s16;
	s11 =	sadd.s32 $0x45200, s16  }
0x1f: {  	s12 =	sadd.s32 $0x45A00, s16;
	s13 =	sadd.s32 $0x46200, s16;
	s14 =	sadd.s32 $0x46A00, s16  }
0x20: {  	s15 =	sadd.s32 $0x47200, s16;
	s18 =	simm.s32 $0x3;
	s19 =	simm.s32 $0x2  }
0x21: {  	s20 =	simm.s32 $0x80;
	s21 =	simm.s32 $0x1;
	s22 =	simm.s32 $0x0  }
0x22: {  	[dreg:$0x15] =	wrdreg s0;
	s0 =	sadd.s32 $0x40A00, s16;
	s16 =	sadd.s32 $0x47A00, s16  }
.LBB2_1:
0x23: {  	s23 =	rddreg [dreg:$0x3]  }
0x24: {  	[tilespmem:s3], [sflag:$0x2] =	stream.linear.gather [hbm4b:s23+s3], $0x200, $0x38;
	[tilespmem:$0xA420] =	vst v63  }
0x25: {  	s28 =	rddreg [dreg:$0x4];
	s24 =	simm.s32 $0x200  }
0x26: {  	[tilespmem:s24], [sflag:$0x2] =	stream.linear.gather [hbm4b:s28+s3], $0x200, $0x38;
	[tilespmem:$0xA420] =	vst v63  }
0x27: {  	s25 =	simm.s32 $0x400;
	s24 =	rddreg [dreg:$0x5]  }
0x28: {  	[tilespmem:s25], [sflag:$0x2] =	stream.linear.gather [hbm4b:s24+s3], $0x200, $0x38;
	[tilespmem:$0xA420] =	vst v63  }
0x29: {  	s26 =	rddreg [dreg:$0x6];
	s28 =	simm.s32 $0x600  }
0x2a: {  	[tilespmem:s28], [sflag:$0x2] =	stream.linear.gather [hbm4b:s26+s3], $0x200, $0x38;
	[tilespmem:$0xA420] =	vst v63  }
0x2b: {  	s24 =	rddreg [dreg:$0x7];
	s25 =	simm.s32 $0x800  }
0x2c: {  	[tilespmem:s25], [sflag:$0x2] =	stream.linear.gather [hbm4b:s24+s3], $0x200, $0x38;
	[tilespmem:$0xA420] =	vst v63  }
0x2d: {  	s26 =	rddreg [dreg:$0x8];
	s28 =	simm.s32 $0xA00  }
0x2e: {  	[tilespmem:s28], [sflag:$0x2] =	stream.linear.gather [hbm4b:s26+s3], $0x200, $0x38;
	[tilespmem:$0xA420] =	vst v63  }
0x2f: {  	s24 =	rddreg [dreg:$0x9];
	s25 =	simm.s32 $0xC00  }
0x30: {  	[tilespmem:s25], [sflag:$0x2] =	stream.linear.gather [hbm4b:s24+s3], $0x200, $0x38;
	[tilespmem:$0xA420] =	vst v63  }
0x31: {  	s26 =	rddreg [dreg:$0xa];
	s28 =	simm.s32 $0xE00  }
0x32: {  	[tilespmem:s28], [sflag:$0x2] =	stream.linear.gather [hbm4b:s26+s3], $0x200, $0x38;
	[tilespmem:$0xA420] =	vst v63  }
0x33: {  	s24 =	rddreg [dreg:$0xb];
	s25 =	simm.s32 $0x1000  }
0x34: {  	[tilespmem:s25], [sflag:$0x2] =	stream.linear.gather [hbm4b:s24+s3], $0x200, $0x38;
	[tilespmem:$0xA420] =	vst v63  }
0x35: {  	s26 =	rddreg [dreg:$0xc];
	s28 =	simm.s32 $0x1200  }
0x36: {  	[tilespmem:s28], [sflag:$0x2] =	stream.linear.gather [hbm4b:s26+s3], $0x200, $0x38;
	[tilespmem:$0xA420] =	vst v63  }
0x37: {  	s24 =	rddreg [dreg:$0xd];
	s25 =	simm.s32 $0x1400  }
0x38: {  	[tilespmem:s25], [sflag:$0x2] =	stream.linear.gather [hbm4b:s24+s3], $0x200, $0x38;
	[tilespmem:$0xA420] =	vst v63  }
0x39: {  	s26 =	rddreg [dreg:$0xe];
	s28 =	simm.s32 $0x1600  }
0x3a: {  	[tilespmem:s28], [sflag:$0x2] =	stream.linear.gather [hbm4b:s26+s3], $0x200, $0x38;
	[tilespmem:$0xA420] =	vst v63  }
0x3b: {  	s24 =	rddreg [dreg:$0xf];
	s25 =	simm.s32 $0x1800  }
0x3c: {  	[tilespmem:s25], [sflag:$0x2] =	stream.linear.gather [hbm4b:s24+s3], $0x200, $0x38;
	[tilespmem:$0xA420] =	vst v63  }
0x3d: {  	s26 =	rddreg [dreg:$0x10];
	s28 =	simm.s32 $0x1A00  }
0x3e: {  	[tilespmem:s28], [sflag:$0x2] =	stream.linear.gather [hbm4b:s26+s3], $0x200, $0x38;
	[tilespmem:$0xA420] =	vst v63  }
0x3f: {  	s24 =	rddreg [dreg:$0x11];
	s25 =	simm.s32 $0x1C00  }
0x40: {  	[tilespmem:s25], [sflag:$0x2] =	stream.linear.gather [hbm4b:s24+s3], $0x200, $0x38;
	[tilespmem:$0xA420] =	vst v63  }
0x41: {  	s26 =	rddreg [dreg:$0x12];
	s28 =	simm.s32 $0x1E00  }
0x42: {  	[tilespmem:s28], [sflag:$0x2] =	stream.linear.gather [hbm4b:s26+s3], $0x200, $0x38;
	[tilespmem:$0xA420] =	vst v63  }
0x43: {  	s24 =	rddreg [dreg:$0x13];
	s25 =	simm.s32 $0x2000  }
0x44: {  	[tilespmem:s25], [sflag:$0x2] =	stream.linear.gather [hbm4b:s24+s3], $0x200, $0x38;
	[tilespmem:$0xA420] =	vst v63  }
0x45: {  	s26 =	rddreg [dreg:$0x14];
	s28 =	simm.s32 $0x2200  }
0x46: {  	[tilespmem:s28], [sflag:$0x2] =	stream.linear.gather [hbm4b:s26+s3], $0x200, $0x38;
	[tilespmem:$0xA420] =	vst v63  }
0x47: {  	s24 =	rddreg [dreg:$0x16];
	s25 =	simm.s32 $0x2400  }
0x48: {  	[tilespmem:s25], [sflag:$0x2] =	stream.linear.gather [hbm4b:s24+s3], $0x200, $0x38;
	[tilespmem:$0xA420] =	vst v63  }
0x49: {  	s26 =	rddreg [dreg:$0x17];
	s28 =	simm.s32 $0x2600  }
0x4a: {  	[tilespmem:s28], [sflag:$0x2] =	stream.linear.gather [hbm4b:s26+s3], $0x200, $0x38;
	[tilespmem:$0xA420] =	vst v63  }
0x4b: {  	s24 =	rddreg [dreg:$0x18];
	s25 =	simm.s32 $0x2800  }
0x4c: {  	[tilespmem:s25], [sflag:$0x2] =	stream.linear.gather [hbm4b:s24+s3], $0x200, $0x38;
	[tilespmem:$0xA420] =	vst v63  }
0x4d: {  	s26 =	rddreg [dreg:$0x19];
	s28 =	simm.s32 $0x2A00  }
0x4e: {  	[tilespmem:s28], [sflag:$0x2] =	stream.linear.gather [hbm4b:s26+s3], $0x200, $0x38;
	[tilespmem:$0xA420] =	vst v63  }
0x4f: {  	s25 =	simm.s32 $0x2C00  }
0x50: {  	[tilespmem:s25], [sflag:$0x2] =	stream.linear.gather [hbm4b:s29+s3], $0x200, $0x38;
	[tilespmem:$0xA420] =	vst v63  }
0x51: {  	s26 =	simm.s32 $0x2E00  }
0x52: {  	[tilespmem:s26], [sflag:$0x2] =	stream.linear.gather [hbm4b:s30+s3], $0x200, $0x38;
	[tilespmem:$0xA420] =	vst v63  }
0x53: {  	s28 =	simm.s32 $0x3000  }
0x54: {  	[tilespmem:s28], [sflag:$0x2] =	stream.linear.gather [hbm4b:s31+s3], $0x200, $0x38;
	[tilespmem:$0xA420] =	vst v63  }
0x55: {  	s24 =	simm.s32 $0x3200  }
0x56: {  	[tilespmem:s24], [sflag:$0x2] =	stream.linear.gather [hbm4b:s0+s3], $0x200, $0x38;
	[tilespmem:$0xA420] =	vst v63  }
0x57: {  	s25 =	simm.s32 $0x3400  }
0x58: {  	[tilespmem:s25], [sflag:$0x2] =	stream.linear.gather [hbm4b:s1+s3], $0x200, $0x38;
	[tilespmem:$0xA420] =	vst v63  }
0x59: {  	s26 =	simm.s32 $0x3600  }
0x5a: {  	[tilespmem:s26], [sflag:$0x2] =	stream.linear.gather [hbm4b:s2+s3], $0x200, $0x38;
	[tilespmem:$0xA420] =	vst v63  }
0x5b: {  	s28 =	simm.s32 $0x3800  }
0x5c: {  	[tilespmem:s28], [sflag:$0x2] =	stream.linear.gather [hbm4b:s5+s3], $0x200, $0x38;
	[tilespmem:$0xA420] =	vst v63  }
0x5d: {  	s24 =	simm.s32 $0x3A00  }
0x5e: {  	[tilespmem:s24], [sflag:$0x2] =	stream.linear.gather [hbm4b:s6+s3], $0x200, $0x38;
	[tilespmem:$0xA420] =	vst v63  }
0x5f: {  	s25 =	simm.s32 $0x3C00  }
0x60: {  	[tilespmem:s25], [sflag:$0x2] =	stream.linear.gather [hbm4b:s7+s3], $0x200, $0x38;
	[tilespmem:$0xA420] =	vst v63  }
0x61: {  	s26 =	simm.s32 $0x3E00  }
0x62: {  	[tilespmem:s26], [sflag:$0x2] =	stream.linear.gather [hbm4b:s8+s3], $0x200, $0x38;
	[tilespmem:$0xA420] =	vst v63  }
0x63: {  	s28 =	simm.s32 $0x4000  }
0x64: {  	[tilespmem:s28], [sflag:$0x2] =	stream.linear.gather [hbm4b:s9+s3], $0x200, $0x38;
	[tilespmem:$0xA420] =	vst v63  }
0x65: {  	s24 =	simm.s32 $0x4200  }
0x66: {  	[tilespmem:s24], [sflag:$0x2] =	stream.linear.gather [hbm4b:s10+s3], $0x200, $0x38;
	[tilespmem:$0xA420] =	vst v63  }
0x67: {  	s25 =	simm.s32 $0x4400  }
0x68: {  	[tilespmem:s25], [sflag:$0x2] =	stream.linear.gather [hbm4b:s11+s3], $0x200, $0x38;
	[tilespmem:$0xA420] =	vst v63  }
0x69: {  	s26 =	simm.s32 $0x4600  }
0x6a: {  	[tilespmem:s26], [sflag:$0x2] =	stream.linear.gather [hbm4b:s12+s3], $0x200, $0x38;
	[tilespmem:$0xA420] =	vst v63  }
0x6b: {  	s28 =	simm.s32 $0x4800  }
0x6c: {  	[tilespmem:s28], [sflag:$0x2] =	stream.linear.gather [hbm4b:s13+s3], $0x200, $0x38;
	[tilespmem:$0xA420] =	vst v63  }
0x6d: {  	s24 =	simm.s32 $0x4A00  }
0x6e: {  	[tilespmem:s24], [sflag:$0x2] =	stream.linear.gather [hbm4b:s14+s3], $0x200, $0x38;
	[tilespmem:$0xA420] =	vst v63  }
0x6f: {  	s25 =	simm.s32 $0x4C00  }
0x70: {  	[tilespmem:s25], [sflag:$0x2] =	stream.linear.gather [hbm4b:s15+s3], $0x200, $0x38;
	[tilespmem:$0xA420] =	vst v63  }
0x71: {  	s26 =	rddreg [dreg:$0x1];
	s28 =	simm.s32 $0xA200  }
0x72: {  	[tilespmem:s28], [sflag:$0x3] =	stream.linear.gather [hbm4b:s26+s3], $0x20, $0x38;
	[tilespmem:$0xA420] =	vst v63  }
0x73: {  	_ =	swait.ge [sflag:s18], $0x20  }
0x74: {  	[sflag:s18] =	ssyncset.done $0x0  }
0x75: {  	[sflag:s18] =	ssyncadd.s32 $0xFFFFFFE0  }
0x76: {  	_ =	swait.ge [sflag:s19], $0x200  }
0x77: {  	[sflag:s19] =	ssyncset.done $0x0  }
0x78: {  	[sflag:s19] =	ssyncadd.s32 $0xFFFFFE00  }
0x79: {  	_ =	swait.ge [sflag:s19], $0x200  }
0x7a: {  	[sflag:s19] =	ssyncset.done $0x0  }
0x7b: {  	[sflag:s19] =	ssyncadd.s32 $0xFFFFFE00  }
0x7c: {  	_ =	swait.ge [sflag:s19], $0x200  }
0x7d: {  	[sflag:s19] =	ssyncset.done $0x0  }
0x7e: {  	[sflag:s19] =	ssyncadd.s32 $0xFFFFFE00  }
0x7f: {  	_ =	swait.ge [sflag:s19], $0x200  }
0x80: {  	[sflag:s19] =	ssyncset.done $0x0  }
0x81: {  	[sflag:s19] =	ssyncadd.s32 $0xFFFFFE00  }
0x82: {  	_ =	swait.ge [sflag:s19], $0x200  }
0x83: {  	[sflag:s19] =	ssyncset.done $0x0  }
0x84: {  	[sflag:s19] =	ssyncadd.s32 $0xFFFFFE00  }
0x85: {  	_ =	swait.ge [sflag:s19], $0x200  }
0x86: {  	[sflag:s19] =	ssyncset.done $0x0  }
0x87: {  	[sflag:s19] =	ssyncadd.s32 $0xFFFFFE00  }
0x88: {  	_ =	swait.ge [sflag:s19], $0x200  }
0x89: {  	[sflag:s19] =	ssyncset.done $0x0  }
0x8a: {  	[sflag:s19] =	ssyncadd.s32 $0xFFFFFE00  }
0x8b: {  	_ =	swait.ge [sflag:s19], $0x200  }
0x8c: {  	[sflag:s19] =	ssyncset.done $0x0  }
0x8d: {  	[sflag:s19] =	ssyncadd.s32 $0xFFFFFE00  }
0x8e: {  	_ =	swait.ge [sflag:s19], $0x200  }
0x8f: {  	[sflag:s19] =	ssyncset.done $0x0  }
0x90: {  	[sflag:s19] =	ssyncadd.s32 $0xFFFFFE00  }
0x91: {  	_ =	swait.ge [sflag:s19], $0x200  }
0x92: {  	[sflag:s19] =	ssyncset.done $0x0  }
0x93: {  	[sflag:s19] =	ssyncadd.s32 $0xFFFFFE00  }
0x94: {  	_ =	swait.ge [sflag:s19], $0x200  }
0x95: {  	[sflag:s19] =	ssyncset.done $0x0  }
0x96: {  	[sflag:s19] =	ssyncadd.s32 $0xFFFFFE00  }
0x97: {  	_ =	swait.ge [sflag:s19], $0x200  }
0x98: {  	[sflag:s19] =	ssyncset.done $0x0  }
0x99: {  	[sflag:s19] =	ssyncadd.s32 $0xFFFFFE00  }
0x9a: {  	_ =	swait.ge [sflag:s19], $0x200  }
0x9b: {  	[sflag:s19] =	ssyncset.done $0x0  }
0x9c: {  	[sflag:s19] =	ssyncadd.s32 $0xFFFFFE00  }
0x9d: {  	_ =	swait.ge [sflag:s19], $0x200  }
0x9e: {  	[sflag:s19] =	ssyncset.done $0x0  }
0x9f: {  	[sflag:s19] =	ssyncadd.s32 $0xFFFFFE00  }
0xa0: {  	_ =	swait.ge [sflag:s19], $0x200  }
0xa1: {  	[sflag:s19] =	ssyncset.done $0x0  }
0xa2: {  	[sflag:s19] =	ssyncadd.s32 $0xFFFFFE00  }
0xa3: {  	_ =	swait.ge [sflag:s19], $0x200  }
0xa4: {  	[sflag:s19] =	ssyncset.done $0x0  }
0xa5: {  	[sflag:s19] =	ssyncadd.s32 $0xFFFFFE00  }
0xa6: {  	_ =	swait.ge [sflag:s19], $0x200  }
0xa7: {  	[sflag:s19] =	ssyncset.done $0x0  }
0xa8: {  	[sflag:s19] =	ssyncadd.s32 $0xFFFFFE00  }
0xa9: {  	_ =	swait.ge [sflag:s19], $0x200  }
0xaa: {  	[sflag:s19] =	ssyncset.done $0x0  }
0xab: {  	[sflag:s19] =	ssyncadd.s32 $0xFFFFFE00  }
0xac: {  	_ =	swait.ge [sflag:s19], $0x200  }
0xad: {  	[sflag:s19] =	ssyncset.done $0x0  }
0xae: {  	[sflag:s19] =	ssyncadd.s32 $0xFFFFFE00  }
0xaf: {  	_ =	swait.ge [sflag:s19], $0x200  }
0xb0: {  	[sflag:s19] =	ssyncset.done $0x0  }
0xb1: {  	[sflag:s19] =	ssyncadd.s32 $0xFFFFFE00  }
0xb2: {  	_ =	swait.ge [sflag:s19], $0x200  }
0xb3: {  	[sflag:s19] =	ssyncset.done $0x0  }
0xb4: {  	[sflag:s19] =	ssyncadd.s32 $0xFFFFFE00  }
0xb5: {  	_ =	swait.ge [sflag:s19], $0x200  }
0xb6: {  	[sflag:s19] =	ssyncset.done $0x0  }
0xb7: {  	[sflag:s19] =	ssyncadd.s32 $0xFFFFFE00  }
0xb8: {  	_ =	swait.ge [sflag:s19], $0x200  }
0xb9: {  	[sflag:s19] =	ssyncset.done $0x0  }
0xba: {  	[sflag:s19] =	ssyncadd.s32 $0xFFFFFE00  }
0xbb: {  	_ =	swait.ge [sflag:s19], $0x200  }
0xbc: {  	[sflag:s19] =	ssyncset.done $0x0  }
0xbd: {  	[sflag:s19] =	ssyncadd.s32 $0xFFFFFE00  }
0xbe: {  	_ =	swait.ge [sflag:s19], $0x200  }
0xbf: {  	[sflag:s19] =	ssyncset.done $0x0  }
0xc0: {  	[sflag:s19] =	ssyncadd.s32 $0xFFFFFE00  }
0xc1: {  	_ =	swait.ge [sflag:s19], $0x200  }
0xc2: {  	[sflag:s19] =	ssyncset.done $0x0  }
0xc3: {  	[sflag:s19] =	ssyncadd.s32 $0xFFFFFE00  }
0xc4: {  	_ =	swait.ge [sflag:s19], $0x200  }
0xc5: {  	[sflag:s19] =	ssyncset.done $0x0  }
0xc6: {  	[sflag:s19] =	ssyncadd.s32 $0xFFFFFE00  }
0xc7: {  	_ =	swait.ge [sflag:s19], $0x200  }
0xc8: {  	[sflag:s19] =	ssyncset.done $0x0  }
0xc9: {  	[sflag:s19] =	ssyncadd.s32 $0xFFFFFE00  }
0xca: {  	_ =	swait.ge [sflag:s19], $0x200  }
0xcb: {  	[sflag:s19] =	ssyncset.done $0x0  }
0xcc: {  	[sflag:s19] =	ssyncadd.s32 $0xFFFFFE00  }
0xcd: {  	_ =	swait.ge [sflag:s19], $0x200  }
0xce: {  	[sflag:s19] =	ssyncset.done $0x0  }
0xcf: {  	[sflag:s19] =	ssyncadd.s32 $0xFFFFFE00  }
0xd0: {  	_ =	swait.ge [sflag:s19], $0x200  }
0xd1: {  	[sflag:s19] =	ssyncset.done $0x0  }
0xd2: {  	[sflag:s19] =	ssyncadd.s32 $0xFFFFFE00  }
0xd3: {  	_ =	swait.ge [sflag:s19], $0x200  }
0xd4: {  	[sflag:s19] =	ssyncset.done $0x0  }
0xd5: {  	[sflag:s19] =	ssyncadd.s32 $0xFFFFFE00  }
0xd6: {  	_ =	swait.ge [sflag:s19], $0x200  }
0xd7: {  	[sflag:s19] =	ssyncset.done $0x0  }
0xd8: {  	[sflag:s19] =	ssyncadd.s32 $0xFFFFFE00  }
0xd9: {  	_ =	swait.ge [sflag:s19], $0x200  }
0xda: {  	[sflag:s19] =	ssyncset.done $0x0  }
0xdb: {  	[sflag:s19] =	ssyncadd.s32 $0xFFFFFE00  }
0xdc: {  	_ =	swait.ge [sflag:s19], $0x200  }
0xdd: {  	[sflag:s19] =	ssyncset.done $0x0  }
0xde: {  	[sflag:s19] =	ssyncadd.s32 $0xFFFFFE00  }
0xdf: {  	_ =	swait.ge [sflag:s19], $0x200  }
0xe0: {  	[sflag:s19] =	ssyncset.done $0x0  }
0xe1: {  	[sflag:s19] =	ssyncadd.s32 $0xFFFFFE00  }
0xe2: {  	_ =	swait.ge [sflag:s19], $0x200  }
0xe3: {  	[sflag:s19] =	ssyncset.done $0x0  }
0xe4: {  	[sflag:s19] =	ssyncadd.s32 $0xFFFFFE00  }
0xe5: {  	_ =	swait.ge [sflag:s19], $0x200  }
0xe6: {  	[sflag:s19] =	ssyncset.done $0x0  }
0xe7: {  	[sflag:s19] =	ssyncadd.s32 $0xFFFFFE00  }
0xe8: {  	_ =	swait.ge [sflag:s19], $0x200  }
0xe9: {  	[sflag:s19] =	ssyncset.done $0x0  }
0xea: {  	s23 =	simm.s32 $0x0;
	s24 =	simm.s32 $0x0;
	[sflag:s19] =	ssyncadd.s32 $0xFFFFFE00  }
.LBB2_2:
0xeb: {  	s25 =	sshra.s32 s24, $0x2  }
0xec: {  	v0 =	vld [tilespmem:s25+$0x1A00]  }
0xed: {  	v1 =	vld [tilespmem:s25+$0x1A10]  }
0xee: {  	v2 =	vld [tilespmem:s25+$0x1A20]  }
0xef: {  	v3 =	vld [tilespmem:s25+$0x1A30]  }
0xf0: {  	v4 =	vld [tilespmem:s25+$0x1A40]  }
0xf1: {  	v5 =	vld [tilespmem:s25+$0x1A50];
	v0 =	vtrunc.f32 v0  }
0xf2: {  	v6 =	vld [tilespmem:s25+$0x1A60];
	v1 =	vtrunc.f32 v1;
	v0 =	vcvt.f32.s32 v0  }
0xf3: {  	v7 =	vld [tilespmem:s25+$0x1A70];
	v2 =	vtrunc.f32 v2;
	v1 =	vcvt.f32.s32 v1  }
0xf4: {  	v8 =	vld [tilespmem:s25+$0x1A80];
	v3 =	vtrunc.f32 v3;
	v2 =	vcvt.f32.s32 v2;
	v0 =	vadd.s32 s23, v0  }
0xf5: {  	v63 =	vld [tilespmem:s25+$0x1A90];
	v62 =	vtrunc.f32 v4;
	v61 =	vcvt.f32.s32 v3;
	v60 =	vadd.s32 s23, v1;
	[tilespmem:s25+$0x4E00] =	vst v0  }
0xf6: {  	v12 =	vld [tilespmem:s25+$0x1AA0];
	v11 =	vtrunc.f32 v5;
	v10 =	vcvt.f32.s32 v62;
	v9 =	vadd.s32 s23, v2;
	[tilespmem:s25+$0x4E10] =	vst v60  }
0xf7: {  	v16 =	vld [tilespmem:s25+$0x1AB0];
	v15 =	vtrunc.f32 v6;
	v14 =	vcvt.f32.s32 v11;
	v13 =	vadd.s32 s23, v61;
	[tilespmem:s25+$0x4E20] =	vst v9  }
0xf8: {  	v20 =	vld [tilespmem:s25+$0x1AC0];
	v19 =	vtrunc.f32 v7;
	v18 =	vcvt.f32.s32 v15;
	v17 =	vadd.s32 s23, v10;
	[tilespmem:s25+$0x4E30] =	vst v13  }
0xf9: {  	v24 =	vld [tilespmem:s25+$0x1AD0];
	v23 =	vtrunc.f32 v8;
	v22 =	vcvt.f32.s32 v19;
	v21 =	vadd.s32 s23, v14;
	[tilespmem:s25+$0x4E40] =	vst v17  }
0xfa: {  	v28 =	vld [tilespmem:s25+$0x1AE0];
	v27 =	vtrunc.f32 v63;
	v26 =	vcvt.f32.s32 v23;
	v25 =	vadd.s32 s23, v18;
	[tilespmem:s25+$0x4E50] =	vst v21  }
0xfb: {  	v32 =	vld [tilespmem:s25+$0x1AF0];
	v31 =	vtrunc.f32 v12;
	v30 =	vcvt.f32.s32 v27;
	v29 =	vadd.s32 s23, v22;
	[tilespmem:s25+$0x4E60] =	vst v25  }
0xfc: {  	v36 =	vld [tilespmem:s25+$0x1B00];
	v35 =	vtrunc.f32 v16;
	v34 =	vcvt.f32.s32 v31;
	v33 =	vadd.s32 s23, v26;
	[tilespmem:s25+$0x4E70] =	vst v29  }
0xfd: {  	v40 =	vld [tilespmem:s25+$0x1B10];
	v39 =	vtrunc.f32 v20;
	v38 =	vcvt.f32.s32 v35;
	v37 =	vadd.s32 s23, v30;
	[tilespmem:s25+$0x4E80] =	vst v33  }
0xfe: {  	v44 =	vld [tilespmem:s25+$0x1B20];
	v43 =	vtrunc.f32 v24;
	v42 =	vcvt.f32.s32 v39;
	v41 =	vadd.s32 s23, v34;
	[tilespmem:s25+$0x4E90] =	vst v37  }
0xff: {  	v48 =	vld [tilespmem:s25+$0x1B30];
	v47 =	vtrunc.f32 v28;
	v46 =	vcvt.f32.s32 v43;
	v45 =	vadd.s32 s23, v38;
	[tilespmem:s25+$0x4EA0] =	vst v41  }
0x100: {  	v52 =	vld [tilespmem:s25+$0x1B40];
	v51 =	vtrunc.f32 v32;
	v50 =	vcvt.f32.s32 v47;
	v49 =	vadd.s32 s23, v42;
	[tilespmem:s25+$0x4EB0] =	vst v45  }
0x101: {  	v56 =	vld [tilespmem:s25+$0x1B50];
	v55 =	vtrunc.f32 v36;
	v54 =	vcvt.f32.s32 v51;
	v53 =	vadd.s32 s23, v46;
	[tilespmem:s25+$0x4EC0] =	vst v49  }
0x102: {  	v59 =	vtrunc.f32 v40;
	v12 =	vld [tilespmem:s25+$0x1B70];
	v58 =	vcvt.f32.s32 v55;
	v57 =	vadd.s32 s23, v50;
	[tilespmem:s25+$0x4ED0] =	vst v53  }
0x103: {  	v63 =	vtrunc.f32 v44;
	v16 =	vld [tilespmem:s25+$0x1B80];
	v62 =	vcvt.f32.s32 v59;
	v61 =	vadd.s32 s23, v54;
	[tilespmem:s25+$0x4EE0] =	vst v57  }
0x104: {  	v20 =	vld [tilespmem:s25+$0x1B90];
	v15 =	vtrunc.f32 v48;
	v14 =	vcvt.f32.s32 v63;
	[tilespmem:s25+$0x4EF0] =	vst v61;
	v13 =	vadd.s32 s23, v58  }
0x105: {  	v24 =	vld [tilespmem:s25+$0x1BA0];
	v19 =	vtrunc.f32 v52;
	v18 =	vcvt.f32.s32 v15;
	v17 =	vadd.s32 s23, v62;
	[tilespmem:s25+$0x4F00] =	vst v13  }
0x106: {  	v28 =	vld [tilespmem:s25+$0x1BB0];
	v23 =	vtrunc.f32 v56;
	v22 =	vcvt.f32.s32 v19;
	[tilespmem:s25+$0x4F10] =	vst v17;
	v21 =	vadd.s32 s23, v14  }
0x107: {  	v32 =	vld [tilespmem:s25+$0x1BC0];
	v26 =	vcvt.f32.s32 v23;
	v25 =	vadd.s32 s23, v18;
	v31 =	vtrunc.f32 v12;
	[tilespmem:s25+$0x4F20] =	vst v21  }
0x108: {  	v40 =	vld [tilespmem:s25+$0x1BE0];
	v29 =	vadd.s32 s23, v22;
	v35 =	vtrunc.f32 v16;
	[tilespmem:s25+$0x4F30] =	vst v25;
	v34 =	vcvt.f32.s32 v31  }
0x109: {  	v44 =	vld [tilespmem:s25+$0x1BF0];
	v33 =	vadd.s32 s23, v26;
	v39 =	vtrunc.f32 v20;
	[tilespmem:s25+$0x4F40] =	vst v29;
	v38 =	vcvt.f32.s32 v35  }
0x10a: {  	v36 =	vld [tilespmem:s25+$0x1BD0];
	v43 =	vtrunc.f32 v24;
	[tilespmem:s25+$0x4F50] =	vst v33;
	v42 =	vcvt.f32.s32 v39;
	v41 =	vadd.s32 s23, v34  }
0x10b: {  	v60 =	vld [tilespmem:s25+$0x1B60];
	v47 =	vtrunc.f32 v28;
	v46 =	vcvt.f32.s32 v43;
	v45 =	vadd.s32 s23, v38;
	[tilespmem:s25+$0x4F70] =	vst v41  }
0x10c: {  	v50 =	vtrunc.f32 v32;
	v49 =	vcvt.f32.s32 v47;
	v48 =	vadd.s32 s23, v42;
	[tilespmem:s25+$0x4F80] =	vst v45  }
0x10d: {  	v56 =	vtrunc.f32 v40;
	v52 =	vcvt.f32.s32 v50;
	v51 =	vadd.s32 s23, v46;
	[tilespmem:s25+$0x4F90] =	vst v48  }
0x10e: {  	v59 =	vtrunc.f32 v44;
	v58 =	vcvt.f32.s32 v56;
	v54 =	vadd.s32 s23, v49;
	[tilespmem:s25+$0x4FA0] =	vst v51  }
0x10f: {  	v53 =	vtrunc.f32 v36;
	v61 =	vcvt.f32.s32 v59;
	v57 =	vadd.s32 s23, v52;
	[tilespmem:s25+$0x4FB0] =	vst v54  }
0x110: {  	v55 =	vcvt.f32.s32 v53;
	v62 =	vadd.s32 s23, v58;
	v27 =	vtrunc.f32 v60;
	[tilespmem:s25+$0x4FC0] =	vst v57  }
0x111: {  	v63 =	vadd.s32 s23, v61;
	[tilespmem:s25+$0x4FE0] =	vst v62;
	v30 =	vcvt.f32.s32 v27  }
0x112: {  	v60 =	vadd.s32 s23, v55;
	[tilespmem:s25+$0x4FF0] =	vst v63  }
0x113: {  	[tilespmem:s25+$0x4FD0] =	vst v60;
	v37 =	vadd.s32 s23, v30  }
0x114: {  	s26 =	sadd.s32 $0x4E00, s25;
	s28 =	sadd.s32 $0x8200, s25;
	[tilespmem:s25+$0x4F60] =	vst v37  }
0x115: {  	[tilespmem:s28], [sflag:$0x1] =	stream.indirect.gather [hbm4b:s4+s20], $0x1, s26, s20, $0xb8;
	[tilespmem:$0xA420] =	vst v63  }
0x116: {  	p0 =	sne.s32 s24, $0x7800;
	s26 =	sadd.s32 $0x4E80, s25;
	s28 =	sadd.s32 $0x8280, s25  }
0x117: {  	[tilespmem:s28], [sflag:$0x1] =	stream.indirect.gather [hbm4b:s4+s20], $0x1, s26, s20, $0xb8;
	[tilespmem:$0xA420] =	vst v63  }
.Ltmp0:
0x118: {  	_ = 	snop;
	(pc) =	sbr.rel @p0 .LBB2_2-.Ltmp0, $4  }
0x119: {  	s24 =	sadd.s32 $0x800, s24;
	s26 =	sadd.s32 $0x4F00, s25;
	s28 =	sadd.s32 $0x8300, s25  }
0x11a: {  	[tilespmem:s28], [sflag:$0x1] =	stream.indirect.gather [hbm4b:s4+s20], $0x1, s26, s20, $0xb8;
	[tilespmem:$0xA420] =	vst v63  }
0x11b: {  	s23 =	sadd.s32 $0x186A0, s23;
	s28 =	sadd.s32 $0x4F80, s25;
	s25 =	sadd.s32 $0x8380, s25  }
0x11c: {  	[tilespmem:s25], [sflag:$0x1] =	stream.indirect.gather [hbm4b:s4+s20], $0x1, s28, s20, $0xb8;
	[tilespmem:$0xA420] =	vst v63  }
0x11d: {  	s24 =	simm.s32 $0x3BF0  }
0x11e: {  	v0 =	vld [tilespmem:s24+$0xFFFFFE10];
	_ =	sdelay $0x4  }
0x11f: {  	v0 =	vtrunc.f32 v0  }
0x120: {  	v0 =	vcvt.f32.s32 v0  }
0x121: {  	s25 =	simm.s32 $0x6A00  }
0x122: {  	s23 =	simm.s32 $0x6F00;
	v0 =	vadd.s32 s25, v0  }
0x123: {  	[tilespmem:s23+$0xFFFFFF00] =	vst v0  }
0x124: {  	v0 =	vld [tilespmem:s24+$0xFFFFFE20];
	_ =	sdelay $0x4  }
0x125: {  	v0 =	vtrunc.f32 v0  }
0x126: {  	v0 =	vcvt.f32.s32 v0;
	_ =	sdelay $0x1  }
0x127: {  	v0 =	vadd.s32 s25, v0  }
0x128: {  	[tilespmem:s23+$0xFFFFFF10] =	vst v0  }
0x129: {  	v0 =	vld [tilespmem:s24+$0xFFFFFE30];
	_ =	sdelay $0x4  }
0x12a: {  	v0 =	vtrunc.f32 v0  }
0x12b: {  	v0 =	vcvt.f32.s32 v0;
	_ =	sdelay $0x1  }
0x12c: {  	v0 =	vadd.s32 s25, v0  }
0x12d: {  	[tilespmem:s23+$0xFFFFFF20] =	vst v0  }
0x12e: {  	v0 =	vld [tilespmem:s24+$0xFFFFFE40];
	_ =	sdelay $0x4  }
0x12f: {  	v0 =	vtrunc.f32 v0  }
0x130: {  	v0 =	vcvt.f32.s32 v0;
	_ =	sdelay $0x1  }
0x131: {  	v0 =	vadd.s32 s25, v0  }
0x132: {  	[tilespmem:s23+$0xFFFFFF30] =	vst v0  }
0x133: {  	v0 =	vld [tilespmem:s24+$0xFFFFFE50];
	_ =	sdelay $0x4  }
0x134: {  	v0 =	vtrunc.f32 v0  }
0x135: {  	v0 =	vcvt.f32.s32 v0;
	_ =	sdelay $0x1  }
0x136: {  	v0 =	vadd.s32 s25, v0  }
0x137: {  	[tilespmem:s23+$0xFFFFFF40] =	vst v0  }
0x138: {  	v0 =	vld [tilespmem:s24+$0xFFFFFE60];
	_ =	sdelay $0x4  }
0x139: {  	v0 =	vtrunc.f32 v0  }
0x13a: {  	v0 =	vcvt.f32.s32 v0;
	_ =	sdelay $0x1  }
0x13b: {  	v0 =	vadd.s32 s25, v0  }
0x13c: {  	[tilespmem:s23+$0xFFFFFF50] =	vst v0  }
0x13d: {  	v0 =	vld [tilespmem:s24+$0xFFFFFE70];
	_ =	sdelay $0x4  }
0x13e: {  	v0 =	vtrunc.f32 v0  }
0x13f: {  	v0 =	vcvt.f32.s32 v0;
	_ =	sdelay $0x1  }
0x140: {  	v0 =	vadd.s32 s25, v0  }
0x141: {  	[tilespmem:s23+$0xFFFFFF60] =	vst v0  }
0x142: {  	v0 =	vld [tilespmem:s24+$0xFFFFFE80];
	_ =	sdelay $0x4  }
0x143: {  	v0 =	vtrunc.f32 v0  }
0x144: {  	v0 =	vcvt.f32.s32 v0;
	_ =	sdelay $0x1  }
0x145: {  	v0 =	vadd.s32 s25, v0  }
0x146: {  	[tilespmem:s23+$0xFFFFFF70] =	vst v0  }
0x147: {  	v0 =	vld [tilespmem:s24+$0xFFFFFE90];
	_ =	sdelay $0x4  }
0x148: {  	v0 =	vtrunc.f32 v0  }
0x149: {  	v0 =	vcvt.f32.s32 v0;
	_ =	sdelay $0x1  }
0x14a: {  	v0 =	vadd.s32 s25, v0  }
0x14b: {  	[tilespmem:s23+$0xFFFFFF80] =	vst v0  }
0x14c: {  	v0 =	vld [tilespmem:s24+$0xFFFFFEA0];
	_ =	sdelay $0x4  }
0x14d: {  	v0 =	vtrunc.f32 v0  }
0x14e: {  	v0 =	vcvt.f32.s32 v0;
	_ =	sdelay $0x1  }
0x14f: {  	v0 =	vadd.s32 s25, v0  }
0x150: {  	[tilespmem:s23+$0xFFFFFF90] =	vst v0  }
0x151: {  	v0 =	vld [tilespmem:s24+$0xFFFFFEB0];
	_ =	sdelay $0x4  }
0x152: {  	v0 =	vtrunc.f32 v0  }
0x153: {  	v0 =	vcvt.f32.s32 v0;
	_ =	sdelay $0x1  }
0x154: {  	v0 =	vadd.s32 s25, v0  }
0x155: {  	[tilespmem:s23+$0xFFFFFFA0] =	vst v0  }
0x156: {  	v0 =	vld [tilespmem:s24+$0xFFFFFEC0];
	_ =	sdelay $0x4  }
0x157: {  	v0 =	vtrunc.f32 v0  }
0x158: {  	v0 =	vcvt.f32.s32 v0;
	_ =	sdelay $0x1  }
0x159: {  	v0 =	vadd.s32 s25, v0  }
0x15a: {  	[tilespmem:s23+$0xFFFFFFB0] =	vst v0  }
0x15b: {  	v0 =	vld [tilespmem:s24+$0xFFFFFED0];
	_ =	sdelay $0x4  }
0x15c: {  	v0 =	vtrunc.f32 v0  }
0x15d: {  	v0 =	vcvt.f32.s32 v0;
	_ =	sdelay $0x1  }
0x15e: {  	v0 =	vadd.s32 s25, v0  }
0x15f: {  	[tilespmem:s23+$0xFFFFFFC0] =	vst v0  }
0x160: {  	v0 =	vld [tilespmem:s24+$0xFFFFFEE0];
	_ =	sdelay $0x4  }
0x161: {  	v0 =	vtrunc.f32 v0  }
0x162: {  	v0 =	vcvt.f32.s32 v0;
	_ =	sdelay $0x1  }
0x163: {  	v0 =	vadd.s32 s25, v0  }
0x164: {  	[tilespmem:s23+$0xFFFFFFD0] =	vst v0  }
0x165: {  	v0 =	vld [tilespmem:s24+$0xFFFFFEF0];
	_ =	sdelay $0x4  }
0x166: {  	v0 =	vtrunc.f32 v0  }
0x167: {  	v0 =	vcvt.f32.s32 v0;
	_ =	sdelay $0x1  }
0x168: {  	v0 =	vadd.s32 s25, v0  }
0x169: {  	[tilespmem:s23+$0xFFFFFFE0] =	vst v0  }
0x16a: {  	v0 =	vld [tilespmem:s24+$0xFFFFFF00];
	_ =	sdelay $0x4  }
0x16b: {  	v0 =	vtrunc.f32 v0  }
0x16c: {  	v0 =	vcvt.f32.s32 v0;
	_ =	sdelay $0x1  }
0x16d: {  	v0 =	vadd.s32 s25, v0  }
0x16e: {  	[tilespmem:s23+$0xFFFFFFF0] =	vst v0  }
0x16f: {  	v0 =	vld [tilespmem:s24+$0xFFFFFF10];
	_ =	sdelay $0x4  }
0x170: {  	v0 =	vtrunc.f32 v0  }
0x171: {  	v0 =	vcvt.f32.s32 v0;
	_ =	sdelay $0x1  }
0x172: {  	v0 =	vadd.s32 s25, v0  }
0x173: {  	[tilespmem:s23+$0x0] =	vst v0  }
0x174: {  	v0 =	vld [tilespmem:s24+$0xFFFFFF20];
	_ =	sdelay $0x4  }
0x175: {  	v0 =	vtrunc.f32 v0  }
0x176: {  	v0 =	vcvt.f32.s32 v0;
	_ =	sdelay $0x1  }
0x177: {  	v0 =	vadd.s32 s25, v0  }
0x178: {  	[tilespmem:s23+$0x10] =	vst v0  }
0x179: {  	v0 =	vld [tilespmem:s24+$0xFFFFFF30];
	_ =	sdelay $0x4  }
0x17a: {  	v0 =	vtrunc.f32 v0  }
0x17b: {  	v0 =	vcvt.f32.s32 v0;
	_ =	sdelay $0x1  }
0x17c: {  	v0 =	vadd.s32 s25, v0  }
0x17d: {  	[tilespmem:s23+$0x20] =	vst v0  }
0x17e: {  	v0 =	vld [tilespmem:s24+$0xFFFFFF40];
	_ =	sdelay $0x4  }
0x17f: {  	v0 =	vtrunc.f32 v0  }
0x180: {  	v0 =	vcvt.f32.s32 v0;
	_ =	sdelay $0x1  }
0x181: {  	v0 =	vadd.s32 s25, v0  }
0x182: {  	[tilespmem:s23+$0x30] =	vst v0  }
0x183: {  	v0 =	vld [tilespmem:s24+$0xFFFFFF50];
	_ =	sdelay $0x4  }
0x184: {  	v0 =	vtrunc.f32 v0  }
0x185: {  	v0 =	vcvt.f32.s32 v0;
	_ =	sdelay $0x1  }
0x186: {  	v0 =	vadd.s32 s25, v0  }
0x187: {  	[tilespmem:s23+$0x40] =	vst v0  }
0x188: {  	v0 =	vld [tilespmem:s24+$0xFFFFFF60];
	_ =	sdelay $0x4  }
0x189: {  	v0 =	vtrunc.f32 v0  }
0x18a: {  	v0 =	vcvt.f32.s32 v0;
	_ =	sdelay $0x1  }
0x18b: {  	v0 =	vadd.s32 s25, v0  }
0x18c: {  	[tilespmem:s23+$0x50] =	vst v0  }
0x18d: {  	v0 =	vld [tilespmem:s24+$0xFFFFFF70];
	_ =	sdelay $0x4  }
0x18e: {  	v0 =	vtrunc.f32 v0  }
0x18f: {  	v0 =	vcvt.f32.s32 v0;
	_ =	sdelay $0x1  }
0x190: {  	v0 =	vadd.s32 s25, v0  }
0x191: {  	[tilespmem:s23+$0x60] =	vst v0  }
0x192: {  	v0 =	vld [tilespmem:s24+$0xFFFFFF80];
	_ =	sdelay $0x4  }
0x193: {  	v0 =	vtrunc.f32 v0  }
0x194: {  	v0 =	vcvt.f32.s32 v0;
	_ =	sdelay $0x1  }
0x195: {  	v0 =	vadd.s32 s25, v0  }
0x196: {  	[tilespmem:s23+$0x70] =	vst v0  }
0x197: {  	v0 =	vld [tilespmem:s24+$0xFFFFFF90];
	_ =	sdelay $0x4  }
0x198: {  	v0 =	vtrunc.f32 v0  }
0x199: {  	v0 =	vcvt.f32.s32 v0;
	_ =	sdelay $0x1  }
0x19a: {  	v0 =	vadd.s32 s25, v0  }
0x19b: {  	[tilespmem:s23+$0x80] =	vst v0  }
0x19c: {  	v0 =	vld [tilespmem:s24+$0xFFFFFFA0];
	_ =	sdelay $0x4  }
0x19d: {  	v0 =	vtrunc.f32 v0  }
0x19e: {  	v0 =	vcvt.f32.s32 v0;
	_ =	sdelay $0x1  }
0x19f: {  	v0 =	vadd.s32 s25, v0  }
0x1a0: {  	[tilespmem:s23+$0x90] =	vst v0  }
0x1a1: {  	v0 =	vld [tilespmem:s24+$0xFFFFFFB0];
	_ =	sdelay $0x4  }
0x1a2: {  	v0 =	vtrunc.f32 v0  }
0x1a3: {  	v0 =	vcvt.f32.s32 v0;
	_ =	sdelay $0x1  }
0x1a4: {  	v0 =	vadd.s32 s25, v0  }
0x1a5: {  	[tilespmem:s23+$0xA0] =	vst v0  }
0x1a6: {  	v0 =	vld [tilespmem:s24+$0xFFFFFFC0];
	_ =	sdelay $0x4  }
0x1a7: {  	v0 =	vtrunc.f32 v0  }
0x1a8: {  	v0 =	vcvt.f32.s32 v0;
	_ =	sdelay $0x1  }
0x1a9: {  	v0 =	vadd.s32 s25, v0  }
0x1aa: {  	[tilespmem:s23+$0xB0] =	vst v0  }
0x1ab: {  	v0 =	vld [tilespmem:s24+$0xFFFFFFD0];
	_ =	sdelay $0x4  }
0x1ac: {  	v0 =	vtrunc.f32 v0  }
0x1ad: {  	v0 =	vcvt.f32.s32 v0;
	_ =	sdelay $0x1  }
0x1ae: {  	v0 =	vadd.s32 s25, v0  }
0x1af: {  	[tilespmem:s23+$0xC0] =	vst v0  }
0x1b0: {  	v0 =	vld [tilespmem:s24+$0xFFFFFFE0];
	_ =	sdelay $0x4  }
0x1b1: {  	v0 =	vtrunc.f32 v0  }
0x1b2: {  	v0 =	vcvt.f32.s32 v0;
	_ =	sdelay $0x1  }
0x1b3: {  	v0 =	vadd.s32 s25, v0  }
0x1b4: {  	[tilespmem:s23+$0xD0] =	vst v0  }
0x1b5: {  	v0 =	vld [tilespmem:s24+$0xFFFFFFF0];
	_ =	sdelay $0x4  }
0x1b6: {  	v0 =	vtrunc.f32 v0  }
0x1b7: {  	v0 =	vcvt.f32.s32 v0;
	_ =	sdelay $0x1  }
0x1b8: {  	v0 =	vadd.s32 s25, v0  }
0x1b9: {  	[tilespmem:s23+$0xE0] =	vst v0  }
0x1ba: {  	v0 =	vld [tilespmem:s24+$0x0];
	_ =	sdelay $0x4  }
0x1bb: {  	v0 =	vtrunc.f32 v0  }
0x1bc: {  	v0 =	vcvt.f32.s32 v0;
	_ =	sdelay $0x1  }
0x1bd: {  	v0 =	vadd.s32 s25, v0  }
0x1be: {  	s25 =	simm.s32 $0x3DF0;
	[tilespmem:s23+$0xF0] =	vst v0  }
0x1bf: {  	s26 =	simm.s32 $0x37740;
	s24 =	simm.s32 $0x1F0A0;
	v0 =	vld [tilespmem:s25+$0xFFFFFE10]  }
.LBB2_4:
0x1c0: {  	p0 =	sne.s32 s26, $0xE25A0;
	_ =	sdelay $0x3  }
0x1c1: {  	v0 =	vtrunc.f32 v0  }
0x1c2: {  	v0 =	vcvt.f32.s32 v0;
	_ =	sdelay $0x1  }
0x1c3: {  	s23 =	sadd.s32 $0x200, s23;
	v0 =	vadd.s32 s24, v0  }
0x1c4: {  	[tilespmem:s23+$0xFFFFFF00] =	vst v0  }
0x1c5: {  	v0 =	vld [tilespmem:s25+$0xFFFFFE20];
	_ =	sdelay $0x4  }
0x1c6: {  	v0 =	vtrunc.f32 v0  }
0x1c7: {  	v0 =	vcvt.f32.s32 v0;
	_ =	sdelay $0x1  }
0x1c8: {  	v0 =	vadd.s32 s24, v0  }
0x1c9: {  	[tilespmem:s23+$0xFFFFFF10] =	vst v0  }
0x1ca: {  	v0 =	vld [tilespmem:s25+$0xFFFFFE30];
	_ =	sdelay $0x4  }
0x1cb: {  	v0 =	vtrunc.f32 v0  }
0x1cc: {  	v0 =	vcvt.f32.s32 v0;
	_ =	sdelay $0x1  }
0x1cd: {  	v0 =	vadd.s32 s24, v0  }
0x1ce: {  	[tilespmem:s23+$0xFFFFFF20] =	vst v0  }
0x1cf: {  	v0 =	vld [tilespmem:s25+$0xFFFFFE40];
	_ =	sdelay $0x4  }
0x1d0: {  	v0 =	vtrunc.f32 v0  }
0x1d1: {  	v0 =	vcvt.f32.s32 v0;
	_ =	sdelay $0x1  }
0x1d2: {  	v0 =	vadd.s32 s24, v0  }
0x1d3: {  	[tilespmem:s23+$0xFFFFFF30] =	vst v0  }
0x1d4: {  	v0 =	vld [tilespmem:s25+$0xFFFFFE50];
	_ =	sdelay $0x4  }
0x1d5: {  	v0 =	vtrunc.f32 v0  }
0x1d6: {  	v0 =	vcvt.f32.s32 v0;
	_ =	sdelay $0x1  }
0x1d7: {  	v0 =	vadd.s32 s24, v0  }
0x1d8: {  	[tilespmem:s23+$0xFFFFFF40] =	vst v0  }
0x1d9: {  	v0 =	vld [tilespmem:s25+$0xFFFFFE60];
	_ =	sdelay $0x4  }
0x1da: {  	v0 =	vtrunc.f32 v0  }
0x1db: {  	v0 =	vcvt.f32.s32 v0;
	_ =	sdelay $0x1  }
0x1dc: {  	v0 =	vadd.s32 s24, v0  }
0x1dd: {  	[tilespmem:s23+$0xFFFFFF50] =	vst v0  }
0x1de: {  	v0 =	vld [tilespmem:s25+$0xFFFFFE70];
	_ =	sdelay $0x4  }
0x1df: {  	v0 =	vtrunc.f32 v0  }
0x1e0: {  	v0 =	vcvt.f32.s32 v0;
	_ =	sdelay $0x1  }
0x1e1: {  	v0 =	vadd.s32 s24, v0  }
0x1e2: {  	[tilespmem:s23+$0xFFFFFF60] =	vst v0  }
0x1e3: {  	v0 =	vld [tilespmem:s25+$0xFFFFFE80];
	_ =	sdelay $0x4  }
0x1e4: {  	v0 =	vtrunc.f32 v0  }
0x1e5: {  	v0 =	vcvt.f32.s32 v0;
	_ =	sdelay $0x1  }
0x1e6: {  	v0 =	vadd.s32 s24, v0  }
0x1e7: {  	[tilespmem:s23+$0xFFFFFF70] =	vst v0  }
0x1e8: {  	v0 =	vld [tilespmem:s25+$0xFFFFFE90];
	_ =	sdelay $0x4  }
0x1e9: {  	v0 =	vtrunc.f32 v0  }
0x1ea: {  	v0 =	vcvt.f32.s32 v0;
	_ =	sdelay $0x1  }
0x1eb: {  	v0 =	vadd.s32 s24, v0  }
0x1ec: {  	[tilespmem:s23+$0xFFFFFF80] =	vst v0  }
0x1ed: {  	v0 =	vld [tilespmem:s25+$0xFFFFFEA0];
	_ =	sdelay $0x4  }
0x1ee: {  	v0 =	vtrunc.f32 v0  }
0x1ef: {  	v0 =	vcvt.f32.s32 v0;
	_ =	sdelay $0x1  }
0x1f0: {  	v0 =	vadd.s32 s24, v0  }
0x1f1: {  	[tilespmem:s23+$0xFFFFFF90] =	vst v0  }
0x1f2: {  	v0 =	vld [tilespmem:s25+$0xFFFFFEB0];
	_ =	sdelay $0x4  }
0x1f3: {  	v0 =	vtrunc.f32 v0  }
0x1f4: {  	v0 =	vcvt.f32.s32 v0;
	_ =	sdelay $0x1  }
0x1f5: {  	v0 =	vadd.s32 s24, v0  }
0x1f6: {  	[tilespmem:s23+$0xFFFFFFA0] =	vst v0  }
0x1f7: {  	v0 =	vld [tilespmem:s25+$0xFFFFFEC0];
	_ =	sdelay $0x4  }
0x1f8: {  	v0 =	vtrunc.f32 v0  }
0x1f9: {  	v0 =	vcvt.f32.s32 v0;
	_ =	sdelay $0x1  }
0x1fa: {  	v0 =	vadd.s32 s24, v0  }
0x1fb: {  	[tilespmem:s23+$0xFFFFFFB0] =	vst v0  }
0x1fc: {  	v0 =	vld [tilespmem:s25+$0xFFFFFED0];
	_ =	sdelay $0x4  }
0x1fd: {  	v0 =	vtrunc.f32 v0  }
0x1fe: {  	v0 =	vcvt.f32.s32 v0;
	_ =	sdelay $0x1  }
0x1ff: {  	v0 =	vadd.s32 s24, v0  }
0x200: {  	[tilespmem:s23+$0xFFFFFFC0] =	vst v0  }
0x201: {  	v0 =	vld [tilespmem:s25+$0xFFFFFEE0];
	_ =	sdelay $0x4  }
0x202: {  	v0 =	vtrunc.f32 v0  }
0x203: {  	v0 =	vcvt.f32.s32 v0;
	_ =	sdelay $0x1  }
0x204: {  	v0 =	vadd.s32 s24, v0  }
0x205: {  	[tilespmem:s23+$0xFFFFFFD0] =	vst v0  }
0x206: {  	v0 =	vld [tilespmem:s25+$0xFFFFFEF0];
	_ =	sdelay $0x4  }
0x207: {  	v0 =	vtrunc.f32 v0  }
0x208: {  	v0 =	vcvt.f32.s32 v0;
	_ =	sdelay $0x1  }
0x209: {  	v0 =	vadd.s32 s24, v0  }
0x20a: {  	[tilespmem:s23+$0xFFFFFFE0] =	vst v0  }
0x20b: {  	v0 =	vld [tilespmem:s25+$0xFFFFFF00];
	_ =	sdelay $0x4  }
0x20c: {  	v0 =	vtrunc.f32 v0  }
0x20d: {  	v0 =	vcvt.f32.s32 v0;
	_ =	sdelay $0x1  }
0x20e: {  	v0 =	vadd.s32 s24, v0  }
0x20f: {  	[tilespmem:s23+$0xFFFFFFF0] =	vst v0  }
0x210: {  	v0 =	vld [tilespmem:s25+$0xFFFFFF10];
	_ =	sdelay $0x4  }
0x211: {  	v0 =	vtrunc.f32 v0  }
0x212: {  	v0 =	vcvt.f32.s32 v0;
	_ =	sdelay $0x1  }
0x213: {  	v0 =	vadd.s32 s24, v0  }
0x214: {  	[tilespmem:s23+$0x0] =	vst v0  }
0x215: {  	v0 =	vld [tilespmem:s25+$0xFFFFFF20];
	_ =	sdelay $0x4  }
0x216: {  	v0 =	vtrunc.f32 v0  }
0x217: {  	v0 =	vcvt.f32.s32 v0;
	_ =	sdelay $0x1  }
0x218: {  	v0 =	vadd.s32 s24, v0  }
0x219: {  	[tilespmem:s23+$0x10] =	vst v0  }
0x21a: {  	v0 =	vld [tilespmem:s25+$0xFFFFFF30];
	_ =	sdelay $0x4  }
0x21b: {  	v0 =	vtrunc.f32 v0  }
0x21c: {  	v0 =	vcvt.f32.s32 v0;
	_ =	sdelay $0x1  }
0x21d: {  	v0 =	vadd.s32 s24, v0  }
0x21e: {  	[tilespmem:s23+$0x20] =	vst v0  }
0x21f: {  	v0 =	vld [tilespmem:s25+$0xFFFFFF40];
	_ =	sdelay $0x4  }
0x220: {  	v0 =	vtrunc.f32 v0  }
0x221: {  	v0 =	vcvt.f32.s32 v0;
	_ =	sdelay $0x1  }
0x222: {  	v0 =	vadd.s32 s24, v0  }
0x223: {  	[tilespmem:s23+$0x30] =	vst v0  }
0x224: {  	v0 =	vld [tilespmem:s25+$0xFFFFFF50];
	_ =	sdelay $0x4  }
0x225: {  	v0 =	vtrunc.f32 v0  }
0x226: {  	v0 =	vcvt.f32.s32 v0;
	_ =	sdelay $0x1  }
0x227: {  	v0 =	vadd.s32 s24, v0  }
0x228: {  	[tilespmem:s23+$0x40] =	vst v0  }
0x229: {  	v0 =	vld [tilespmem:s25+$0xFFFFFF60];
	_ =	sdelay $0x4  }
0x22a: {  	v0 =	vtrunc.f32 v0  }
0x22b: {  	v0 =	vcvt.f32.s32 v0;
	_ =	sdelay $0x1  }
0x22c: {  	v0 =	vadd.s32 s24, v0  }
0x22d: {  	[tilespmem:s23+$0x50] =	vst v0  }
0x22e: {  	v0 =	vld [tilespmem:s25+$0xFFFFFF70];
	_ =	sdelay $0x4  }
0x22f: {  	v0 =	vtrunc.f32 v0  }
0x230: {  	v0 =	vcvt.f32.s32 v0;
	_ =	sdelay $0x1  }
0x231: {  	v0 =	vadd.s32 s24, v0  }
0x232: {  	[tilespmem:s23+$0x60] =	vst v0  }
0x233: {  	v0 =	vld [tilespmem:s25+$0xFFFFFF80];
	_ =	sdelay $0x4  }
0x234: {  	v0 =	vtrunc.f32 v0  }
0x235: {  	v0 =	vcvt.f32.s32 v0;
	_ =	sdelay $0x1  }
0x236: {  	v0 =	vadd.s32 s24, v0  }
0x237: {  	[tilespmem:s23+$0x70] =	vst v0  }
0x238: {  	v0 =	vld [tilespmem:s25+$0xFFFFFF90];
	_ =	sdelay $0x4  }
0x239: {  	v0 =	vtrunc.f32 v0  }
0x23a: {  	v0 =	vcvt.f32.s32 v0;
	_ =	sdelay $0x1  }
0x23b: {  	v0 =	vadd.s32 s24, v0  }
0x23c: {  	[tilespmem:s23+$0x80] =	vst v0  }
0x23d: {  	v0 =	vld [tilespmem:s25+$0xFFFFFFA0];
	_ =	sdelay $0x4  }
0x23e: {  	v0 =	vtrunc.f32 v0  }
0x23f: {  	v0 =	vcvt.f32.s32 v0;
	_ =	sdelay $0x1  }
0x240: {  	v0 =	vadd.s32 s24, v0  }
0x241: {  	[tilespmem:s23+$0x90] =	vst v0  }
0x242: {  	v0 =	vld [tilespmem:s25+$0xFFFFFFB0];
	_ =	sdelay $0x4  }
0x243: {  	v0 =	vtrunc.f32 v0  }
0x244: {  	v0 =	vcvt.f32.s32 v0;
	_ =	sdelay $0x1  }
0x245: {  	v0 =	vadd.s32 s24, v0  }
0x246: {  	[tilespmem:s23+$0xA0] =	vst v0  }
0x247: {  	v0 =	vld [tilespmem:s25+$0xFFFFFFC0];
	_ =	sdelay $0x4  }
0x248: {  	v0 =	vtrunc.f32 v0  }
0x249: {  	v0 =	vcvt.f32.s32 v0;
	_ =	sdelay $0x1  }
0x24a: {  	v0 =	vadd.s32 s24, v0  }
0x24b: {  	[tilespmem:s23+$0xB0] =	vst v0  }
0x24c: {  	v0 =	vld [tilespmem:s25+$0xFFFFFFD0];
	_ =	sdelay $0x4  }
0x24d: {  	v0 =	vtrunc.f32 v0  }
0x24e: {  	v0 =	vcvt.f32.s32 v0;
	_ =	sdelay $0x1  }
0x24f: {  	v0 =	vadd.s32 s24, v0  }
0x250: {  	[tilespmem:s23+$0xC0] =	vst v0  }
0x251: {  	v0 =	vld [tilespmem:s25+$0xFFFFFFE0];
	_ =	sdelay $0x4  }
0x252: {  	v0 =	vtrunc.f32 v0  }
0x253: {  	v0 =	vcvt.f32.s32 v0;
	_ =	sdelay $0x1  }
0x254: {  	v0 =	vadd.s32 s24, v0  }
0x255: {  	[tilespmem:s23+$0xD0] =	vst v0  }
0x256: {  	v0 =	vld [tilespmem:s25+$0xFFFFFFF0];
	_ =	sdelay $0x4  }
0x257: {  	v0 =	vtrunc.f32 v0  }
0x258: {  	v0 =	vcvt.f32.s32 v0;
	_ =	sdelay $0x1  }
0x259: {  	v0 =	vadd.s32 s24, v0  }
0x25a: {  	[tilespmem:s23+$0xE0] =	vst v0  }
0x25b: {  	v0 =	vld [tilespmem:s25+$0x0];
	_ =	sdelay $0x4  }
0x25c: {  	v0 =	vtrunc.f32 v0  }
.Ltmp1:
0x25d: {  	v0 =	vcvt.f32.s32 v0;
	(pc) =	sbr.rel @p0 .LBB2_4-.Ltmp1, $4  }
0x25e: {  	_ = 	snop  }
0x25f: {  	v0 =	vadd.s32 s24, v0;
	s24 =	smov.u32 s26  }
0x260: {  	s25 =	sadd.s32 $0x200, s25;
	[tilespmem:s23+$0xF0] =	vst v0  }
0x261: {  	s26 =	sadd.s32 $0x186A0, s26;
	v0 =	vld [tilespmem:s25+$0xFFFFFE10]  }
0x262: {  	_ =	sdelay $0x3  }
0x263: {  	v0 =	vtrunc.f32 v0  }
0x264: {  	v0 =	vcvt.f32.s32 v0;
	_ =	sdelay $0x1  }
0x265: {  	s23 =	sadd.s32 $0x200, s23;
	v0 =	vadd.s32 s24, v0  }
0x266: {  	[tilespmem:s23+$0xFFFFFF00] =	vst v0  }
0x267: {  	v0 =	vld [tilespmem:s25+$0xFFFFFE20];
	_ =	sdelay $0x4  }
0x268: {  	v0 =	vtrunc.f32 v0  }
0x269: {  	v0 =	vcvt.f32.s32 v0;
	_ =	sdelay $0x1  }
0x26a: {  	v0 =	vadd.s32 s24, v0  }
0x26b: {  	[tilespmem:s23+$0xFFFFFF10] =	vst v0  }
0x26c: {  	v0 =	vld [tilespmem:s25+$0xFFFFFE30];
	_ =	sdelay $0x4  }
0x26d: {  	v0 =	vtrunc.f32 v0  }
0x26e: {  	v0 =	vcvt.f32.s32 v0;
	_ =	sdelay $0x1  }
0x26f: {  	v0 =	vadd.s32 s24, v0  }
0x270: {  	[tilespmem:s23+$0xFFFFFF20] =	vst v0  }
0x271: {  	v0 =	vld [tilespmem:s25+$0xFFFFFE40];
	_ =	sdelay $0x4  }
0x272: {  	v0 =	vtrunc.f32 v0  }
0x273: {  	v0 =	vcvt.f32.s32 v0;
	_ =	sdelay $0x1  }
0x274: {  	v0 =	vadd.s32 s24, v0  }
0x275: {  	[tilespmem:s23+$0xFFFFFF30] =	vst v0  }
0x276: {  	v0 =	vld [tilespmem:s25+$0xFFFFFE50];
	_ =	sdelay $0x4  }
0x277: {  	v0 =	vtrunc.f32 v0  }
0x278: {  	v0 =	vcvt.f32.s32 v0;
	_ =	sdelay $0x1  }
0x279: {  	v0 =	vadd.s32 s24, v0  }
0x27a: {  	[tilespmem:s23+$0xFFFFFF40] =	vst v0  }
0x27b: {  	v0 =	vld [tilespmem:s25+$0xFFFFFE60];
	_ =	sdelay $0x4  }
0x27c: {  	v0 =	vtrunc.f32 v0  }
0x27d: {  	v0 =	vcvt.f32.s32 v0;
	_ =	sdelay $0x1  }
0x27e: {  	v0 =	vadd.s32 s24, v0  }
0x27f: {  	[tilespmem:s23+$0xFFFFFF50] =	vst v0  }
0x280: {  	v0 =	vld [tilespmem:s25+$0xFFFFFE70];
	_ =	sdelay $0x4  }
0x281: {  	v0 =	vtrunc.f32 v0  }
0x282: {  	v0 =	vcvt.f32.s32 v0;
	_ =	sdelay $0x1  }
0x283: {  	v0 =	vadd.s32 s24, v0  }
0x284: {  	[tilespmem:s23+$0xFFFFFF60] =	vst v0  }
0x285: {  	v0 =	vld [tilespmem:s25+$0xFFFFFE80];
	_ =	sdelay $0x4  }
0x286: {  	v0 =	vtrunc.f32 v0  }
0x287: {  	v0 =	vcvt.f32.s32 v0;
	_ =	sdelay $0x1  }
0x288: {  	v0 =	vadd.s32 s24, v0  }
0x289: {  	[tilespmem:s23+$0xFFFFFF70] =	vst v0  }
0x28a: {  	v0 =	vld [tilespmem:s25+$0xFFFFFE90];
	_ =	sdelay $0x4  }
0x28b: {  	v0 =	vtrunc.f32 v0  }
0x28c: {  	v0 =	vcvt.f32.s32 v0;
	_ =	sdelay $0x1  }
0x28d: {  	v0 =	vadd.s32 s24, v0  }
0x28e: {  	[tilespmem:s23+$0xFFFFFF80] =	vst v0  }
0x28f: {  	v0 =	vld [tilespmem:s25+$0xFFFFFEA0];
	_ =	sdelay $0x4  }
0x290: {  	v0 =	vtrunc.f32 v0  }
0x291: {  	v0 =	vcvt.f32.s32 v0;
	_ =	sdelay $0x1  }
0x292: {  	v0 =	vadd.s32 s24, v0  }
0x293: {  	[tilespmem:s23+$0xFFFFFF90] =	vst v0  }
0x294: {  	v0 =	vld [tilespmem:s25+$0xFFFFFEB0];
	_ =	sdelay $0x4  }
0x295: {  	v0 =	vtrunc.f32 v0  }
0x296: {  	v0 =	vcvt.f32.s32 v0;
	_ =	sdelay $0x1  }
0x297: {  	v0 =	vadd.s32 s24, v0  }
0x298: {  	[tilespmem:s23+$0xFFFFFFA0] =	vst v0  }
0x299: {  	v0 =	vld [tilespmem:s25+$0xFFFFFEC0];
	_ =	sdelay $0x4  }
0x29a: {  	v0 =	vtrunc.f32 v0  }
0x29b: {  	v0 =	vcvt.f32.s32 v0;
	_ =	sdelay $0x1  }
0x29c: {  	v0 =	vadd.s32 s24, v0  }
0x29d: {  	[tilespmem:s23+$0xFFFFFFB0] =	vst v0  }
0x29e: {  	v0 =	vld [tilespmem:s25+$0xFFFFFED0];
	_ =	sdelay $0x4  }
0x29f: {  	v0 =	vtrunc.f32 v0  }
0x2a0: {  	v0 =	vcvt.f32.s32 v0;
	_ =	sdelay $0x1  }
0x2a1: {  	v0 =	vadd.s32 s24, v0  }
0x2a2: {  	[tilespmem:s23+$0xFFFFFFC0] =	vst v0  }
0x2a3: {  	v0 =	vld [tilespmem:s25+$0xFFFFFEE0];
	_ =	sdelay $0x4  }
0x2a4: {  	v0 =	vtrunc.f32 v0  }
0x2a5: {  	v0 =	vcvt.f32.s32 v0;
	_ =	sdelay $0x1  }
0x2a6: {  	v0 =	vadd.s32 s24, v0  }
0x2a7: {  	[tilespmem:s23+$0xFFFFFFD0] =	vst v0  }
0x2a8: {  	v0 =	vld [tilespmem:s25+$0xFFFFFEF0];
	_ =	sdelay $0x4  }
0x2a9: {  	v0 =	vtrunc.f32 v0  }
0x2aa: {  	v0 =	vcvt.f32.s32 v0;
	_ =	sdelay $0x1  }
0x2ab: {  	v0 =	vadd.s32 s24, v0  }
0x2ac: {  	[tilespmem:s23+$0xFFFFFFE0] =	vst v0  }
0x2ad: {  	v0 =	vld [tilespmem:s25+$0xFFFFFF00];
	_ =	sdelay $0x4  }
0x2ae: {  	v0 =	vtrunc.f32 v0  }
0x2af: {  	v0 =	vcvt.f32.s32 v0;
	_ =	sdelay $0x1  }
0x2b0: {  	v0 =	vadd.s32 s24, v0  }
0x2b1: {  	[tilespmem:s23+$0xFFFFFFF0] =	vst v0  }
0x2b2: {  	v0 =	vld [tilespmem:s25+$0xFFFFFF10];
	_ =	sdelay $0x4  }
0x2b3: {  	v0 =	vtrunc.f32 v0  }
0x2b4: {  	v0 =	vcvt.f32.s32 v0;
	_ =	sdelay $0x1  }
0x2b5: {  	v0 =	vadd.s32 s24, v0  }
0x2b6: {  	[tilespmem:s23+$0x0] =	vst v0  }
0x2b7: {  	v0 =	vld [tilespmem:s25+$0xFFFFFF20];
	_ =	sdelay $0x4  }
0x2b8: {  	v0 =	vtrunc.f32 v0  }
0x2b9: {  	v0 =	vcvt.f32.s32 v0;
	_ =	sdelay $0x1  }
0x2ba: {  	v0 =	vadd.s32 s24, v0  }
0x2bb: {  	[tilespmem:s23+$0x10] =	vst v0  }
0x2bc: {  	v0 =	vld [tilespmem:s25+$0xFFFFFF30];
	_ =	sdelay $0x4  }
0x2bd: {  	v0 =	vtrunc.f32 v0  }
0x2be: {  	v0 =	vcvt.f32.s32 v0;
	_ =	sdelay $0x1  }
0x2bf: {  	v0 =	vadd.s32 s24, v0  }
0x2c0: {  	[tilespmem:s23+$0x20] =	vst v0  }
0x2c1: {  	v0 =	vld [tilespmem:s25+$0xFFFFFF40];
	_ =	sdelay $0x4  }
0x2c2: {  	v0 =	vtrunc.f32 v0  }
0x2c3: {  	v0 =	vcvt.f32.s32 v0;
	_ =	sdelay $0x1  }
0x2c4: {  	v0 =	vadd.s32 s24, v0  }
0x2c5: {  	[tilespmem:s23+$0x30] =	vst v0  }
0x2c6: {  	v0 =	vld [tilespmem:s25+$0xFFFFFF50];
	_ =	sdelay $0x4  }
0x2c7: {  	v0 =	vtrunc.f32 v0  }
0x2c8: {  	v0 =	vcvt.f32.s32 v0;
	_ =	sdelay $0x1  }
0x2c9: {  	v0 =	vadd.s32 s24, v0  }
0x2ca: {  	[tilespmem:s23+$0x40] =	vst v0  }
0x2cb: {  	v0 =	vld [tilespmem:s25+$0xFFFFFF60];
	_ =	sdelay $0x4  }
0x2cc: {  	v0 =	vtrunc.f32 v0  }
0x2cd: {  	v0 =	vcvt.f32.s32 v0;
	_ =	sdelay $0x1  }
0x2ce: {  	v0 =	vadd.s32 s24, v0  }
0x2cf: {  	[tilespmem:s23+$0x50] =	vst v0  }
0x2d0: {  	v0 =	vld [tilespmem:s25+$0xFFFFFF70];
	_ =	sdelay $0x4  }
0x2d1: {  	v0 =	vtrunc.f32 v0  }
0x2d2: {  	v0 =	vcvt.f32.s32 v0;
	_ =	sdelay $0x1  }
0x2d3: {  	v0 =	vadd.s32 s24, v0  }
0x2d4: {  	[tilespmem:s23+$0x60] =	vst v0  }
0x2d5: {  	v0 =	vld [tilespmem:s25+$0xFFFFFF80];
	_ =	sdelay $0x4  }
0x2d6: {  	v0 =	vtrunc.f32 v0  }
0x2d7: {  	v0 =	vcvt.f32.s32 v0;
	_ =	sdelay $0x1  }
0x2d8: {  	v0 =	vadd.s32 s24, v0  }
0x2d9: {  	[tilespmem:s23+$0x70] =	vst v0  }
0x2da: {  	v0 =	vld [tilespmem:s25+$0xFFFFFF90];
	_ =	sdelay $0x4  }
0x2db: {  	v0 =	vtrunc.f32 v0  }
0x2dc: {  	v0 =	vcvt.f32.s32 v0;
	_ =	sdelay $0x1  }
0x2dd: {  	v0 =	vadd.s32 s24, v0  }
0x2de: {  	[tilespmem:s23+$0x80] =	vst v0  }
0x2df: {  	v0 =	vld [tilespmem:s25+$0xFFFFFFA0];
	_ =	sdelay $0x4  }
0x2e0: {  	v0 =	vtrunc.f32 v0  }
0x2e1: {  	v0 =	vcvt.f32.s32 v0;
	_ =	sdelay $0x1  }
0x2e2: {  	v0 =	vadd.s32 s24, v0  }
0x2e3: {  	[tilespmem:s23+$0x90] =	vst v0  }
0x2e4: {  	v0 =	vld [tilespmem:s25+$0xFFFFFFB0];
	_ =	sdelay $0x4  }
0x2e5: {  	v0 =	vtrunc.f32 v0  }
0x2e6: {  	v0 =	vcvt.f32.s32 v0;
	_ =	sdelay $0x1  }
0x2e7: {  	v0 =	vadd.s32 s24, v0  }
0x2e8: {  	[tilespmem:s23+$0xA0] =	vst v0  }
0x2e9: {  	v0 =	vld [tilespmem:s25+$0xFFFFFFC0];
	_ =	sdelay $0x4  }
0x2ea: {  	v0 =	vtrunc.f32 v0  }
0x2eb: {  	v0 =	vcvt.f32.s32 v0;
	_ =	sdelay $0x1  }
0x2ec: {  	v0 =	vadd.s32 s24, v0  }
0x2ed: {  	[tilespmem:s23+$0xB0] =	vst v0  }
0x2ee: {  	v0 =	vld [tilespmem:s25+$0xFFFFFFD0];
	_ =	sdelay $0x4  }
0x2ef: {  	v0 =	vtrunc.f32 v0  }
0x2f0: {  	v0 =	vcvt.f32.s32 v0;
	_ =	sdelay $0x1  }
0x2f1: {  	v0 =	vadd.s32 s24, v0  }
0x2f2: {  	[tilespmem:s23+$0xC0] =	vst v0  }
0x2f3: {  	v0 =	vld [tilespmem:s25+$0xFFFFFFE0];
	_ =	sdelay $0x4  }
0x2f4: {  	v0 =	vtrunc.f32 v0  }
0x2f5: {  	v0 =	vcvt.f32.s32 v0;
	_ =	sdelay $0x1  }
0x2f6: {  	v0 =	vadd.s32 s24, v0  }
0x2f7: {  	[tilespmem:s23+$0xD0] =	vst v0  }
0x2f8: {  	v0 =	vld [tilespmem:s25+$0xFFFFFFF0];
	_ =	sdelay $0x4  }
0x2f9: {  	v0 =	vtrunc.f32 v0  }
0x2fa: {  	v0 =	vcvt.f32.s32 v0;
	_ =	sdelay $0x1  }
0x2fb: {  	v0 =	vadd.s32 s24, v0  }
0x2fc: {  	[tilespmem:s23+$0xE0] =	vst v0  }
0x2fd: {  	v0 =	vld [tilespmem:s25+$0x0];
	_ =	sdelay $0x4  }
0x2fe: {  	v0 =	vtrunc.f32 v0  }
0x2ff: {  	v0 =	vcvt.f32.s32 v0;
	_ =	sdelay $0x1  }
0x300: {  	v0 =	vadd.s32 s24, v0  }
0x301: {  	s26 =	rddreg [dreg:$0x15];
	s28 =	simm.s32 $0x6E00;
	[tilespmem:s23+$0xF0] =	vst v0  }
0x302: {  	[hbm4b:s26+s3] =	stream.linear.scatter [tilespmem:s28], [sflag:$0x2], $0x1400, $0x38;
	[tilespmem:$0xA420] =	vst v63  }
0x303: {  	_ =	swait.ge [sflag:s21], $0x80  }
0x304: {  	[sflag:s21] =	ssyncset.done $0x0  }
0x305: {  	[sflag:s21] =	ssyncadd.s32 $0xFFFFFF80  }
0x306: {  	_ =	swait.ge [sflag:s21], $0x80  }
0x307: {  	[sflag:s21] =	ssyncset.done $0x0  }
0x308: {  	[sflag:s21] =	ssyncadd.s32 $0xFFFFFF80  }
0x309: {  	_ =	swait.ge [sflag:s21], $0x80  }
0x30a: {  	[sflag:s21] =	ssyncset.done $0x0  }
0x30b: {  	[sflag:s21] =	ssyncadd.s32 $0xFFFFFF80  }
0x30c: {  	_ =	swait.ge [sflag:s21], $0x80  }
0x30d: {  	s23 =	simm.s32 $0xF;
	[sflag:s21] =	ssyncset.done $0x0  }
.LBB2_6:
0x30e: {  	p0 =	sne.s32 s23, $0x1;
	s23 =	sadd.s32 $0xFFFFFFFF, s23;
	[sflag:s21] =	ssyncadd.s32 $0xFFFFFF80  }
0x30f: {  	_ =	swait.ge [sflag:s21], $0x80  }
0x310: {  	[sflag:s21] =	ssyncset.done $0x0  }
0x311: {  	[sflag:s21] =	ssyncadd.s32 $0xFFFFFF80  }
0x312: {  	_ =	swait.ge [sflag:s21], $0x80  }
0x313: {  	[sflag:s21] =	ssyncset.done $0x0  }
0x314: {  	[sflag:s21] =	ssyncadd.s32 $0xFFFFFF80  }
.Ltmp2:
0x315: {  	_ =	swait.ge [sflag:s21], $0x80;
	(pc) =	sbr.rel @p0 .LBB2_6-.Ltmp2, $4  }
0x316: {  	[sflag:s21] =	ssyncset.done $0x0  }
0x317: {  	[sflag:s21] =	ssyncadd.s32 $0xFFFFFF80  }
0x318: {  	_ =	swait.ge [sflag:s21], $0x80  }
0x319: {  	[sflag:s21] =	ssyncset.done $0x0  }
0x31a: {  	[sflag:s21] =	ssyncadd.s32 $0xFFFFFF80  }
0x31b: {  	v13 =	vld [tilespmem:$0xA200]  }
0x31c: {  	s23 =	simm.s32 $0xC00  }
0x31d: {  	v2 =	vld [tilespmem:s23+$0xFFFFF400]  }
0x31e: {  	v0 =	vld [tilespmem:$0xA210]  }
0x31f: {  	v4 =	vld [tilespmem:s23+$0xFFFFF600]  }
0x320: {  	v3 =	vbroadcast v13, $0x0  }
0x321: {  	v5 =	vld [tilespmem:s23+$0xFFFFF800]  }
0x322: {  	v1 =	vbroadcast v13, $0x1;
	v6 =	vmul.f32 v2, v3  }
0x323: {  	v7 =	vld [tilespmem:s23+$0xFFFFFA00]  }
0x324: {  	v2 =	vbroadcast v13, $0x2;
	v8 =	vmul.f32 v4, v1;
	v6 =	vadd.f32 v6, v0  }
0x325: {  	v9 =	vld [tilespmem:s23+$0xFFFFFC00]  }
0x326: {  	v4 =	vbroadcast v13, $0x3;
	v6 =	vadd.f32 v8, v6;
	v8 =	vmul.f32 v5, v2  }
0x327: {  	v10 =	vld [tilespmem:s23+$0xFFFFFE00]  }
0x328: {  	v7 =	vmul.f32 v7, v4;
	v5 =	vbroadcast v13, $0x4;
	v8 =	vadd.f32 v8, v6  }
0x329: {  	v11 =	vld [tilespmem:s23+$0x0]  }
0x32a: {  	v6 =	vbroadcast v13, $0x5;
	v9 =	vmul.f32 v9, v5;
	v8 =	vadd.f32 v7, v8  }
0x32b: {  	v12 =	vld [tilespmem:s23+$0x200]  }
0x32c: {  	v7 =	vbroadcast v13, $0x6;
	v10 =	vmul.f32 v10, v6;
	v9 =	vadd.f32 v9, v8  }
0x32d: {  	v14 =	vld [tilespmem:s23+$0x400]  }
0x32e: {  	v8 =	vbroadcast v13, $0x7;
	v11 =	vmul.f32 v11, v7;
	v10 =	vadd.f32 v10, v9  }
0x32f: {  	v15 =	vld [tilespmem:s23+$0x600]  }
0x330: {  	v9 =	vbroadcast v13, $0x8;
	v12 =	vmul.f32 v12, v8;
	v11 =	vadd.f32 v11, v10  }
0x331: {  	v16 =	vld [tilespmem:s23+$0x800]  }
0x332: {  	v10 =	vbroadcast v13, $0x9;
	v14 =	vmul.f32 v14, v9;
	v12 =	vadd.f32 v12, v11  }
0x333: {  	v17 =	vld [tilespmem:s23+$0xA00]  }
0x334: {  	v11 =	vbroadcast v13, $0xA;
	v15 =	vmul.f32 v15, v10;
	v14 =	vadd.f32 v14, v12  }
0x335: {  	v18 =	vld [tilespmem:s23+$0xC00]  }
0x336: {  	v12 =	vbroadcast v13, $0xB;
	v14 =	vadd.f32 v15, v14;
	v15 =	vmul.f32 v16, v11  }
0x337: {  	s28 =	simm.s32 $0x0  }
0x338: {  	s23 =	sand.u32 $0x1F0, s28;
	v13 =	vbroadcast v13, $0xC;
	v14 =	vadd.f32 v15, v14;
	v15 =	vmul.f32 v17, v12  }
0x339: {  	v53 =	vld [tilespmem:s23+$0x8200]  }
0x33a: {  	v14 =	vadd.f32 v15, v14;
	v15 =	vmul.f32 v18, v13  }
0x33b: {  	v54 =	vld [tilespmem:s23+$0x8400]  }
0x33c: {  	v14 =	vadd.f32 v15, v14  }
0x33d: {  	v15 =	vld [tilespmem:s23+$0x8600]  }
0x33e: {  	v14 =	vadd.f32 v14, v53  }
0x33f: {  	v55 =	vld [tilespmem:s23+$0x8800]  }
0x340: {  	v14 =	vadd.f32 v14, v54  }
0x341: {  	v56 =	vld [tilespmem:s23+$0x8A00]  }
0x342: {  	v14 =	vadd.f32 v14, v15  }
0x343: {  	v15 =	vld [tilespmem:s23+$0x8C00]  }
0x344: {  	v14 =	vadd.f32 v14, v55  }
0x345: {  	v57 =	vld [tilespmem:s23+$0x8E00]  }
0x346: {  	v14 =	vadd.f32 v14, v56  }
0x347: {  	v58 =	vld [tilespmem:s23+$0x9000]  }
0x348: {  	v14 =	vadd.f32 v14, v15  }
0x349: {  	v15 =	vld [tilespmem:s23+$0x9200]  }
0x34a: {  	v14 =	vadd.f32 v14, v57  }
0x34b: {  	v59 =	vld [tilespmem:s23+$0x9400]  }
0x34c: {  	v14 =	vadd.f32 v14, v58  }
0x34d: {  	v60 =	vld [tilespmem:s23+$0x9600]  }
0x34e: {  	v14 =	vadd.f32 v14, v15  }
0x34f: {  	v15 =	vld [tilespmem:s23+$0x9800]  }
0x350: {  	v14 =	vadd.f32 v14, v59  }
0x351: {  	v61 =	vld [tilespmem:s23+$0x9A00]  }
0x352: {  	v14 =	vadd.f32 v14, v60  }
0x353: {  	v62 =	vld [tilespmem:s23+$0x9C00]  }
0x354: {  	v14 =	vadd.f32 v14, v15  }
0x355: {  	v15 =	vld [tilespmem:s23+$0x9E00]  }
0x356: {  	v14 =	vadd.f32 v14, v61  }
0x357: {  	v63 =	vld [tilespmem:s23+$0xA000]  }
0x358: {  	v14 =	vadd.f32 v14, v62;
	_ =	sdelay $0x1  }
0x359: {  	v14 =	vadd.f32 v14, v15;
	_ =	sdelay $0x1  }
0x35a: {  	v14 =	vadd.f32 v14, v63  }
0x35b: {  	s23 =	simm.s32 $0xA220  }
0x35c: {  	s25 =	simm.s32 $0xC10;
	[tilespmem:s23+$0x0] =	vst v14  }
0x35d: {  	s24 =	simm.s32 $0x10;
	s26 =	simm.s32 $0x20;
	v14 =	vld [tilespmem:s25+$0xFFFFF400]  }
.LBB2_8:
0x35e: {  	p0 =	sne.s32 s26, $0x1F0  }
0x35f: {  	v15 =	vld [tilespmem:s25+$0xFFFFF600];
	_ =	sdelay $0x1  }
0x360: {  	v16 =	vld [tilespmem:s25+$0xFFFFF800]  }
0x361: {  	v14 =	vmul.f32 v14, v3  }
0x362: {  	v17 =	vld [tilespmem:s25+$0xFFFFFA00]  }
0x363: {  	v14 =	vadd.f32 v14, v0;
	v15 =	vmul.f32 v15, v1  }
0x364: {  	v18 =	vld [tilespmem:s25+$0xFFFFFC00]  }
0x365: {  	v14 =	vadd.f32 v15, v14;
	v15 =	vmul.f32 v16, v2  }
0x366: {  	v16 =	vld [tilespmem:s25+$0xFFFFFE00]  }
0x367: {  	v14 =	vadd.f32 v15, v14;
	v15 =	vmul.f32 v17, v4  }
0x368: {  	v17 =	vld [tilespmem:s25+$0x0]  }
0x369: {  	v14 =	vadd.f32 v15, v14;
	v15 =	vmul.f32 v18, v5  }
0x36a: {  	v18 =	vld [tilespmem:s25+$0x200]  }
0x36b: {  	v14 =	vadd.f32 v15, v14;
	v15 =	vmul.f32 v16, v6  }
0x36c: {  	v16 =	vld [tilespmem:s25+$0x400]  }
0x36d: {  	v14 =	vadd.f32 v15, v14;
	v15 =	vmul.f32 v17, v7  }
0x36e: {  	v17 =	vld [tilespmem:s25+$0x600]  }
0x36f: {  	v14 =	vadd.f32 v15, v14;
	v15 =	vmul.f32 v18, v8  }
0x370: {  	v18 =	vld [tilespmem:s25+$0x800]  }
0x371: {  	v14 =	vadd.f32 v15, v14;
	v15 =	vmul.f32 v16, v9  }
0x372: {  	v16 =	vld [tilespmem:s25+$0xA00]  }
0x373: {  	v14 =	vadd.f32 v15, v14;
	v15 =	vmul.f32 v17, v10  }
0x374: {  	v17 =	vld [tilespmem:s25+$0xC00]  }
0x375: {  	v14 =	vadd.f32 v15, v14;
	v15 =	vmul.f32 v18, v11;
	_ =	sdelay $0x1  }
0x376: {  	s28 =	sand.u32 $0x1F0, s24;
	s24 =	smov.u32 s26;
	v14 =	vadd.f32 v15, v14;
	v15 =	vmul.f32 v16, v12  }
0x377: {  	v16 =	vld [tilespmem:s28+$0x8200]  }
0x378: {  	v14 =	vadd.f32 v15, v14;
	v15 =	vmul.f32 v17, v13  }
0x379: {  	v17 =	vld [tilespmem:s28+$0x8400]  }
0x37a: {  	v14 =	vadd.f32 v15, v14  }
0x37b: {  	v15 =	vld [tilespmem:s28+$0x8600]  }
0x37c: {  	v14 =	vadd.f32 v14, v16  }
0x37d: {  	v16 =	vld [tilespmem:s28+$0x8800]  }
0x37e: {  	v14 =	vadd.f32 v14, v17  }
0x37f: {  	v17 =	vld [tilespmem:s28+$0x8A00]  }
0x380: {  	v14 =	vadd.f32 v14, v15  }
0x381: {  	v15 =	vld [tilespmem:s28+$0x8C00]  }
0x382: {  	v14 =	vadd.f32 v14, v16  }
0x383: {  	v16 =	vld [tilespmem:s28+$0x8E00]  }
0x384: {  	v14 =	vadd.f32 v14, v17  }
0x385: {  	v17 =	vld [tilespmem:s28+$0x9000]  }
0x386: {  	v14 =	vadd.f32 v14, v15  }
0x387: {  	v15 =	vld [tilespmem:s28+$0x9200]  }
0x388: {  	v14 =	vadd.f32 v14, v16  }
0x389: {  	v16 =	vld [tilespmem:s28+$0x9400]  }
0x38a: {  	v14 =	vadd.f32 v14, v17  }
0x38b: {  	v17 =	vld [tilespmem:s28+$0x9600]  }
0x38c: {  	v14 =	vadd.f32 v14, v15  }
0x38d: {  	v15 =	vld [tilespmem:s28+$0x9800]  }
0x38e: {  	v14 =	vadd.f32 v14, v16  }
0x38f: {  	v16 =	vld [tilespmem:s28+$0x9A00]  }
0x390: {  	v14 =	vadd.f32 v14, v17  }
0x391: {  	v17 =	vld [tilespmem:s28+$0x9C00]  }
0x392: {  	v14 =	vadd.f32 v14, v15  }
0x393: {  	v15 =	vld [tilespmem:s28+$0x9E00]  }
0x394: {  	v14 =	vadd.f32 v14, v16  }
0x395: {  	v16 =	vld [tilespmem:s28+$0xA000]  }
0x396: {  	v14 =	vadd.f32 v14, v17;
	_ =	sdelay $0x1  }
0x397: {  	v14 =	vadd.f32 v14, v15  }
.Ltmp3:
0x398: {  	(pc) =	sbr.rel @p0 .LBB2_8-.Ltmp3, $4  }
0x399: {  	v14 =	vadd.f32 v14, v16  }
0x39a: {  	s23 =	sadd.s32 $0x10, s23  }
0x39b: {  	s25 =	sadd.s32 $0x10, s25;
	[tilespmem:s23+$0x0] =	vst v14  }
0x39c: {  	s26 =	sadd.s32 $0x10, s26;
	v14 =	vld [tilespmem:s25+$0xFFFFF400]  }
0x39d: {  	_ = 	snop  }
0x39e: {  	v15 =	vld [tilespmem:s25+$0xFFFFF600];
	_ =	sdelay $0x1  }
0x39f: {  	v16 =	vld [tilespmem:s25+$0xFFFFF800]  }
0x3a0: {  	v3 =	vmul.f32 v14, v3  }
0x3a1: {  	v27 =	vld [tilespmem:s25+$0xFFFFFA00]  }
0x3a2: {  	v1 =	vmul.f32 v15, v1;
	v0 =	vadd.f32 v3, v0  }
0x3a3: {  	v28 =	vld [tilespmem:s25+$0xFFFFFC00]  }
0x3a4: {  	v29 =	vmul.f32 v16, v2;
	v0 =	vadd.f32 v1, v0  }
0x3a5: {  	v30 =	vld [tilespmem:s25+$0xFFFFFE00]  }
0x3a6: {  	v31 =	vmul.f32 v27, v4;
	v0 =	vadd.f32 v29, v0  }
0x3a7: {  	v32 =	vld [tilespmem:s25+$0x0]  }
0x3a8: {  	v33 =	vmul.f32 v28, v5;
	v0 =	vadd.f32 v31, v0  }
0x3a9: {  	v34 =	vld [tilespmem:s25+$0x200]  }
0x3aa: {  	v35 =	vmul.f32 v30, v6;
	v0 =	vadd.f32 v33, v0  }
0x3ab: {  	v36 =	vld [tilespmem:s25+$0x400]  }
0x3ac: {  	v37 =	vmul.f32 v32, v7;
	v0 =	vadd.f32 v35, v0  }
0x3ad: {  	v38 =	vld [tilespmem:s25+$0x600]  }
0x3ae: {  	v39 =	vmul.f32 v34, v8;
	v0 =	vadd.f32 v37, v0  }
0x3af: {  	v40 =	vld [tilespmem:s25+$0x800]  }
0x3b0: {  	v41 =	vmul.f32 v36, v9;
	v0 =	vadd.f32 v39, v0  }
0x3b1: {  	v42 =	vld [tilespmem:s25+$0xA00]  }
0x3b2: {  	v43 =	vmul.f32 v38, v10;
	v0 =	vadd.f32 v41, v0  }
0x3b3: {  	v44 =	vld [tilespmem:s25+$0xC00]  }
0x3b4: {  	v45 =	vmul.f32 v40, v11;
	v0 =	vadd.f32 v43, v0;
	_ =	sdelay $0x1  }
0x3b5: {  	s24 =	sand.u32 $0x1F0, s24;
	v46 =	vmul.f32 v42, v12;
	v0 =	vadd.f32 v45, v0  }
0x3b6: {  	v47 =	vld [tilespmem:s24+$0x8200]  }
0x3b7: {  	v48 =	vmul.f32 v44, v13;
	v0 =	vadd.f32 v46, v0  }
0x3b8: {  	v49 =	vld [tilespmem:s24+$0x8400]  }
0x3b9: {  	v0 =	vadd.f32 v48, v0  }
0x3ba: {  	v50 =	vld [tilespmem:s24+$0x8600]  }
0x3bb: {  	v0 =	vadd.f32 v0, v47  }
0x3bc: {  	v51 =	vld [tilespmem:s24+$0x8800]  }
0x3bd: {  	v0 =	vadd.f32 v0, v49  }
0x3be: {  	v52 =	vld [tilespmem:s24+$0x8A00]  }
0x3bf: {  	v0 =	vadd.f32 v0, v50  }
0x3c0: {  	v53 =	vld [tilespmem:s24+$0x8C00]  }
0x3c1: {  	v0 =	vadd.f32 v0, v51  }
0x3c2: {  	v54 =	vld [tilespmem:s24+$0x8E00]  }
0x3c3: {  	v0 =	vadd.f32 v0, v52  }
0x3c4: {  	v55 =	vld [tilespmem:s24+$0x9000]  }
0x3c5: {  	v0 =	vadd.f32 v0, v53  }
0x3c6: {  	v56 =	vld [tilespmem:s24+$0x9200]  }
0x3c7: {  	v0 =	vadd.f32 v0, v54  }
0x3c8: {  	v57 =	vld [tilespmem:s24+$0x9400]  }
0x3c9: {  	v0 =	vadd.f32 v0, v55  }
0x3ca: {  	v58 =	vld [tilespmem:s24+$0x9600]  }
0x3cb: {  	v0 =	vadd.f32 v0, v56  }
0x3cc: {  	v59 =	vld [tilespmem:s24+$0x9800]  }
0x3cd: {  	v0 =	vadd.f32 v0, v57  }
0x3ce: {  	v60 =	vld [tilespmem:s24+$0x9A00]  }
0x3cf: {  	v0 =	vadd.f32 v0, v58  }
0x3d0: {  	v61 =	vld [tilespmem:s24+$0x9C00]  }
0x3d1: {  	v0 =	vadd.f32 v0, v59  }
0x3d2: {  	v62 =	vld [tilespmem:s24+$0x9E00]  }
0x3d3: {  	v0 =	vadd.f32 v0, v60  }
0x3d4: {  	v63 =	vld [tilespmem:s24+$0xA000]  }
0x3d5: {  	v0 =	vadd.f32 v0, v61;
	_ =	sdelay $0x1  }
0x3d6: {  	v0 =	vadd.f32 v0, v62;
	_ =	sdelay $0x1  }
0x3d7: {  	v0 =	vadd.f32 v0, v63  }
0x3d8: {  	s23 =	sadd.s32 $0x10, s23  }
0x3d9: {  	s28 =	simm.s32 $0xA220;
	s22 =	sadd.s32 $0x1, s22;
	[tilespmem:s23+$0x0] =	vst v0  }
0x3da: {  	[hbm4b:s16+s3] =	stream.linear.scatter [tilespmem:s28], [sflag:$0x3], $0x200, $0x38;
	[tilespmem:$0xA420] =	vst v63  }
0x3db: {  	p0 =	sne.s32 s22, s17;
	_ =	swait.ge [sflag:s18], $0x200  }
.Ltmp4:
0x3dc: {  	[sflag:s18] =	ssyncset.done $0x0;
	(pc) =	sbr.rel @p0 .LBB2_1-.Ltmp4, $4  }
0x3dd: {  	[sflag:s18] =	ssyncadd.s32 $0xFFFFFE00  }
0x3de: {  	_ =	swait.ge [sflag:s19], $0x1400  }
0x3df: {  	[sflag:s19] =	ssyncset.done $0x0  }
0x3e0: {  	[sflag:s19] =	ssyncadd.s32 $0xFFFFEC00  }
0x3e1: {  	_ =	sfence.sel $0x180000  }
0x3e2: {  	[bflag:$0x0] =	sbarrier.arrive $0xFFFF  }
0x3e3: {  	_ =	strace $0x90000047  }
0x3e4: {  	s0 =	stileid.u32;
	[bflag:$0x2] =	sbarrier.arrive $0xFFFF  }
0x3e5: {  	p0 =	sne.s32 s0, $0x0;
	s0 =	rddreg [dreg:$0x2]  }
0x3e6: {  	s0 =	sadd.s32 @!p0 $0x100000, s0  }
0x3e7: {  	[sflag:s0] =	ssyncadd.tile.s32 @!p0 $0x1;
	_ =	shalt  }
.Lfunc_end2:
_tile_overlayer_lowered:
.L_overlay_start_2:
0x3e8: {  	(tag) =	ssettag $0x2  }
0x3e9: {  	s0 =	rddreg [dreg:$0x0];
	s2 =	stileid.u32  }
0x3ea: {  	s1 =	rddreg [dreg:$0x1];
	p0 =	sne.s32 s2, $0x0  }
0x3eb: {  	s3 =	rddreg [dreg:$0x2];
	[bflag:$0x3] =	sbarrier.arrive $0xFFFF;
	s2 =	simm.s32 @!p0 $0x1C03  }
0x3ec: {  	[timem:s3], [sflag:s2] =	dma.local @!p0 [hbm:s0], s1  }
0x3ed: {  	s0 =	simm.s32 @!p0 $0x3  }
0x3ee: {  	_ =	swait.ge @!p0 [sflag:s0], s1  }
0x3ef: {  	s1 =	ssub.s32 @!p0 $0x0, s1;
	[sflag:s0] =	ssyncset.done @!p0 $0x0  }
0x3f0: {  	[sflag:s0] =	ssyncadd.s32 @!p0 s1  }
0x3f1: {  	[bflag:$0x3] =	sbarrier.arrive $0xFFFF  }
0x3f2: {  	_ =	shalt  }

// kernel: kernel.9.cloned.1.call-start
scs
__scs_entry_jumppad:
0x0: {  	(pc) =	sbr.rel $0x88, $3  }
0x1: {  	(tag) =	ssettag $0x0;
	lr =	simm.s32 $0x1  }
0x2: {  	[smem:$0x3F9D] =	sst lr;
	_ =	strace $0xD0000000  }
0x3: {  	_ = 	snop  }
0x4: {  	_ = 	snop  }
0x5: {  	_ = 	snop  }
0x6: {  	_ = 	snop  }
0x7: {  	_ = 	snop  }
__scs_overlays_trampoline_lowered:
0x8: {  	[smem:$0x3FAC] =	sst s0  }
0x9: {  	[smem:$0x3FAD] =	sst s1  }
0xa: {  	[smem:$0x3FAE] =	sst s2  }
0xb: {  	[smem:$0x3FAF] =	sst s3  }
0xc: {  	[smem:$0x3FB0] =	sst s4  }
0xd: {  	[smem:$0x3FB1] =	sst s5  }
0xe: {  	[smem:$0x3FB2] =	sst s6  }
0xf: {  	[smem:$0x3FB3] =	sst s7  }
0x10: {  	[smem:$0x3FB4] =	sst s8  }
0x11: {  	[smem:$0x3FB5] =	sst s9;
	s0 =	simm.s32 @!p0 $0x0  }
0x12: {  	s1 =	sld [smem:$0x3F9B];
	s0 =	simm.s32 @p0 $0x1  }
0x13: {  	[smem:$0x3FB6] =	sst s0;
	s0 =	simm.s32 @!p1 $0x0  }
0x14: {  	s2 =	sld [smem:$0x3F9A];
	s0 =	simm.s32 @p1 $0x1  }
0x15: {  	[smem:$0x3FB7] =	sst s0;
	s0 =	simm.s32 @!p2 $0x0  }
0x16: {  	s3 =	sld [smem:$0x3FDB];
	s0 =	simm.s32 @p2 $0x1  }
0x17: {  	s4 =	simm.s32 $0x1BF5;
	[smem:$0x3FB9] =	sst s0  }
0x18: {  	s0 =	sld [smem:$0x3F9C];
	_ =	swait.ge [sflag:s4], $0x0  }
0x19: {  	s7 =	sld [smem:$0x3F9D]  }
0x1a: {  	s8 =	sadd.s32 $0xFFFFE003, lr  }
0x1b: {  	s9 =	sadd.s32 $0xFFFFFEF7, lr;
	s5 =	simm.s32 $0xFFFFFFFF;
	p2 =	slt.u32 s8, $0xFFFFF086  }
0x1c: {  	p1 =	slt.u32 s9, $0xF7A;
	s5 =	simm.s32 @!p2 $0x0  }
0x1d: {  	s5 =	simm.s32 @p1 $0x1;
	p0 =	seq.s32 s7, s2  }
0x1e: {  	s7 =	smul.u32 @!p0 $0xF7A, s2;
	p2 =	seq.s32 @!p0 s5, $0x0  }
0x1f: {  	s9 =	smul.u32 $0xF7A, s1;
	s8 =	simm.s32 @!p0 $0x1BF5;
	p2 =	por !p2, p0  }
0x20: {  	[sflag:s8] =	ssyncset.s32 @!p0 $0xFFFFF086;
	s6 =	sadd.s32 @!p0 s3, s7;
	s7 =	simm.s32 @!p0 $0x108  }
0x21: {  	s3 =	sadd.s32 s3, s9;
	s6 =	sadd.s32 @!p0 $0x88, s6;
	s7 =	simm.s32 @p2 $0x1082  }
0x22: {  	[simem:s7], [sflag:s8] =	dma.local @!p0 [hbm:s6], $0xF7A  }
0x23: {  	s9 =	sor.u32 $0xD0000000, s2;
	s6 =	simm.s32 $0x108;
	_ =	swait.ge @!p0 [sflag:s8], $0x0  }
0x24: {  	s3 =	sadd.s32 $0x88, s3;
	s6 =	simm.s32 @!p1 $0x1082;
	[sflag:s4] =	ssyncset.s32 $0xFFFFF086  }
0x25: {  	[simem:s6], [sflag:s4] =	dma.local [hbm:s3], $0xF7A  }
0x26: {  	[smem:$0x3F9D] =	sst s1;
	(tag) =	ssettag s2;
	_ =	strace s9  }
0x27: {  	s1 =	sld [smem:$0x3FAD]  }
0x28: {  	s2 =	sld [smem:$0x3FAE]  }
0x29: {  	s4 =	sld [smem:$0x3FB0]  }
0x2a: {  	p0 =	seq.s32 s5, $0x0;
	s5 =	sld [smem:$0x3FB1]  }
0x2b: {  	s6 =	sld [smem:$0x3FB2]  }
0x2c: {  	s7 =	sld [smem:$0x3FB3]  }
0x2d: {  	s3 =	simm.s32 $0x108;
	s8 =	sld [smem:$0x3FB4]  }
0x2e: {  	s3 =	simm.s32 @!p0 $0x1082;
	s9 =	sld [smem:$0x3FB5]  }
0x2f: {  	lr =	sadd.s32 s0, s3;
	s0 =	sld [smem:$0x3FAC]  }
0x30: {  	s3 =	sld [smem:$0x3FAF]  }
0x31: {  	[smem:$0x3FB8] =	sst s10  }
0x32: {  	s10 =	sld [smem:$0x3FB6];
	_ =	sdelay $0x3  }
0x33: {  	p0 =	seq.s32 s10, $0x1;
	s10 =	sld [smem:$0x3FB8];
	_ =	sdelay $0x3  }
0x34: {  	[smem:$0x3FB8] =	sst s10  }
0x35: {  	s10 =	sld [smem:$0x3FB7];
	_ =	sdelay $0x3  }
0x36: {  	p1 =	seq.s32 s10, $0x1;
	s10 =	sld [smem:$0x3FB8];
	_ =	sdelay $0x3  }
0x37: {  	[smem:$0x3FB8] =	sst s10  }
0x38: {  	s10 =	sld [smem:$0x3FB9]  }
0x39: {  	_ = 	snop;
	(pc) =	sbr.ind lr, $3  }
0x3a: {  	_ = 	snop  }
0x3b: {  	_ = 	snop  }
0x3c: {  	p2 =	seq.s32 s10, $0x1;
	s10 =	sld [smem:$0x3FB8]  }
0x3d: {  	_ =	shalt  }
0x3e: {  	_ =	shalt  }
0x3f: {  	_ =	shalt  }
0x40: {  	_ =	shalt  }
0x41: {  	_ =	shalt  }
0x42: {  	_ =	shalt  }
0x43: {  	_ =	shalt  }
0x44: {  	_ =	shalt  }
0x45: {  	_ =	shalt  }
0x46: {  	_ =	shalt  }
0x47: {  	_ =	shalt  }
0x48: {  	_ =	shalt  }
0x49: {  	_ =	shalt  }
0x4a: {  	_ =	shalt  }
0x4b: {  	_ =	shalt  }
0x4c: {  	_ =	shalt  }
0x4d: {  	_ =	shalt  }
0x4e: {  	_ =	shalt  }
0x4f: {  	_ =	shalt  }
0x50: {  	_ =	shalt  }
0x51: {  	_ =	shalt  }
0x52: {  	_ =	shalt  }
0x53: {  	_ =	shalt  }
0x54: {  	_ =	shalt  }
0x55: {  	_ =	shalt  }
0x56: {  	_ =	shalt  }
0x57: {  	_ =	shalt  }
0x58: {  	_ =	shalt  }
0x59: {  	_ =	shalt  }
0x5a: {  	_ =	shalt  }
0x5b: {  	_ =	shalt  }
0x5c: {  	_ =	shalt  }
0x5d: {  	_ =	shalt  }
0x5e: {  	_ =	shalt  }
0x5f: {  	_ =	shalt  }
0x60: {  	_ =	shalt  }
0x61: {  	_ =	shalt  }
0x62: {  	_ =	shalt  }
0x63: {  	_ =	shalt  }
0x64: {  	_ =	shalt  }
0x65: {  	_ =	shalt  }
0x66: {  	_ =	shalt  }
0x67: {  	_ =	shalt  }
0x68: {  	_ =	shalt  }
0x69: {  	_ =	shalt  }
0x6a: {  	_ =	shalt  }
0x6b: {  	_ =	shalt  }
0x6c: {  	_ =	shalt  }
0x6d: {  	_ =	shalt  }
0x6e: {  	_ =	shalt  }
0x6f: {  	_ =	shalt  }
0x70: {  	_ =	shalt  }
0x71: {  	_ =	shalt  }
0x72: {  	_ =	shalt  }
0x73: {  	_ =	shalt  }
0x74: {  	_ =	shalt  }
0x75: {  	_ =	shalt  }
0x76: {  	_ =	shalt  }
0x77: {  	_ =	shalt  }
0x78: {  	_ =	shalt  }
0x79: {  	_ =	shalt  }
0x7a: {  	_ =	shalt  }
0x7b: {  	_ =	shalt  }
0x7c: {  	_ =	shalt  }
0x7d: {  	_ =	shalt  }
0x7e: {  	_ =	shalt  }
0x7f: {  	_ =	shalt  }
0x80: {  	_ =	shalt  }
0x81: {  	_ =	shalt  }
0x82: {  	_ =	shalt  }
0x83: {  	_ =	shalt  }
0x84: {  	_ =	shalt  }
0x85: {  	_ =	shalt  }
0x86: {  	_ =	shalt  }
0x87: {  	_ =	shalt  }
.Lfunc_end0:
.L_simem_size_0:
called_computation.1_lowered:
.L_overlay_start_0:
0x88: {  	s2 =	sld [smem:$0x3FD9]  }
0x89: {  	s3 =	sld [smem:$0x3FFE];
	_ =	sdelay $0x1  }
0x8a: {  	s1 =	srdreg.scid  }
0x8b: {  	s0 =	sand.u32 $0x1, s1  }
0x8c: {  	s17 =	sshll.u32 s0, $0xA;
	s2 =	sadd.s32 s3, s2  }
0x8d: {  	s2 =	sadd.s32 s2, s17  }
0x8e: {  	[smem:$0x3FC4] =	sst s2  }
0x8f: {  	_ = 	snop  }
0x90: {  	s2 =	sld [smem:$0x3FD0];
	(tm) =	ssettm $0x1  }
0x91: {  	s18 =	sld [smem:$0x3FFB];
	_ =	sdelay $0x3  }
0x92: {  	_ =	strace s18  }
0x93: {  	s3 =	sld [smem:$0x3FFC];
	_ =	sdelay $0x3  }
0x94: {  	_ =	strace s3  }
0x95: {  	s3 =	sld [smem:$0x3FFD];
	_ =	sdelay $0x3  }
0x96: {  	_ =	strace s3  }
0x97: {  	_ =	strace $0x8FFFFFFF  }
0x98: {  	s19 =	sld [smem:$0x3FDB];
	_ =	sdelay $0x1  }
0x99: {  	s4 =	simm.s32 $_scs_section_size  }
0x9a: {  	s5 =	simm.s32 $_size__tile_overlayer_lowered;
	s6 =	simm.s32 $_tile_overlayer_lowered  }
0x9b: {  	s22 =	simm.s32 $0x1BFF;
	s21 =	sshll.u32 s6, $0x1;
	s3 =	sadd.s32 s4, s19  }
0x9c: {  	s7 =	simm.s32 $0x0;
	s20 =	sshll.u32 s5, $0x1;
	s5 =	sadd.s32 s21, s3  }
0x9d: {  	[timem:s7], [sflag:s22] =	dma.local [hbm:s5], s20  }
0x9e: {  	_ =	swait.ge [sflag:s22], s20  }
0x9f: {  	s4 =	ssub.s32 $0x0, s20;
	[sflag:s22] =	ssyncset.done $0x0  }
0xa0: {  	[sflag:s22] =	ssyncadd.s32 s4;
	_ =	sdelay $0x1  }
0xa1: {  	s23 =	simm.s32 $0x1B8B  }
0xa2: {  	_ =	swait.ge [sflag:s23], $0x1  }
0xa3: {  	[sflag:s23] =	ssyncset.done $0x0  }
0xa4: {  	s25 =	simm.s32 $0x1B8E;
	s24 =	sld [smem:$0x3FFE];
	[sflag:s23] =	ssyncadd.s32 $0xFFFFFFFF  }
0xa5: {  	s26 =	simm.s32 $execute0_lowered;
	[smem:$0x3FD2] =	sst s25  }
0xa6: {  	s5 =	sshll.u32 s26, $0x1;
	_ =	strace $0x80000049;
	[dreg:$0x1] =	wrdreg $0xFFFFFFFF  }
0xa7: {  	s28 =	simm.s32 $_size_execute0_lowered;
	s3 =	sadd.s32 s3, s5;
	[dreg:$0x0] =	wrdreg $0x0  }
0xa8: {  	s5 =	sshll.u32 s28, $0x1;
	[dreg:$0x2] =	wrdreg s3  }
0xa9: {  	[dreg:$0x3] =	wrdreg s5  }
0xaa: {  	[dreg:$0x4] =	wrdreg $0xC0  }
0xab: {  	_ =	task [dreg:s7], $0x5FFFF  }
0xac: {  	[dreg:$0x1] =	wrdreg $0xFFFFFFFF  }
0xad: {  	[dreg:$0x0] =	wrdreg $0x60  }
0xae: {  	[dreg:$0x2] =	wrdreg s24  }
0xaf: {  	[dreg:$0x3] =	wrdreg s2  }
0xb0: {  	[dreg:$0x4] =	wrdreg $0x9  }
0xb1: {  	_ =	task.clear_ibuf [dreg:s7], $0x5FFFF;
	_ =	strace $0x90000049  }
0xb2: {  	s29 =	simm.s32 $0x9;
	_ =	strace $0x8000004B  }
0xb3: {  	_ =	swait.ge [sflag:s29], $0x1  }
0xb4: {  	[sflag:s29] =	ssyncadd.s32 $0xFFFFFFFF  }
0xb5: {  	_ =	strace $0x9000004B  }
0xb6: {  	_ =	sfence  }
0xb7: {  	s30 =	sld [smem:$0x0];
	_ =	sdelay $0x2  }
0xb8: {  	s31 =	sshll.u32 s1, $0xD;
	s1 =	sshrl.u32 s1, $0x2  }
0xb9: {  	s3 =	sand.u32 $0x4000, s31;
	s1 =	sadd.s32 s1, s30  }
0xba: {  	s0 =	sor.u32 s3, s0;
	s1 =	sshll.u32 s1, $0x11  }
0xbb: {  	s0 =	sor.u32 s1, s0  }
0xbc: {  	s0 =	sadd.s32 $0x8F2B, s0  }
0xbd: {  	[sflag:s0] =	ssyncadd.remote.s32 $0x1  }
0xbe: {  	_ =	sfence.sel $0xFFFF  }
0xbf: {  	[dreg:$0x0] =	wrdreg $0xFFFFFFFF;
	(pc) =	sbr.abs _section_cstart, $3  }
0xc0: {  	[dreg:$0x1] =	wrdreg $0xFFFFFFFF  }
0xc1: {  	_ =	task.clear_ibuf [dreg:s7], $0x2FFFF;
	_ =	strace $0x9FFFFFFF  }
0xc2: {  	(tm) =	ssettm $0x7FFFFFFF  }
0xc3: {  	_ =	shalt  }
tec
execute0_lowered:
.L_overlay_start_1:
0x0: {  	(tag) =	ssettag $0x1  }
0x1: {  	s0 =	rddreg [dreg:$0x0];
	s1 =	srdreg.scid  }
0x2: {  	s2 =	stileid.u32;
	s6 =	rddreg [dreg:$0x1]  }
0x3: {  	s8 =	simm.s32 $0x2;
	s9 =	simm.s32 $0x80;
	s26 =	simm.s32 $0x1000  }
0x4: {  	s28 =	simm.s32 $0x2400;
	s29 =	simm.s32 $0x1080;
	s30 =	simm.s32 $0x2480  }
0x5: {  	s31 =	simm.s32 $0x1100;
	s10 =	simm.s32 $0x2580;
	s11 =	simm.s32 $0x1200  }
0x6: {  	s12 =	simm.s32 $0x2600;
	s13 =	simm.s32 $0x1280;
	s14 =	simm.s32 $0x2680  }
0x7: {  	s15 =	simm.s32 $0x1300;
	s16 =	simm.s32 $0x2700;
	s17 =	simm.s32 $0x1380  }
0x8: {  	s18 =	simm.s32 $0x2780;
	s19 =	simm.s32 $0x1;
	s20 =	simm.s32 $0x2A00  }
0x9: {  	s1 =	sand.u32 $0x1, s1;
	s3 =	sshll.u32 s2, $0x1;
	s2 =	simm.s32 $0x0  }
0xa: {  	s21 =	simm.s32 $0x0;
	s3 =	sor.u32 s1, s3;
	[smem:$0x7FF] =	sst s2  }
0xb: {  	s1 =	ssub.s32 $0x2, s1;
	s4 =	smul.u32 $0x280, s3;
	_ =	strace $0x8000004A  }
0xc: {  	s7 =	sshll.u32 s3, $0x6;
	s5 =	sshrl.u32 s1, $0x1;
	s3 =	sadd.s32 $0x4D200, s0  }
0xd: {  	s1 =	ssub.s32 s1, s5;
	s6 =	sadd.s32 s6, s7;
	s4 =	sadd.s32 s4, s0  }
0xe: {  	s0 =	sadd.s32 s7, s0;
	s7 =	smax.u32 s1, $0x1;
	s1 =	simm.s32 $0x2500  }
0xf: {  	s4 =	sadd.s32 $0x48200, s4;
	s5 =	sadd.s32 $0x47A00, s0;
	s0 =	simm.s32 $0x1180  }
.LBB2_1:
0x10: {  	[tilespmem:s2], [sflag:$0x2] =	stream.linear.gather [hbm4b:s4+s2], $0x1400, $0x38;
	[tilespmem:$0x2C00] =	vst v63  }
0x11: {  	_ =	swait.ge [sflag:s8], $0x1400  }
0x12: {  	[sflag:s8] =	ssyncset.done $0x0  }
0x13: {  	s22 =	simm.s32 $0x1400;
	[sflag:s8] =	ssyncadd.s32 $0xFFFFEC00  }
0x14: {  	[tilespmem:s22], [sflag:$0x1] =	stream.indirect.gather [hbm4b:s3+s9], $0x1, s2, s9, $0xb8;
	[tilespmem:$0x2C00] =	vst v63  }
0x15: {  	s24 =	simm.s32 $0x1480  }
0x16: {  	[tilespmem:s24], [sflag:$0x1] =	stream.indirect.gather [hbm4b:s3+s9], $0x1, s9, s9, $0xb8;
	[tilespmem:$0x2C00] =	vst v63  }
0x17: {  	s25 =	simm.s32 $0x100;
	s23 =	simm.s32 $0x1500  }
0x18: {  	[tilespmem:s23], [sflag:$0x1] =	stream.indirect.gather [hbm4b:s3+s9], $0x1, s25, s9, $0xb8;
	[tilespmem:$0x2C00] =	vst v63  }
0x19: {  	s24 =	simm.s32 $0x180;
	s25 =	simm.s32 $0x1580  }
0x1a: {  	[tilespmem:s25], [sflag:$0x1] =	stream.indirect.gather [hbm4b:s3+s9], $0x1, s24, s9, $0xb8;
	[tilespmem:$0x2C00] =	vst v63  }
0x1b: {  	s24 =	simm.s32 $0x200;
	s25 =	simm.s32 $0x1600  }
0x1c: {  	[tilespmem:s25], [sflag:$0x1] =	stream.indirect.gather [hbm4b:s3+s9], $0x1, s24, s9, $0xb8;
	[tilespmem:$0x2C00] =	vst v63  }
0x1d: {  	s24 =	simm.s32 $0x280;
	s25 =	simm.s32 $0x1680  }
0x1e: {  	[tilespmem:s25], [sflag:$0x1] =	stream.indirect.gather [hbm4b:s3+s9], $0x1, s24, s9, $0xb8;
	[tilespmem:$0x2C00] =	vst v63  }
0x1f: {  	s24 =	simm.s32 $0x300;
	s25 =	simm.s32 $0x1700  }
0x20: {  	[tilespmem:s25], [sflag:$0x1] =	stream.indirect.gather [hbm4b:s3+s9], $0x1, s24, s9, $0xb8;
	[tilespmem:$0x2C00] =	vst v63  }
0x21: {  	s24 =	simm.s32 $0x380;
	s25 =	simm.s32 $0x1780  }
0x22: {  	[tilespmem:s25], [sflag:$0x1] =	stream.indirect.gather [hbm4b:s3+s9], $0x1, s24, s9, $0xb8;
	[tilespmem:$0x2C00] =	vst v63  }
0x23: {  	s24 =	simm.s32 $0x400;
	s25 =	simm.s32 $0x1800  }
0x24: {  	[tilespmem:s25], [sflag:$0x1] =	stream.indirect.gather [hbm4b:s3+s9], $0x1, s24, s9, $0xb8;
	[tilespmem:$0x2C00] =	vst v63  }
0x25: {  	s24 =	simm.s32 $0x480;
	s25 =	simm.s32 $0x1880  }
0x26: {  	[tilespmem:s25], [sflag:$0x1] =	stream.indirect.gather [hbm4b:s3+s9], $0x1, s24, s9, $0xb8;
	[tilespmem:$0x2C00] =	vst v63  }
0x27: {  	s24 =	simm.s32 $0x500;
	s25 =	simm.s32 $0x1900  }
0x28: {  	[tilespmem:s25], [sflag:$0x1] =	stream.indirect.gather [hbm4b:s3+s9], $0x1, s24, s9, $0xb8;
	[tilespmem:$0x2C00] =	vst v63  }
0x29: {  	s24 =	simm.s32 $0x580;
	s25 =	simm.s32 $0x1980  }
0x2a: {  	[tilespmem:s25], [sflag:$0x1] =	stream.indirect.gather [hbm4b:s3+s9], $0x1, s24, s9, $0xb8;
	[tilespmem:$0x2C00] =	vst v63  }
0x2b: {  	s24 =	simm.s32 $0x600;
	s25 =	simm.s32 $0x1A00  }
0x2c: {  	[tilespmem:s25], [sflag:$0x1] =	stream.indirect.gather [hbm4b:s3+s9], $0x1, s24, s9, $0xb8;
	[tilespmem:$0x2C00] =	vst v63  }
0x2d: {  	s24 =	simm.s32 $0x680;
	s25 =	simm.s32 $0x1A80  }
0x2e: {  	[tilespmem:s25], [sflag:$0x1] =	stream.indirect.gather [hbm4b:s3+s9], $0x1, s24, s9, $0xb8;
	[tilespmem:$0x2C00] =	vst v63  }
0x2f: {  	s24 =	simm.s32 $0x700;
	s25 =	simm.s32 $0x1B00  }
0x30: {  	[tilespmem:s25], [sflag:$0x1] =	stream.indirect.gather [hbm4b:s3+s9], $0x1, s24, s9, $0xb8;
	[tilespmem:$0x2C00] =	vst v63  }
0x31: {  	s24 =	simm.s32 $0x780;
	s25 =	simm.s32 $0x1B80  }
0x32: {  	[tilespmem:s25], [sflag:$0x1] =	stream.indirect.gather [hbm4b:s3+s9], $0x1, s24, s9, $0xb8;
	[tilespmem:$0x2C00] =	vst v63  }
0x33: {  	s24 =	simm.s32 $0x800;
	s25 =	simm.s32 $0x1C00  }
0x34: {  	[tilespmem:s25], [sflag:$0x1] =	stream.indirect.gather [hbm4b:s3+s9], $0x1, s24, s9, $0xb8;
	[tilespmem:$0x2C00] =	vst v63  }
0x35: {  	s24 =	simm.s32 $0x880;
	s25 =	simm.s32 $0x1C80  }
0x36: {  	[tilespmem:s25], [sflag:$0x1] =	stream.indirect.gather [hbm4b:s3+s9], $0x1, s24, s9, $0xb8;
	[tilespmem:$0x2C00] =	vst v63  }
0x37: {  	s24 =	simm.s32 $0x900;
	s25 =	simm.s32 $0x1D00  }
0x38: {  	[tilespmem:s25], [sflag:$0x1] =	stream.indirect.gather [hbm4b:s3+s9], $0x1, s24, s9, $0xb8;
	[tilespmem:$0x2C00] =	vst v63  }
0x39: {  	s24 =	simm.s32 $0x980;
	s25 =	simm.s32 $0x1D80  }
0x3a: {  	[tilespmem:s25], [sflag:$0x1] =	stream.indirect.gather [hbm4b:s3+s9], $0x1, s24, s9, $0xb8;
	[tilespmem:$0x2C00] =	vst v63  }
0x3b: {  	s24 =	simm.s32 $0xA00;
	s25 =	simm.s32 $0x1E00  }
0x3c: {  	[tilespmem:s25], [sflag:$0x1] =	stream.indirect.gather [hbm4b:s3+s9], $0x1, s24, s9, $0xb8;
	[tilespmem:$0x2C00] =	vst v63  }
0x3d: {  	s24 =	simm.s32 $0xA80;
	s25 =	simm.s32 $0x1E80  }
0x3e: {  	[tilespmem:s25], [sflag:$0x1] =	stream.indirect.gather [hbm4b:s3+s9], $0x1, s24, s9, $0xb8;
	[tilespmem:$0x2C00] =	vst v63  }
0x3f: {  	s24 =	simm.s32 $0xB00;
	s25 =	simm.s32 $0x1F00  }
0x40: {  	[tilespmem:s25], [sflag:$0x1] =	stream.indirect.gather [hbm4b:s3+s9], $0x1, s24, s9, $0xb8;
	[tilespmem:$0x2C00] =	vst v63  }
0x41: {  	s24 =	simm.s32 $0xB80;
	s25 =	simm.s32 $0x1F80  }
0x42: {  	[tilespmem:s25], [sflag:$0x1] =	stream.indirect.gather [hbm4b:s3+s9], $0x1, s24, s9, $0xb8;
	[tilespmem:$0x2C00] =	vst v63  }
0x43: {  	s24 =	simm.s32 $0xC00;
	s25 =	simm.s32 $0x2000  }
0x44: {  	[tilespmem:s25], [sflag:$0x1] =	stream.indirect.gather [hbm4b:s3+s9], $0x1, s24, s9, $0xb8;
	[tilespmem:$0x2C00] =	vst v63  }
0x45: {  	s24 =	simm.s32 $0xC80;
	s25 =	simm.s32 $0x2080  }
0x46: {  	[tilespmem:s25], [sflag:$0x1] =	stream.indirect.gather [hbm4b:s3+s9], $0x1, s24, s9, $0xb8;
	[tilespmem:$0x2C00] =	vst v63  }
0x47: {  	s24 =	simm.s32 $0xD00;
	s25 =	simm.s32 $0x2100  }
0x48: {  	[tilespmem:s25], [sflag:$0x1] =	stream.indirect.gather [hbm4b:s3+s9], $0x1, s24, s9, $0xb8;
	[tilespmem:$0x2C00] =	vst v63  }
0x49: {  	s24 =	simm.s32 $0xD80;
	s25 =	simm.s32 $0x2180  }
0x4a: {  	[tilespmem:s25], [sflag:$0x1] =	stream.indirect.gather [hbm4b:s3+s9], $0x1, s24, s9, $0xb8;
	[tilespmem:$0x2C00] =	vst v63  }
0x4b: {  	s24 =	simm.s32 $0xE00;
	s25 =	simm.s32 $0x2200  }
0x4c: {  	[tilespmem:s25], [sflag:$0x1] =	stream.indirect.gather [hbm4b:s3+s9], $0x1, s24, s9, $0xb8;
	[tilespmem:$0x2C00] =	vst v63  }
0x4d: {  	s24 =	simm.s32 $0xE80;
	s25 =	simm.s32 $0x2280  }
0x4e: {  	[tilespmem:s25], [sflag:$0x1] =	stream.indirect.gather [hbm4b:s3+s9], $0x1, s24, s9, $0xb8;
	[tilespmem:$0x2C00] =	vst v63  }
0x4f: {  	s24 =	simm.s32 $0xF00;
	s25 =	simm.s32 $0x2300  }
0x50: {  	[tilespmem:s25], [sflag:$0x1] =	stream.indirect.gather [hbm4b:s3+s9], $0x1, s24, s9, $0xb8;
	[tilespmem:$0x2C00] =	vst v63  }
0x51: {  	s24 =	simm.s32 $0xF80;
	s25 =	simm.s32 $0x2380  }
0x52: {  	[tilespmem:s25], [sflag:$0x1] =	stream.indirect.gather [hbm4b:s3+s9], $0x1, s24, s9, $0xb8;
	[tilespmem:$0x2C00] =	vst v63  }
0x53: {  	_ = 	snop  }
0x54: {  	[tilespmem:s28], [sflag:$0x1] =	stream.indirect.gather [hbm4b:s3+s9], $0x1, s26, s9, $0xb8;
	[tilespmem:$0x2C00] =	vst v63  }
0x55: {  	_ = 	snop  }
0x56: {  	[tilespmem:s30], [sflag:$0x1] =	stream.indirect.gather [hbm4b:s3+s9], $0x1, s29, s9, $0xb8;
	[tilespmem:$0x2C00] =	vst v63  }
0x57: {  	_ = 	snop  }
0x58: {  	[tilespmem:s1], [sflag:$0x1] =	stream.indirect.gather [hbm4b:s3+s9], $0x1, s31, s9, $0xb8;
	[tilespmem:$0x2C00] =	vst v63  }
0x59: {  	_ = 	snop  }
0x5a: {  	[tilespmem:s10], [sflag:$0x1] =	stream.indirect.gather [hbm4b:s3+s9], $0x1, s0, s9, $0xb8;
	[tilespmem:$0x2C00] =	vst v63  }
0x5b: {  	_ = 	snop  }
0x5c: {  	[tilespmem:s12], [sflag:$0x1] =	stream.indirect.gather [hbm4b:s3+s9], $0x1, s11, s9, $0xb8;
	[tilespmem:$0x2C00] =	vst v63  }
0x5d: {  	_ = 	snop  }
0x5e: {  	[tilespmem:s14], [sflag:$0x1] =	stream.indirect.gather [hbm4b:s3+s9], $0x1, s13, s9, $0xb8;
	[tilespmem:$0x2C00] =	vst v63  }
0x5f: {  	_ = 	snop  }
0x60: {  	[tilespmem:s16], [sflag:$0x1] =	stream.indirect.gather [hbm4b:s3+s9], $0x1, s15, s9, $0xb8;
	[tilespmem:$0x2C00] =	vst v63  }
0x61: {  	_ = 	snop  }
0x62: {  	[tilespmem:s18], [sflag:$0x1] =	stream.indirect.gather [hbm4b:s3+s9], $0x1, s17, s9, $0xb8;
	[tilespmem:$0x2C00] =	vst v63  }
0x63: {  	s23 =	simm.s32 $0x2800  }
0x64: {  	[tilespmem:s23], [sflag:$0x2] =	stream.linear.gather [hbm4b:s5+s2], $0x200, $0x38;
	[tilespmem:$0x2C00] =	vst v63  }
0x65: {  	_ =	swait.ge [sflag:s8], $0x200  }
0x66: {  	[sflag:s8] =	ssyncset.done $0x0  }
0x67: {  	[sflag:s8] =	ssyncadd.s32 $0xFFFFFE00  }
0x68: {  	_ =	swait.ge [sflag:s19], $0x80  }
0x69: {  	[sflag:s19] =	ssyncset.done $0x0  }
0x6a: {  	[sflag:s19] =	ssyncadd.s32 $0xFFFFFF80  }
0x6b: {  	_ =	swait.ge [sflag:s19], $0x80  }
0x6c: {  	[sflag:s19] =	ssyncset.done $0x0  }
0x6d: {  	[sflag:s19] =	ssyncadd.s32 $0xFFFFFF80  }
0x6e: {  	_ =	swait.ge [sflag:s19], $0x80  }
0x6f: {  	[sflag:s19] =	ssyncset.done $0x0  }
0x70: {  	[sflag:s19] =	ssyncadd.s32 $0xFFFFFF80  }
0x71: {  	_ =	swait.ge [sflag:s19], $0x80  }
0x72: {  	[sflag:s19] =	ssyncset.done $0x0  }
0x73: {  	[sflag:s19] =	ssyncadd.s32 $0xFFFFFF80  }
0x74: {  	_ =	swait.ge [sflag:s19], $0x80  }
0x75: {  	[sflag:s19] =	ssyncset.done $0x0  }
0x76: {  	[sflag:s19] =	ssyncadd.s32 $0xFFFFFF80  }
0x77: {  	_ =	swait.ge [sflag:s19], $0x80  }
0x78: {  	[sflag:s19] =	ssyncset.done $0x0  }
0x79: {  	[sflag:s19] =	ssyncadd.s32 $0xFFFFFF80  }
0x7a: {  	_ =	swait.ge [sflag:s19], $0x80  }
0x7b: {  	[sflag:s19] =	ssyncset.done $0x0  }
0x7c: {  	[sflag:s19] =	ssyncadd.s32 $0xFFFFFF80  }
0x7d: {  	_ =	swait.ge [sflag:s19], $0x80  }
0x7e: {  	[sflag:s19] =	ssyncset.done $0x0  }
0x7f: {  	[sflag:s19] =	ssyncadd.s32 $0xFFFFFF80  }
0x80: {  	_ =	swait.ge [sflag:s19], $0x80  }
0x81: {  	[sflag:s19] =	ssyncset.done $0x0  }
0x82: {  	[sflag:s19] =	ssyncadd.s32 $0xFFFFFF80  }
0x83: {  	_ =	swait.ge [sflag:s19], $0x80  }
0x84: {  	[sflag:s19] =	ssyncset.done $0x0  }
0x85: {  	[sflag:s19] =	ssyncadd.s32 $0xFFFFFF80  }
0x86: {  	_ =	swait.ge [sflag:s19], $0x80  }
0x87: {  	[sflag:s19] =	ssyncset.done $0x0  }
0x88: {  	[sflag:s19] =	ssyncadd.s32 $0xFFFFFF80  }
0x89: {  	_ =	swait.ge [sflag:s19], $0x80  }
0x8a: {  	[sflag:s19] =	ssyncset.done $0x0  }
0x8b: {  	[sflag:s19] =	ssyncadd.s32 $0xFFFFFF80  }
0x8c: {  	_ =	swait.ge [sflag:s19], $0x80  }
0x8d: {  	[sflag:s19] =	ssyncset.done $0x0  }
0x8e: {  	[sflag:s19] =	ssyncadd.s32 $0xFFFFFF80  }
0x8f: {  	_ =	swait.ge [sflag:s19], $0x80  }
0x90: {  	[sflag:s19] =	ssyncset.done $0x0  }
0x91: {  	[sflag:s19] =	ssyncadd.s32 $0xFFFFFF80  }
0x92: {  	_ =	swait.ge [sflag:s19], $0x80  }
0x93: {  	[sflag:s19] =	ssyncset.done $0x0  }
0x94: {  	[sflag:s19] =	ssyncadd.s32 $0xFFFFFF80  }
0x95: {  	_ =	swait.ge [sflag:s19], $0x80  }
0x96: {  	[sflag:s19] =	ssyncset.done $0x0  }
0x97: {  	[sflag:s19] =	ssyncadd.s32 $0xFFFFFF80  }
0x98: {  	_ =	swait.ge [sflag:s19], $0x80  }
0x99: {  	[sflag:s19] =	ssyncset.done $0x0  }
0x9a: {  	[sflag:s19] =	ssyncadd.s32 $0xFFFFFF80  }
0x9b: {  	_ =	swait.ge [sflag:s19], $0x80  }
0x9c: {  	[sflag:s19] =	ssyncset.done $0x0  }
0x9d: {  	[sflag:s19] =	ssyncadd.s32 $0xFFFFFF80  }
0x9e: {  	_ =	swait.ge [sflag:s19], $0x80  }
0x9f: {  	[sflag:s19] =	ssyncset.done $0x0  }
0xa0: {  	[sflag:s19] =	ssyncadd.s32 $0xFFFFFF80  }
0xa1: {  	_ =	swait.ge [sflag:s19], $0x80  }
0xa2: {  	[sflag:s19] =	ssyncset.done $0x0  }
0xa3: {  	[sflag:s19] =	ssyncadd.s32 $0xFFFFFF80  }
0xa4: {  	_ =	swait.ge [sflag:s19], $0x80  }
0xa5: {  	[sflag:s19] =	ssyncset.done $0x0  }
0xa6: {  	[sflag:s19] =	ssyncadd.s32 $0xFFFFFF80  }
0xa7: {  	_ =	swait.ge [sflag:s19], $0x80  }
0xa8: {  	[sflag:s19] =	ssyncset.done $0x0  }
0xa9: {  	[sflag:s19] =	ssyncadd.s32 $0xFFFFFF80  }
0xaa: {  	_ =	swait.ge [sflag:s19], $0x80  }
0xab: {  	[sflag:s19] =	ssyncset.done $0x0  }
0xac: {  	[sflag:s19] =	ssyncadd.s32 $0xFFFFFF80  }
0xad: {  	_ =	swait.ge [sflag:s19], $0x80  }
0xae: {  	[sflag:s19] =	ssyncset.done $0x0  }
0xaf: {  	[sflag:s19] =	ssyncadd.s32 $0xFFFFFF80  }
0xb0: {  	_ =	swait.ge [sflag:s19], $0x80  }
0xb1: {  	[sflag:s19] =	ssyncset.done $0x0  }
0xb2: {  	[sflag:s19] =	ssyncadd.s32 $0xFFFFFF80  }
0xb3: {  	_ =	swait.ge [sflag:s19], $0x80  }
0xb4: {  	[sflag:s19] =	ssyncset.done $0x0  }
0xb5: {  	[sflag:s19] =	ssyncadd.s32 $0xFFFFFF80  }
0xb6: {  	_ =	swait.ge [sflag:s19], $0x80  }
0xb7: {  	[sflag:s19] =	ssyncset.done $0x0  }
0xb8: {  	[sflag:s19] =	ssyncadd.s32 $0xFFFFFF80  }
0xb9: {  	_ =	swait.ge [sflag:s19], $0x80  }
0xba: {  	[sflag:s19] =	ssyncset.done $0x0  }
0xbb: {  	[sflag:s19] =	ssyncadd.s32 $0xFFFFFF80  }
0xbc: {  	_ =	swait.ge [sflag:s19], $0x80  }
0xbd: {  	[sflag:s19] =	ssyncset.done $0x0  }
0xbe: {  	[sflag:s19] =	ssyncadd.s32 $0xFFFFFF80  }
0xbf: {  	_ =	swait.ge [sflag:s19], $0x80  }
0xc0: {  	[sflag:s19] =	ssyncset.done $0x0  }
0xc1: {  	[sflag:s19] =	ssyncadd.s32 $0xFFFFFF80  }
0xc2: {  	_ =	swait.ge [sflag:s19], $0x80  }
0xc3: {  	[sflag:s19] =	ssyncset.done $0x0  }
0xc4: {  	[sflag:s19] =	ssyncadd.s32 $0xFFFFFF80  }
0xc5: {  	_ =	swait.ge [sflag:s19], $0x80  }
0xc6: {  	[sflag:s19] =	ssyncset.done $0x0  }
0xc7: {  	[sflag:s19] =	ssyncadd.s32 $0xFFFFFF80  }
0xc8: {  	_ =	swait.ge [sflag:s19], $0x80  }
0xc9: {  	[sflag:s19] =	ssyncset.done $0x0  }
0xca: {  	[sflag:s19] =	ssyncadd.s32 $0xFFFFFF80  }
0xcb: {  	_ =	swait.ge [sflag:s19], $0x80  }
0xcc: {  	[sflag:s19] =	ssyncset.done $0x0  }
0xcd: {  	[sflag:s19] =	ssyncadd.s32 $0xFFFFFF80  }
0xce: {  	_ =	swait.ge [sflag:s19], $0x80  }
0xcf: {  	[sflag:s19] =	ssyncset.done $0x0  }
0xd0: {  	[sflag:s19] =	ssyncadd.s32 $0xFFFFFF80  }
0xd1: {  	_ =	swait.ge [sflag:s19], $0x80  }
0xd2: {  	[sflag:s19] =	ssyncset.done $0x0  }
0xd3: {  	[sflag:s19] =	ssyncadd.s32 $0xFFFFFF80  }
0xd4: {  	_ =	swait.ge [sflag:s19], $0x80  }
0xd5: {  	[sflag:s19] =	ssyncset.done $0x0  }
0xd6: {  	[sflag:s19] =	ssyncadd.s32 $0xFFFFFF80  }
0xd7: {  	_ =	swait.ge [sflag:s19], $0x80  }
0xd8: {  	[sflag:s19] =	ssyncset.done $0x0  }
0xd9: {  	[sflag:s19] =	ssyncadd.s32 $0xFFFFFF80  }
0xda: {  	_ =	swait.ge [sflag:s19], $0x80  }
0xdb: {  	[sflag:s19] =	ssyncset.done $0x0  }
0xdc: {  	[sflag:s19] =	ssyncadd.s32 $0xFFFFFF80  }
0xdd: {  	_ =	swait.ge [sflag:s19], $0x80  }
0xde: {  	[sflag:s19] =	ssyncset.done $0x0  }
0xdf: {  	s24 =	sand.u32 $0x1F0, s2;
	[sflag:s19] =	ssyncadd.s32 $0xFFFFFF80  }
0xe0: {  	v0 =	vld [tilespmem:s24+$0x1400]  }
0xe1: {  	v1 =	vld [tilespmem:s23+$0x0];
	_ =	sdelay $0x1  }
0xe2: {  	v2 =	vld [tilespmem:s24+$0x1600];
	_ =	sdelay $0x1  }
0xe3: {  	v3 =	vld [tilespmem:s24+$0x1800]  }
0xe4: {  	v0 =	vadd.f32 v0, v1  }
0xe5: {  	v1 =	vld [tilespmem:s24+$0x1A00]  }
0xe6: {  	v0 =	vadd.f32 v2, v0  }
0xe7: {  	v2 =	vld [tilespmem:s24+$0x1C00]  }
0xe8: {  	v0 =	vadd.f32 v3, v0  }
0xe9: {  	v3 =	vld [tilespmem:s24+$0x1E00]  }
0xea: {  	v0 =	vadd.f32 v1, v0  }
0xeb: {  	v1 =	vld [tilespmem:s24+$0x2000]  }
0xec: {  	v0 =	vadd.f32 v2, v0  }
0xed: {  	v2 =	vld [tilespmem:s24+$0x2200]  }
0xee: {  	v0 =	vadd.f32 v3, v0  }
0xef: {  	v3 =	vld [tilespmem:s24+$0x2400]  }
0xf0: {  	v0 =	vadd.f32 v1, v0  }
0xf1: {  	v1 =	vld [tilespmem:s24+$0x2600]  }
0xf2: {  	v0 =	vadd.f32 v2, v0;
	_ =	sdelay $0x1  }
0xf3: {  	v0 =	vadd.f32 v3, v0;
	_ =	sdelay $0x1  }
0xf4: {  	v0 =	vadd.f32 v1, v0  }
0xf5: {  	s25 =	simm.s32 $0x10  }
0xf6: {  	s23 =	sand.u32 $0x1F0, s25;
	[tilespmem:s20+$0x0] =	vst v0  }
0xf7: {  	s22 =	simm.s32 $0x2A00;
	s25 =	simm.s32 $0x20;
	s24 =	simm.s32 $0x2810;
	v0 =	vld [tilespmem:s23+$0x1400]  }
.LBB2_2:
0xf8: {  	p0 =	sne.s32 s25, $0x1F0;
	v1 =	vld [tilespmem:s24+$0x0];
	_ =	sdelay $0x1  }
0xf9: {  	v2 =	vld [tilespmem:s23+$0x1600];
	_ =	sdelay $0x1  }
0xfa: {  	v3 =	vld [tilespmem:s23+$0x1800]  }
0xfb: {  	v0 =	vadd.f32 v0, v1  }
0xfc: {  	v1 =	vld [tilespmem:s23+$0x1A00]  }
0xfd: {  	v0 =	vadd.f32 v2, v0  }
0xfe: {  	v2 =	vld [tilespmem:s23+$0x1C00]  }
0xff: {  	v0 =	vadd.f32 v3, v0  }
0x100: {  	v3 =	vld [tilespmem:s23+$0x1E00]  }
0x101: {  	v0 =	vadd.f32 v1, v0  }
0x102: {  	v1 =	vld [tilespmem:s23+$0x2000]  }
0x103: {  	v0 =	vadd.f32 v2, v0  }
0x104: {  	v2 =	vld [tilespmem:s23+$0x2200]  }
0x105: {  	v0 =	vadd.f32 v3, v0  }
0x106: {  	v3 =	vld [tilespmem:s23+$0x2400]  }
0x107: {  	v0 =	vadd.f32 v1, v0  }
0x108: {  	v1 =	vld [tilespmem:s23+$0x2600]  }
0x109: {  	v0 =	vadd.f32 v2, v0;
	_ =	sdelay $0x1  }
0x10a: {  	v0 =	vadd.f32 v3, v0  }
.Ltmp0:
0x10b: {  	(pc) =	sbr.rel @p0 .LBB2_2-.Ltmp0, $4  }
0x10c: {  	v0 =	vadd.f32 v1, v0  }
0x10d: {  	s22 =	sadd.s32 $0x10, s22  }
0x10e: {  	s23 =	sand.u32 $0x1F0, s25;
	[tilespmem:s22+$0x0] =	vst v0  }
0x10f: {  	s24 =	sadd.s32 $0x10, s24;
	s25 =	sadd.s32 $0x10, s25;
	v0 =	vld [tilespmem:s23+$0x1400]  }
0x110: {  	v1 =	vld [tilespmem:s24+$0x0];
	_ =	sdelay $0x1  }
0x111: {  	v2 =	vld [tilespmem:s23+$0x1600];
	_ =	sdelay $0x1  }
0x112: {  	v3 =	vld [tilespmem:s23+$0x1800]  }
0x113: {  	v0 =	vadd.f32 v0, v1  }
0x114: {  	v57 =	vld [tilespmem:s23+$0x1A00]  }
0x115: {  	v0 =	vadd.f32 v2, v0  }
0x116: {  	v58 =	vld [tilespmem:s23+$0x1C00]  }
0x117: {  	v0 =	vadd.f32 v3, v0  }
0x118: {  	v59 =	vld [tilespmem:s23+$0x1E00]  }
0x119: {  	v0 =	vadd.f32 v57, v0  }
0x11a: {  	v60 =	vld [tilespmem:s23+$0x2000]  }
0x11b: {  	v0 =	vadd.f32 v58, v0  }
0x11c: {  	v61 =	vld [tilespmem:s23+$0x2200]  }
0x11d: {  	v0 =	vadd.f32 v59, v0  }
0x11e: {  	v62 =	vld [tilespmem:s23+$0x2400]  }
0x11f: {  	v0 =	vadd.f32 v60, v0  }
0x120: {  	v63 =	vld [tilespmem:s23+$0x2600]  }
0x121: {  	v0 =	vadd.f32 v61, v0;
	_ =	sdelay $0x1  }
0x122: {  	v0 =	vadd.f32 v62, v0;
	_ =	sdelay $0x1  }
0x123: {  	s21 =	sadd.s32 $0x1, s21;
	v0 =	vadd.f32 v63, v0  }
0x124: {  	s22 =	sadd.s32 $0x10, s22;
	p0 =	sne.s32 s21, s7  }
.Ltmp1:
0x125: {  	[tilespmem:s22+$0x0] =	vst v0;
	(pc) =	sbr.rel @p0 .LBB2_1-.Ltmp1, $4  }
0x126: {  	[hbm4b:s6+s2] =	stream.linear.scatter [tilespmem:s20], [sflag:$0x2], $0x200, $0x38;
	[tilespmem:$0x2C00] =	vst v63  }
0x127: {  	_ =	swait.ge [sflag:s8], $0x200  }
0x128: {  	[sflag:s8] =	ssyncset.done $0x0  }
0x129: {  	[sflag:s8] =	ssyncadd.s32 $0xFFFFFE00  }
0x12a: {  	_ =	sfence.sel $0x180000  }
0x12b: {  	[bflag:$0x0] =	sbarrier.arrive $0xFFFF  }
0x12c: {  	_ =	strace $0x9000004A  }
0x12d: {  	s0 =	stileid.u32;
	[bflag:$0x2] =	sbarrier.arrive $0xFFFF  }
0x12e: {  	p0 =	sne.s32 s0, $0x0;
	s0 =	rddreg [dreg:$0x2]  }
0x12f: {  	s0 =	sadd.s32 @!p0 $0x100000, s0  }
0x130: {  	[sflag:s0] =	ssyncadd.tile.s32 @!p0 $0x1;
	_ =	shalt  }
.Lfunc_end2:
_tile_overlayer_lowered:
.L_overlay_start_2:
0x131: {  	(tag) =	ssettag $0x2  }
0x132: {  	s0 =	rddreg [dreg:$0x0];
	s2 =	stileid.u32  }
0x133: {  	s1 =	rddreg [dreg:$0x1];
	p0 =	sne.s32 s2, $0x0  }
0x134: {  	s3 =	rddreg [dreg:$0x2];
	[bflag:$0x3] =	sbarrier.arrive $0xFFFF;
	s2 =	simm.s32 @!p0 $0x1C02  }
0x135: {  	[timem:s3], [sflag:s2] =	dma.local @!p0 [hbm:s0], s1  }
0x136: {  	s0 =	simm.s32 @!p0 $0x2  }
0x137: {  	_ =	swait.ge @!p0 [sflag:s0], s1  }
0x138: {  	s1 =	ssub.s32 @!p0 $0x0, s1;
	[sflag:s0] =	ssyncset.done @!p0 $0x0  }
0x139: {  	[sflag:s0] =	ssyncadd.s32 @!p0 s1  }
0x13a: {  	[bflag:$0x3] =	sbarrier.arrive $0xFFFF  }
0x13b: {  	_ =	shalt  }

</sc_bundles>
